<compile_context>
chip_gen: v7x
topology: tpu7x:2x2x1
jax: 0.10.2.dev20260603
libtpu: 0.0.44.dev20260713+nightly
codegen_flags: <defaults>
</compile_context>

<pallas_src>
import functools

import jax
import jax.numpy as jnp
from jax import lax
from jax.experimental import pallas as pl
from jax.experimental.pallas import tpu as pltpu
from jax.experimental.pallas import tpu_sc as plsc

B = 4096
L = 200
H = 64
NT = 32

_NC = 2
_NS = 16
_NW = _NC * _NS
_BPW = B // _NW


_NG = 13
_LP = _NG * 16


_DEPTH = 4


def _pool_body(idx_hbm, table_hbm, out_hbm, idx_v, ring_v, acc_v, *sems):
    wid = lax.axis_index("s") * _NC + lax.axis_index("c")
    base = wid * _BPW
    pltpu.sync_copy(idx_hbm.at[pl.ds(base, _BPW)], idx_v)

    def start(d, s):
        def body(g, carry):
            iv = idx_v[s, pl.ds(16 * g, 16)]
            pltpu.async_copy(
                table_hbm.at[iv], ring_v.at[d, pl.ds(16 * g, 16)], sems[d])
            return carry
        lax.fori_loop(0, _NG, body, 0)

    def wait(d):
        pltpu.make_async_copy(
            table_hbm.at[pl.ds(0, _LP)], ring_v.at[d], sems[d]).wait()

    zs = (jnp.zeros((16,), jnp.float32),) * 8

    def accum(d, s):
        def body(g, c):
            a = list(c)
            for j in range(16):
                half = (j % 2) * 4
                for k in range(4):
                    a[half + k] = a[half + k] + ring_v[d, 16 * g + j,
                                                       pl.ds(16 * k, 16)]
            return tuple(a)
        a = lax.fori_loop(0, _NG, body, zs)
        for k in range(4):
            acc_v[s, pl.ds(16 * k, 16)] = a[k] + a[4 + k]

    for d in range(_DEPTH):
        start(d, d)

    nblk = _BPW // _DEPTH

    def block(b, carry):
        for d in range(_DEPTH):
            s = _DEPTH * b + d
            wait(d)
            accum(d, s)

            @pl.when(b < nblk - 1)
            def _():
                start(d, s + _DEPTH)
        return carry

    lax.fori_loop(0, nblk, block, 0)
    pltpu.sync_copy(acc_v, out_hbm.at[pl.ds(base, _BPW)])


@functools.cache
def _pool():
    return pl.kernel(
        _pool_body,
        mesh=plsc.VectorSubcoreMesh(core_axis_name="c", subcore_axis_name="s"),
        compiler_params=pltpu.CompilerParams(use_tc_tiling_on_sc=False),
        out_type=jax.ShapeDtypeStruct((B, H), jnp.float32),
        scratch_types=[
            pltpu.VMEM((_BPW, _LP), jnp.int32),
            pltpu.VMEM((_DEPTH, _LP, H), jnp.float32),
            pltpu.VMEM((_BPW, H), jnp.float32),
        ] + [pltpu.SemaphoreType.DMA] * _DEPTH,
    )


def _softplus(x):
    return jnp.maximum(x, 0.0) + jnp.log1p(jnp.exp(-jnp.abs(x)))


def _dot_t(x, w):
    return lax.dot_general(x, w, (((1,), (1,)), ((), ())),
                           preferred_element_type=jnp.float32)


def _mlp_body(pooled_ref, rd_ref, W1a_ref, w1b_ref, b1_ref, W2_ref, b2_ref,
              Wmu_ref, bmu_ref, Wlv_ref, blv_ref, gmu_ref, betamu_ref,
              glv_ref, betalv_ref, loc_ref, scale_ref):
    rd = rd_ref[...]
    ave = pooled_ref[...] / rd
    lrd = jnp.log(rd)
    h = _dot_t(ave, W1a_ref[...]) + lrd * w1b_ref[...] + b1_ref[...]
    h = _softplus(h)
    h = _softplus(_dot_t(h, W2_ref[...]) + b2_ref[...])
    tl = _dot_t(h, Wmu_ref[...]) + bmu_ref[...]
    ts = _dot_t(h, Wlv_ref[...]) + blv_ref[...]
    eps = 1e-5
    ml = jnp.mean(tl, axis=0, keepdims=True)
    vl = jnp.mean((tl - ml) * (tl - ml), axis=0, keepdims=True)
    loc_ref[...] = (tl - ml) * lax.rsqrt(vl + eps) * gmu_ref[...] + betamu_ref[...]
    ms = jnp.mean(ts, axis=0, keepdims=True)
    vs = jnp.mean((ts - ms) * (ts - ms), axis=0, keepdims=True)
    scale_ref[...] = jnp.exp(
        0.5 * ((ts - ms) * lax.rsqrt(vs + eps) * glv_ref[...] + betalv_ref[...]))


_mlp = pl.pallas_call(
    _mlp_body,
    out_shape=(
        jax.ShapeDtypeStruct((B, NT), jnp.float32),
        jax.ShapeDtypeStruct((B, NT), jnp.float32),
    ),
)


def kernel(idx, read_depth, table, W1, b1, W2, b2, Wmu, bmu, Wlv, blv,
           gmu, betamu, glv, betalv):
    idx_pad = jnp.concatenate(
        [idx.astype(jnp.int32), jnp.zeros((B, _LP - L), jnp.int32)], axis=1)
    pooled = _pool()(idx_pad, table)
    return _mlp(pooled, read_depth,
                W1[:, :H], W1[:, H][None, :], b1[None, :],
                W2, b2[None, :],
                Wmu, bmu[None, :], Wlv, blv[None, :],
                gmu[None, :], betamu[None, :], glv[None, :], betalv[None, :])

# --- scband reference (transcript-rebuilt; emitter-appended) ---
"""Pipeline reference for scband-danencoder-163208757617 (READ-ONLY COPY).

The authoritative reference and input builder live on the scoring server;
editing this copy changes nothing except your own understanding.
"""

import jax, jax.numpy as jnp
import numpy as np

NUM_PEAKS = 1000000
HIDDEN = 64
NUM_TOPICS = 32
B = 4096
L = 200


def setup_inputs(seed: int = 0) -> dict:
    key = jax.random.key(seed)
    ks = jax.random.split(key, 12)
    idx = jax.random.randint(ks[0], (B, L), 0, NUM_PEAKS)
    read_depth = jax.random.uniform(ks[1], (B, 1), dtype=jnp.float32)
    table = jax.random.normal(ks[2], (NUM_PEAKS, HIDDEN), jnp.float32) * 0.02
    table = table.at[0].set(0.0)  # padding_idx=0
    W1 = jax.random.normal(ks[3], (HIDDEN, HIDDEN + 1), jnp.float32) * 0.02
    b1 = jnp.zeros((HIDDEN,), jnp.float32)
    W2 = jax.random.normal(ks[4], (HIDDEN, HIDDEN), jnp.float32) * 0.02
    b2 = jnp.zeros((HIDDEN,), jnp.float32)
    Wmu = jax.random.normal(ks[5], (NUM_TOPICS, HIDDEN), jnp.float32) * 0.02
    bmu = jnp.zeros((NUM_TOPICS,), jnp.float32)
    Wlv = jax.random.normal(ks[6], (NUM_TOPICS, HIDDEN), jnp.float32) * 0.02
    blv = jnp.zeros((NUM_TOPICS,), jnp.float32)
    gmu = jnp.ones((NUM_TOPICS,), jnp.float32)
    betamu = jnp.zeros((NUM_TOPICS,), jnp.float32)
    glv = jnp.ones((NUM_TOPICS,), jnp.float32)
    betalv = jnp.zeros((NUM_TOPICS,), jnp.float32)
    return {"idx": idx, "read_depth": read_depth, "table": table,
            "W1": W1, "b1": b1, "W2": W2, "b2": b2,
            "Wmu": Wmu, "bmu": bmu, "Wlv": Wlv, "blv": blv,
            "gmu": gmu, "betamu": betamu, "glv": glv, "betalv": betalv}


def _batchnorm_train(x, g, b, eps=1e-5):
    m = x.mean(axis=0)
    v = x.var(axis=0)  # biased variance, matches torch BN training mode
    return (x - m) / jnp.sqrt(v + eps) * g + b


def reference(idx, read_depth, table, W1, b1, W2, b2, Wmu, bmu, Wlv, blv, gmu, betamu, glv, betalv):
    # dropout p=0.0 -> identity
    table = table.at[0].set(0.0)  # padding_idx=0 stays zero
    embeddings = jnp.take(table, idx, axis=0)  # [B, L, H] gather
    ave = embeddings.sum(axis=1) / read_depth  # [B, H]
    h = jnp.concatenate([ave, jnp.log(read_depth)], axis=1)  # [B, H+1]
    h = jax.nn.softplus(h @ W1.T + b1)
    h = jax.nn.softplus(h @ W2.T + b2)
    theta_loc = _batchnorm_train(h @ Wmu.T + bmu, gmu, betamu)
    theta_scale = _batchnorm_train(h @ Wlv.T + blv, glv, betalv)
    theta_scale = jnp.exp(0.5 * theta_scale)
    return (theta_loc, theta_scale)

if __name__ == "__main__":
    import jax
    _d = setup_inputs()
    print(jax.jit(kernel)(*tuple(_d.values())))

</pallas_src>

<mosaic_0001>
#map = affine_map<(d0, d1) -> (0, 0)>
module attributes {stable_mosaic.version = 14 : i64} {
  func.func @_pool_body(%arg0: i32, %arg1: i32, %arg2: memref<4096x208xi32, #tpu.memory_space<hbm>>, %arg3: memref<1000000x64xf32, #tpu.memory_space<hbm>>, %arg4: memref<4096x64xf32, #tpu.memory_space<hbm>>, %arg5: memref<128x208xi32, #tpu.memory_space<vmem>>, %arg6: memref<4x208x64xf32, #tpu.memory_space<vmem>>, %arg7: memref<128x64xf32, #tpu.memory_space<vmem>>, %arg8: memref<!tpu.dma_semaphore, #tpu.memory_space<semaphore_mem>>, %arg9: memref<!tpu.dma_semaphore, #tpu.memory_space<semaphore_mem>>, %arg10: memref<!tpu.dma_semaphore, #tpu.memory_space<semaphore_mem>>, %arg11: memref<!tpu.dma_semaphore, #tpu.memory_space<semaphore_mem>>) attributes {dimension_semantics = [#tpu.dimension_semantics<core_parallel>, #tpu.dimension_semantics<subcore_parallel>], iteration_bounds = array<i64: 2, 16>, scalar_prefetch = 0 : i64, scratch_operands = 7 : i64, tpu.core_type = #tpu.core_type<sc_vector_subcore>, window_params = [{transform_indices = #map}, {transform_indices = #map}, {transform_indices = #map}]} {
    %mul3A = arith.constant 2 : i32
    %mul3A_0 = arith.muli %arg1, %mul3A : i32
    %add3A = arith.addi %mul3A_0, %arg0 : i32
    %mul3A_1 = arith.constant 128 : i32
    %mul3A_2 = arith.muli %add3A, %mul3A_1 : i32
    "tpu.region"() ({
      %run_scoped3A = tpu.sem_alloc : memref<!tpu.dma_semaphore, #tpu.memory_space<semaphore_mem>>
      %dma_start3A = arith.constant 0 : i32
      %dma_start3A_33 = tpu.memref_slice %arg2[%mul3A_2, %dma_start3A] : memref<4096x208xi32, #tpu.memory_space<hbm>> -> memref<128x208xi32, #tpu.memory_space<hbm>>
      %dma_start3A_34 = arith.constant 0 : i32
      %dma_start3A_35 = tpu.memref_slice %arg2[%mul3A_2, %dma_start3A_34] : memref<4096x208xi32, #tpu.memory_space<hbm>> -> memref<128x208xi32, #tpu.memory_space<hbm>>
      tpu.enqueue_dma source(%dma_start3A_35 : memref<128x208xi32, #tpu.memory_space<hbm>>) target(%arg5 : memref<128x208xi32, #tpu.memory_space<vmem>>) target_semaphore(%run_scoped3A : memref<!tpu.dma_semaphore, #tpu.memory_space<semaphore_mem>>)
      %dma_wait3A = arith.constant 0 : i32
      %dma_wait3A_36 = tpu.memref_slice %arg2[%mul3A_2, %dma_wait3A] : memref<4096x208xi32, #tpu.memory_space<hbm>> -> memref<128x208xi32, #tpu.memory_space<hbm>>
      %dma_wait3A_37 = arith.constant 0 : i32
      %dma_wait3A_38 = tpu.memref_slice %arg2[%mul3A_2, %dma_wait3A_37] : memref<4096x208xi32, #tpu.memory_space<hbm>> -> memref<128x208xi32, #tpu.memory_space<hbm>>
      tpu.wait_dma2 semaphore(%run_scoped3A : memref<!tpu.dma_semaphore, #tpu.memory_space<semaphore_mem>>) src(%dma_wait3A_38 : memref<128x208xi32, #tpu.memory_space<hbm>>) dst(%arg5 : memref<128x208xi32, #tpu.memory_space<vmem>>)
      tpu.yield
    }) : () -> ()
    %broadcast_in_dim3A = arith.constant 0.000000e+00 : f32
    %broadcast_in_dim3A_3 = vector.broadcast %broadcast_in_dim3A : f32 to vector<16xf32>
    %scan3A = arith.constant 0 : i32
    %scan3A_4 = arith.constant 0 : i32
    %scan3A_5 = arith.constant 13 : i32
    %scan3A_6 = arith.addi %scan3A_4, %scan3A_5 : i32
    %scan3A_7 = arith.constant 1 : i32
    scf.for %scan3A_33 = %scan3A_4 to %scan3A_6 step %scan3A_7  : i32 {
      %mul3A_34 = arith.constant 16 : i32
      %mul3A_35 = arith.muli %mul3A_34, %scan3A_33 : i32
      %get3A = arith.constant 0 : i32
      %get3A_36 = arith.index_cast %get3A : i32 to index
      %get3A_37 = arith.index_cast %mul3A_35 : i32 to index
      %get3A_38 = tpu.vector_load %arg5[%get3A_36, %get3A_37] {strides = array<i32>} : memref<128x208xi32, #tpu.memory_space<vmem>>, vector<1x16xi32>,
      %get3A_39 = vector.shape_cast %get3A_38 : vector<1x16xi32> to vector<16xi32>
      %mul3A_40 = arith.constant 16 : i32
      %mul3A_41 = arith.muli %mul3A_40, %scan3A_33 : i32
      %dma_start3A = arith.constant 0 : i32
      %dma_start3A_42 = arith.constant 0 : i32
      %dma_start3A_43 = tpu.memref_slice %arg6[%dma_start3A, %mul3A_41, %dma_start3A_42] : memref<4x208x64xf32, #tpu.memory_space<vmem>> -> memref<1x16x64xf32, #tpu.memory_space<vmem>>
      %dma_start3A_44 = tpu.memref_squeeze %dma_start3A_43 : memref<1x16x64xf32, #tpu.memory_space<vmem>> -> memref<16x64xf32, #tpu.memory_space<vmem>>
      %dma_start3A_45 = arith.constant 0 : i32
      %dma_start3A_46 = arith.constant 0 : i32
      %dma_start3A_47 = tpu.memref_slice %arg3[%dma_start3A_45, %dma_start3A_46] : memref<1000000x64xf32, #tpu.memory_space<hbm>> -> memref<1000000x64xf32, #tpu.memory_space<hbm>>
      tpu.enqueue_indirect_dma source(%dma_start3A_47 : memref<1000000x64xf32, #tpu.memory_space<hbm>>) target(%dma_start3A_44 : memref<16x64xf32, #tpu.memory_space<vmem>>) offsets(%get3A_39 : vector<16xi32>) semaphore(%arg8 : memref<!tpu.dma_semaphore, #tpu.memory_space<semaphore_mem>>)
    }
    %scan3A_8 = arith.constant 13 : i32
    %scan3A_9 = arith.constant 0 : i32
    %scan3A_10 = arith.constant 0 : i32
    %scan3A_11 = arith.constant 13 : i32
    %scan3A_12 = arith.addi %scan3A_10, %scan3A_11 : i32
    %scan3A_13 = arith.constant 1 : i32
    scf.for %scan3A_33 = %scan3A_10 to %scan3A_12 step %scan3A_13  : i32 {
      %mul3A_34 = arith.constant 16 : i32
      %mul3A_35 = arith.muli %mul3A_34, %scan3A_33 : i32
      %get3A = arith.constant 1 : i32
      %get3A_36 = arith.index_cast %get3A : i32 to index
      %get3A_37 = arith.index_cast %mul3A_35 : i32 to index
      %get3A_38 = tpu.vector_load %arg5[%get3A_36, %get3A_37] {strides = array<i32>} : memref<128x208xi32, #tpu.memory_space<vmem>>, vector<1x16xi32>,
      %get3A_39 = vector.shape_cast %get3A_38 : vector<1x16xi32> to vector<16xi32>
      %mul3A_40 = arith.constant 16 : i32
      %mul3A_41 = arith.muli %mul3A_40, %scan3A_33 : i32
      %dma_start3A = arith.constant 1 : i32
      %dma_start3A_42 = arith.constant 0 : i32
      %dma_start3A_43 = tpu.memref_slice %arg6[%dma_start3A, %mul3A_41, %dma_start3A_42] : memref<4x208x64xf32, #tpu.memory_space<vmem>> -> memref<1x16x64xf32, #tpu.memory_space<vmem>>
      %dma_start3A_44 = tpu.memref_squeeze %dma_start3A_43 : memref<1x16x64xf32, #tpu.memory_space<vmem>> -> memref<16x64xf32, #tpu.memory_space<vmem>>
      %dma_start3A_45 = arith.constant 0 : i32
      %dma_start3A_46 = arith.constant 0 : i32
      %dma_start3A_47 = tpu.memref_slice %arg3[%dma_start3A_45, %dma_start3A_46] : memref<1000000x64xf32, #tpu.memory_space<hbm>> -> memref<1000000x64xf32, #tpu.memory_space<hbm>>
      tpu.enqueue_indirect_dma source(%dma_start3A_47 : memref<1000000x64xf32, #tpu.memory_space<hbm>>) target(%dma_start3A_44 : memref<16x64xf32, #tpu.memory_space<vmem>>) offsets(%get3A_39 : vector<16xi32>) semaphore(%arg9 : memref<!tpu.dma_semaphore, #tpu.memory_space<semaphore_mem>>)
    }
    %scan3A_14 = arith.constant 13 : i32
    %scan3A_15 = arith.constant 0 : i32
    %scan3A_16 = arith.constant 0 : i32
    %scan3A_17 = arith.constant 13 : i32
    %scan3A_18 = arith.addi %scan3A_16, %scan3A_17 : i32
    %scan3A_19 = arith.constant 1 : i32
    scf.for %scan3A_33 = %scan3A_16 to %scan3A_18 step %scan3A_19  : i32 {
      %mul3A_34 = arith.constant 16 : i32
      %mul3A_35 = arith.muli %mul3A_34, %scan3A_33 : i32
      %get3A = arith.constant 2 : i32
      %get3A_36 = arith.index_cast %get3A : i32 to index
      %get3A_37 = arith.index_cast %mul3A_35 : i32 to index
      %get3A_38 = tpu.vector_load %arg5[%get3A_36, %get3A_37] {strides = array<i32>} : memref<128x208xi32, #tpu.memory_space<vmem>>, vector<1x16xi32>,
      %get3A_39 = vector.shape_cast %get3A_38 : vector<1x16xi32> to vector<16xi32>
      %mul3A_40 = arith.constant 16 : i32
      %mul3A_41 = arith.muli %mul3A_40, %scan3A_33 : i32
      %dma_start3A = arith.constant 2 : i32
      %dma_start3A_42 = arith.constant 0 : i32
      %dma_start3A_43 = tpu.memref_slice %arg6[%dma_start3A, %mul3A_41, %dma_start3A_42] : memref<4x208x64xf32, #tpu.memory_space<vmem>> -> memref<1x16x64xf32, #tpu.memory_space<vmem>>
      %dma_start3A_44 = tpu.memref_squeeze %dma_start3A_43 : memref<1x16x64xf32, #tpu.memory_space<vmem>> -> memref<16x64xf32, #tpu.memory_space<vmem>>
      %dma_start3A_45 = arith.constant 0 : i32
      %dma_start3A_46 = arith.constant 0 : i32
      %dma_start3A_47 = tpu.memref_slice %arg3[%dma_start3A_45, %dma_start3A_46] : memref<1000000x64xf32, #tpu.memory_space<hbm>> -> memref<1000000x64xf32, #tpu.memory_space<hbm>>
      tpu.enqueue_indirect_dma source(%dma_start3A_47 : memref<1000000x64xf32, #tpu.memory_space<hbm>>) target(%dma_start3A_44 : memref<16x64xf32, #tpu.memory_space<vmem>>) offsets(%get3A_39 : vector<16xi32>) semaphore(%arg10 : memref<!tpu.dma_semaphore, #tpu.memory_space<semaphore_mem>>)
    }
    %scan3A_20 = arith.constant 13 : i32
    %scan3A_21 = arith.constant 0 : i32
    %scan3A_22 = arith.constant 0 : i32
    %scan3A_23 = arith.constant 13 : i32
    %scan3A_24 = arith.addi %scan3A_22, %scan3A_23 : i32
    %scan3A_25 = arith.constant 1 : i32
    scf.for %scan3A_33 = %scan3A_22 to %scan3A_24 step %scan3A_25  : i32 {
      %mul3A_34 = arith.constant 16 : i32
      %mul3A_35 = arith.muli %mul3A_34, %scan3A_33 : i32
      %get3A = arith.constant 3 : i32
      %get3A_36 = arith.index_cast %get3A : i32 to index
      %get3A_37 = arith.index_cast %mul3A_35 : i32 to index
      %get3A_38 = tpu.vector_load %arg5[%get3A_36, %get3A_37] {strides = array<i32>} : memref<128x208xi32, #tpu.memory_space<vmem>>, vector<1x16xi32>,
      %get3A_39 = vector.shape_cast %get3A_38 : vector<1x16xi32> to vector<16xi32>
      %mul3A_40 = arith.constant 16 : i32
      %mul3A_41 = arith.muli %mul3A_40, %scan3A_33 : i32
      %dma_start3A = arith.constant 3 : i32
      %dma_start3A_42 = arith.constant 0 : i32
      %dma_start3A_43 = tpu.memref_slice %arg6[%dma_start3A, %mul3A_41, %dma_start3A_42] : memref<4x208x64xf32, #tpu.memory_space<vmem>> -> memref<1x16x64xf32, #tpu.memory_space<vmem>>
      %dma_start3A_44 = tpu.memref_squeeze %dma_start3A_43 : memref<1x16x64xf32, #tpu.memory_space<vmem>> -> memref<16x64xf32, #tpu.memory_space<vmem>>
      %dma_start3A_45 = arith.constant 0 : i32
      %dma_start3A_46 = arith.constant 0 : i32
      %dma_start3A_47 = tpu.memref_slice %arg3[%dma_start3A_45, %dma_start3A_46] : memref<1000000x64xf32, #tpu.memory_space<hbm>> -> memref<1000000x64xf32, #tpu.memory_space<hbm>>
      tpu.enqueue_indirect_dma source(%dma_start3A_47 : memref<1000000x64xf32, #tpu.memory_space<hbm>>) target(%dma_start3A_44 : memref<16x64xf32, #tpu.memory_space<vmem>>) offsets(%get3A_39 : vector<16xi32>) semaphore(%arg11 : memref<!tpu.dma_semaphore, #tpu.memory_space<semaphore_mem>>)
    }
    %scan3A_26 = arith.constant 13 : i32
    %scan3A_27 = arith.constant 0 : i32
    %scan3A_28 = arith.constant 0 : i32
    %scan3A_29 = arith.constant 32 : i32
    %scan3A_30 = arith.addi %scan3A_28, %scan3A_29 : i32
    %scan3A_31 = arith.constant 1 : i32
    scf.for %scan3A_33 = %scan3A_28 to %scan3A_30 step %scan3A_31  : i32 {
      %mul3A_34 = arith.constant 4 : i32
      %mul3A_35 = arith.muli %mul3A_34, %scan3A_33 : i32
      %add3A_36 = arith.constant 0 : i32
      %add3A_37 = arith.addi %mul3A_35, %add3A_36 : i32
      %dma_wait3A = arith.constant 0 : i32
      %dma_wait3A_38 = arith.constant 0 : i32
      %dma_wait3A_39 = arith.constant 0 : i32
      %dma_wait3A_40 = tpu.memref_slice %arg6[%dma_wait3A, %dma_wait3A_38, %dma_wait3A_39] : memref<4x208x64xf32, #tpu.memory_space<vmem>> -> memref<1x208x64xf32, #tpu.memory_space<vmem>>
      %dma_wait3A_41 = tpu.memref_squeeze %dma_wait3A_40 : memref<1x208x64xf32, #tpu.memory_space<vmem>> -> memref<208x64xf32, #tpu.memory_space<vmem>>
      %dma_wait3A_42 = arith.constant 0 : i32
      %dma_wait3A_43 = arith.constant 0 : i32
      %dma_wait3A_44 = tpu.memref_slice %arg3[%dma_wait3A_42, %dma_wait3A_43] : memref<1000000x64xf32, #tpu.memory_space<hbm>> -> memref<208x64xf32, #tpu.memory_space<hbm>>
      %dma_wait3A_45 = arith.constant 0 : i32
      %dma_wait3A_46 = arith.constant 0 : i32
      %dma_wait3A_47 = tpu.memref_slice %arg6[%dma_wait3A, %dma_wait3A_45, %dma_wait3A_46] : memref<4x208x64xf32, #tpu.memory_space<vmem>> -> memref<1x208x64xf32, #tpu.memory_space<vmem>>
      %dma_wait3A_48 = tpu.memref_squeeze %dma_wait3A_47 : memref<1x208x64xf32, #tpu.memory_space<vmem>> -> memref<208x64xf32, #tpu.memory_space<vmem>>
      %dma_wait3A_49 = arith.constant 0 : i32
      %dma_wait3A_50 = arith.constant 0 : i32
      %dma_wait3A_51 = tpu.memref_slice %arg3[%dma_wait3A_49, %dma_wait3A_50] : memref<1000000x64xf32, #tpu.memory_space<hbm>> -> memref<208x64xf32, #tpu.memory_space<hbm>>
      tpu.wait_dma2 semaphore(%arg8 : memref<!tpu.dma_semaphore, #tpu.memory_space<semaphore_mem>>) src(%dma_wait3A_51 : memref<208x64xf32, #tpu.memory_space<hbm>>) dst(%dma_wait3A_48 : memref<208x64xf32, #tpu.memory_space<vmem>>)
      %scan3A_52 = arith.constant 0 : i32
      %scan3A_53 = arith.constant 13 : i32
      %scan3A_54 = arith.addi %scan3A_52, %scan3A_53 : i32
      %scan3A_55 = arith.constant 1 : i32
      %scan3A_56:8 = scf.for %scan3A_245 = %scan3A_52 to %scan3A_54 step %scan3A_55 iter_args(%scan3A_246 = %broadcast_in_dim3A_3, %scan3A_247 = %broadcast_in_dim3A_3, %scan3A_248 = %broadcast_in_dim3A_3, %scan3A_249 = %broadcast_in_dim3A_3, %scan3A_250 = %broadcast_in_dim3A_3, %scan3A_251 = %broadcast_in_dim3A_3, %scan3A_252 = %broadcast_in_dim3A_3, %scan3A_253 = %broadcast_in_dim3A_3) -> (vector<16xf32>, vector<16xf32>, vector<16xf32>, vector<16xf32>, vector<16xf32>, vector<16xf32>, vector<16xf32>, vector<16xf32>)  : i32 {
        %mul3A_254 = arith.constant 16 : i32
        %mul3A_255 = arith.muli %mul3A_254, %scan3A_245 : i32
        %add3A_256 = arith.constant 0 : i32
        %add3A_257 = arith.addi %mul3A_255, %add3A_256 : i32
        %get3A = arith.constant 0 : i32
        %get3A_258 = arith.index_cast %get3A : i32 to index
        %get3A_259 = arith.index_cast %add3A_257 : i32 to index
        %get3A_260 = arith.constant 0 : index
        %get3A_261 = tpu.vector_load %arg6[%get3A_258, %get3A_259, %get3A_260] {strides = array<i32>} : memref<4x208x64xf32, #tpu.memory_space<vmem>>, vector<1x1x16xf32>,
        %get3A_262 = vector.shape_cast %get3A_261 : vector<1x1x16xf32> to vector<16xf32>
        %add3A_263 = arith.addf %scan3A_246, %get3A_262 : vector<16xf32>
        %mul3A_264 = arith.constant 16 : i32
        %mul3A_265 = arith.muli %mul3A_264, %scan3A_245 : i32
        %add3A_266 = arith.constant 0 : i32
        %add3A_267 = arith.addi %mul3A_265, %add3A_266 : i32
        %get3A_268 = arith.constant 0 : i32
        %get3A_269 = arith.index_cast %get3A_268 : i32 to index
        %get3A_270 = arith.index_cast %add3A_267 : i32 to index
        %get3A_271 = arith.constant 16 : index
        %get3A_272 = tpu.vector_load %arg6[%get3A_269, %get3A_270, %get3A_271] {strides = array<i32>} : memref<4x208x64xf32, #tpu.memory_space<vmem>>, vector<1x1x16xf32>,
        %get3A_273 = vector.shape_cast %get3A_272 : vector<1x1x16xf32> to vector<16xf32>
        %add3A_274 = arith.addf %scan3A_247, %get3A_273 : vector<16xf32>
        %mul3A_275 = arith.constant 16 : i32
        %mul3A_276 = arith.muli %mul3A_275, %scan3A_245 : i32
        %add3A_277 = arith.constant 0 : i32
        %add3A_278 = arith.addi %mul3A_276, %add3A_277 : i32
        %get3A_279 = arith.constant 0 : i32
        %get3A_280 = arith.index_cast %get3A_279 : i32 to index
        %get3A_281 = arith.index_cast %add3A_278 : i32 to index
        %get3A_282 = arith.constant 32 : index
        %get3A_283 = tpu.vector_load %arg6[%get3A_280, %get3A_281, %get3A_282] {strides = array<i32>} : memref<4x208x64xf32, #tpu.memory_space<vmem>>, vector<1x1x16xf32>,
        %get3A_284 = vector.shape_cast %get3A_283 : vector<1x1x16xf32> to vector<16xf32>
        %add3A_285 = arith.addf %scan3A_248, %get3A_284 : vector<16xf32>
        %mul3A_286 = arith.constant 16 : i32
        %mul3A_287 = arith.muli %mul3A_286, %scan3A_245 : i32
        %add3A_288 = arith.constant 0 : i32
        %add3A_289 = arith.addi %mul3A_287, %add3A_288 : i32
        %get3A_290 = arith.constant 0 : i32
        %get3A_291 = arith.index_cast %get3A_290 : i32 to index
        %get3A_292 = arith.index_cast %add3A_289 : i32 to index
        %get3A_293 = arith.constant 48 : index
        %get3A_294 = tpu.vector_load %arg6[%get3A_291, %get3A_292, %get3A_293] {strides = array<i32>} : memref<4x208x64xf32, #tpu.memory_space<vmem>>, vector<1x1x16xf32>,
        %get3A_295 = vector.shape_cast %get3A_294 : vector<1x1x16xf32> to vector<16xf32>
        %add3A_296 = arith.addf %scan3A_249, %get3A_295 : vector<16xf32>
        %mul3A_297 = arith.constant 16 : i32
        %mul3A_298 = arith.muli %mul3A_297, %scan3A_245 : i32
        %add3A_299 = arith.constant 1 : i32
        %add3A_300 = arith.addi %mul3A_298, %add3A_299 : i32
        %get3A_301 = arith.constant 0 : i32
        %get3A_302 = arith.index_cast %get3A_301 : i32 to index
        %get3A_303 = arith.index_cast %add3A_300 : i32 to index
        %get3A_304 = arith.constant 0 : index
        %get3A_305 = tpu.vector_load %arg6[%get3A_302, %get3A_303, %get3A_304] {strides = array<i32>} : memref<4x208x64xf32, #tpu.memory_space<vmem>>, vector<1x1x16xf32>,
        %get3A_306 = vector.shape_cast %get3A_305 : vector<1x1x16xf32> to vector<16xf32>
        %add3A_307 = arith.addf %scan3A_250, %get3A_306 : vector<16xf32>
        %mul3A_308 = arith.constant 16 : i32
        %mul3A_309 = arith.muli %mul3A_308, %scan3A_245 : i32
        %add3A_310 = arith.constant 1 : i32
        %add3A_311 = arith.addi %mul3A_309, %add3A_310 : i32
        %get3A_312 = arith.constant 0 : i32
        %get3A_313 = arith.index_cast %get3A_312 : i32 to index
        %get3A_314 = arith.index_cast %add3A_311 : i32 to index
        %get3A_315 = arith.constant 16 : index
        %get3A_316 = tpu.vector_load %arg6[%get3A_313, %get3A_314, %get3A_315] {strides = array<i32>} : memref<4x208x64xf32, #tpu.memory_space<vmem>>, vector<1x1x16xf32>,
        %get3A_317 = vector.shape_cast %get3A_316 : vector<1x1x16xf32> to vector<16xf32>
        %add3A_318 = arith.addf %scan3A_251, %get3A_317 : vector<16xf32>
        %mul3A_319 = arith.constant 16 : i32
        %mul3A_320 = arith.muli %mul3A_319, %scan3A_245 : i32
        %add3A_321 = arith.constant 1 : i32
        %add3A_322 = arith.addi %mul3A_320, %add3A_321 : i32
        %get3A_323 = arith.constant 0 : i32
        %get3A_324 = arith.index_cast %get3A_323 : i32 to index
        %get3A_325 = arith.index_cast %add3A_322 : i32 to index
        %get3A_326 = arith.constant 32 : index
        %get3A_327 = tpu.vector_load %arg6[%get3A_324, %get3A_325, %get3A_326] {strides = array<i32>} : memref<4x208x64xf32, #tpu.memory_space<vmem>>, vector<1x1x16xf32>,
        %get3A_328 = vector.shape_cast %get3A_327 : vector<1x1x16xf32> to vector<16xf32>
        %add3A_329 = arith.addf %scan3A_252, %get3A_328 : vector<16xf32>
        %mul3A_330 = arith.constant 16 : i32
        %mul3A_331 = arith.muli %mul3A_330, %scan3A_245 : i32
        %add3A_332 = arith.constant 1 : i32
        %add3A_333 = arith.addi %mul3A_331, %add3A_332 : i32
        %get3A_334 = arith.constant 0 : i32
        %get3A_335 = arith.index_cast %get3A_334 : i32 to index
        %get3A_336 = arith.index_cast %add3A_333 : i32 to index
        %get3A_337 = arith.constant 48 : index
        %get3A_338 = tpu.vector_load %arg6[%get3A_335, %get3A_336, %get3A_337] {strides = array<i32>} : memref<4x208x64xf32, #tpu.memory_space<vmem>>, vector<1x1x16xf32>,
        %get3A_339 = vector.shape_cast %get3A_338 : vector<1x1x16xf32> to vector<16xf32>
        %add3A_340 = arith.addf %scan3A_253, %get3A_339 : vector<16xf32>
        %mul3A_341 = arith.constant 16 : i32
        %mul3A_342 = arith.muli %mul3A_341, %scan3A_245 : i32
        %add3A_343 = arith.constant 2 : i32
        %add3A_344 = arith.addi %mul3A_342, %add3A_343 : i32
        %get3A_345 = arith.constant 0 : i32
        %get3A_346 = arith.index_cast %get3A_345 : i32 to index
        %get3A_347 = arith.index_cast %add3A_344 : i32 to index
        %get3A_348 = arith.constant 0 : index
        %get3A_349 = tpu.vector_load %arg6[%get3A_346, %get3A_347, %get3A_348] {strides = array<i32>} : memref<4x208x64xf32, #tpu.memory_space<vmem>>, vector<1x1x16xf32>,
        %get3A_350 = vector.shape_cast %get3A_349 : vector<1x1x16xf32> to vector<16xf32>
        %add3A_351 = arith.addf %add3A_263, %get3A_350 : vector<16xf32>
        %mul3A_352 = arith.constant 16 : i32
        %mul3A_353 = arith.muli %mul3A_352, %scan3A_245 : i32
        %add3A_354 = arith.constant 2 : i32
        %add3A_355 = arith.addi %mul3A_353, %add3A_354 : i32
        %get3A_356 = arith.constant 0 : i32
        %get3A_357 = arith.index_cast %get3A_356 : i32 to index
        %get3A_358 = arith.index_cast %add3A_355 : i32 to index
        %get3A_359 = arith.constant 16 : index
        %get3A_360 = tpu.vector_load %arg6[%get3A_357, %get3A_358, %get3A_359] {strides = array<i32>} : memref<4x208x64xf32, #tpu.memory_space<vmem>>, vector<1x1x16xf32>,
        %get3A_361 = vector.shape_cast %get3A_360 : vector<1x1x16xf32> to vector<16xf32>
        %add3A_362 = arith.addf %add3A_274, %get3A_361 : vector<16xf32>
        %mul3A_363 = arith.constant 16 : i32
        %mul3A_364 = arith.muli %mul3A_363, %scan3A_245 : i32
        %add3A_365 = arith.constant 2 : i32
        %add3A_366 = arith.addi %mul3A_364, %add3A_365 : i32
        %get3A_367 = arith.constant 0 : i32
        %get3A_368 = arith.index_cast %get3A_367 : i32 to index
        %get3A_369 = arith.index_cast %add3A_366 : i32 to index
        %get3A_370 = arith.constant 32 : index
        %get3A_371 = tpu.vector_load %arg6[%get3A_368, %get3A_369, %get3A_370] {strides = array<i32>} : memref<4x208x64xf32, #tpu.memory_space<vmem>>, vector<1x1x16xf32>,
        %get3A_372 = vector.shape_cast %get3A_371 : vector<1x1x16xf32> to vector<16xf32>
        %add3A_373 = arith.addf %add3A_285, %get3A_372 : vector<16xf32>
        %mul3A_374 = arith.constant 16 : i32
        %mul3A_375 = arith.muli %mul3A_374, %scan3A_245 : i32
        %add3A_376 = arith.constant 2 : i32
        %add3A_377 = arith.addi %mul3A_375, %add3A_376 : i32
        %get3A_378 = arith.constant 0 : i32
        %get3A_379 = arith.index_cast %get3A_378 : i32 to index
        %get3A_380 = arith.index_cast %add3A_377 : i32 to index
        %get3A_381 = arith.constant 48 : index
        %get3A_382 = tpu.vector_load %arg6[%get3A_379, %get3A_380, %get3A_381] {strides = array<i32>} : memref<4x208x64xf32, #tpu.memory_space<vmem>>, vector<1x1x16xf32>,
        %get3A_383 = vector.shape_cast %get3A_382 : vector<1x1x16xf32> to vector<16xf32>
        %add3A_384 = arith.addf %add3A_296, %get3A_383 : vector<16xf32>
        %mul3A_385 = arith.constant 16 : i32
        %mul3A_386 = arith.muli %mul3A_385, %scan3A_245 : i32
        %add3A_387 = arith.constant 3 : i32
        %add3A_388 = arith.addi %mul3A_386, %add3A_387 : i32
        %get3A_389 = arith.constant 0 : i32
        %get3A_390 = arith.index_cast %get3A_389 : i32 to index
        %get3A_391 = arith.index_cast %add3A_388 : i32 to index
        %get3A_392 = arith.constant 0 : index
        %get3A_393 = tpu.vector_load %arg6[%get3A_390, %get3A_391, %get3A_392] {strides = array<i32>} : memref<4x208x64xf32, #tpu.memory_space<vmem>>, vector<1x1x16xf32>,
        %get3A_394 = vector.shape_cast %get3A_393 : vector<1x1x16xf32> to vector<16xf32>
        %add3A_395 = arith.addf %add3A_307, %get3A_394 : vector<16xf32>
        %mul3A_396 = arith.constant 16 : i32
        %mul3A_397 = arith.muli %mul3A_396, %scan3A_245 : i32
        %add3A_398 = arith.constant 3 : i32
        %add3A_399 = arith.addi %mul3A_397, %add3A_398 : i32
        %get3A_400 = arith.constant 0 : i32
        %get3A_401 = arith.index_cast %get3A_400 : i32 to index
        %get3A_402 = arith.index_cast %add3A_399 : i32 to index
        %get3A_403 = arith.constant 16 : index
        %get3A_404 = tpu.vector_load %arg6[%get3A_401, %get3A_402, %get3A_403] {strides = array<i32>} : memref<4x208x64xf32, #tpu.memory_space<vmem>>, vector<1x1x16xf32>,
        %get3A_405 = vector.shape_cast %get3A_404 : vector<1x1x16xf32> to vector<16xf32>
        %add3A_406 = arith.addf %add3A_318, %get3A_405 : vector<16xf32>
        %mul3A_407 = arith.constant 16 : i32
        %mul3A_408 = arith.muli %mul3A_407, %scan3A_245 : i32
        %add3A_409 = arith.constant 3 : i32
        %add3A_410 = arith.addi %mul3A_408, %add3A_409 : i32
        %get3A_411 = arith.constant 0 : i32
        %get3A_412 = arith.index_cast %get3A_411 : i32 to index
        %get3A_413 = arith.index_cast %add3A_410 : i32 to index
        %get3A_414 = arith.constant 32 : index
        %get3A_415 = tpu.vector_load %arg6[%get3A_412, %get3A_413, %get3A_414] {strides = array<i32>} : memref<4x208x64xf32, #tpu.memory_space<vmem>>, vector<1x1x16xf32>,
        %get3A_416 = vector.shape_cast %get3A_415 : vector<1x1x16xf32> to vector<16xf32>
        %add3A_417 = arith.addf %add3A_329, %get3A_416 : vector<16xf32>
        %mul3A_418 = arith.constant 16 : i32
        %mul3A_419 = arith.muli %mul3A_418, %scan3A_245 : i32
        %add3A_420 = arith.constant 3 : i32
        %add3A_421 = arith.addi %mul3A_419, %add3A_420 : i32
        %get3A_422 = arith.constant 0 : i32
        %get3A_423 = arith.index_cast %get3A_422 : i32 to index
        %get3A_424 = arith.index_cast %add3A_421 : i32 to index
        %get3A_425 = arith.constant 48 : index
        %get3A_426 = tpu.vector_load %arg6[%get3A_423, %get3A_424, %get3A_425] {strides = array<i32>} : memref<4x208x64xf32, #tpu.memory_space<vmem>>, vector<1x1x16xf32>,
        %get3A_427 = vector.shape_cast %get3A_426 : vector<1x1x16xf32> to vector<16xf32>
        %add3A_428 = arith.addf %add3A_340, %get3A_427 : vector<16xf32>
        %mul3A_429 = arith.constant 16 : i32
        %mul3A_430 = arith.muli %mul3A_429, %scan3A_245 : i32
        %add3A_431 = arith.constant 4 : i32
        %add3A_432 = arith.addi %mul3A_430, %add3A_431 : i32
        %get3A_433 = arith.constant 0 : i32
        %get3A_434 = arith.index_cast %get3A_433 : i32 to index
        %get3A_435 = arith.index_cast %add3A_432 : i32 to index
        %get3A_436 = arith.constant 0 : index
        %get3A_437 = tpu.vector_load %arg6[%get3A_434, %get3A_435, %get3A_436] {strides = array<i32>} : memref<4x208x64xf32, #tpu.memory_space<vmem>>, vector<1x1x16xf32>,
        %get3A_438 = vector.shape_cast %get3A_437 : vector<1x1x16xf32> to vector<16xf32>
        %add3A_439 = arith.addf %add3A_351, %get3A_438 : vector<16xf32>
        %mul3A_440 = arith.constant 16 : i32
        %mul3A_441 = arith.muli %mul3A_440, %scan3A_245 : i32
        %add3A_442 = arith.constant 4 : i32
        %add3A_443 = arith.addi %mul3A_441, %add3A_442 : i32
        %get3A_444 = arith.constant 0 : i32
        %get3A_445 = arith.index_cast %get3A_444 : i32 to index
        %get3A_446 = arith.index_cast %add3A_443 : i32 to index
        %get3A_447 = arith.constant 16 : index
        %get3A_448 = tpu.vector_load %arg6[%get3A_445, %get3A_446, %get3A_447] {strides = array<i32>} : memref<4x208x64xf32, #tpu.memory_space<vmem>>, vector<1x1x16xf32>,
        %get3A_449 = vector.shape_cast %get3A_448 : vector<1x1x16xf32> to vector<16xf32>
        %add3A_450 = arith.addf %add3A_362, %get3A_449 : vector<16xf32>
        %mul3A_451 = arith.constant 16 : i32
        %mul3A_452 = arith.muli %mul3A_451, %scan3A_245 : i32
        %add3A_453 = arith.constant 4 : i32
        %add3A_454 = arith.addi %mul3A_452, %add3A_453 : i32
        %get3A_455 = arith.constant 0 : i32
        %get3A_456 = arith.index_cast %get3A_455 : i32 to index
        %get3A_457 = arith.index_cast %add3A_454 : i32 to index
        %get3A_458 = arith.constant 32 : index
        %get3A_459 = tpu.vector_load %arg6[%get3A_456, %get3A_457, %get3A_458] {strides = array<i32>} : memref<4x208x64xf32, #tpu.memory_space<vmem>>, vector<1x1x16xf32>,
        %get3A_460 = vector.shape_cast %get3A_459 : vector<1x1x16xf32> to vector<16xf32>
        %add3A_461 = arith.addf %add3A_373, %get3A_460 : vector<16xf32>
        %mul3A_462 = arith.constant 16 : i32
        %mul3A_463 = arith.muli %mul3A_462, %scan3A_245 : i32
        %add3A_464 = arith.constant 4 : i32
        %add3A_465 = arith.addi %mul3A_463, %add3A_464 : i32
        %get3A_466 = arith.constant 0 : i32
        %get3A_467 = arith.index_cast %get3A_466 : i32 to index
        %get3A_468 = arith.index_cast %add3A_465 : i32 to index
        %get3A_469 = arith.constant 48 : index
        %get3A_470 = tpu.vector_load %arg6[%get3A_467, %get3A_468, %get3A_469] {strides = array<i32>} : memref<4x208x64xf32, #tpu.memory_space<vmem>>, vector<1x1x16xf32>,
        %get3A_471 = vector.shape_cast %get3A_470 : vector<1x1x16xf32> to vector<16xf32>
        %add3A_472 = arith.addf %add3A_384, %get3A_471 : vector<16xf32>
        %mul3A_473 = arith.constant 16 : i32
        %mul3A_474 = arith.muli %mul3A_473, %scan3A_245 : i32
        %add3A_475 = arith.constant 5 : i32
        %add3A_476 = arith.addi %mul3A_474, %add3A_475 : i32
        %get3A_477 = arith.constant 0 : i32
        %get3A_478 = arith.index_cast %get3A_477 : i32 to index
        %get3A_479 = arith.index_cast %add3A_476 : i32 to index
        %get3A_480 = arith.constant 0 : index
        %get3A_481 = tpu.vector_load %arg6[%get3A_478, %get3A_479, %get3A_480] {strides = array<i32>} : memref<4x208x64xf32, #tpu.memory_space<vmem>>, vector<1x1x16xf32>,
        %get3A_482 = vector.shape_cast %get3A_481 : vector<1x1x16xf32> to vector<16xf32>
        %add3A_483 = arith.addf %add3A_395, %get3A_482 : vector<16xf32>
        %mul3A_484 = arith.constant 16 : i32
        %mul3A_485 = arith.muli %mul3A_484, %scan3A_245 : i32
        %add3A_486 = arith.constant 5 : i32
        %add3A_487 = arith.addi %mul3A_485, %add3A_486 : i32
        %get3A_488 = arith.constant 0 : i32
        %get3A_489 = arith.index_cast %get3A_488 : i32 to index
        %get3A_490 = arith.index_cast %add3A_487 : i32 to index
        %get3A_491 = arith.constant 16 : index
        %get3A_492 = tpu.vector_load %arg6[%get3A_489, %get3A_490, %get3A_491] {strides = array<i32>} : memref<4x208x64xf32, #tpu.memory_space<vmem>>, vector<1x1x16xf32>,
        %get3A_493 = vector.shape_cast %get3A_492 : vector<1x1x16xf32> to vector<16xf32>
        %add3A_494 = arith.addf %add3A_406, %get3A_493 : vector<16xf32>
        %mul3A_495 = arith.constant 16 : i32
        %mul3A_496 = arith.muli %mul3A_495, %scan3A_245 : i32
        %add3A_497 = arith.constant 5 : i32
        %add3A_498 = arith.addi %mul3A_496, %add3A_497 : i32
        %get3A_499 = arith.constant 0 : i32
        %get3A_500 = arith.index_cast %get3A_499 : i32 to index
        %get3A_501 = arith.index_cast %add3A_498 : i32 to index
        %get3A_502 = arith.constant 32 : index
        %get3A_503 = tpu.vector_load %arg6[%get3A_500, %get3A_501, %get3A_502] {strides = array<i32>} : memref<4x208x64xf32, #tpu.memory_space<vmem>>, vector<1x1x16xf32>,
        %get3A_504 = vector.shape_cast %get3A_503 : vector<1x1x16xf32> to vector<16xf32>
        %add3A_505 = arith.addf %add3A_417, %get3A_504 : vector<16xf32>
        %mul3A_506 = arith.constant 16 : i32
        %mul3A_507 = arith.muli %mul3A_506, %scan3A_245 : i32
        %add3A_508 = arith.constant 5 : i32
        %add3A_509 = arith.addi %mul3A_507, %add3A_508 : i32
        %get3A_510 = arith.constant 0 : i32
        %get3A_511 = arith.index_cast %get3A_510 : i32 to index
        %get3A_512 = arith.index_cast %add3A_509 : i32 to index
        %get3A_513 = arith.constant 48 : index
        %get3A_514 = tpu.vector_load %arg6[%get3A_511, %get3A_512, %get3A_513] {strides = array<i32>} : memref<4x208x64xf32, #tpu.memory_space<vmem>>, vector<1x1x16xf32>,
        %get3A_515 = vector.shape_cast %get3A_514 : vector<1x1x16xf32> to vector<16xf32>
        %add3A_516 = arith.addf %add3A_428, %get3A_515 : vector<16xf32>
        %mul3A_517 = arith.constant 16 : i32
        %mul3A_518 = arith.muli %mul3A_517, %scan3A_245 : i32
        %add3A_519 = arith.constant 6 : i32
        %add3A_520 = arith.addi %mul3A_518, %add3A_519 : i32
        %get3A_521 = arith.constant 0 : i32
        %get3A_522 = arith.index_cast %get3A_521 : i32 to index
        %get3A_523 = arith.index_cast %add3A_520 : i32 to index
        %get3A_524 = arith.constant 0 : index
        %get3A_525 = tpu.vector_load %arg6[%get3A_522, %get3A_523, %get3A_524] {strides = array<i32>} : memref<4x208x64xf32, #tpu.memory_space<vmem>>, vector<1x1x16xf32>,
        %get3A_526 = vector.shape_cast %get3A_525 : vector<1x1x16xf32> to vector<16xf32>
        %add3A_527 = arith.addf %add3A_439, %get3A_526 : vector<16xf32>
        %mul3A_528 = arith.constant 16 : i32
        %mul3A_529 = arith.muli %mul3A_528, %scan3A_245 : i32
        %add3A_530 = arith.constant 6 : i32
        %add3A_531 = arith.addi %mul3A_529, %add3A_530 : i32
        %get3A_532 = arith.constant 0 : i32
        %get3A_533 = arith.index_cast %get3A_532 : i32 to index
        %get3A_534 = arith.index_cast %add3A_531 : i32 to index
        %get3A_535 = arith.constant 16 : index
        %get3A_536 = tpu.vector_load %arg6[%get3A_533, %get3A_534, %get3A_535] {strides = array<i32>} : memref<4x208x64xf32, #tpu.memory_space<vmem>>, vector<1x1x16xf32>,
        %get3A_537 = vector.shape_cast %get3A_536 : vector<1x1x16xf32> to vector<16xf32>
        %add3A_538 = arith.addf %add3A_450, %get3A_537 : vector<16xf32>
        %mul3A_539 = arith.constant 16 : i32
        %mul3A_540 = arith.muli %mul3A_539, %scan3A_245 : i32
        %add3A_541 = arith.constant 6 : i32
        %add3A_542 = arith.addi %mul3A_540, %add3A_541 : i32
        %get3A_543 = arith.constant 0 : i32
        %get3A_544 = arith.index_cast %get3A_543 : i32 to index
        %get3A_545 = arith.index_cast %add3A_542 : i32 to index
        %get3A_546 = arith.constant 32 : index
        %get3A_547 = tpu.vector_load %arg6[%get3A_544, %get3A_545, %get3A_546] {strides = array<i32>} : memref<4x208x64xf32, #tpu.memory_space<vmem>>, vector<1x1x16xf32>,
        %get3A_548 = vector.shape_cast %get3A_547 : vector<1x1x16xf32> to vector<16xf32>
        %add3A_549 = arith.addf %add3A_461, %get3A_548 : vector<16xf32>
        %mul3A_550 = arith.constant 16 : i32
        %mul3A_551 = arith.muli %mul3A_550, %scan3A_245 : i32
        %add3A_552 = arith.constant 6 : i32
        %add3A_553 = arith.addi %mul3A_551, %add3A_552 : i32
        %get3A_554 = arith.constant 0 : i32
        %get3A_555 = arith.index_cast %get3A_554 : i32 to index
        %get3A_556 = arith.index_cast %add3A_553 : i32 to index
        %get3A_557 = arith.constant 48 : index
        %get3A_558 = tpu.vector_load %arg6[%get3A_555, %get3A_556, %get3A_557] {strides = array<i32>} : memref<4x208x64xf32, #tpu.memory_space<vmem>>, vector<1x1x16xf32>,
        %get3A_559 = vector.shape_cast %get3A_558 : vector<1x1x16xf32> to vector<16xf32>
        %add3A_560 = arith.addf %add3A_472, %get3A_559 : vector<16xf32>
        %mul3A_561 = arith.constant 16 : i32
        %mul3A_562 = arith.muli %mul3A_561, %scan3A_245 : i32
        %add3A_563 = arith.constant 7 : i32
        %add3A_564 = arith.addi %mul3A_562, %add3A_563 : i32
        %get3A_565 = arith.constant 0 : i32
        %get3A_566 = arith.index_cast %get3A_565 : i32 to index
        %get3A_567 = arith.index_cast %add3A_564 : i32 to index
        %get3A_568 = arith.constant 0 : index
        %get3A_569 = tpu.vector_load %arg6[%get3A_566, %get3A_567, %get3A_568] {strides = array<i32>} : memref<4x208x64xf32, #tpu.memory_space<vmem>>, vector<1x1x16xf32>,
        %get3A_570 = vector.shape_cast %get3A_569 : vector<1x1x16xf32> to vector<16xf32>
        %add3A_571 = arith.addf %add3A_483, %get3A_570 : vector<16xf32>
        %mul3A_572 = arith.constant 16 : i32
        %mul3A_573 = arith.muli %mul3A_572, %scan3A_245 : i32
        %add3A_574 = arith.constant 7 : i32
        %add3A_575 = arith.addi %mul3A_573, %add3A_574 : i32
        %get3A_576 = arith.constant 0 : i32
        %get3A_577 = arith.index_cast %get3A_576 : i32 to index
        %get3A_578 = arith.index_cast %add3A_575 : i32 to index
        %get3A_579 = arith.constant 16 : index
        %get3A_580 = tpu.vector_load %arg6[%get3A_577, %get3A_578, %get3A_579] {strides = array<i32>} : memref<4x208x64xf32, #tpu.memory_space<vmem>>, vector<1x1x16xf32>,
        %get3A_581 = vector.shape_cast %get3A_580 : vector<1x1x16xf32> to vector<16xf32>
        %add3A_582 = arith.addf %add3A_494, %get3A_581 : vector<16xf32>
        %mul3A_583 = arith.constant 16 : i32
        %mul3A_584 = arith.muli %mul3A_583, %scan3A_245 : i32
        %add3A_585 = arith.constant 7 : i32
        %add3A_586 = arith.addi %mul3A_584, %add3A_585 : i32
        %get3A_587 = arith.constant 0 : i32
        %get3A_588 = arith.index_cast %get3A_587 : i32 to index
        %get3A_589 = arith.index_cast %add3A_586 : i32 to index
        %get3A_590 = arith.constant 32 : index
        %get3A_591 = tpu.vector_load %arg6[%get3A_588, %get3A_589, %get3A_590] {strides = array<i32>} : memref<4x208x64xf32, #tpu.memory_space<vmem>>, vector<1x1x16xf32>,
        %get3A_592 = vector.shape_cast %get3A_591 : vector<1x1x16xf32> to vector<16xf32>
        %add3A_593 = arith.addf %add3A_505, %get3A_592 : vector<16xf32>
        %mul3A_594 = arith.constant 16 : i32
        %mul3A_595 = arith.muli %mul3A_594, %scan3A_245 : i32
        %add3A_596 = arith.constant 7 : i32
        %add3A_597 = arith.addi %mul3A_595, %add3A_596 : i32
        %get3A_598 = arith.constant 0 : i32
        %get3A_599 = arith.index_cast %get3A_598 : i32 to index
        %get3A_600 = arith.index_cast %add3A_597 : i32 to index
        %get3A_601 = arith.constant 48 : index
        %get3A_602 = tpu.vector_load %arg6[%get3A_599, %get3A_600, %get3A_601] {strides = array<i32>} : memref<4x208x64xf32, #tpu.memory_space<vmem>>, vector<1x1x16xf32>,
        %get3A_603 = vector.shape_cast %get3A_602 : vector<1x1x16xf32> to vector<16xf32>
        %add3A_604 = arith.addf %add3A_516, %get3A_603 : vector<16xf32>
        %mul3A_605 = arith.constant 16 : i32
        %mul3A_606 = arith.muli %mul3A_605, %scan3A_245 : i32
        %add3A_607 = arith.constant 8 : i32
        %add3A_608 = arith.addi %mul3A_606, %add3A_607 : i32
        %get3A_609 = arith.constant 0 : i32
        %get3A_610 = arith.index_cast %get3A_609 : i32 to index
        %get3A_611 = arith.index_cast %add3A_608 : i32 to index
        %get3A_612 = arith.constant 0 : index
        %get3A_613 = tpu.vector_load %arg6[%get3A_610, %get3A_611, %get3A_612] {strides = array<i32>} : memref<4x208x64xf32, #tpu.memory_space<vmem>>, vector<1x1x16xf32>,
        %get3A_614 = vector.shape_cast %get3A_613 : vector<1x1x16xf32> to vector<16xf32>
        %add3A_615 = arith.addf %add3A_527, %get3A_614 : vector<16xf32>
        %mul3A_616 = arith.constant 16 : i32
        %mul3A_617 = arith.muli %mul3A_616, %scan3A_245 : i32
        %add3A_618 = arith.constant 8 : i32
        %add3A_619 = arith.addi %mul3A_617, %add3A_618 : i32
        %get3A_620 = arith.constant 0 : i32
        %get3A_621 = arith.index_cast %get3A_620 : i32 to index
        %get3A_622 = arith.index_cast %add3A_619 : i32 to index
        %get3A_623 = arith.constant 16 : index
        %get3A_624 = tpu.vector_load %arg6[%get3A_621, %get3A_622, %get3A_623] {strides = array<i32>} : memref<4x208x64xf32, #tpu.memory_space<vmem>>, vector<1x1x16xf32>,
        %get3A_625 = vector.shape_cast %get3A_624 : vector<1x1x16xf32> to vector<16xf32>
        %add3A_626 = arith.addf %add3A_538, %get3A_625 : vector<16xf32>
        %mul3A_627 = arith.constant 16 : i32
        %mul3A_628 = arith.muli %mul3A_627, %scan3A_245 : i32
        %add3A_629 = arith.constant 8 : i32
        %add3A_630 = arith.addi %mul3A_628, %add3A_629 : i32
        %get3A_631 = arith.constant 0 : i32
        %get3A_632 = arith.index_cast %get3A_631 : i32 to index
        %get3A_633 = arith.index_cast %add3A_630 : i32 to index
        %get3A_634 = arith.constant 32 : index
        %get3A_635 = tpu.vector_load %arg6[%get3A_632, %get3A_633, %get3A_634] {strides = array<i32>} : memref<4x208x64xf32, #tpu.memory_space<vmem>>, vector<1x1x16xf32>,
        %get3A_636 = vector.shape_cast %get3A_635 : vector<1x1x16xf32> to vector<16xf32>
        %add3A_637 = arith.addf %add3A_549, %get3A_636 : vector<16xf32>
        %mul3A_638 = arith.constant 16 : i32
        %mul3A_639 = arith.muli %mul3A_638, %scan3A_245 : i32
        %add3A_640 = arith.constant 8 : i32
        %add3A_641 = arith.addi %mul3A_639, %add3A_640 : i32
        %get3A_642 = arith.constant 0 : i32
        %get3A_643 = arith.index_cast %get3A_642 : i32 to index
        %get3A_644 = arith.index_cast %add3A_641 : i32 to index
        %get3A_645 = arith.constant 48 : index
        %get3A_646 = tpu.vector_load %arg6[%get3A_643, %get3A_644, %get3A_645] {strides = array<i32>} : memref<4x208x64xf32, #tpu.memory_space<vmem>>, vector<1x1x16xf32>,
        %get3A_647 = vector.shape_cast %get3A_646 : vector<1x1x16xf32> to vector<16xf32>
        %add3A_648 = arith.addf %add3A_560, %get3A_647 : vector<16xf32>
        %mul3A_649 = arith.constant 16 : i32
        %mul3A_650 = arith.muli %mul3A_649, %scan3A_245 : i32
        %add3A_651 = arith.constant 9 : i32
        %add3A_652 = arith.addi %mul3A_650, %add3A_651 : i32
        %get3A_653 = arith.constant 0 : i32
        %get3A_654 = arith.index_cast %get3A_653 : i32 to index
        %get3A_655 = arith.index_cast %add3A_652 : i32 to index
        %get3A_656 = arith.constant 0 : index
        %get3A_657 = tpu.vector_load %arg6[%get3A_654, %get3A_655, %get3A_656] {strides = array<i32>} : memref<4x208x64xf32, #tpu.memory_space<vmem>>, vector<1x1x16xf32>,
        %get3A_658 = vector.shape_cast %get3A_657 : vector<1x1x16xf32> to vector<16xf32>
        %add3A_659 = arith.addf %add3A_571, %get3A_658 : vector<16xf32>
        %mul3A_660 = arith.constant 16 : i32
        %mul3A_661 = arith.muli %mul3A_660, %scan3A_245 : i32
        %add3A_662 = arith.constant 9 : i32
        %add3A_663 = arith.addi %mul3A_661, %add3A_662 : i32
        %get3A_664 = arith.constant 0 : i32
        %get3A_665 = arith.index_cast %get3A_664 : i32 to index
        %get3A_666 = arith.index_cast %add3A_663 : i32 to index
        %get3A_667 = arith.constant 16 : index
        %get3A_668 = tpu.vector_load %arg6[%get3A_665, %get3A_666, %get3A_667] {strides = array<i32>} : memref<4x208x64xf32, #tpu.memory_space<vmem>>, vector<1x1x16xf32>,
        %get3A_669 = vector.shape_cast %get3A_668 : vector<1x1x16xf32> to vector<16xf32>
        %add3A_670 = arith.addf %add3A_582, %get3A_669 : vector<16xf32>
        %mul3A_671 = arith.constant 16 : i32
        %mul3A_672 = arith.muli %mul3A_671, %scan3A_245 : i32
        %add3A_673 = arith.constant 9 : i32
        %add3A_674 = arith.addi %mul3A_672, %add3A_673 : i32
        %get3A_675 = arith.constant 0 : i32
        %get3A_676 = arith.index_cast %get3A_675 : i32 to index
        %get3A_677 = arith.index_cast %add3A_674 : i32 to index
        %get3A_678 = arith.constant 32 : index
        %get3A_679 = tpu.vector_load %arg6[%get3A_676, %get3A_677, %get3A_678] {strides = array<i32>} : memref<4x208x64xf32, #tpu.memory_space<vmem>>, vector<1x1x16xf32>,
        %get3A_680 = vector.shape_cast %get3A_679 : vector<1x1x16xf32> to vector<16xf32>
        %add3A_681 = arith.addf %add3A_593, %get3A_680 : vector<16xf32>
        %mul3A_682 = arith.constant 16 : i32
        %mul3A_683 = arith.muli %mul3A_682, %scan3A_245 : i32
        %add3A_684 = arith.constant 9 : i32
        %add3A_685 = arith.addi %mul3A_683, %add3A_684 : i32
        %get3A_686 = arith.constant 0 : i32
        %get3A_687 = arith.index_cast %get3A_686 : i32 to index
        %get3A_688 = arith.index_cast %add3A_685 : i32 to index
        %get3A_689 = arith.constant 48 : index
        %get3A_690 = tpu.vector_load %arg6[%get3A_687, %get3A_688, %get3A_689] {strides = array<i32>} : memref<4x208x64xf32, #tpu.memory_space<vmem>>, vector<1x1x16xf32>,
        %get3A_691 = vector.shape_cast %get3A_690 : vector<1x1x16xf32> to vector<16xf32>
        %add3A_692 = arith.addf %add3A_604, %get3A_691 : vector<16xf32>
        %mul3A_693 = arith.constant 16 : i32
        %mul3A_694 = arith.muli %mul3A_693, %scan3A_245 : i32
        %add3A_695 = arith.constant 10 : i32
        %add3A_696 = arith.addi %mul3A_694, %add3A_695 : i32
        %get3A_697 = arith.constant 0 : i32
        %get3A_698 = arith.index_cast %get3A_697 : i32 to index
        %get3A_699 = arith.index_cast %add3A_696 : i32 to index
        %get3A_700 = arith.constant 0 : index
        %get3A_701 = tpu.vector_load %arg6[%get3A_698, %get3A_699, %get3A_700] {strides = array<i32>} : memref<4x208x64xf32, #tpu.memory_space<vmem>>, vector<1x1x16xf32>,
        %get3A_702 = vector.shape_cast %get3A_701 : vector<1x1x16xf32> to vector<16xf32>
        %add3A_703 = arith.addf %add3A_615, %get3A_702 : vector<16xf32>
        %mul3A_704 = arith.constant 16 : i32
        %mul3A_705 = arith.muli %mul3A_704, %scan3A_245 : i32
        %add3A_706 = arith.constant 10 : i32
        %add3A_707 = arith.addi %mul3A_705, %add3A_706 : i32
        %get3A_708 = arith.constant 0 : i32
        %get3A_709 = arith.index_cast %get3A_708 : i32 to index
        %get3A_710 = arith.index_cast %add3A_707 : i32 to index
        %get3A_711 = arith.constant 16 : index
        %get3A_712 = tpu.vector_load %arg6[%get3A_709, %get3A_710, %get3A_711] {strides = array<i32>} : memref<4x208x64xf32, #tpu.memory_space<vmem>>, vector<1x1x16xf32>,
        %get3A_713 = vector.shape_cast %get3A_712 : vector<1x1x16xf32> to vector<16xf32>
        %add3A_714 = arith.addf %add3A_626, %get3A_713 : vector<16xf32>
        %mul3A_715 = arith.constant 16 : i32
        %mul3A_716 = arith.muli %mul3A_715, %scan3A_245 : i32
        %add3A_717 = arith.constant 10 : i32
        %add3A_718 = arith.addi %mul3A_716, %add3A_717 : i32
        %get3A_719 = arith.constant 0 : i32
        %get3A_720 = arith.index_cast %get3A_719 : i32 to index
        %get3A_721 = arith.index_cast %add3A_718 : i32 to index
        %get3A_722 = arith.constant 32 : index
        %get3A_723 = tpu.vector_load %arg6[%get3A_720, %get3A_721, %get3A_722] {strides = array<i32>} : memref<4x208x64xf32, #tpu.memory_space<vmem>>, vector<1x1x16xf32>,
        %get3A_724 = vector.shape_cast %get3A_723 : vector<1x1x16xf32> to vector<16xf32>
        %add3A_725 = arith.addf %add3A_637, %get3A_724 : vector<16xf32>
        %mul3A_726 = arith.constant 16 : i32
        %mul3A_727 = arith.muli %mul3A_726, %scan3A_245 : i32
        %add3A_728 = arith.constant 10 : i32
        %add3A_729 = arith.addi %mul3A_727, %add3A_728 : i32
        %get3A_730 = arith.constant 0 : i32
        %get3A_731 = arith.index_cast %get3A_730 : i32 to index
        %get3A_732 = arith.index_cast %add3A_729 : i32 to index
        %get3A_733 = arith.constant 48 : index
        %get3A_734 = tpu.vector_load %arg6[%get3A_731, %get3A_732, %get3A_733] {strides = array<i32>} : memref<4x208x64xf32, #tpu.memory_space<vmem>>, vector<1x1x16xf32>,
        %get3A_735 = vector.shape_cast %get3A_734 : vector<1x1x16xf32> to vector<16xf32>
        %add3A_736 = arith.addf %add3A_648, %get3A_735 : vector<16xf32>
        %mul3A_737 = arith.constant 16 : i32
        %mul3A_738 = arith.muli %mul3A_737, %scan3A_245 : i32
        %add3A_739 = arith.constant 11 : i32
        %add3A_740 = arith.addi %mul3A_738, %add3A_739 : i32
        %get3A_741 = arith.constant 0 : i32
        %get3A_742 = arith.index_cast %get3A_741 : i32 to index
        %get3A_743 = arith.index_cast %add3A_740 : i32 to index
        %get3A_744 = arith.constant 0 : index
        %get3A_745 = tpu.vector_load %arg6[%get3A_742, %get3A_743, %get3A_744] {strides = array<i32>} : memref<4x208x64xf32, #tpu.memory_space<vmem>>, vector<1x1x16xf32>,
        %get3A_746 = vector.shape_cast %get3A_745 : vector<1x1x16xf32> to vector<16xf32>
        %add3A_747 = arith.addf %add3A_659, %get3A_746 : vector<16xf32>
        %mul3A_748 = arith.constant 16 : i32
        %mul3A_749 = arith.muli %mul3A_748, %scan3A_245 : i32
        %add3A_750 = arith.constant 11 : i32
        %add3A_751 = arith.addi %mul3A_749, %add3A_750 : i32
        %get3A_752 = arith.constant 0 : i32
        %get3A_753 = arith.index_cast %get3A_752 : i32 to index
        %get3A_754 = arith.index_cast %add3A_751 : i32 to index
        %get3A_755 = arith.constant 16 : index
        %get3A_756 = tpu.vector_load %arg6[%get3A_753, %get3A_754, %get3A_755] {strides = array<i32>} : memref<4x208x64xf32, #tpu.memory_space<vmem>>, vector<1x1x16xf32>,
        %get3A_757 = vector.shape_cast %get3A_756 : vector<1x1x16xf32> to vector<16xf32>
        %add3A_758 = arith.addf %add3A_670, %get3A_757 : vector<16xf32>
        %mul3A_759 = arith.constant 16 : i32
        %mul3A_760 = arith.muli %mul3A_759, %scan3A_245 : i32
        %add3A_761 = arith.constant 11 : i32
        %add3A_762 = arith.addi %mul3A_760, %add3A_761 : i32
        %get3A_763 = arith.constant 0 : i32
        %get3A_764 = arith.index_cast %get3A_763 : i32 to index
        %get3A_765 = arith.index_cast %add3A_762 : i32 to index
        %get3A_766 = arith.constant 32 : index
        %get3A_767 = tpu.vector_load %arg6[%get3A_764, %get3A_765, %get3A_766] {strides = array<i32>} : memref<4x208x64xf32, #tpu.memory_space<vmem>>, vector<1x1x16xf32>,
        %get3A_768 = vector.shape_cast %get3A_767 : vector<1x1x16xf32> to vector<16xf32>
        %add3A_769 = arith.addf %add3A_681, %get3A_768 : vector<16xf32>
        %mul3A_770 = arith.constant 16 : i32
        %mul3A_771 = arith.muli %mul3A_770, %scan3A_245 : i32
        %add3A_772 = arith.constant 11 : i32
        %add3A_773 = arith.addi %mul3A_771, %add3A_772 : i32
        %get3A_774 = arith.constant 0 : i32
        %get3A_775 = arith.index_cast %get3A_774 : i32 to index
        %get3A_776 = arith.index_cast %add3A_773 : i32 to index
        %get3A_777 = arith.constant 48 : index
        %get3A_778 = tpu.vector_load %arg6[%get3A_775, %get3A_776, %get3A_777] {strides = array<i32>} : memref<4x208x64xf32, #tpu.memory_space<vmem>>, vector<1x1x16xf32>,
        %get3A_779 = vector.shape_cast %get3A_778 : vector<1x1x16xf32> to vector<16xf32>
        %add3A_780 = arith.addf %add3A_692, %get3A_779 : vector<16xf32>
        %mul3A_781 = arith.constant 16 : i32
        %mul3A_782 = arith.muli %mul3A_781, %scan3A_245 : i32
        %add3A_783 = arith.constant 12 : i32
        %add3A_784 = arith.addi %mul3A_782, %add3A_783 : i32
        %get3A_785 = arith.constant 0 : i32
        %get3A_786 = arith.index_cast %get3A_785 : i32 to index
        %get3A_787 = arith.index_cast %add3A_784 : i32 to index
        %get3A_788 = arith.constant 0 : index
        %get3A_789 = tpu.vector_load %arg6[%get3A_786, %get3A_787, %get3A_788] {strides = array<i32>} : memref<4x208x64xf32, #tpu.memory_space<vmem>>, vector<1x1x16xf32>,
        %get3A_790 = vector.shape_cast %get3A_789 : vector<1x1x16xf32> to vector<16xf32>
        %add3A_791 = arith.addf %add3A_703, %get3A_790 : vector<16xf32>
        %mul3A_792 = arith.constant 16 : i32
        %mul3A_793 = arith.muli %mul3A_792, %scan3A_245 : i32
        %add3A_794 = arith.constant 12 : i32
        %add3A_795 = arith.addi %mul3A_793, %add3A_794 : i32
        %get3A_796 = arith.constant 0 : i32
        %get3A_797 = arith.index_cast %get3A_796 : i32 to index
        %get3A_798 = arith.index_cast %add3A_795 : i32 to index
        %get3A_799 = arith.constant 16 : index
        %get3A_800 = tpu.vector_load %arg6[%get3A_797, %get3A_798, %get3A_799] {strides = array<i32>} : memref<4x208x64xf32, #tpu.memory_space<vmem>>, vector<1x1x16xf32>,
        %get3A_801 = vector.shape_cast %get3A_800 : vector<1x1x16xf32> to vector<16xf32>
        %add3A_802 = arith.addf %add3A_714, %get3A_801 : vector<16xf32>
        %mul3A_803 = arith.constant 16 : i32
        %mul3A_804 = arith.muli %mul3A_803, %scan3A_245 : i32
        %add3A_805 = arith.constant 12 : i32
        %add3A_806 = arith.addi %mul3A_804, %add3A_805 : i32
        %get3A_807 = arith.constant 0 : i32
        %get3A_808 = arith.index_cast %get3A_807 : i32 to index
        %get3A_809 = arith.index_cast %add3A_806 : i32 to index
        %get3A_810 = arith.constant 32 : index
        %get3A_811 = tpu.vector_load %arg6[%get3A_808, %get3A_809, %get3A_810] {strides = array<i32>} : memref<4x208x64xf32, #tpu.memory_space<vmem>>, vector<1x1x16xf32>,
        %get3A_812 = vector.shape_cast %get3A_811 : vector<1x1x16xf32> to vector<16xf32>
        %add3A_813 = arith.addf %add3A_725, %get3A_812 : vector<16xf32>
        %mul3A_814 = arith.constant 16 : i32
        %mul3A_815 = arith.muli %mul3A_814, %scan3A_245 : i32
        %add3A_816 = arith.constant 12 : i32
        %add3A_817 = arith.addi %mul3A_815, %add3A_816 : i32
        %get3A_818 = arith.constant 0 : i32
        %get3A_819 = arith.index_cast %get3A_818 : i32 to index
        %get3A_820 = arith.index_cast %add3A_817 : i32 to index
        %get3A_821 = arith.constant 48 : index
        %get3A_822 = tpu.vector_load %arg6[%get3A_819, %get3A_820, %get3A_821] {strides = array<i32>} : memref<4x208x64xf32, #tpu.memory_space<vmem>>, vector<1x1x16xf32>,
        %get3A_823 = vector.shape_cast %get3A_822 : vector<1x1x16xf32> to vector<16xf32>
        %add3A_824 = arith.addf %add3A_736, %get3A_823 : vector<16xf32>
        %mul3A_825 = arith.constant 16 : i32
        %mul3A_826 = arith.muli %mul3A_825, %scan3A_245 : i32
        %add3A_827 = arith.constant 13 : i32
        %add3A_828 = arith.addi %mul3A_826, %add3A_827 : i32
        %get3A_829 = arith.constant 0 : i32
        %get3A_830 = arith.index_cast %get3A_829 : i32 to index
        %get3A_831 = arith.index_cast %add3A_828 : i32 to index
        %get3A_832 = arith.constant 0 : index
        %get3A_833 = tpu.vector_load %arg6[%get3A_830, %get3A_831, %get3A_832] {strides = array<i32>} : memref<4x208x64xf32, #tpu.memory_space<vmem>>, vector<1x1x16xf32>,
        %get3A_834 = vector.shape_cast %get3A_833 : vector<1x1x16xf32> to vector<16xf32>
        %add3A_835 = arith.addf %add3A_747, %get3A_834 : vector<16xf32>
        %mul3A_836 = arith.constant 16 : i32
        %mul3A_837 = arith.muli %mul3A_836, %scan3A_245 : i32
        %add3A_838 = arith.constant 13 : i32
        %add3A_839 = arith.addi %mul3A_837, %add3A_838 : i32
        %get3A_840 = arith.constant 0 : i32
        %get3A_841 = arith.index_cast %get3A_840 : i32 to index
        %get3A_842 = arith.index_cast %add3A_839 : i32 to index
        %get3A_843 = arith.constant 16 : index
        %get3A_844 = tpu.vector_load %arg6[%get3A_841, %get3A_842, %get3A_843] {strides = array<i32>} : memref<4x208x64xf32, #tpu.memory_space<vmem>>, vector<1x1x16xf32>,
        %get3A_845 = vector.shape_cast %get3A_844 : vector<1x1x16xf32> to vector<16xf32>
        %add3A_846 = arith.addf %add3A_758, %get3A_845 : vector<16xf32>
        %mul3A_847 = arith.constant 16 : i32
        %mul3A_848 = arith.muli %mul3A_847, %scan3A_245 : i32
        %add3A_849 = arith.constant 13 : i32
        %add3A_850 = arith.addi %mul3A_848, %add3A_849 : i32
        %get3A_851 = arith.constant 0 : i32
        %get3A_852 = arith.index_cast %get3A_851 : i32 to index
        %get3A_853 = arith.index_cast %add3A_850 : i32 to index
        %get3A_854 = arith.constant 32 : index
        %get3A_855 = tpu.vector_load %arg6[%get3A_852, %get3A_853, %get3A_854] {strides = array<i32>} : memref<4x208x64xf32, #tpu.memory_space<vmem>>, vector<1x1x16xf32>,
        %get3A_856 = vector.shape_cast %get3A_855 : vector<1x1x16xf32> to vector<16xf32>
        %add3A_857 = arith.addf %add3A_769, %get3A_856 : vector<16xf32>
        %mul3A_858 = arith.constant 16 : i32
        %mul3A_859 = arith.muli %mul3A_858, %scan3A_245 : i32
        %add3A_860 = arith.constant 13 : i32
        %add3A_861 = arith.addi %mul3A_859, %add3A_860 : i32
        %get3A_862 = arith.constant 0 : i32
        %get3A_863 = arith.index_cast %get3A_862 : i32 to index
        %get3A_864 = arith.index_cast %add3A_861 : i32 to index
        %get3A_865 = arith.constant 48 : index
        %get3A_866 = tpu.vector_load %arg6[%get3A_863, %get3A_864, %get3A_865] {strides = array<i32>} : memref<4x208x64xf32, #tpu.memory_space<vmem>>, vector<1x1x16xf32>,
        %get3A_867 = vector.shape_cast %get3A_866 : vector<1x1x16xf32> to vector<16xf32>
        %add3A_868 = arith.addf %add3A_780, %get3A_867 : vector<16xf32>
        %mul3A_869 = arith.constant 16 : i32
        %mul3A_870 = arith.muli %mul3A_869, %scan3A_245 : i32
        %add3A_871 = arith.constant 14 : i32
        %add3A_872 = arith.addi %mul3A_870, %add3A_871 : i32
        %get3A_873 = arith.constant 0 : i32
        %get3A_874 = arith.index_cast %get3A_873 : i32 to index
        %get3A_875 = arith.index_cast %add3A_872 : i32 to index
        %get3A_876 = arith.constant 0 : index
        %get3A_877 = tpu.vector_load %arg6[%get3A_874, %get3A_875, %get3A_876] {strides = array<i32>} : memref<4x208x64xf32, #tpu.memory_space<vmem>>, vector<1x1x16xf32>,
        %get3A_878 = vector.shape_cast %get3A_877 : vector<1x1x16xf32> to vector<16xf32>
        %add3A_879 = arith.addf %add3A_791, %get3A_878 : vector<16xf32>
        %mul3A_880 = arith.constant 16 : i32
        %mul3A_881 = arith.muli %mul3A_880, %scan3A_245 : i32
        %add3A_882 = arith.constant 14 : i32
        %add3A_883 = arith.addi %mul3A_881, %add3A_882 : i32
        %get3A_884 = arith.constant 0 : i32
        %get3A_885 = arith.index_cast %get3A_884 : i32 to index
        %get3A_886 = arith.index_cast %add3A_883 : i32 to index
        %get3A_887 = arith.constant 16 : index
        %get3A_888 = tpu.vector_load %arg6[%get3A_885, %get3A_886, %get3A_887] {strides = array<i32>} : memref<4x208x64xf32, #tpu.memory_space<vmem>>, vector<1x1x16xf32>,
        %get3A_889 = vector.shape_cast %get3A_888 : vector<1x1x16xf32> to vector<16xf32>
        %add3A_890 = arith.addf %add3A_802, %get3A_889 : vector<16xf32>
        %mul3A_891 = arith.constant 16 : i32
        %mul3A_892 = arith.muli %mul3A_891, %scan3A_245 : i32
        %add3A_893 = arith.constant 14 : i32
        %add3A_894 = arith.addi %mul3A_892, %add3A_893 : i32
        %get3A_895 = arith.constant 0 : i32
        %get3A_896 = arith.index_cast %get3A_895 : i32 to index
        %get3A_897 = arith.index_cast %add3A_894 : i32 to index
        %get3A_898 = arith.constant 32 : index
        %get3A_899 = tpu.vector_load %arg6[%get3A_896, %get3A_897, %get3A_898] {strides = array<i32>} : memref<4x208x64xf32, #tpu.memory_space<vmem>>, vector<1x1x16xf32>,
        %get3A_900 = vector.shape_cast %get3A_899 : vector<1x1x16xf32> to vector<16xf32>
        %add3A_901 = arith.addf %add3A_813, %get3A_900 : vector<16xf32>
        %mul3A_902 = arith.constant 16 : i32
        %mul3A_903 = arith.muli %mul3A_902, %scan3A_245 : i32
        %add3A_904 = arith.constant 14 : i32
        %add3A_905 = arith.addi %mul3A_903, %add3A_904 : i32
        %get3A_906 = arith.constant 0 : i32
        %get3A_907 = arith.index_cast %get3A_906 : i32 to index
        %get3A_908 = arith.index_cast %add3A_905 : i32 to index
        %get3A_909 = arith.constant 48 : index
        %get3A_910 = tpu.vector_load %arg6[%get3A_907, %get3A_908, %get3A_909] {strides = array<i32>} : memref<4x208x64xf32, #tpu.memory_space<vmem>>, vector<1x1x16xf32>,
        %get3A_911 = vector.shape_cast %get3A_910 : vector<1x1x16xf32> to vector<16xf32>
        %add3A_912 = arith.addf %add3A_824, %get3A_911 : vector<16xf32>
        %mul3A_913 = arith.constant 16 : i32
        %mul3A_914 = arith.muli %mul3A_913, %scan3A_245 : i32
        %add3A_915 = arith.constant 15 : i32
        %add3A_916 = arith.addi %mul3A_914, %add3A_915 : i32
        %get3A_917 = arith.constant 0 : i32
        %get3A_918 = arith.index_cast %get3A_917 : i32 to index
        %get3A_919 = arith.index_cast %add3A_916 : i32 to index
        %get3A_920 = arith.constant 0 : index
        %get3A_921 = tpu.vector_load %arg6[%get3A_918, %get3A_919, %get3A_920] {strides = array<i32>} : memref<4x208x64xf32, #tpu.memory_space<vmem>>, vector<1x1x16xf32>,
        %get3A_922 = vector.shape_cast %get3A_921 : vector<1x1x16xf32> to vector<16xf32>
        %add3A_923 = arith.addf %add3A_835, %get3A_922 : vector<16xf32>
        %mul3A_924 = arith.constant 16 : i32
        %mul3A_925 = arith.muli %mul3A_924, %scan3A_245 : i32
        %add3A_926 = arith.constant 15 : i32
        %add3A_927 = arith.addi %mul3A_925, %add3A_926 : i32
        %get3A_928 = arith.constant 0 : i32
        %get3A_929 = arith.index_cast %get3A_928 : i32 to index
        %get3A_930 = arith.index_cast %add3A_927 : i32 to index
        %get3A_931 = arith.constant 16 : index
        %get3A_932 = tpu.vector_load %arg6[%get3A_929, %get3A_930, %get3A_931] {strides = array<i32>} : memref<4x208x64xf32, #tpu.memory_space<vmem>>, vector<1x1x16xf32>,
        %get3A_933 = vector.shape_cast %get3A_932 : vector<1x1x16xf32> to vector<16xf32>
        %add3A_934 = arith.addf %add3A_846, %get3A_933 : vector<16xf32>
        %mul3A_935 = arith.constant 16 : i32
        %mul3A_936 = arith.muli %mul3A_935, %scan3A_245 : i32
        %add3A_937 = arith.constant 15 : i32
        %add3A_938 = arith.addi %mul3A_936, %add3A_937 : i32
        %get3A_939 = arith.constant 0 : i32
        %get3A_940 = arith.index_cast %get3A_939 : i32 to index
        %get3A_941 = arith.index_cast %add3A_938 : i32 to index
        %get3A_942 = arith.constant 32 : index
        %get3A_943 = tpu.vector_load %arg6[%get3A_940, %get3A_941, %get3A_942] {strides = array<i32>} : memref<4x208x64xf32, #tpu.memory_space<vmem>>, vector<1x1x16xf32>,
        %get3A_944 = vector.shape_cast %get3A_943 : vector<1x1x16xf32> to vector<16xf32>
        %add3A_945 = arith.addf %add3A_857, %get3A_944 : vector<16xf32>
        %mul3A_946 = arith.constant 16 : i32
        %mul3A_947 = arith.muli %mul3A_946, %scan3A_245 : i32
        %add3A_948 = arith.constant 15 : i32
        %add3A_949 = arith.addi %mul3A_947, %add3A_948 : i32
        %get3A_950 = arith.constant 0 : i32
        %get3A_951 = arith.index_cast %get3A_950 : i32 to index
        %get3A_952 = arith.index_cast %add3A_949 : i32 to index
        %get3A_953 = arith.constant 48 : index
        %get3A_954 = tpu.vector_load %arg6[%get3A_951, %get3A_952, %get3A_953] {strides = array<i32>} : memref<4x208x64xf32, #tpu.memory_space<vmem>>, vector<1x1x16xf32>,
        %get3A_955 = vector.shape_cast %get3A_954 : vector<1x1x16xf32> to vector<16xf32>
        %add3A_956 = arith.addf %add3A_868, %get3A_955 : vector<16xf32>
        scf.yield %add3A_879, %add3A_890, %add3A_901, %add3A_912, %add3A_923, %add3A_934, %add3A_945, %add3A_956 : vector<16xf32>, vector<16xf32>, vector<16xf32>, vector<16xf32>, vector<16xf32>, vector<16xf32>, vector<16xf32>, vector<16xf32>
      }
      %scan3A_57 = arith.constant 13 : i32
      %add3A_58 = arith.addf %scan3A_56#0, %scan3A_56#4 : vector<16xf32>
      %swap3A = arith.index_cast %add3A_37 : i32 to index
      %swap3A_59 = arith.constant 0 : index
      %swap3A_60 = tpu.vector_load %arg7[%swap3A, %swap3A_59] {strides = array<i32>} : memref<128x64xf32, #tpu.memory_space<vmem>>, vector<1x16xf32>,
      %swap3A_61 = vector.shape_cast %swap3A_60 : vector<1x16xf32> to vector<16xf32>
      %swap3A_62 = vector.shape_cast %add3A_58 : vector<16xf32> to vector<1x16xf32>
      tpu.vector_store %arg7[%swap3A, %swap3A_59], %swap3A_62 {strides = array<i32>} : memref<128x64xf32, #tpu.memory_space<vmem>>, vector<1x16xf32>,
      %add3A_63 = arith.addf %scan3A_56#1, %scan3A_56#5 : vector<16xf32>
      %swap3A_64 = arith.index_cast %add3A_37 : i32 to index
      %swap3A_65 = arith.constant 16 : index
      %swap3A_66 = tpu.vector_load %arg7[%swap3A_64, %swap3A_65] {strides = array<i32>} : memref<128x64xf32, #tpu.memory_space<vmem>>, vector<1x16xf32>,
      %swap3A_67 = vector.shape_cast %swap3A_66 : vector<1x16xf32> to vector<16xf32>
      %swap3A_68 = vector.shape_cast %add3A_63 : vector<16xf32> to vector<1x16xf32>
      tpu.vector_store %arg7[%swap3A_64, %swap3A_65], %swap3A_68 {strides = array<i32>} : memref<128x64xf32, #tpu.memory_space<vmem>>, vector<1x16xf32>,
      %add3A_69 = arith.addf %scan3A_56#2, %scan3A_56#6 : vector<16xf32>
      %swap3A_70 = arith.index_cast %add3A_37 : i32 to index
      %swap3A_71 = arith.constant 32 : index
      %swap3A_72 = tpu.vector_load %arg7[%swap3A_70, %swap3A_71] {strides = array<i32>} : memref<128x64xf32, #tpu.memory_space<vmem>>, vector<1x16xf32>,
      %swap3A_73 = vector.shape_cast %swap3A_72 : vector<1x16xf32> to vector<16xf32>
      %swap3A_74 = vector.shape_cast %add3A_69 : vector<16xf32> to vector<1x16xf32>
      tpu.vector_store %arg7[%swap3A_70, %swap3A_71], %swap3A_74 {strides = array<i32>} : memref<128x64xf32, #tpu.memory_space<vmem>>, vector<1x16xf32>,
      %add3A_75 = arith.addf %scan3A_56#3, %scan3A_56#7 : vector<16xf32>
      %swap3A_76 = arith.index_cast %add3A_37 : i32 to index
      %swap3A_77 = arith.constant 48 : index
      %swap3A_78 = tpu.vector_load %arg7[%swap3A_76, %swap3A_77] {strides = array<i32>} : memref<128x64xf32, #tpu.memory_space<vmem>>, vector<1x16xf32>,
      %swap3A_79 = vector.shape_cast %swap3A_78 : vector<1x16xf32> to vector<16xf32>
      %swap3A_80 = vector.shape_cast %add3A_75 : vector<16xf32> to vector<1x16xf32>
      tpu.vector_store %arg7[%swap3A_76, %swap3A_77], %swap3A_80 {strides = array<i32>} : memref<128x64xf32, #tpu.memory_space<vmem>>, vector<1x16xf32>,
      %lt3A = arith.constant 31 : i32
      %lt3A_81 = arith.cmpi slt, %scan3A_33, %lt3A : i32
      %convert_element_type3A = arith.extui %lt3A_81 : i1 to i32
      %cond3A = arith.constant 0 : i32
      %cond3A_82 = arith.cmpi ne, %convert_element_type3A, %cond3A : i32
      scf.if %cond3A_82 {
        %add3A_245 = arith.constant 4 : i32
        %add3A_246 = arith.addi %add3A_37, %add3A_245 : i32
        %scan3A_247 = arith.constant 0 : i32
        %scan3A_248 = arith.constant 0 : i32
        %scan3A_249 = arith.constant 13 : i32
        %scan3A_250 = arith.addi %scan3A_248, %scan3A_249 : i32
        %scan3A_251 = arith.constant 1 : i32
        scf.for %scan3A_253 = %scan3A_248 to %scan3A_250 step %scan3A_251  : i32 {
          %mul3A_254 = arith.constant 16 : i32
          %mul3A_255 = arith.muli %mul3A_254, %scan3A_253 : i32
          %get3A = arith.index_cast %add3A_246 : i32 to index
          %get3A_256 = arith.index_cast %mul3A_255 : i32 to index
          %get3A_257 = tpu.vector_load %arg5[%get3A, %get3A_256] {strides = array<i32>} : memref<128x208xi32, #tpu.memory_space<vmem>>, vector<1x16xi32>,
          %get3A_258 = vector.shape_cast %get3A_257 : vector<1x16xi32> to vector<16xi32>
          %mul3A_259 = arith.constant 16 : i32
          %mul3A_260 = arith.muli %mul3A_259, %scan3A_253 : i32
          %dma_start3A = arith.constant 0 : i32
          %dma_start3A_261 = arith.constant 0 : i32
          %dma_start3A_262 = tpu.memref_slice %arg6[%dma_start3A, %mul3A_260, %dma_start3A_261] : memref<4x208x64xf32, #tpu.memory_space<vmem>> -> memref<1x16x64xf32, #tpu.memory_space<vmem>>
          %dma_start3A_263 = tpu.memref_squeeze %dma_start3A_262 : memref<1x16x64xf32, #tpu.memory_space<vmem>> -> memref<16x64xf32, #tpu.memory_space<vmem>>
          %dma_start3A_264 = arith.constant 0 : i32
          %dma_start3A_265 = arith.constant 0 : i32
          %dma_start3A_266 = tpu.memref_slice %arg3[%dma_start3A_264, %dma_start3A_265] : memref<1000000x64xf32, #tpu.memory_space<hbm>> -> memref<1000000x64xf32, #tpu.memory_space<hbm>>
          tpu.enqueue_indirect_dma source(%dma_start3A_266 : memref<1000000x64xf32, #tpu.memory_space<hbm>>) target(%dma_start3A_263 : memref<16x64xf32, #tpu.memory_space<vmem>>) offsets(%get3A_258 : vector<16xi32>) semaphore(%arg8 : memref<!tpu.dma_semaphore, #tpu.memory_space<semaphore_mem>>)
        }
        %scan3A_252 = arith.constant 13 : i32
      } else {
      }
      %mul3A_83 = arith.constant 4 : i32
      %mul3A_84 = arith.muli %mul3A_83, %scan3A_33 : i32
      %add3A_85 = arith.constant 1 : i32
      %add3A_86 = arith.addi %mul3A_84, %add3A_85 : i32
      %dma_wait3A_87 = arith.constant 1 : i32
      %dma_wait3A_88 = arith.constant 0 : i32
      %dma_wait3A_89 = arith.constant 0 : i32
      %dma_wait3A_90 = tpu.memref_slice %arg6[%dma_wait3A_87, %dma_wait3A_88, %dma_wait3A_89] : memref<4x208x64xf32, #tpu.memory_space<vmem>> -> memref<1x208x64xf32, #tpu.memory_space<vmem>>
      %dma_wait3A_91 = tpu.memref_squeeze %dma_wait3A_90 : memref<1x208x64xf32, #tpu.memory_space<vmem>> -> memref<208x64xf32, #tpu.memory_space<vmem>>
      %dma_wait3A_92 = arith.constant 0 : i32
      %dma_wait3A_93 = arith.constant 0 : i32
      %dma_wait3A_94 = tpu.memref_slice %arg3[%dma_wait3A_92, %dma_wait3A_93] : memref<1000000x64xf32, #tpu.memory_space<hbm>> -> memref<208x64xf32, #tpu.memory_space<hbm>>
      %dma_wait3A_95 = arith.constant 0 : i32
      %dma_wait3A_96 = arith.constant 0 : i32
      %dma_wait3A_97 = tpu.memref_slice %arg6[%dma_wait3A_87, %dma_wait3A_95, %dma_wait3A_96] : memref<4x208x64xf32, #tpu.memory_space<vmem>> -> memref<1x208x64xf32, #tpu.memory_space<vmem>>
      %dma_wait3A_98 = tpu.memref_squeeze %dma_wait3A_97 : memref<1x208x64xf32, #tpu.memory_space<vmem>> -> memref<208x64xf32, #tpu.memory_space<vmem>>
      %dma_wait3A_99 = arith.constant 0 : i32
      %dma_wait3A_100 = arith.constant 0 : i32
      %dma_wait3A_101 = tpu.memref_slice %arg3[%dma_wait3A_99, %dma_wait3A_100] : memref<1000000x64xf32, #tpu.memory_space<hbm>> -> memref<208x64xf32, #tpu.memory_space<hbm>>
      tpu.wait_dma2 semaphore(%arg9 : memref<!tpu.dma_semaphore, #tpu.memory_space<semaphore_mem>>) src(%dma_wait3A_101 : memref<208x64xf32, #tpu.memory_space<hbm>>) dst(%dma_wait3A_98 : memref<208x64xf32, #tpu.memory_space<vmem>>)
      %scan3A_102 = arith.constant 0 : i32
      %scan3A_103 = arith.constant 13 : i32
      %scan3A_104 = arith.addi %scan3A_102, %scan3A_103 : i32
      %scan3A_105 = arith.constant 1 : i32
      %scan3A_106:8 = scf.for %scan3A_245 = %scan3A_102 to %scan3A_104 step %scan3A_105 iter_args(%scan3A_246 = %broadcast_in_dim3A_3, %scan3A_247 = %broadcast_in_dim3A_3, %scan3A_248 = %broadcast_in_dim3A_3, %scan3A_249 = %broadcast_in_dim3A_3, %scan3A_250 = %broadcast_in_dim3A_3, %scan3A_251 = %broadcast_in_dim3A_3, %scan3A_252 = %broadcast_in_dim3A_3, %scan3A_253 = %broadcast_in_dim3A_3) -> (vector<16xf32>, vector<16xf32>, vector<16xf32>, vector<16xf32>, vector<16xf32>, vector<16xf32>, vector<16xf32>, vector<16xf32>)  : i32 {
        %mul3A_254 = arith.constant 16 : i32
        %mul3A_255 = arith.muli %mul3A_254, %scan3A_245 : i32
        %add3A_256 = arith.constant 0 : i32
        %add3A_257 = arith.addi %mul3A_255, %add3A_256 : i32
        %get3A = arith.constant 1 : i32
        %get3A_258 = arith.index_cast %get3A : i32 to index
        %get3A_259 = arith.index_cast %add3A_257 : i32 to index
        %get3A_260 = arith.constant 0 : index
        %get3A_261 = tpu.vector_load %arg6[%get3A_258, %get3A_259, %get3A_260] {strides = array<i32>} : memref<4x208x64xf32, #tpu.memory_space<vmem>>, vector<1x1x16xf32>,
        %get3A_262 = vector.shape_cast %get3A_261 : vector<1x1x16xf32> to vector<16xf32>
        %add3A_263 = arith.addf %scan3A_246, %get3A_262 : vector<16xf32>
        %mul3A_264 = arith.constant 16 : i32
        %mul3A_265 = arith.muli %mul3A_264, %scan3A_245 : i32
        %add3A_266 = arith.constant 0 : i32
        %add3A_267 = arith.addi %mul3A_265, %add3A_266 : i32
        %get3A_268 = arith.constant 1 : i32
        %get3A_269 = arith.index_cast %get3A_268 : i32 to index
        %get3A_270 = arith.index_cast %add3A_267 : i32 to index
        %get3A_271 = arith.constant 16 : index
        %get3A_272 = tpu.vector_load %arg6[%get3A_269, %get3A_270, %get3A_271] {strides = array<i32>} : memref<4x208x64xf32, #tpu.memory_space<vmem>>, vector<1x1x16xf32>,
        %get3A_273 = vector.shape_cast %get3A_272 : vector<1x1x16xf32> to vector<16xf32>
        %add3A_274 = arith.addf %scan3A_247, %get3A_273 : vector<16xf32>
        %mul3A_275 = arith.constant 16 : i32
        %mul3A_276 = arith.muli %mul3A_275, %scan3A_245 : i32
        %add3A_277 = arith.constant 0 : i32
        %add3A_278 = arith.addi %mul3A_276, %add3A_277 : i32
        %get3A_279 = arith.constant 1 : i32
        %get3A_280 = arith.index_cast %get3A_279 : i32 to index
        %get3A_281 = arith.index_cast %add3A_278 : i32 to index
        %get3A_282 = arith.constant 32 : index
        %get3A_283 = tpu.vector_load %arg6[%get3A_280, %get3A_281, %get3A_282] {strides = array<i32>} : memref<4x208x64xf32, #tpu.memory_space<vmem>>, vector<1x1x16xf32>,
        %get3A_284 = vector.shape_cast %get3A_283 : vector<1x1x16xf32> to vector<16xf32>
        %add3A_285 = arith.addf %scan3A_248, %get3A_284 : vector<16xf32>
        %mul3A_286 = arith.constant 16 : i32
        %mul3A_287 = arith.muli %mul3A_286, %scan3A_245 : i32
        %add3A_288 = arith.constant 0 : i32
        %add3A_289 = arith.addi %mul3A_287, %add3A_288 : i32
        %get3A_290 = arith.constant 1 : i32
        %get3A_291 = arith.index_cast %get3A_290 : i32 to index
        %get3A_292 = arith.index_cast %add3A_289 : i32 to index
        %get3A_293 = arith.constant 48 : index
        %get3A_294 = tpu.vector_load %arg6[%get3A_291, %get3A_292, %get3A_293] {strides = array<i32>} : memref<4x208x64xf32, #tpu.memory_space<vmem>>, vector<1x1x16xf32>,
        %get3A_295 = vector.shape_cast %get3A_294 : vector<1x1x16xf32> to vector<16xf32>
        %add3A_296 = arith.addf %scan3A_249, %get3A_295 : vector<16xf32>
        %mul3A_297 = arith.constant 16 : i32
        %mul3A_298 = arith.muli %mul3A_297, %scan3A_245 : i32
        %add3A_299 = arith.constant 1 : i32
        %add3A_300 = arith.addi %mul3A_298, %add3A_299 : i32
        %get3A_301 = arith.constant 1 : i32
        %get3A_302 = arith.index_cast %get3A_301 : i32 to index
        %get3A_303 = arith.index_cast %add3A_300 : i32 to index
        %get3A_304 = arith.constant 0 : index
        %get3A_305 = tpu.vector_load %arg6[%get3A_302, %get3A_303, %get3A_304] {strides = array<i32>} : memref<4x208x64xf32, #tpu.memory_space<vmem>>, vector<1x1x16xf32>,
        %get3A_306 = vector.shape_cast %get3A_305 : vector<1x1x16xf32> to vector<16xf32>
        %add3A_307 = arith.addf %scan3A_250, %get3A_306 : vector<16xf32>
        %mul3A_308 = arith.constant 16 : i32
        %mul3A_309 = arith.muli %mul3A_308, %scan3A_245 : i32
        %add3A_310 = arith.constant 1 : i32
        %add3A_311 = arith.addi %mul3A_309, %add3A_310 : i32
        %get3A_312 = arith.constant 1 : i32
        %get3A_313 = arith.index_cast %get3A_312 : i32 to index
        %get3A_314 = arith.index_cast %add3A_311 : i32 to index
        %get3A_315 = arith.constant 16 : index
        %get3A_316 = tpu.vector_load %arg6[%get3A_313, %get3A_314, %get3A_315] {strides = array<i32>} : memref<4x208x64xf32, #tpu.memory_space<vmem>>, vector<1x1x16xf32>,
        %get3A_317 = vector.shape_cast %get3A_316 : vector<1x1x16xf32> to vector<16xf32>
        %add3A_318 = arith.addf %scan3A_251, %get3A_317 : vector<16xf32>
        %mul3A_319 = arith.constant 16 : i32
        %mul3A_320 = arith.muli %mul3A_319, %scan3A_245 : i32
        %add3A_321 = arith.constant 1 : i32
        %add3A_322 = arith.addi %mul3A_320, %add3A_321 : i32
        %get3A_323 = arith.constant 1 : i32
        %get3A_324 = arith.index_cast %get3A_323 : i32 to index
        %get3A_325 = arith.index_cast %add3A_322 : i32 to index
        %get3A_326 = arith.constant 32 : index
        %get3A_327 = tpu.vector_load %arg6[%get3A_324, %get3A_325, %get3A_326] {strides = array<i32>} : memref<4x208x64xf32, #tpu.memory_space<vmem>>, vector<1x1x16xf32>,
        %get3A_328 = vector.shape_cast %get3A_327 : vector<1x1x16xf32> to vector<16xf32>
        %add3A_329 = arith.addf %scan3A_252, %get3A_328 : vector<16xf32>
        %mul3A_330 = arith.constant 16 : i32
        %mul3A_331 = arith.muli %mul3A_330, %scan3A_245 : i32
        %add3A_332 = arith.constant 1 : i32
        %add3A_333 = arith.addi %mul3A_331, %add3A_332 : i32
        %get3A_334 = arith.constant 1 : i32
        %get3A_335 = arith.index_cast %get3A_334 : i32 to index
        %get3A_336 = arith.index_cast %add3A_333 : i32 to index
        %get3A_337 = arith.constant 48 : index
        %get3A_338 = tpu.vector_load %arg6[%get3A_335, %get3A_336, %get3A_337] {strides = array<i32>} : memref<4x208x64xf32, #tpu.memory_space<vmem>>, vector<1x1x16xf32>,
        %get3A_339 = vector.shape_cast %get3A_338 : vector<1x1x16xf32> to vector<16xf32>
        %add3A_340 = arith.addf %scan3A_253, %get3A_339 : vector<16xf32>
        %mul3A_341 = arith.constant 16 : i32
        %mul3A_342 = arith.muli %mul3A_341, %scan3A_245 : i32
        %add3A_343 = arith.constant 2 : i32
        %add3A_344 = arith.addi %mul3A_342, %add3A_343 : i32
        %get3A_345 = arith.constant 1 : i32
        %get3A_346 = arith.index_cast %get3A_345 : i32 to index
        %get3A_347 = arith.index_cast %add3A_344 : i32 to index
        %get3A_348 = arith.constant 0 : index
        %get3A_349 = tpu.vector_load %arg6[%get3A_346, %get3A_347, %get3A_348] {strides = array<i32>} : memref<4x208x64xf32, #tpu.memory_space<vmem>>, vector<1x1x16xf32>,
        %get3A_350 = vector.shape_cast %get3A_349 : vector<1x1x16xf32> to vector<16xf32>
        %add3A_351 = arith.addf %add3A_263, %get3A_350 : vector<16xf32>
        %mul3A_352 = arith.constant 16 : i32
        %mul3A_353 = arith.muli %mul3A_352, %scan3A_245 : i32
        %add3A_354 = arith.constant 2 : i32
        %add3A_355 = arith.addi %mul3A_353, %add3A_354 : i32
        %get3A_356 = arith.constant 1 : i32
        %get3A_357 = arith.index_cast %get3A_356 : i32 to index
        %get3A_358 = arith.index_cast %add3A_355 : i32 to index
        %get3A_359 = arith.constant 16 : index
        %get3A_360 = tpu.vector_load %arg6[%get3A_357, %get3A_358, %get3A_359] {strides = array<i32>} : memref<4x208x64xf32, #tpu.memory_space<vmem>>, vector<1x1x16xf32>,
        %get3A_361 = vector.shape_cast %get3A_360 : vector<1x1x16xf32> to vector<16xf32>
        %add3A_362 = arith.addf %add3A_274, %get3A_361 : vector<16xf32>
        %mul3A_363 = arith.constant 16 : i32
        %mul3A_364 = arith.muli %mul3A_363, %scan3A_245 : i32
        %add3A_365 = arith.constant 2 : i32
        %add3A_366 = arith.addi %mul3A_364, %add3A_365 : i32
        %get3A_367 = arith.constant 1 : i32
        %get3A_368 = arith.index_cast %get3A_367 : i32 to index
        %get3A_369 = arith.index_cast %add3A_366 : i32 to index
        %get3A_370 = arith.constant 32 : index
        %get3A_371 = tpu.vector_load %arg6[%get3A_368, %get3A_369, %get3A_370] {strides = array<i32>} : memref<4x208x64xf32, #tpu.memory_space<vmem>>, vector<1x1x16xf32>,
        %get3A_372 = vector.shape_cast %get3A_371 : vector<1x1x16xf32> to vector<16xf32>
        %add3A_373 = arith.addf %add3A_285, %get3A_372 : vector<16xf32>
        %mul3A_374 = arith.constant 16 : i32
        %mul3A_375 = arith.muli %mul3A_374, %scan3A_245 : i32
        %add3A_376 = arith.constant 2 : i32
        %add3A_377 = arith.addi %mul3A_375, %add3A_376 : i32
        %get3A_378 = arith.constant 1 : i32
        %get3A_379 = arith.index_cast %get3A_378 : i32 to index
        %get3A_380 = arith.index_cast %add3A_377 : i32 to index
        %get3A_381 = arith.constant 48 : index
        %get3A_382 = tpu.vector_load %arg6[%get3A_379, %get3A_380, %get3A_381] {strides = array<i32>} : memref<4x208x64xf32, #tpu.memory_space<vmem>>, vector<1x1x16xf32>,
        %get3A_383 = vector.shape_cast %get3A_382 : vector<1x1x16xf32> to vector<16xf32>
        %add3A_384 = arith.addf %add3A_296, %get3A_383 : vector<16xf32>
        %mul3A_385 = arith.constant 16 : i32
        %mul3A_386 = arith.muli %mul3A_385, %scan3A_245 : i32
        %add3A_387 = arith.constant 3 : i32
        %add3A_388 = arith.addi %mul3A_386, %add3A_387 : i32
        %get3A_389 = arith.constant 1 : i32
        %get3A_390 = arith.index_cast %get3A_389 : i32 to index
        %get3A_391 = arith.index_cast %add3A_388 : i32 to index
        %get3A_392 = arith.constant 0 : index
        %get3A_393 = tpu.vector_load %arg6[%get3A_390, %get3A_391, %get3A_392] {strides = array<i32>} : memref<4x208x64xf32, #tpu.memory_space<vmem>>, vector<1x1x16xf32>,
        %get3A_394 = vector.shape_cast %get3A_393 : vector<1x1x16xf32> to vector<16xf32>
        %add3A_395 = arith.addf %add3A_307, %get3A_394 : vector<16xf32>
        %mul3A_396 = arith.constant 16 : i32
        %mul3A_397 = arith.muli %mul3A_396, %scan3A_245 : i32
        %add3A_398 = arith.constant 3 : i32
        %add3A_399 = arith.addi %mul3A_397, %add3A_398 : i32
        %get3A_400 = arith.constant 1 : i32
        %get3A_401 = arith.index_cast %get3A_400 : i32 to index
        %get3A_402 = arith.index_cast %add3A_399 : i32 to index
        %get3A_403 = arith.constant 16 : index
        %get3A_404 = tpu.vector_load %arg6[%get3A_401, %get3A_402, %get3A_403] {strides = array<i32>} : memref<4x208x64xf32, #tpu.memory_space<vmem>>, vector<1x1x16xf32>,
        %get3A_405 = vector.shape_cast %get3A_404 : vector<1x1x16xf32> to vector<16xf32>
        %add3A_406 = arith.addf %add3A_318, %get3A_405 : vector<16xf32>
        %mul3A_407 = arith.constant 16 : i32
        %mul3A_408 = arith.muli %mul3A_407, %scan3A_245 : i32
        %add3A_409 = arith.constant 3 : i32
        %add3A_410 = arith.addi %mul3A_408, %add3A_409 : i32
        %get3A_411 = arith.constant 1 : i32
        %get3A_412 = arith.index_cast %get3A_411 : i32 to index
        %get3A_413 = arith.index_cast %add3A_410 : i32 to index
        %get3A_414 = arith.constant 32 : index
        %get3A_415 = tpu.vector_load %arg6[%get3A_412, %get3A_413, %get3A_414] {strides = array<i32>} : memref<4x208x64xf32, #tpu.memory_space<vmem>>, vector<1x1x16xf32>,
        %get3A_416 = vector.shape_cast %get3A_415 : vector<1x1x16xf32> to vector<16xf32>
        %add3A_417 = arith.addf %add3A_329, %get3A_416 : vector<16xf32>
        %mul3A_418 = arith.constant 16 : i32
        %mul3A_419 = arith.muli %mul3A_418, %scan3A_245 : i32
        %add3A_420 = arith.constant 3 : i32
        %add3A_421 = arith.addi %mul3A_419, %add3A_420 : i32
        %get3A_422 = arith.constant 1 : i32
        %get3A_423 = arith.index_cast %get3A_422 : i32 to index
        %get3A_424 = arith.index_cast %add3A_421 : i32 to index
        %get3A_425 = arith.constant 48 : index
        %get3A_426 = tpu.vector_load %arg6[%get3A_423, %get3A_424, %get3A_425] {strides = array<i32>} : memref<4x208x64xf32, #tpu.memory_space<vmem>>, vector<1x1x16xf32>,
        %get3A_427 = vector.shape_cast %get3A_426 : vector<1x1x16xf32> to vector<16xf32>
        %add3A_428 = arith.addf %add3A_340, %get3A_427 : vector<16xf32>
        %mul3A_429 = arith.constant 16 : i32
        %mul3A_430 = arith.muli %mul3A_429, %scan3A_245 : i32
        %add3A_431 = arith.constant 4 : i32
        %add3A_432 = arith.addi %mul3A_430, %add3A_431 : i32
        %get3A_433 = arith.constant 1 : i32
        %get3A_434 = arith.index_cast %get3A_433 : i32 to index
        %get3A_435 = arith.index_cast %add3A_432 : i32 to index
        %get3A_436 = arith.constant 0 : index
        %get3A_437 = tpu.vector_load %arg6[%get3A_434, %get3A_435, %get3A_436] {strides = array<i32>} : memref<4x208x64xf32, #tpu.memory_space<vmem>>, vector<1x1x16xf32>,
        %get3A_438 = vector.shape_cast %get3A_437 : vector<1x1x16xf32> to vector<16xf32>
        %add3A_439 = arith.addf %add3A_351, %get3A_438 : vector<16xf32>
        %mul3A_440 = arith.constant 16 : i32
        %mul3A_441 = arith.muli %mul3A_440, %scan3A_245 : i32
        %add3A_442 = arith.constant 4 : i32
        %add3A_443 = arith.addi %mul3A_441, %add3A_442 : i32
        %get3A_444 = arith.constant 1 : i32
        %get3A_445 = arith.index_cast %get3A_444 : i32 to index
        %get3A_446 = arith.index_cast %add3A_443 : i32 to index
        %get3A_447 = arith.constant 16 : index
        %get3A_448 = tpu.vector_load %arg6[%get3A_445, %get3A_446, %get3A_447] {strides = array<i32>} : memref<4x208x64xf32, #tpu.memory_space<vmem>>, vector<1x1x16xf32>,
        %get3A_449 = vector.shape_cast %get3A_448 : vector<1x1x16xf32> to vector<16xf32>
        %add3A_450 = arith.addf %add3A_362, %get3A_449 : vector<16xf32>
        %mul3A_451 = arith.constant 16 : i32
        %mul3A_452 = arith.muli %mul3A_451, %scan3A_245 : i32
        %add3A_453 = arith.constant 4 : i32
        %add3A_454 = arith.addi %mul3A_452, %add3A_453 : i32
        %get3A_455 = arith.constant 1 : i32
        %get3A_456 = arith.index_cast %get3A_455 : i32 to index
        %get3A_457 = arith.index_cast %add3A_454 : i32 to index
        %get3A_458 = arith.constant 32 : index
        %get3A_459 = tpu.vector_load %arg6[%get3A_456, %get3A_457, %get3A_458] {strides = array<i32>} : memref<4x208x64xf32, #tpu.memory_space<vmem>>, vector<1x1x16xf32>,
        %get3A_460 = vector.shape_cast %get3A_459 : vector<1x1x16xf32> to vector<16xf32>
        %add3A_461 = arith.addf %add3A_373, %get3A_460 : vector<16xf32>
        %mul3A_462 = arith.constant 16 : i32
        %mul3A_463 = arith.muli %mul3A_462, %scan3A_245 : i32
        %add3A_464 = arith.constant 4 : i32
        %add3A_465 = arith.addi %mul3A_463, %add3A_464 : i32
        %get3A_466 = arith.constant 1 : i32
        %get3A_467 = arith.index_cast %get3A_466 : i32 to index
        %get3A_468 = arith.index_cast %add3A_465 : i32 to index
        %get3A_469 = arith.constant 48 : index
        %get3A_470 = tpu.vector_load %arg6[%get3A_467, %get3A_468, %get3A_469] {strides = array<i32>} : memref<4x208x64xf32, #tpu.memory_space<vmem>>, vector<1x1x16xf32>,
        %get3A_471 = vector.shape_cast %get3A_470 : vector<1x1x16xf32> to vector<16xf32>
        %add3A_472 = arith.addf %add3A_384, %get3A_471 : vector<16xf32>
        %mul3A_473 = arith.constant 16 : i32
        %mul3A_474 = arith.muli %mul3A_473, %scan3A_245 : i32
        %add3A_475 = arith.constant 5 : i32
        %add3A_476 = arith.addi %mul3A_474, %add3A_475 : i32
        %get3A_477 = arith.constant 1 : i32
        %get3A_478 = arith.index_cast %get3A_477 : i32 to index
        %get3A_479 = arith.index_cast %add3A_476 : i32 to index
        %get3A_480 = arith.constant 0 : index
        %get3A_481 = tpu.vector_load %arg6[%get3A_478, %get3A_479, %get3A_480] {strides = array<i32>} : memref<4x208x64xf32, #tpu.memory_space<vmem>>, vector<1x1x16xf32>,
        %get3A_482 = vector.shape_cast %get3A_481 : vector<1x1x16xf32> to vector<16xf32>
        %add3A_483 = arith.addf %add3A_395, %get3A_482 : vector<16xf32>
        %mul3A_484 = arith.constant 16 : i32
        %mul3A_485 = arith.muli %mul3A_484, %scan3A_245 : i32
        %add3A_486 = arith.constant 5 : i32
        %add3A_487 = arith.addi %mul3A_485, %add3A_486 : i32
        %get3A_488 = arith.constant 1 : i32
        %get3A_489 = arith.index_cast %get3A_488 : i32 to index
        %get3A_490 = arith.index_cast %add3A_487 : i32 to index
        %get3A_491 = arith.constant 16 : index
        %get3A_492 = tpu.vector_load %arg6[%get3A_489, %get3A_490, %get3A_491] {strides = array<i32>} : memref<4x208x64xf32, #tpu.memory_space<vmem>>, vector<1x1x16xf32>,
        %get3A_493 = vector.shape_cast %get3A_492 : vector<1x1x16xf32> to vector<16xf32>
        %add3A_494 = arith.addf %add3A_406, %get3A_493 : vector<16xf32>
        %mul3A_495 = arith.constant 16 : i32
        %mul3A_496 = arith.muli %mul3A_495, %scan3A_245 : i32
        %add3A_497 = arith.constant 5 : i32
        %add3A_498 = arith.addi %mul3A_496, %add3A_497 : i32
        %get3A_499 = arith.constant 1 : i32
        %get3A_500 = arith.index_cast %get3A_499 : i32 to index
        %get3A_501 = arith.index_cast %add3A_498 : i32 to index
        %get3A_502 = arith.constant 32 : index
        %get3A_503 = tpu.vector_load %arg6[%get3A_500, %get3A_501, %get3A_502] {strides = array<i32>} : memref<4x208x64xf32, #tpu.memory_space<vmem>>, vector<1x1x16xf32>,
        %get3A_504 = vector.shape_cast %get3A_503 : vector<1x1x16xf32> to vector<16xf32>
        %add3A_505 = arith.addf %add3A_417, %get3A_504 : vector<16xf32>
        %mul3A_506 = arith.constant 16 : i32
        %mul3A_507 = arith.muli %mul3A_506, %scan3A_245 : i32
        %add3A_508 = arith.constant 5 : i32
        %add3A_509 = arith.addi %mul3A_507, %add3A_508 : i32
        %get3A_510 = arith.constant 1 : i32
        %get3A_511 = arith.index_cast %get3A_510 : i32 to index
        %get3A_512 = arith.index_cast %add3A_509 : i32 to index
        %get3A_513 = arith.constant 48 : index
        %get3A_514 = tpu.vector_load %arg6[%get3A_511, %get3A_512, %get3A_513] {strides = array<i32>} : memref<4x208x64xf32, #tpu.memory_space<vmem>>, vector<1x1x16xf32>,
        %get3A_515 = vector.shape_cast %get3A_514 : vector<1x1x16xf32> to vector<16xf32>
        %add3A_516 = arith.addf %add3A_428, %get3A_515 : vector<16xf32>
        %mul3A_517 = arith.constant 16 : i32
        %mul3A_518 = arith.muli %mul3A_517, %scan3A_245 : i32
        %add3A_519 = arith.constant 6 : i32
        %add3A_520 = arith.addi %mul3A_518, %add3A_519 : i32
        %get3A_521 = arith.constant 1 : i32
        %get3A_522 = arith.index_cast %get3A_521 : i32 to index
        %get3A_523 = arith.index_cast %add3A_520 : i32 to index
        %get3A_524 = arith.constant 0 : index
        %get3A_525 = tpu.vector_load %arg6[%get3A_522, %get3A_523, %get3A_524] {strides = array<i32>} : memref<4x208x64xf32, #tpu.memory_space<vmem>>, vector<1x1x16xf32>,
        %get3A_526 = vector.shape_cast %get3A_525 : vector<1x1x16xf32> to vector<16xf32>
        %add3A_527 = arith.addf %add3A_439, %get3A_526 : vector<16xf32>
        %mul3A_528 = arith.constant 16 : i32
        %mul3A_529 = arith.muli %mul3A_528, %scan3A_245 : i32
        %add3A_530 = arith.constant 6 : i32
        %add3A_531 = arith.addi %mul3A_529, %add3A_530 : i32
        %get3A_532 = arith.constant 1 : i32
        %get3A_533 = arith.index_cast %get3A_532 : i32 to index
        %get3A_534 = arith.index_cast %add3A_531 : i32 to index
        %get3A_535 = arith.constant 16 : index
        %get3A_536 = tpu.vector_load %arg6[%get3A_533, %get3A_534, %get3A_535] {strides = array<i32>} : memref<4x208x64xf32, #tpu.memory_space<vmem>>, vector<1x1x16xf32>,
        %get3A_537 = vector.shape_cast %get3A_536 : vector<1x1x16xf32> to vector<16xf32>
        %add3A_538 = arith.addf %add3A_450, %get3A_537 : vector<16xf32>
        %mul3A_539 = arith.constant 16 : i32
        %mul3A_540 = arith.muli %mul3A_539, %scan3A_245 : i32
        %add3A_541 = arith.constant 6 : i32
        %add3A_542 = arith.addi %mul3A_540, %add3A_541 : i32
        %get3A_543 = arith.constant 1 : i32
        %get3A_544 = arith.index_cast %get3A_543 : i32 to index
        %get3A_545 = arith.index_cast %add3A_542 : i32 to index
        %get3A_546 = arith.constant 32 : index
        %get3A_547 = tpu.vector_load %arg6[%get3A_544, %get3A_545, %get3A_546] {strides = array<i32>} : memref<4x208x64xf32, #tpu.memory_space<vmem>>, vector<1x1x16xf32>,
        %get3A_548 = vector.shape_cast %get3A_547 : vector<1x1x16xf32> to vector<16xf32>
        %add3A_549 = arith.addf %add3A_461, %get3A_548 : vector<16xf32>
        %mul3A_550 = arith.constant 16 : i32
        %mul3A_551 = arith.muli %mul3A_550, %scan3A_245 : i32
        %add3A_552 = arith.constant 6 : i32
        %add3A_553 = arith.addi %mul3A_551, %add3A_552 : i32
        %get3A_554 = arith.constant 1 : i32
        %get3A_555 = arith.index_cast %get3A_554 : i32 to index
        %get3A_556 = arith.index_cast %add3A_553 : i32 to index
        %get3A_557 = arith.constant 48 : index
        %get3A_558 = tpu.vector_load %arg6[%get3A_555, %get3A_556, %get3A_557] {strides = array<i32>} : memref<4x208x64xf32, #tpu.memory_space<vmem>>, vector<1x1x16xf32>,
        %get3A_559 = vector.shape_cast %get3A_558 : vector<1x1x16xf32> to vector<16xf32>
        %add3A_560 = arith.addf %add3A_472, %get3A_559 : vector<16xf32>
        %mul3A_561 = arith.constant 16 : i32
        %mul3A_562 = arith.muli %mul3A_561, %scan3A_245 : i32
        %add3A_563 = arith.constant 7 : i32
        %add3A_564 = arith.addi %mul3A_562, %add3A_563 : i32
        %get3A_565 = arith.constant 1 : i32
        %get3A_566 = arith.index_cast %get3A_565 : i32 to index
        %get3A_567 = arith.index_cast %add3A_564 : i32 to index
        %get3A_568 = arith.constant 0 : index
        %get3A_569 = tpu.vector_load %arg6[%get3A_566, %get3A_567, %get3A_568] {strides = array<i32>} : memref<4x208x64xf32, #tpu.memory_space<vmem>>, vector<1x1x16xf32>,
        %get3A_570 = vector.shape_cast %get3A_569 : vector<1x1x16xf32> to vector<16xf32>
        %add3A_571 = arith.addf %add3A_483, %get3A_570 : vector<16xf32>
        %mul3A_572 = arith.constant 16 : i32
        %mul3A_573 = arith.muli %mul3A_572, %scan3A_245 : i32
        %add3A_574 = arith.constant 7 : i32
        %add3A_575 = arith.addi %mul3A_573, %add3A_574 : i32
        %get3A_576 = arith.constant 1 : i32
        %get3A_577 = arith.index_cast %get3A_576 : i32 to index
        %get3A_578 = arith.index_cast %add3A_575 : i32 to index
        %get3A_579 = arith.constant 16 : index
        %get3A_580 = tpu.vector_load %arg6[%get3A_577, %get3A_578, %get3A_579] {strides = array<i32>} : memref<4x208x64xf32, #tpu.memory_space<vmem>>, vector<1x1x16xf32>,
        %get3A_581 = vector.shape_cast %get3A_580 : vector<1x1x16xf32> to vector<16xf32>
        %add3A_582 = arith.addf %add3A_494, %get3A_581 : vector<16xf32>
        %mul3A_583 = arith.constant 16 : i32
        %mul3A_584 = arith.muli %mul3A_583, %scan3A_245 : i32
        %add3A_585 = arith.constant 7 : i32
        %add3A_586 = arith.addi %mul3A_584, %add3A_585 : i32
        %get3A_587 = arith.constant 1 : i32
        %get3A_588 = arith.index_cast %get3A_587 : i32 to index
        %get3A_589 = arith.index_cast %add3A_586 : i32 to index
        %get3A_590 = arith.constant 32 : index
        %get3A_591 = tpu.vector_load %arg6[%get3A_588, %get3A_589, %get3A_590] {strides = array<i32>} : memref<4x208x64xf32, #tpu.memory_space<vmem>>, vector<1x1x16xf32>,
        %get3A_592 = vector.shape_cast %get3A_591 : vector<1x1x16xf32> to vector<16xf32>
        %add3A_593 = arith.addf %add3A_505, %get3A_592 : vector<16xf32>
        %mul3A_594 = arith.constant 16 : i32
        %mul3A_595 = arith.muli %mul3A_594, %scan3A_245 : i32
        %add3A_596 = arith.constant 7 : i32
        %add3A_597 = arith.addi %mul3A_595, %add3A_596 : i32
        %get3A_598 = arith.constant 1 : i32
        %get3A_599 = arith.index_cast %get3A_598 : i32 to index
        %get3A_600 = arith.index_cast %add3A_597 : i32 to index
        %get3A_601 = arith.constant 48 : index
        %get3A_602 = tpu.vector_load %arg6[%get3A_599, %get3A_600, %get3A_601] {strides = array<i32>} : memref<4x208x64xf32, #tpu.memory_space<vmem>>, vector<1x1x16xf32>,
        %get3A_603 = vector.shape_cast %get3A_602 : vector<1x1x16xf32> to vector<16xf32>
        %add3A_604 = arith.addf %add3A_516, %get3A_603 : vector<16xf32>
        %mul3A_605 = arith.constant 16 : i32
        %mul3A_606 = arith.muli %mul3A_605, %scan3A_245 : i32
        %add3A_607 = arith.constant 8 : i32
        %add3A_608 = arith.addi %mul3A_606, %add3A_607 : i32
        %get3A_609 = arith.constant 1 : i32
        %get3A_610 = arith.index_cast %get3A_609 : i32 to index
        %get3A_611 = arith.index_cast %add3A_608 : i32 to index
        %get3A_612 = arith.constant 0 : index
        %get3A_613 = tpu.vector_load %arg6[%get3A_610, %get3A_611, %get3A_612] {strides = array<i32>} : memref<4x208x64xf32, #tpu.memory_space<vmem>>, vector<1x1x16xf32>,
        %get3A_614 = vector.shape_cast %get3A_613 : vector<1x1x16xf32> to vector<16xf32>
        %add3A_615 = arith.addf %add3A_527, %get3A_614 : vector<16xf32>
        %mul3A_616 = arith.constant 16 : i32
        %mul3A_617 = arith.muli %mul3A_616, %scan3A_245 : i32
        %add3A_618 = arith.constant 8 : i32
        %add3A_619 = arith.addi %mul3A_617, %add3A_618 : i32
        %get3A_620 = arith.constant 1 : i32
        %get3A_621 = arith.index_cast %get3A_620 : i32 to index
        %get3A_622 = arith.index_cast %add3A_619 : i32 to index
        %get3A_623 = arith.constant 16 : index
        %get3A_624 = tpu.vector_load %arg6[%get3A_621, %get3A_622, %get3A_623] {strides = array<i32>} : memref<4x208x64xf32, #tpu.memory_space<vmem>>, vector<1x1x16xf32>,
        %get3A_625 = vector.shape_cast %get3A_624 : vector<1x1x16xf32> to vector<16xf32>
        %add3A_626 = arith.addf %add3A_538, %get3A_625 : vector<16xf32>
        %mul3A_627 = arith.constant 16 : i32
        %mul3A_628 = arith.muli %mul3A_627, %scan3A_245 : i32
        %add3A_629 = arith.constant 8 : i32
        %add3A_630 = arith.addi %mul3A_628, %add3A_629 : i32
        %get3A_631 = arith.constant 1 : i32
        %get3A_632 = arith.index_cast %get3A_631 : i32 to index
        %get3A_633 = arith.index_cast %add3A_630 : i32 to index
        %get3A_634 = arith.constant 32 : index
        %get3A_635 = tpu.vector_load %arg6[%get3A_632, %get3A_633, %get3A_634] {strides = array<i32>} : memref<4x208x64xf32, #tpu.memory_space<vmem>>, vector<1x1x16xf32>,
        %get3A_636 = vector.shape_cast %get3A_635 : vector<1x1x16xf32> to vector<16xf32>
        %add3A_637 = arith.addf %add3A_549, %get3A_636 : vector<16xf32>
        %mul3A_638 = arith.constant 16 : i32
        %mul3A_639 = arith.muli %mul3A_638, %scan3A_245 : i32
        %add3A_640 = arith.constant 8 : i32
        %add3A_641 = arith.addi %mul3A_639, %add3A_640 : i32
        %get3A_642 = arith.constant 1 : i32
        %get3A_643 = arith.index_cast %get3A_642 : i32 to index
        %get3A_644 = arith.index_cast %add3A_641 : i32 to index
        %get3A_645 = arith.constant 48 : index
        %get3A_646 = tpu.vector_load %arg6[%get3A_643, %get3A_644, %get3A_645] {strides = array<i32>} : memref<4x208x64xf32, #tpu.memory_space<vmem>>, vector<1x1x16xf32>,
        %get3A_647 = vector.shape_cast %get3A_646 : vector<1x1x16xf32> to vector<16xf32>
        %add3A_648 = arith.addf %add3A_560, %get3A_647 : vector<16xf32>
        %mul3A_649 = arith.constant 16 : i32
        %mul3A_650 = arith.muli %mul3A_649, %scan3A_245 : i32
        %add3A_651 = arith.constant 9 : i32
        %add3A_652 = arith.addi %mul3A_650, %add3A_651 : i32
        %get3A_653 = arith.constant 1 : i32
        %get3A_654 = arith.index_cast %get3A_653 : i32 to index
        %get3A_655 = arith.index_cast %add3A_652 : i32 to index
        %get3A_656 = arith.constant 0 : index
        %get3A_657 = tpu.vector_load %arg6[%get3A_654, %get3A_655, %get3A_656] {strides = array<i32>} : memref<4x208x64xf32, #tpu.memory_space<vmem>>, vector<1x1x16xf32>,
        %get3A_658 = vector.shape_cast %get3A_657 : vector<1x1x16xf32> to vector<16xf32>
        %add3A_659 = arith.addf %add3A_571, %get3A_658 : vector<16xf32>
        %mul3A_660 = arith.constant 16 : i32
        %mul3A_661 = arith.muli %mul3A_660, %scan3A_245 : i32
        %add3A_662 = arith.constant 9 : i32
        %add3A_663 = arith.addi %mul3A_661, %add3A_662 : i32
        %get3A_664 = arith.constant 1 : i32
        %get3A_665 = arith.index_cast %get3A_664 : i32 to index
        %get3A_666 = arith.index_cast %add3A_663 : i32 to index
        %get3A_667 = arith.constant 16 : index
        %get3A_668 = tpu.vector_load %arg6[%get3A_665, %get3A_666, %get3A_667] {strides = array<i32>} : memref<4x208x64xf32, #tpu.memory_space<vmem>>, vector<1x1x16xf32>,
        %get3A_669 = vector.shape_cast %get3A_668 : vector<1x1x16xf32> to vector<16xf32>
        %add3A_670 = arith.addf %add3A_582, %get3A_669 : vector<16xf32>
        %mul3A_671 = arith.constant 16 : i32
        %mul3A_672 = arith.muli %mul3A_671, %scan3A_245 : i32
        %add3A_673 = arith.constant 9 : i32
        %add3A_674 = arith.addi %mul3A_672, %add3A_673 : i32
        %get3A_675 = arith.constant 1 : i32
        %get3A_676 = arith.index_cast %get3A_675 : i32 to index
        %get3A_677 = arith.index_cast %add3A_674 : i32 to index
        %get3A_678 = arith.constant 32 : index
        %get3A_679 = tpu.vector_load %arg6[%get3A_676, %get3A_677, %get3A_678] {strides = array<i32>} : memref<4x208x64xf32, #tpu.memory_space<vmem>>, vector<1x1x16xf32>,
        %get3A_680 = vector.shape_cast %get3A_679 : vector<1x1x16xf32> to vector<16xf32>
        %add3A_681 = arith.addf %add3A_593, %get3A_680 : vector<16xf32>
        %mul3A_682 = arith.constant 16 : i32
        %mul3A_683 = arith.muli %mul3A_682, %scan3A_245 : i32
        %add3A_684 = arith.constant 9 : i32
        %add3A_685 = arith.addi %mul3A_683, %add3A_684 : i32
        %get3A_686 = arith.constant 1 : i32
        %get3A_687 = arith.index_cast %get3A_686 : i32 to index
        %get3A_688 = arith.index_cast %add3A_685 : i32 to index
        %get3A_689 = arith.constant 48 : index
        %get3A_690 = tpu.vector_load %arg6[%get3A_687, %get3A_688, %get3A_689] {strides = array<i32>} : memref<4x208x64xf32, #tpu.memory_space<vmem>>, vector<1x1x16xf32>,
        %get3A_691 = vector.shape_cast %get3A_690 : vector<1x1x16xf32> to vector<16xf32>
        %add3A_692 = arith.addf %add3A_604, %get3A_691 : vector<16xf32>
        %mul3A_693 = arith.constant 16 : i32
        %mul3A_694 = arith.muli %mul3A_693, %scan3A_245 : i32
        %add3A_695 = arith.constant 10 : i32
        %add3A_696 = arith.addi %mul3A_694, %add3A_695 : i32
        %get3A_697 = arith.constant 1 : i32
        %get3A_698 = arith.index_cast %get3A_697 : i32 to index
        %get3A_699 = arith.index_cast %add3A_696 : i32 to index
        %get3A_700 = arith.constant 0 : index
        %get3A_701 = tpu.vector_load %arg6[%get3A_698, %get3A_699, %get3A_700] {strides = array<i32>} : memref<4x208x64xf32, #tpu.memory_space<vmem>>, vector<1x1x16xf32>,
        %get3A_702 = vector.shape_cast %get3A_701 : vector<1x1x16xf32> to vector<16xf32>
        %add3A_703 = arith.addf %add3A_615, %get3A_702 : vector<16xf32>
        %mul3A_704 = arith.constant 16 : i32
        %mul3A_705 = arith.muli %mul3A_704, %scan3A_245 : i32
        %add3A_706 = arith.constant 10 : i32
        %add3A_707 = arith.addi %mul3A_705, %add3A_706 : i32
        %get3A_708 = arith.constant 1 : i32
        %get3A_709 = arith.index_cast %get3A_708 : i32 to index
        %get3A_710 = arith.index_cast %add3A_707 : i32 to index
        %get3A_711 = arith.constant 16 : index
        %get3A_712 = tpu.vector_load %arg6[%get3A_709, %get3A_710, %get3A_711] {strides = array<i32>} : memref<4x208x64xf32, #tpu.memory_space<vmem>>, vector<1x1x16xf32>,
        %get3A_713 = vector.shape_cast %get3A_712 : vector<1x1x16xf32> to vector<16xf32>
        %add3A_714 = arith.addf %add3A_626, %get3A_713 : vector<16xf32>
        %mul3A_715 = arith.constant 16 : i32
        %mul3A_716 = arith.muli %mul3A_715, %scan3A_245 : i32
        %add3A_717 = arith.constant 10 : i32
        %add3A_718 = arith.addi %mul3A_716, %add3A_717 : i32
        %get3A_719 = arith.constant 1 : i32
        %get3A_720 = arith.index_cast %get3A_719 : i32 to index
        %get3A_721 = arith.index_cast %add3A_718 : i32 to index
        %get3A_722 = arith.constant 32 : index
        %get3A_723 = tpu.vector_load %arg6[%get3A_720, %get3A_721, %get3A_722] {strides = array<i32>} : memref<4x208x64xf32, #tpu.memory_space<vmem>>, vector<1x1x16xf32>,
        %get3A_724 = vector.shape_cast %get3A_723 : vector<1x1x16xf32> to vector<16xf32>
        %add3A_725 = arith.addf %add3A_637, %get3A_724 : vector<16xf32>
        %mul3A_726 = arith.constant 16 : i32
        %mul3A_727 = arith.muli %mul3A_726, %scan3A_245 : i32
        %add3A_728 = arith.constant 10 : i32
        %add3A_729 = arith.addi %mul3A_727, %add3A_728 : i32
        %get3A_730 = arith.constant 1 : i32
        %get3A_731 = arith.index_cast %get3A_730 : i32 to index
        %get3A_732 = arith.index_cast %add3A_729 : i32 to index
        %get3A_733 = arith.constant 48 : index
        %get3A_734 = tpu.vector_load %arg6[%get3A_731, %get3A_732, %get3A_733] {strides = array<i32>} : memref<4x208x64xf32, #tpu.memory_space<vmem>>, vector<1x1x16xf32>,
        %get3A_735 = vector.shape_cast %get3A_734 : vector<1x1x16xf32> to vector<16xf32>
        %add3A_736 = arith.addf %add3A_648, %get3A_735 : vector<16xf32>
        %mul3A_737 = arith.constant 16 : i32
        %mul3A_738 = arith.muli %mul3A_737, %scan3A_245 : i32
        %add3A_739 = arith.constant 11 : i32
        %add3A_740 = arith.addi %mul3A_738, %add3A_739 : i32
        %get3A_741 = arith.constant 1 : i32
        %get3A_742 = arith.index_cast %get3A_741 : i32 to index
        %get3A_743 = arith.index_cast %add3A_740 : i32 to index
        %get3A_744 = arith.constant 0 : index
        %get3A_745 = tpu.vector_load %arg6[%get3A_742, %get3A_743, %get3A_744] {strides = array<i32>} : memref<4x208x64xf32, #tpu.memory_space<vmem>>, vector<1x1x16xf32>,
        %get3A_746 = vector.shape_cast %get3A_745 : vector<1x1x16xf32> to vector<16xf32>
        %add3A_747 = arith.addf %add3A_659, %get3A_746 : vector<16xf32>
        %mul3A_748 = arith.constant 16 : i32
        %mul3A_749 = arith.muli %mul3A_748, %scan3A_245 : i32
        %add3A_750 = arith.constant 11 : i32
        %add3A_751 = arith.addi %mul3A_749, %add3A_750 : i32
        %get3A_752 = arith.constant 1 : i32
        %get3A_753 = arith.index_cast %get3A_752 : i32 to index
        %get3A_754 = arith.index_cast %add3A_751 : i32 to index
        %get3A_755 = arith.constant 16 : index
        %get3A_756 = tpu.vector_load %arg6[%get3A_753, %get3A_754, %get3A_755] {strides = array<i32>} : memref<4x208x64xf32, #tpu.memory_space<vmem>>, vector<1x1x16xf32>,
        %get3A_757 = vector.shape_cast %get3A_756 : vector<1x1x16xf32> to vector<16xf32>
        %add3A_758 = arith.addf %add3A_670, %get3A_757 : vector<16xf32>
        %mul3A_759 = arith.constant 16 : i32
        %mul3A_760 = arith.muli %mul3A_759, %scan3A_245 : i32
        %add3A_761 = arith.constant 11 : i32
        %add3A_762 = arith.addi %mul3A_760, %add3A_761 : i32
        %get3A_763 = arith.constant 1 : i32
        %get3A_764 = arith.index_cast %get3A_763 : i32 to index
        %get3A_765 = arith.index_cast %add3A_762 : i32 to index
        %get3A_766 = arith.constant 32 : index
        %get3A_767 = tpu.vector_load %arg6[%get3A_764, %get3A_765, %get3A_766] {strides = array<i32>} : memref<4x208x64xf32, #tpu.memory_space<vmem>>, vector<1x1x16xf32>,
        %get3A_768 = vector.shape_cast %get3A_767 : vector<1x1x16xf32> to vector<16xf32>
        %add3A_769 = arith.addf %add3A_681, %get3A_768 : vector<16xf32>
        %mul3A_770 = arith.constant 16 : i32
        %mul3A_771 = arith.muli %mul3A_770, %scan3A_245 : i32
        %add3A_772 = arith.constant 11 : i32
        %add3A_773 = arith.addi %mul3A_771, %add3A_772 : i32
        %get3A_774 = arith.constant 1 : i32
        %get3A_775 = arith.index_cast %get3A_774 : i32 to index
        %get3A_776 = arith.index_cast %add3A_773 : i32 to index
        %get3A_777 = arith.constant 48 : index
        %get3A_778 = tpu.vector_load %arg6[%get3A_775, %get3A_776, %get3A_777] {strides = array<i32>} : memref<4x208x64xf32, #tpu.memory_space<vmem>>, vector<1x1x16xf32>,
        %get3A_779 = vector.shape_cast %get3A_778 : vector<1x1x16xf32> to vector<16xf32>
        %add3A_780 = arith.addf %add3A_692, %get3A_779 : vector<16xf32>
        %mul3A_781 = arith.constant 16 : i32
        %mul3A_782 = arith.muli %mul3A_781, %scan3A_245 : i32
        %add3A_783 = arith.constant 12 : i32
        %add3A_784 = arith.addi %mul3A_782, %add3A_783 : i32
        %get3A_785 = arith.constant 1 : i32
        %get3A_786 = arith.index_cast %get3A_785 : i32 to index
        %get3A_787 = arith.index_cast %add3A_784 : i32 to index
        %get3A_788 = arith.constant 0 : index
        %get3A_789 = tpu.vector_load %arg6[%get3A_786, %get3A_787, %get3A_788] {strides = array<i32>} : memref<4x208x64xf32, #tpu.memory_space<vmem>>, vector<1x1x16xf32>,
        %get3A_790 = vector.shape_cast %get3A_789 : vector<1x1x16xf32> to vector<16xf32>
        %add3A_791 = arith.addf %add3A_703, %get3A_790 : vector<16xf32>
        %mul3A_792 = arith.constant 16 : i32
        %mul3A_793 = arith.muli %mul3A_792, %scan3A_245 : i32
        %add3A_794 = arith.constant 12 : i32
        %add3A_795 = arith.addi %mul3A_793, %add3A_794 : i32
        %get3A_796 = arith.constant 1 : i32
        %get3A_797 = arith.index_cast %get3A_796 : i32 to index
        %get3A_798 = arith.index_cast %add3A_795 : i32 to index
        %get3A_799 = arith.constant 16 : index
        %get3A_800 = tpu.vector_load %arg6[%get3A_797, %get3A_798, %get3A_799] {strides = array<i32>} : memref<4x208x64xf32, #tpu.memory_space<vmem>>, vector<1x1x16xf32>,
        %get3A_801 = vector.shape_cast %get3A_800 : vector<1x1x16xf32> to vector<16xf32>
        %add3A_802 = arith.addf %add3A_714, %get3A_801 : vector<16xf32>
        %mul3A_803 = arith.constant 16 : i32
        %mul3A_804 = arith.muli %mul3A_803, %scan3A_245 : i32
        %add3A_805 = arith.constant 12 : i32
        %add3A_806 = arith.addi %mul3A_804, %add3A_805 : i32
        %get3A_807 = arith.constant 1 : i32
        %get3A_808 = arith.index_cast %get3A_807 : i32 to index
        %get3A_809 = arith.index_cast %add3A_806 : i32 to index
        %get3A_810 = arith.constant 32 : index
        %get3A_811 = tpu.vector_load %arg6[%get3A_808, %get3A_809, %get3A_810] {strides = array<i32>} : memref<4x208x64xf32, #tpu.memory_space<vmem>>, vector<1x1x16xf32>,
        %get3A_812 = vector.shape_cast %get3A_811 : vector<1x1x16xf32> to vector<16xf32>
        %add3A_813 = arith.addf %add3A_725, %get3A_812 : vector<16xf32>
        %mul3A_814 = arith.constant 16 : i32
        %mul3A_815 = arith.muli %mul3A_814, %scan3A_245 : i32
        %add3A_816 = arith.constant 12 : i32
        %add3A_817 = arith.addi %mul3A_815, %add3A_816 : i32
        %get3A_818 = arith.constant 1 : i32
        %get3A_819 = arith.index_cast %get3A_818 : i32 to index
        %get3A_820 = arith.index_cast %add3A_817 : i32 to index
        %get3A_821 = arith.constant 48 : index
        %get3A_822 = tpu.vector_load %arg6[%get3A_819, %get3A_820, %get3A_821] {strides = array<i32>} : memref<4x208x64xf32, #tpu.memory_space<vmem>>, vector<1x1x16xf32>,
        %get3A_823 = vector.shape_cast %get3A_822 : vector<1x1x16xf32> to vector<16xf32>
        %add3A_824 = arith.addf %add3A_736, %get3A_823 : vector<16xf32>
        %mul3A_825 = arith.constant 16 : i32
        %mul3A_826 = arith.muli %mul3A_825, %scan3A_245 : i32
        %add3A_827 = arith.constant 13 : i32
        %add3A_828 = arith.addi %mul3A_826, %add3A_827 : i32
        %get3A_829 = arith.constant 1 : i32
        %get3A_830 = arith.index_cast %get3A_829 : i32 to index
        %get3A_831 = arith.index_cast %add3A_828 : i32 to index
        %get3A_832 = arith.constant 0 : index
        %get3A_833 = tpu.vector_load %arg6[%get3A_830, %get3A_831, %get3A_832] {strides = array<i32>} : memref<4x208x64xf32, #tpu.memory_space<vmem>>, vector<1x1x16xf32>,
        %get3A_834 = vector.shape_cast %get3A_833 : vector<1x1x16xf32> to vector<16xf32>
        %add3A_835 = arith.addf %add3A_747, %get3A_834 : vector<16xf32>
        %mul3A_836 = arith.constant 16 : i32
        %mul3A_837 = arith.muli %mul3A_836, %scan3A_245 : i32
        %add3A_838 = arith.constant 13 : i32
        %add3A_839 = arith.addi %mul3A_837, %add3A_838 : i32
        %get3A_840 = arith.constant 1 : i32
        %get3A_841 = arith.index_cast %get3A_840 : i32 to index
        %get3A_842 = arith.index_cast %add3A_839 : i32 to index
        %get3A_843 = arith.constant 16 : index
        %get3A_844 = tpu.vector_load %arg6[%get3A_841, %get3A_842, %get3A_843] {strides = array<i32>} : memref<4x208x64xf32, #tpu.memory_space<vmem>>, vector<1x1x16xf32>,
        %get3A_845 = vector.shape_cast %get3A_844 : vector<1x1x16xf32> to vector<16xf32>
        %add3A_846 = arith.addf %add3A_758, %get3A_845 : vector<16xf32>
        %mul3A_847 = arith.constant 16 : i32
        %mul3A_848 = arith.muli %mul3A_847, %scan3A_245 : i32
        %add3A_849 = arith.constant 13 : i32
        %add3A_850 = arith.addi %mul3A_848, %add3A_849 : i32
        %get3A_851 = arith.constant 1 : i32
        %get3A_852 = arith.index_cast %get3A_851 : i32 to index
        %get3A_853 = arith.index_cast %add3A_850 : i32 to index
        %get3A_854 = arith.constant 32 : index
        %get3A_855 = tpu.vector_load %arg6[%get3A_852, %get3A_853, %get3A_854] {strides = array<i32>} : memref<4x208x64xf32, #tpu.memory_space<vmem>>, vector<1x1x16xf32>,
        %get3A_856 = vector.shape_cast %get3A_855 : vector<1x1x16xf32> to vector<16xf32>
        %add3A_857 = arith.addf %add3A_769, %get3A_856 : vector<16xf32>
        %mul3A_858 = arith.constant 16 : i32
        %mul3A_859 = arith.muli %mul3A_858, %scan3A_245 : i32
        %add3A_860 = arith.constant 13 : i32
        %add3A_861 = arith.addi %mul3A_859, %add3A_860 : i32
        %get3A_862 = arith.constant 1 : i32
        %get3A_863 = arith.index_cast %get3A_862 : i32 to index
        %get3A_864 = arith.index_cast %add3A_861 : i32 to index
        %get3A_865 = arith.constant 48 : index
        %get3A_866 = tpu.vector_load %arg6[%get3A_863, %get3A_864, %get3A_865] {strides = array<i32>} : memref<4x208x64xf32, #tpu.memory_space<vmem>>, vector<1x1x16xf32>,
        %get3A_867 = vector.shape_cast %get3A_866 : vector<1x1x16xf32> to vector<16xf32>
        %add3A_868 = arith.addf %add3A_780, %get3A_867 : vector<16xf32>
        %mul3A_869 = arith.constant 16 : i32
        %mul3A_870 = arith.muli %mul3A_869, %scan3A_245 : i32
        %add3A_871 = arith.constant 14 : i32
        %add3A_872 = arith.addi %mul3A_870, %add3A_871 : i32
        %get3A_873 = arith.constant 1 : i32
        %get3A_874 = arith.index_cast %get3A_873 : i32 to index
        %get3A_875 = arith.index_cast %add3A_872 : i32 to index
        %get3A_876 = arith.constant 0 : index
        %get3A_877 = tpu.vector_load %arg6[%get3A_874, %get3A_875, %get3A_876] {strides = array<i32>} : memref<4x208x64xf32, #tpu.memory_space<vmem>>, vector<1x1x16xf32>,
        %get3A_878 = vector.shape_cast %get3A_877 : vector<1x1x16xf32> to vector<16xf32>
        %add3A_879 = arith.addf %add3A_791, %get3A_878 : vector<16xf32>
        %mul3A_880 = arith.constant 16 : i32
        %mul3A_881 = arith.muli %mul3A_880, %scan3A_245 : i32
        %add3A_882 = arith.constant 14 : i32
        %add3A_883 = arith.addi %mul3A_881, %add3A_882 : i32
        %get3A_884 = arith.constant 1 : i32
        %get3A_885 = arith.index_cast %get3A_884 : i32 to index
        %get3A_886 = arith.index_cast %add3A_883 : i32 to index
        %get3A_887 = arith.constant 16 : index
        %get3A_888 = tpu.vector_load %arg6[%get3A_885, %get3A_886, %get3A_887] {strides = array<i32>} : memref<4x208x64xf32, #tpu.memory_space<vmem>>, vector<1x1x16xf32>,
        %get3A_889 = vector.shape_cast %get3A_888 : vector<1x1x16xf32> to vector<16xf32>
        %add3A_890 = arith.addf %add3A_802, %get3A_889 : vector<16xf32>
        %mul3A_891 = arith.constant 16 : i32
        %mul3A_892 = arith.muli %mul3A_891, %scan3A_245 : i32
        %add3A_893 = arith.constant 14 : i32
        %add3A_894 = arith.addi %mul3A_892, %add3A_893 : i32
        %get3A_895 = arith.constant 1 : i32
        %get3A_896 = arith.index_cast %get3A_895 : i32 to index
        %get3A_897 = arith.index_cast %add3A_894 : i32 to index
        %get3A_898 = arith.constant 32 : index
        %get3A_899 = tpu.vector_load %arg6[%get3A_896, %get3A_897, %get3A_898] {strides = array<i32>} : memref<4x208x64xf32, #tpu.memory_space<vmem>>, vector<1x1x16xf32>,
        %get3A_900 = vector.shape_cast %get3A_899 : vector<1x1x16xf32> to vector<16xf32>
        %add3A_901 = arith.addf %add3A_813, %get3A_900 : vector<16xf32>
        %mul3A_902 = arith.constant 16 : i32
        %mul3A_903 = arith.muli %mul3A_902, %scan3A_245 : i32
        %add3A_904 = arith.constant 14 : i32
        %add3A_905 = arith.addi %mul3A_903, %add3A_904 : i32
        %get3A_906 = arith.constant 1 : i32
        %get3A_907 = arith.index_cast %get3A_906 : i32 to index
        %get3A_908 = arith.index_cast %add3A_905 : i32 to index
        %get3A_909 = arith.constant 48 : index
        %get3A_910 = tpu.vector_load %arg6[%get3A_907, %get3A_908, %get3A_909] {strides = array<i32>} : memref<4x208x64xf32, #tpu.memory_space<vmem>>, vector<1x1x16xf32>,
        %get3A_911 = vector.shape_cast %get3A_910 : vector<1x1x16xf32> to vector<16xf32>
        %add3A_912 = arith.addf %add3A_824, %get3A_911 : vector<16xf32>
        %mul3A_913 = arith.constant 16 : i32
        %mul3A_914 = arith.muli %mul3A_913, %scan3A_245 : i32
        %add3A_915 = arith.constant 15 : i32
        %add3A_916 = arith.addi %mul3A_914, %add3A_915 : i32
        %get3A_917 = arith.constant 1 : i32
        %get3A_918 = arith.index_cast %get3A_917 : i32 to index
        %get3A_919 = arith.index_cast %add3A_916 : i32 to index
        %get3A_920 = arith.constant 0 : index
        %get3A_921 = tpu.vector_load %arg6[%get3A_918, %get3A_919, %get3A_920] {strides = array<i32>} : memref<4x208x64xf32, #tpu.memory_space<vmem>>, vector<1x1x16xf32>,
        %get3A_922 = vector.shape_cast %get3A_921 : vector<1x1x16xf32> to vector<16xf32>
        %add3A_923 = arith.addf %add3A_835, %get3A_922 : vector<16xf32>
        %mul3A_924 = arith.constant 16 : i32
        %mul3A_925 = arith.muli %mul3A_924, %scan3A_245 : i32
        %add3A_926 = arith.constant 15 : i32
        %add3A_927 = arith.addi %mul3A_925, %add3A_926 : i32
        %get3A_928 = arith.constant 1 : i32
        %get3A_929 = arith.index_cast %get3A_928 : i32 to index
        %get3A_930 = arith.index_cast %add3A_927 : i32 to index
        %get3A_931 = arith.constant 16 : index
        %get3A_932 = tpu.vector_load %arg6[%get3A_929, %get3A_930, %get3A_931] {strides = array<i32>} : memref<4x208x64xf32, #tpu.memory_space<vmem>>, vector<1x1x16xf32>,
        %get3A_933 = vector.shape_cast %get3A_932 : vector<1x1x16xf32> to vector<16xf32>
        %add3A_934 = arith.addf %add3A_846, %get3A_933 : vector<16xf32>
        %mul3A_935 = arith.constant 16 : i32
        %mul3A_936 = arith.muli %mul3A_935, %scan3A_245 : i32
        %add3A_937 = arith.constant 15 : i32
        %add3A_938 = arith.addi %mul3A_936, %add3A_937 : i32
        %get3A_939 = arith.constant 1 : i32
        %get3A_940 = arith.index_cast %get3A_939 : i32 to index
        %get3A_941 = arith.index_cast %add3A_938 : i32 to index
        %get3A_942 = arith.constant 32 : index
        %get3A_943 = tpu.vector_load %arg6[%get3A_940, %get3A_941, %get3A_942] {strides = array<i32>} : memref<4x208x64xf32, #tpu.memory_space<vmem>>, vector<1x1x16xf32>,
        %get3A_944 = vector.shape_cast %get3A_943 : vector<1x1x16xf32> to vector<16xf32>
        %add3A_945 = arith.addf %add3A_857, %get3A_944 : vector<16xf32>
        %mul3A_946 = arith.constant 16 : i32
        %mul3A_947 = arith.muli %mul3A_946, %scan3A_245 : i32
        %add3A_948 = arith.constant 15 : i32
        %add3A_949 = arith.addi %mul3A_947, %add3A_948 : i32
        %get3A_950 = arith.constant 1 : i32
        %get3A_951 = arith.index_cast %get3A_950 : i32 to index
        %get3A_952 = arith.index_cast %add3A_949 : i32 to index
        %get3A_953 = arith.constant 48 : index
        %get3A_954 = tpu.vector_load %arg6[%get3A_951, %get3A_952, %get3A_953] {strides = array<i32>} : memref<4x208x64xf32, #tpu.memory_space<vmem>>, vector<1x1x16xf32>,
        %get3A_955 = vector.shape_cast %get3A_954 : vector<1x1x16xf32> to vector<16xf32>
        %add3A_956 = arith.addf %add3A_868, %get3A_955 : vector<16xf32>
        scf.yield %add3A_879, %add3A_890, %add3A_901, %add3A_912, %add3A_923, %add3A_934, %add3A_945, %add3A_956 : vector<16xf32>, vector<16xf32>, vector<16xf32>, vector<16xf32>, vector<16xf32>, vector<16xf32>, vector<16xf32>, vector<16xf32>
      }
      %scan3A_107 = arith.constant 13 : i32
      %add3A_108 = arith.addf %scan3A_106#0, %scan3A_106#4 : vector<16xf32>
      %swap3A_109 = arith.index_cast %add3A_86 : i32 to index
      %swap3A_110 = arith.constant 0 : index
      %swap3A_111 = tpu.vector_load %arg7[%swap3A_109, %swap3A_110] {strides = array<i32>} : memref<128x64xf32, #tpu.memory_space<vmem>>, vector<1x16xf32>,
      %swap3A_112 = vector.shape_cast %swap3A_111 : vector<1x16xf32> to vector<16xf32>
      %swap3A_113 = vector.shape_cast %add3A_108 : vector<16xf32> to vector<1x16xf32>
      tpu.vector_store %arg7[%swap3A_109, %swap3A_110], %swap3A_113 {strides = array<i32>} : memref<128x64xf32, #tpu.memory_space<vmem>>, vector<1x16xf32>,
      %add3A_114 = arith.addf %scan3A_106#1, %scan3A_106#5 : vector<16xf32>
      %swap3A_115 = arith.index_cast %add3A_86 : i32 to index
      %swap3A_116 = arith.constant 16 : index
      %swap3A_117 = tpu.vector_load %arg7[%swap3A_115, %swap3A_116] {strides = array<i32>} : memref<128x64xf32, #tpu.memory_space<vmem>>, vector<1x16xf32>,
      %swap3A_118 = vector.shape_cast %swap3A_117 : vector<1x16xf32> to vector<16xf32>
      %swap3A_119 = vector.shape_cast %add3A_114 : vector<16xf32> to vector<1x16xf32>
      tpu.vector_store %arg7[%swap3A_115, %swap3A_116], %swap3A_119 {strides = array<i32>} : memref<128x64xf32, #tpu.memory_space<vmem>>, vector<1x16xf32>,
      %add3A_120 = arith.addf %scan3A_106#2, %scan3A_106#6 : vector<16xf32>
      %swap3A_121 = arith.index_cast %add3A_86 : i32 to index
      %swap3A_122 = arith.constant 32 : index
      %swap3A_123 = tpu.vector_load %arg7[%swap3A_121, %swap3A_122] {strides = array<i32>} : memref<128x64xf32, #tpu.memory_space<vmem>>, vector<1x16xf32>,
      %swap3A_124 = vector.shape_cast %swap3A_123 : vector<1x16xf32> to vector<16xf32>
      %swap3A_125 = vector.shape_cast %add3A_120 : vector<16xf32> to vector<1x16xf32>
      tpu.vector_store %arg7[%swap3A_121, %swap3A_122], %swap3A_125 {strides = array<i32>} : memref<128x64xf32, #tpu.memory_space<vmem>>, vector<1x16xf32>,
      %add3A_126 = arith.addf %scan3A_106#3, %scan3A_106#7 : vector<16xf32>
      %swap3A_127 = arith.index_cast %add3A_86 : i32 to index
      %swap3A_128 = arith.constant 48 : index
      %swap3A_129 = tpu.vector_load %arg7[%swap3A_127, %swap3A_128] {strides = array<i32>} : memref<128x64xf32, #tpu.memory_space<vmem>>, vector<1x16xf32>,
      %swap3A_130 = vector.shape_cast %swap3A_129 : vector<1x16xf32> to vector<16xf32>
      %swap3A_131 = vector.shape_cast %add3A_126 : vector<16xf32> to vector<1x16xf32>
      tpu.vector_store %arg7[%swap3A_127, %swap3A_128], %swap3A_131 {strides = array<i32>} : memref<128x64xf32, #tpu.memory_space<vmem>>, vector<1x16xf32>,
      %lt3A_132 = arith.constant 31 : i32
      %lt3A_133 = arith.cmpi slt, %scan3A_33, %lt3A_132 : i32
      %convert_element_type3A_134 = arith.extui %lt3A_133 : i1 to i32
      %cond3A_135 = arith.constant 0 : i32
      %cond3A_136 = arith.cmpi ne, %convert_element_type3A_134, %cond3A_135 : i32
      scf.if %cond3A_136 {
        %add3A_245 = arith.constant 4 : i32
        %add3A_246 = arith.addi %add3A_86, %add3A_245 : i32
        %scan3A_247 = arith.constant 0 : i32
        %scan3A_248 = arith.constant 0 : i32
        %scan3A_249 = arith.constant 13 : i32
        %scan3A_250 = arith.addi %scan3A_248, %scan3A_249 : i32
        %scan3A_251 = arith.constant 1 : i32
        scf.for %scan3A_253 = %scan3A_248 to %scan3A_250 step %scan3A_251  : i32 {
          %mul3A_254 = arith.constant 16 : i32
          %mul3A_255 = arith.muli %mul3A_254, %scan3A_253 : i32
          %get3A = arith.index_cast %add3A_246 : i32 to index
          %get3A_256 = arith.index_cast %mul3A_255 : i32 to index
          %get3A_257 = tpu.vector_load %arg5[%get3A, %get3A_256] {strides = array<i32>} : memref<128x208xi32, #tpu.memory_space<vmem>>, vector<1x16xi32>,
          %get3A_258 = vector.shape_cast %get3A_257 : vector<1x16xi32> to vector<16xi32>
          %mul3A_259 = arith.constant 16 : i32
          %mul3A_260 = arith.muli %mul3A_259, %scan3A_253 : i32
          %dma_start3A = arith.constant 1 : i32
          %dma_start3A_261 = arith.constant 0 : i32
          %dma_start3A_262 = tpu.memref_slice %arg6[%dma_start3A, %mul3A_260, %dma_start3A_261] : memref<4x208x64xf32, #tpu.memory_space<vmem>> -> memref<1x16x64xf32, #tpu.memory_space<vmem>>
          %dma_start3A_263 = tpu.memref_squeeze %dma_start3A_262 : memref<1x16x64xf32, #tpu.memory_space<vmem>> -> memref<16x64xf32, #tpu.memory_space<vmem>>
          %dma_start3A_264 = arith.constant 0 : i32
          %dma_start3A_265 = arith.constant 0 : i32
          %dma_start3A_266 = tpu.memref_slice %arg3[%dma_start3A_264, %dma_start3A_265] : memref<1000000x64xf32, #tpu.memory_space<hbm>> -> memref<1000000x64xf32, #tpu.memory_space<hbm>>
          tpu.enqueue_indirect_dma source(%dma_start3A_266 : memref<1000000x64xf32, #tpu.memory_space<hbm>>) target(%dma_start3A_263 : memref<16x64xf32, #tpu.memory_space<vmem>>) offsets(%get3A_258 : vector<16xi32>) semaphore(%arg9 : memref<!tpu.dma_semaphore, #tpu.memory_space<semaphore_mem>>)
        }
        %scan3A_252 = arith.constant 13 : i32
      } else {
      }
      %mul3A_137 = arith.constant 4 : i32
      %mul3A_138 = arith.muli %mul3A_137, %scan3A_33 : i32
      %add3A_139 = arith.constant 2 : i32
      %add3A_140 = arith.addi %mul3A_138, %add3A_139 : i32
      %dma_wait3A_141 = arith.constant 2 : i32
      %dma_wait3A_142 = arith.constant 0 : i32
      %dma_wait3A_143 = arith.constant 0 : i32
      %dma_wait3A_144 = tpu.memref_slice %arg6[%dma_wait3A_141, %dma_wait3A_142, %dma_wait3A_143] : memref<4x208x64xf32, #tpu.memory_space<vmem>> -> memref<1x208x64xf32, #tpu.memory_space<vmem>>
      %dma_wait3A_145 = tpu.memref_squeeze %dma_wait3A_144 : memref<1x208x64xf32, #tpu.memory_space<vmem>> -> memref<208x64xf32, #tpu.memory_space<vmem>>
      %dma_wait3A_146 = arith.constant 0 : i32
      %dma_wait3A_147 = arith.constant 0 : i32
      %dma_wait3A_148 = tpu.memref_slice %arg3[%dma_wait3A_146, %dma_wait3A_147] : memref<1000000x64xf32, #tpu.memory_space<hbm>> -> memref<208x64xf32, #tpu.memory_space<hbm>>
      %dma_wait3A_149 = arith.constant 0 : i32
      %dma_wait3A_150 = arith.constant 0 : i32
      %dma_wait3A_151 = tpu.memref_slice %arg6[%dma_wait3A_141, %dma_wait3A_149, %dma_wait3A_150] : memref<4x208x64xf32, #tpu.memory_space<vmem>> -> memref<1x208x64xf32, #tpu.memory_space<vmem>>
      %dma_wait3A_152 = tpu.memref_squeeze %dma_wait3A_151 : memref<1x208x64xf32, #tpu.memory_space<vmem>> -> memref<208x64xf32, #tpu.memory_space<vmem>>
      %dma_wait3A_153 = arith.constant 0 : i32
      %dma_wait3A_154 = arith.constant 0 : i32
      %dma_wait3A_155 = tpu.memref_slice %arg3[%dma_wait3A_153, %dma_wait3A_154] : memref<1000000x64xf32, #tpu.memory_space<hbm>> -> memref<208x64xf32, #tpu.memory_space<hbm>>
      tpu.wait_dma2 semaphore(%arg10 : memref<!tpu.dma_semaphore, #tpu.memory_space<semaphore_mem>>) src(%dma_wait3A_155 : memref<208x64xf32, #tpu.memory_space<hbm>>) dst(%dma_wait3A_152 : memref<208x64xf32, #tpu.memory_space<vmem>>)
      %scan3A_156 = arith.constant 0 : i32
      %scan3A_157 = arith.constant 13 : i32
      %scan3A_158 = arith.addi %scan3A_156, %scan3A_157 : i32
      %scan3A_159 = arith.constant 1 : i32
      %scan3A_160:8 = scf.for %scan3A_245 = %scan3A_156 to %scan3A_158 step %scan3A_159 iter_args(%scan3A_246 = %broadcast_in_dim3A_3, %scan3A_247 = %broadcast_in_dim3A_3, %scan3A_248 = %broadcast_in_dim3A_3, %scan3A_249 = %broadcast_in_dim3A_3, %scan3A_250 = %broadcast_in_dim3A_3, %scan3A_251 = %broadcast_in_dim3A_3, %scan3A_252 = %broadcast_in_dim3A_3, %scan3A_253 = %broadcast_in_dim3A_3) -> (vector<16xf32>, vector<16xf32>, vector<16xf32>, vector<16xf32>, vector<16xf32>, vector<16xf32>, vector<16xf32>, vector<16xf32>)  : i32 {
        %mul3A_254 = arith.constant 16 : i32
        %mul3A_255 = arith.muli %mul3A_254, %scan3A_245 : i32
        %add3A_256 = arith.constant 0 : i32
        %add3A_257 = arith.addi %mul3A_255, %add3A_256 : i32
        %get3A = arith.constant 2 : i32
        %get3A_258 = arith.index_cast %get3A : i32 to index
        %get3A_259 = arith.index_cast %add3A_257 : i32 to index
        %get3A_260 = arith.constant 0 : index
        %get3A_261 = tpu.vector_load %arg6[%get3A_258, %get3A_259, %get3A_260] {strides = array<i32>} : memref<4x208x64xf32, #tpu.memory_space<vmem>>, vector<1x1x16xf32>,
        %get3A_262 = vector.shape_cast %get3A_261 : vector<1x1x16xf32> to vector<16xf32>
        %add3A_263 = arith.addf %scan3A_246, %get3A_262 : vector<16xf32>
        %mul3A_264 = arith.constant 16 : i32
        %mul3A_265 = arith.muli %mul3A_264, %scan3A_245 : i32
        %add3A_266 = arith.constant 0 : i32
        %add3A_267 = arith.addi %mul3A_265, %add3A_266 : i32
        %get3A_268 = arith.constant 2 : i32
        %get3A_269 = arith.index_cast %get3A_268 : i32 to index
        %get3A_270 = arith.index_cast %add3A_267 : i32 to index
        %get3A_271 = arith.constant 16 : index
        %get3A_272 = tpu.vector_load %arg6[%get3A_269, %get3A_270, %get3A_271] {strides = array<i32>} : memref<4x208x64xf32, #tpu.memory_space<vmem>>, vector<1x1x16xf32>,
        %get3A_273 = vector.shape_cast %get3A_272 : vector<1x1x16xf32> to vector<16xf32>
        %add3A_274 = arith.addf %scan3A_247, %get3A_273 : vector<16xf32>
        %mul3A_275 = arith.constant 16 : i32
        %mul3A_276 = arith.muli %mul3A_275, %scan3A_245 : i32
        %add3A_277 = arith.constant 0 : i32
        %add3A_278 = arith.addi %mul3A_276, %add3A_277 : i32
        %get3A_279 = arith.constant 2 : i32
        %get3A_280 = arith.index_cast %get3A_279 : i32 to index
        %get3A_281 = arith.index_cast %add3A_278 : i32 to index
        %get3A_282 = arith.constant 32 : index
        %get3A_283 = tpu.vector_load %arg6[%get3A_280, %get3A_281, %get3A_282] {strides = array<i32>} : memref<4x208x64xf32, #tpu.memory_space<vmem>>, vector<1x1x16xf32>,
        %get3A_284 = vector.shape_cast %get3A_283 : vector<1x1x16xf32> to vector<16xf32>
        %add3A_285 = arith.addf %scan3A_248, %get3A_284 : vector<16xf32>
        %mul3A_286 = arith.constant 16 : i32
        %mul3A_287 = arith.muli %mul3A_286, %scan3A_245 : i32
        %add3A_288 = arith.constant 0 : i32
        %add3A_289 = arith.addi %mul3A_287, %add3A_288 : i32
        %get3A_290 = arith.constant 2 : i32
        %get3A_291 = arith.index_cast %get3A_290 : i32 to index
        %get3A_292 = arith.index_cast %add3A_289 : i32 to index
        %get3A_293 = arith.constant 48 : index
        %get3A_294 = tpu.vector_load %arg6[%get3A_291, %get3A_292, %get3A_293] {strides = array<i32>} : memref<4x208x64xf32, #tpu.memory_space<vmem>>, vector<1x1x16xf32>,
        %get3A_295 = vector.shape_cast %get3A_294 : vector<1x1x16xf32> to vector<16xf32>
        %add3A_296 = arith.addf %scan3A_249, %get3A_295 : vector<16xf32>
        %mul3A_297 = arith.constant 16 : i32
        %mul3A_298 = arith.muli %mul3A_297, %scan3A_245 : i32
        %add3A_299 = arith.constant 1 : i32
        %add3A_300 = arith.addi %mul3A_298, %add3A_299 : i32
        %get3A_301 = arith.constant 2 : i32
        %get3A_302 = arith.index_cast %get3A_301 : i32 to index
        %get3A_303 = arith.index_cast %add3A_300 : i32 to index
        %get3A_304 = arith.constant 0 : index
        %get3A_305 = tpu.vector_load %arg6[%get3A_302, %get3A_303, %get3A_304] {strides = array<i32>} : memref<4x208x64xf32, #tpu.memory_space<vmem>>, vector<1x1x16xf32>,
        %get3A_306 = vector.shape_cast %get3A_305 : vector<1x1x16xf32> to vector<16xf32>
        %add3A_307 = arith.addf %scan3A_250, %get3A_306 : vector<16xf32>
        %mul3A_308 = arith.constant 16 : i32
        %mul3A_309 = arith.muli %mul3A_308, %scan3A_245 : i32
        %add3A_310 = arith.constant 1 : i32
        %add3A_311 = arith.addi %mul3A_309, %add3A_310 : i32
        %get3A_312 = arith.constant 2 : i32
        %get3A_313 = arith.index_cast %get3A_312 : i32 to index
        %get3A_314 = arith.index_cast %add3A_311 : i32 to index
        %get3A_315 = arith.constant 16 : index
        %get3A_316 = tpu.vector_load %arg6[%get3A_313, %get3A_314, %get3A_315] {strides = array<i32>} : memref<4x208x64xf32, #tpu.memory_space<vmem>>, vector<1x1x16xf32>,
        %get3A_317 = vector.shape_cast %get3A_316 : vector<1x1x16xf32> to vector<16xf32>
        %add3A_318 = arith.addf %scan3A_251, %get3A_317 : vector<16xf32>
        %mul3A_319 = arith.constant 16 : i32
        %mul3A_320 = arith.muli %mul3A_319, %scan3A_245 : i32
        %add3A_321 = arith.constant 1 : i32
        %add3A_322 = arith.addi %mul3A_320, %add3A_321 : i32
        %get3A_323 = arith.constant 2 : i32
        %get3A_324 = arith.index_cast %get3A_323 : i32 to index
        %get3A_325 = arith.index_cast %add3A_322 : i32 to index
        %get3A_326 = arith.constant 32 : index
        %get3A_327 = tpu.vector_load %arg6[%get3A_324, %get3A_325, %get3A_326] {strides = array<i32>} : memref<4x208x64xf32, #tpu.memory_space<vmem>>, vector<1x1x16xf32>,
        %get3A_328 = vector.shape_cast %get3A_327 : vector<1x1x16xf32> to vector<16xf32>
        %add3A_329 = arith.addf %scan3A_252, %get3A_328 : vector<16xf32>
        %mul3A_330 = arith.constant 16 : i32
        %mul3A_331 = arith.muli %mul3A_330, %scan3A_245 : i32
        %add3A_332 = arith.constant 1 : i32
        %add3A_333 = arith.addi %mul3A_331, %add3A_332 : i32
        %get3A_334 = arith.constant 2 : i32
        %get3A_335 = arith.index_cast %get3A_334 : i32 to index
        %get3A_336 = arith.index_cast %add3A_333 : i32 to index
        %get3A_337 = arith.constant 48 : index
        %get3A_338 = tpu.vector_load %arg6[%get3A_335, %get3A_336, %get3A_337] {strides = array<i32>} : memref<4x208x64xf32, #tpu.memory_space<vmem>>, vector<1x1x16xf32>,
        %get3A_339 = vector.shape_cast %get3A_338 : vector<1x1x16xf32> to vector<16xf32>
        %add3A_340 = arith.addf %scan3A_253, %get3A_339 : vector<16xf32>
        %mul3A_341 = arith.constant 16 : i32
        %mul3A_342 = arith.muli %mul3A_341, %scan3A_245 : i32
        %add3A_343 = arith.constant 2 : i32
        %add3A_344 = arith.addi %mul3A_342, %add3A_343 : i32
        %get3A_345 = arith.constant 2 : i32
        %get3A_346 = arith.index_cast %get3A_345 : i32 to index
        %get3A_347 = arith.index_cast %add3A_344 : i32 to index
        %get3A_348 = arith.constant 0 : index
        %get3A_349 = tpu.vector_load %arg6[%get3A_346, %get3A_347, %get3A_348] {strides = array<i32>} : memref<4x208x64xf32, #tpu.memory_space<vmem>>, vector<1x1x16xf32>,
        %get3A_350 = vector.shape_cast %get3A_349 : vector<1x1x16xf32> to vector<16xf32>
        %add3A_351 = arith.addf %add3A_263, %get3A_350 : vector<16xf32>
        %mul3A_352 = arith.constant 16 : i32
        %mul3A_353 = arith.muli %mul3A_352, %scan3A_245 : i32
        %add3A_354 = arith.constant 2 : i32
        %add3A_355 = arith.addi %mul3A_353, %add3A_354 : i32
        %get3A_356 = arith.constant 2 : i32
        %get3A_357 = arith.index_cast %get3A_356 : i32 to index
        %get3A_358 = arith.index_cast %add3A_355 : i32 to index
        %get3A_359 = arith.constant 16 : index
        %get3A_360 = tpu.vector_load %arg6[%get3A_357, %get3A_358, %get3A_359] {strides = array<i32>} : memref<4x208x64xf32, #tpu.memory_space<vmem>>, vector<1x1x16xf32>,
        %get3A_361 = vector.shape_cast %get3A_360 : vector<1x1x16xf32> to vector<16xf32>
        %add3A_362 = arith.addf %add3A_274, %get3A_361 : vector<16xf32>
        %mul3A_363 = arith.constant 16 : i32
        %mul3A_364 = arith.muli %mul3A_363, %scan3A_245 : i32
        %add3A_365 = arith.constant 2 : i32
        %add3A_366 = arith.addi %mul3A_364, %add3A_365 : i32
        %get3A_367 = arith.constant 2 : i32
        %get3A_368 = arith.index_cast %get3A_367 : i32 to index
        %get3A_369 = arith.index_cast %add3A_366 : i32 to index
        %get3A_370 = arith.constant 32 : index
        %get3A_371 = tpu.vector_load %arg6[%get3A_368, %get3A_369, %get3A_370] {strides = array<i32>} : memref<4x208x64xf32, #tpu.memory_space<vmem>>, vector<1x1x16xf32>,
        %get3A_372 = vector.shape_cast %get3A_371 : vector<1x1x16xf32> to vector<16xf32>
        %add3A_373 = arith.addf %add3A_285, %get3A_372 : vector<16xf32>
        %mul3A_374 = arith.constant 16 : i32
        %mul3A_375 = arith.muli %mul3A_374, %scan3A_245 : i32
        %add3A_376 = arith.constant 2 : i32
        %add3A_377 = arith.addi %mul3A_375, %add3A_376 : i32
        %get3A_378 = arith.constant 2 : i32
        %get3A_379 = arith.index_cast %get3A_378 : i32 to index
        %get3A_380 = arith.index_cast %add3A_377 : i32 to index
        %get3A_381 = arith.constant 48 : index
        %get3A_382 = tpu.vector_load %arg6[%get3A_379, %get3A_380, %get3A_381] {strides = array<i32>} : memref<4x208x64xf32, #tpu.memory_space<vmem>>, vector<1x1x16xf32>,
        %get3A_383 = vector.shape_cast %get3A_382 : vector<1x1x16xf32> to vector<16xf32>
        %add3A_384 = arith.addf %add3A_296, %get3A_383 : vector<16xf32>
        %mul3A_385 = arith.constant 16 : i32
        %mul3A_386 = arith.muli %mul3A_385, %scan3A_245 : i32
        %add3A_387 = arith.constant 3 : i32
        %add3A_388 = arith.addi %mul3A_386, %add3A_387 : i32
        %get3A_389 = arith.constant 2 : i32
        %get3A_390 = arith.index_cast %get3A_389 : i32 to index
        %get3A_391 = arith.index_cast %add3A_388 : i32 to index
        %get3A_392 = arith.constant 0 : index
        %get3A_393 = tpu.vector_load %arg6[%get3A_390, %get3A_391, %get3A_392] {strides = array<i32>} : memref<4x208x64xf32, #tpu.memory_space<vmem>>, vector<1x1x16xf32>,
        %get3A_394 = vector.shape_cast %get3A_393 : vector<1x1x16xf32> to vector<16xf32>
        %add3A_395 = arith.addf %add3A_307, %get3A_394 : vector<16xf32>
        %mul3A_396 = arith.constant 16 : i32
        %mul3A_397 = arith.muli %mul3A_396, %scan3A_245 : i32
        %add3A_398 = arith.constant 3 : i32
        %add3A_399 = arith.addi %mul3A_397, %add3A_398 : i32
        %get3A_400 = arith.constant 2 : i32
        %get3A_401 = arith.index_cast %get3A_400 : i32 to index
        %get3A_402 = arith.index_cast %add3A_399 : i32 to index
        %get3A_403 = arith.constant 16 : index
        %get3A_404 = tpu.vector_load %arg6[%get3A_401, %get3A_402, %get3A_403] {strides = array<i32>} : memref<4x208x64xf32, #tpu.memory_space<vmem>>, vector<1x1x16xf32>,
        %get3A_405 = vector.shape_cast %get3A_404 : vector<1x1x16xf32> to vector<16xf32>
        %add3A_406 = arith.addf %add3A_318, %get3A_405 : vector<16xf32>
        %mul3A_407 = arith.constant 16 : i32
        %mul3A_408 = arith.muli %mul3A_407, %scan3A_245 : i32
        %add3A_409 = arith.constant 3 : i32
        %add3A_410 = arith.addi %mul3A_408, %add3A_409 : i32
        %get3A_411 = arith.constant 2 : i32
        %get3A_412 = arith.index_cast %get3A_411 : i32 to index
        %get3A_413 = arith.index_cast %add3A_410 : i32 to index
        %get3A_414 = arith.constant 32 : index
        %get3A_415 = tpu.vector_load %arg6[%get3A_412, %get3A_413, %get3A_414] {strides = array<i32>} : memref<4x208x64xf32, #tpu.memory_space<vmem>>, vector<1x1x16xf32>,
        %get3A_416 = vector.shape_cast %get3A_415 : vector<1x1x16xf32> to vector<16xf32>
        %add3A_417 = arith.addf %add3A_329, %get3A_416 : vector<16xf32>
        %mul3A_418 = arith.constant 16 : i32
        %mul3A_419 = arith.muli %mul3A_418, %scan3A_245 : i32
        %add3A_420 = arith.constant 3 : i32
        %add3A_421 = arith.addi %mul3A_419, %add3A_420 : i32
        %get3A_422 = arith.constant 2 : i32
        %get3A_423 = arith.index_cast %get3A_422 : i32 to index
        %get3A_424 = arith.index_cast %add3A_421 : i32 to index
        %get3A_425 = arith.constant 48 : index
        %get3A_426 = tpu.vector_load %arg6[%get3A_423, %get3A_424, %get3A_425] {strides = array<i32>} : memref<4x208x64xf32, #tpu.memory_space<vmem>>, vector<1x1x16xf32>,
        %get3A_427 = vector.shape_cast %get3A_426 : vector<1x1x16xf32> to vector<16xf32>
        %add3A_428 = arith.addf %add3A_340, %get3A_427 : vector<16xf32>
        %mul3A_429 = arith.constant 16 : i32
        %mul3A_430 = arith.muli %mul3A_429, %scan3A_245 : i32
        %add3A_431 = arith.constant 4 : i32
        %add3A_432 = arith.addi %mul3A_430, %add3A_431 : i32
        %get3A_433 = arith.constant 2 : i32
        %get3A_434 = arith.index_cast %get3A_433 : i32 to index
        %get3A_435 = arith.index_cast %add3A_432 : i32 to index
        %get3A_436 = arith.constant 0 : index
        %get3A_437 = tpu.vector_load %arg6[%get3A_434, %get3A_435, %get3A_436] {strides = array<i32>} : memref<4x208x64xf32, #tpu.memory_space<vmem>>, vector<1x1x16xf32>,
        %get3A_438 = vector.shape_cast %get3A_437 : vector<1x1x16xf32> to vector<16xf32>
        %add3A_439 = arith.addf %add3A_351, %get3A_438 : vector<16xf32>
        %mul3A_440 = arith.constant 16 : i32
        %mul3A_441 = arith.muli %mul3A_440, %scan3A_245 : i32
        %add3A_442 = arith.constant 4 : i32
        %add3A_443 = arith.addi %mul3A_441, %add3A_442 : i32
        %get3A_444 = arith.constant 2 : i32
        %get3A_445 = arith.index_cast %get3A_444 : i32 to index
        %get3A_446 = arith.index_cast %add3A_443 : i32 to index
        %get3A_447 = arith.constant 16 : index
        %get3A_448 = tpu.vector_load %arg6[%get3A_445, %get3A_446, %get3A_447] {strides = array<i32>} : memref<4x208x64xf32, #tpu.memory_space<vmem>>, vector<1x1x16xf32>,
        %get3A_449 = vector.shape_cast %get3A_448 : vector<1x1x16xf32> to vector<16xf32>
        %add3A_450 = arith.addf %add3A_362, %get3A_449 : vector<16xf32>
        %mul3A_451 = arith.constant 16 : i32
        %mul3A_452 = arith.muli %mul3A_451, %scan3A_245 : i32
        %add3A_453 = arith.constant 4 : i32
        %add3A_454 = arith.addi %mul3A_452, %add3A_453 : i32
        %get3A_455 = arith.constant 2 : i32
        %get3A_456 = arith.index_cast %get3A_455 : i32 to index
        %get3A_457 = arith.index_cast %add3A_454 : i32 to index
        %get3A_458 = arith.constant 32 : index
        %get3A_459 = tpu.vector_load %arg6[%get3A_456, %get3A_457, %get3A_458] {strides = array<i32>} : memref<4x208x64xf32, #tpu.memory_space<vmem>>, vector<1x1x16xf32>,
        %get3A_460 = vector.shape_cast %get3A_459 : vector<1x1x16xf32> to vector<16xf32>
        %add3A_461 = arith.addf %add3A_373, %get3A_460 : vector<16xf32>
        %mul3A_462 = arith.constant 16 : i32
        %mul3A_463 = arith.muli %mul3A_462, %scan3A_245 : i32
        %add3A_464 = arith.constant 4 : i32
        %add3A_465 = arith.addi %mul3A_463, %add3A_464 : i32
        %get3A_466 = arith.constant 2 : i32
        %get3A_467 = arith.index_cast %get3A_466 : i32 to index
        %get3A_468 = arith.index_cast %add3A_465 : i32 to index
        %get3A_469 = arith.constant 48 : index
        %get3A_470 = tpu.vector_load %arg6[%get3A_467, %get3A_468, %get3A_469] {strides = array<i32>} : memref<4x208x64xf32, #tpu.memory_space<vmem>>, vector<1x1x16xf32>,
        %get3A_471 = vector.shape_cast %get3A_470 : vector<1x1x16xf32> to vector<16xf32>
        %add3A_472 = arith.addf %add3A_384, %get3A_471 : vector<16xf32>
        %mul3A_473 = arith.constant 16 : i32
        %mul3A_474 = arith.muli %mul3A_473, %scan3A_245 : i32
        %add3A_475 = arith.constant 5 : i32
        %add3A_476 = arith.addi %mul3A_474, %add3A_475 : i32
        %get3A_477 = arith.constant 2 : i32
        %get3A_478 = arith.index_cast %get3A_477 : i32 to index
        %get3A_479 = arith.index_cast %add3A_476 : i32 to index
        %get3A_480 = arith.constant 0 : index
        %get3A_481 = tpu.vector_load %arg6[%get3A_478, %get3A_479, %get3A_480] {strides = array<i32>} : memref<4x208x64xf32, #tpu.memory_space<vmem>>, vector<1x1x16xf32>,
        %get3A_482 = vector.shape_cast %get3A_481 : vector<1x1x16xf32> to vector<16xf32>
        %add3A_483 = arith.addf %add3A_395, %get3A_482 : vector<16xf32>
        %mul3A_484 = arith.constant 16 : i32
        %mul3A_485 = arith.muli %mul3A_484, %scan3A_245 : i32
        %add3A_486 = arith.constant 5 : i32
        %add3A_487 = arith.addi %mul3A_485, %add3A_486 : i32
        %get3A_488 = arith.constant 2 : i32
        %get3A_489 = arith.index_cast %get3A_488 : i32 to index
        %get3A_490 = arith.index_cast %add3A_487 : i32 to index
        %get3A_491 = arith.constant 16 : index
        %get3A_492 = tpu.vector_load %arg6[%get3A_489, %get3A_490, %get3A_491] {strides = array<i32>} : memref<4x208x64xf32, #tpu.memory_space<vmem>>, vector<1x1x16xf32>,
        %get3A_493 = vector.shape_cast %get3A_492 : vector<1x1x16xf32> to vector<16xf32>
        %add3A_494 = arith.addf %add3A_406, %get3A_493 : vector<16xf32>
        %mul3A_495 = arith.constant 16 : i32
        %mul3A_496 = arith.muli %mul3A_495, %scan3A_245 : i32
        %add3A_497 = arith.constant 5 : i32
        %add3A_498 = arith.addi %mul3A_496, %add3A_497 : i32
        %get3A_499 = arith.constant 2 : i32
        %get3A_500 = arith.index_cast %get3A_499 : i32 to index
        %get3A_501 = arith.index_cast %add3A_498 : i32 to index
        %get3A_502 = arith.constant 32 : index
        %get3A_503 = tpu.vector_load %arg6[%get3A_500, %get3A_501, %get3A_502] {strides = array<i32>} : memref<4x208x64xf32, #tpu.memory_space<vmem>>, vector<1x1x16xf32>,
        %get3A_504 = vector.shape_cast %get3A_503 : vector<1x1x16xf32> to vector<16xf32>
        %add3A_505 = arith.addf %add3A_417, %get3A_504 : vector<16xf32>
        %mul3A_506 = arith.constant 16 : i32
        %mul3A_507 = arith.muli %mul3A_506, %scan3A_245 : i32
        %add3A_508 = arith.constant 5 : i32
        %add3A_509 = arith.addi %mul3A_507, %add3A_508 : i32
        %get3A_510 = arith.constant 2 : i32
        %get3A_511 = arith.index_cast %get3A_510 : i32 to index
        %get3A_512 = arith.index_cast %add3A_509 : i32 to index
        %get3A_513 = arith.constant 48 : index
        %get3A_514 = tpu.vector_load %arg6[%get3A_511, %get3A_512, %get3A_513] {strides = array<i32>} : memref<4x208x64xf32, #tpu.memory_space<vmem>>, vector<1x1x16xf32>,
        %get3A_515 = vector.shape_cast %get3A_514 : vector<1x1x16xf32> to vector<16xf32>
        %add3A_516 = arith.addf %add3A_428, %get3A_515 : vector<16xf32>
        %mul3A_517 = arith.constant 16 : i32
        %mul3A_518 = arith.muli %mul3A_517, %scan3A_245 : i32
        %add3A_519 = arith.constant 6 : i32
        %add3A_520 = arith.addi %mul3A_518, %add3A_519 : i32
        %get3A_521 = arith.constant 2 : i32
        %get3A_522 = arith.index_cast %get3A_521 : i32 to index
        %get3A_523 = arith.index_cast %add3A_520 : i32 to index
        %get3A_524 = arith.constant 0 : index
        %get3A_525 = tpu.vector_load %arg6[%get3A_522, %get3A_523, %get3A_524] {strides = array<i32>} : memref<4x208x64xf32, #tpu.memory_space<vmem>>, vector<1x1x16xf32>,
        %get3A_526 = vector.shape_cast %get3A_525 : vector<1x1x16xf32> to vector<16xf32>
        %add3A_527 = arith.addf %add3A_439, %get3A_526 : vector<16xf32>
        %mul3A_528 = arith.constant 16 : i32
        %mul3A_529 = arith.muli %mul3A_528, %scan3A_245 : i32
        %add3A_530 = arith.constant 6 : i32
        %add3A_531 = arith.addi %mul3A_529, %add3A_530 : i32
        %get3A_532 = arith.constant 2 : i32
        %get3A_533 = arith.index_cast %get3A_532 : i32 to index
        %get3A_534 = arith.index_cast %add3A_531 : i32 to index
        %get3A_535 = arith.constant 16 : index
        %get3A_536 = tpu.vector_load %arg6[%get3A_533, %get3A_534, %get3A_535] {strides = array<i32>} : memref<4x208x64xf32, #tpu.memory_space<vmem>>, vector<1x1x16xf32>,
        %get3A_537 = vector.shape_cast %get3A_536 : vector<1x1x16xf32> to vector<16xf32>
        %add3A_538 = arith.addf %add3A_450, %get3A_537 : vector<16xf32>
        %mul3A_539 = arith.constant 16 : i32
        %mul3A_540 = arith.muli %mul3A_539, %scan3A_245 : i32
        %add3A_541 = arith.constant 6 : i32
        %add3A_542 = arith.addi %mul3A_540, %add3A_541 : i32
        %get3A_543 = arith.constant 2 : i32
        %get3A_544 = arith.index_cast %get3A_543 : i32 to index
        %get3A_545 = arith.index_cast %add3A_542 : i32 to index
        %get3A_546 = arith.constant 32 : index
        %get3A_547 = tpu.vector_load %arg6[%get3A_544, %get3A_545, %get3A_546] {strides = array<i32>} : memref<4x208x64xf32, #tpu.memory_space<vmem>>, vector<1x1x16xf32>,
        %get3A_548 = vector.shape_cast %get3A_547 : vector<1x1x16xf32> to vector<16xf32>
        %add3A_549 = arith.addf %add3A_461, %get3A_548 : vector<16xf32>
        %mul3A_550 = arith.constant 16 : i32
        %mul3A_551 = arith.muli %mul3A_550, %scan3A_245 : i32
        %add3A_552 = arith.constant 6 : i32
        %add3A_553 = arith.addi %mul3A_551, %add3A_552 : i32
        %get3A_554 = arith.constant 2 : i32
        %get3A_555 = arith.index_cast %get3A_554 : i32 to index
        %get3A_556 = arith.index_cast %add3A_553 : i32 to index
        %get3A_557 = arith.constant 48 : index
        %get3A_558 = tpu.vector_load %arg6[%get3A_555, %get3A_556, %get3A_557] {strides = array<i32>} : memref<4x208x64xf32, #tpu.memory_space<vmem>>, vector<1x1x16xf32>,
        %get3A_559 = vector.shape_cast %get3A_558 : vector<1x1x16xf32> to vector<16xf32>
        %add3A_560 = arith.addf %add3A_472, %get3A_559 : vector<16xf32>
        %mul3A_561 = arith.constant 16 : i32
        %mul3A_562 = arith.muli %mul3A_561, %scan3A_245 : i32
        %add3A_563 = arith.constant 7 : i32
        %add3A_564 = arith.addi %mul3A_562, %add3A_563 : i32
        %get3A_565 = arith.constant 2 : i32
        %get3A_566 = arith.index_cast %get3A_565 : i32 to index
        %get3A_567 = arith.index_cast %add3A_564 : i32 to index
        %get3A_568 = arith.constant 0 : index
        %get3A_569 = tpu.vector_load %arg6[%get3A_566, %get3A_567, %get3A_568] {strides = array<i32>} : memref<4x208x64xf32, #tpu.memory_space<vmem>>, vector<1x1x16xf32>,
        %get3A_570 = vector.shape_cast %get3A_569 : vector<1x1x16xf32> to vector<16xf32>
        %add3A_571 = arith.addf %add3A_483, %get3A_570 : vector<16xf32>
        %mul3A_572 = arith.constant 16 : i32
        %mul3A_573 = arith.muli %mul3A_572, %scan3A_245 : i32
        %add3A_574 = arith.constant 7 : i32
        %add3A_575 = arith.addi %mul3A_573, %add3A_574 : i32
        %get3A_576 = arith.constant 2 : i32
        %get3A_577 = arith.index_cast %get3A_576 : i32 to index
        %get3A_578 = arith.index_cast %add3A_575 : i32 to index
        %get3A_579 = arith.constant 16 : index
        %get3A_580 = tpu.vector_load %arg6[%get3A_577, %get3A_578, %get3A_579] {strides = array<i32>} : memref<4x208x64xf32, #tpu.memory_space<vmem>>, vector<1x1x16xf32>,
        %get3A_581 = vector.shape_cast %get3A_580 : vector<1x1x16xf32> to vector<16xf32>
        %add3A_582 = arith.addf %add3A_494, %get3A_581 : vector<16xf32>
        %mul3A_583 = arith.constant 16 : i32
        %mul3A_584 = arith.muli %mul3A_583, %scan3A_245 : i32
        %add3A_585 = arith.constant 7 : i32
        %add3A_586 = arith.addi %mul3A_584, %add3A_585 : i32
        %get3A_587 = arith.constant 2 : i32
        %get3A_588 = arith.index_cast %get3A_587 : i32 to index
        %get3A_589 = arith.index_cast %add3A_586 : i32 to index
        %get3A_590 = arith.constant 32 : index
        %get3A_591 = tpu.vector_load %arg6[%get3A_588, %get3A_589, %get3A_590] {strides = array<i32>} : memref<4x208x64xf32, #tpu.memory_space<vmem>>, vector<1x1x16xf32>,
        %get3A_592 = vector.shape_cast %get3A_591 : vector<1x1x16xf32> to vector<16xf32>
        %add3A_593 = arith.addf %add3A_505, %get3A_592 : vector<16xf32>
        %mul3A_594 = arith.constant 16 : i32
        %mul3A_595 = arith.muli %mul3A_594, %scan3A_245 : i32
        %add3A_596 = arith.constant 7 : i32
        %add3A_597 = arith.addi %mul3A_595, %add3A_596 : i32
        %get3A_598 = arith.constant 2 : i32
        %get3A_599 = arith.index_cast %get3A_598 : i32 to index
        %get3A_600 = arith.index_cast %add3A_597 : i32 to index
        %get3A_601 = arith.constant 48 : index
        %get3A_602 = tpu.vector_load %arg6[%get3A_599, %get3A_600, %get3A_601] {strides = array<i32>} : memref<4x208x64xf32, #tpu.memory_space<vmem>>, vector<1x1x16xf32>,
        %get3A_603 = vector.shape_cast %get3A_602 : vector<1x1x16xf32> to vector<16xf32>
        %add3A_604 = arith.addf %add3A_516, %get3A_603 : vector<16xf32>
        %mul3A_605 = arith.constant 16 : i32
        %mul3A_606 = arith.muli %mul3A_605, %scan3A_245 : i32
        %add3A_607 = arith.constant 8 : i32
        %add3A_608 = arith.addi %mul3A_606, %add3A_607 : i32
        %get3A_609 = arith.constant 2 : i32
        %get3A_610 = arith.index_cast %get3A_609 : i32 to index
        %get3A_611 = arith.index_cast %add3A_608 : i32 to index
        %get3A_612 = arith.constant 0 : index
        %get3A_613 = tpu.vector_load %arg6[%get3A_610, %get3A_611, %get3A_612] {strides = array<i32>} : memref<4x208x64xf32, #tpu.memory_space<vmem>>, vector<1x1x16xf32>,
        %get3A_614 = vector.shape_cast %get3A_613 : vector<1x1x16xf32> to vector<16xf32>
        %add3A_615 = arith.addf %add3A_527, %get3A_614 : vector<16xf32>
        %mul3A_616 = arith.constant 16 : i32
        %mul3A_617 = arith.muli %mul3A_616, %scan3A_245 : i32
        %add3A_618 = arith.constant 8 : i32
        %add3A_619 = arith.addi %mul3A_617, %add3A_618 : i32
        %get3A_620 = arith.constant 2 : i32
        %get3A_621 = arith.index_cast %get3A_620 : i32 to index
        %get3A_622 = arith.index_cast %add3A_619 : i32 to index
        %get3A_623 = arith.constant 16 : index
        %get3A_624 = tpu.vector_load %arg6[%get3A_621, %get3A_622, %get3A_623] {strides = array<i32>} : memref<4x208x64xf32, #tpu.memory_space<vmem>>, vector<1x1x16xf32>,
        %get3A_625 = vector.shape_cast %get3A_624 : vector<1x1x16xf32> to vector<16xf32>
        %add3A_626 = arith.addf %add3A_538, %get3A_625 : vector<16xf32>
        %mul3A_627 = arith.constant 16 : i32
        %mul3A_628 = arith.muli %mul3A_627, %scan3A_245 : i32
        %add3A_629 = arith.constant 8 : i32
        %add3A_630 = arith.addi %mul3A_628, %add3A_629 : i32
        %get3A_631 = arith.constant 2 : i32
        %get3A_632 = arith.index_cast %get3A_631 : i32 to index
        %get3A_633 = arith.index_cast %add3A_630 : i32 to index
        %get3A_634 = arith.constant 32 : index
        %get3A_635 = tpu.vector_load %arg6[%get3A_632, %get3A_633, %get3A_634] {strides = array<i32>} : memref<4x208x64xf32, #tpu.memory_space<vmem>>, vector<1x1x16xf32>,
        %get3A_636 = vector.shape_cast %get3A_635 : vector<1x1x16xf32> to vector<16xf32>
        %add3A_637 = arith.addf %add3A_549, %get3A_636 : vector<16xf32>
        %mul3A_638 = arith.constant 16 : i32
        %mul3A_639 = arith.muli %mul3A_638, %scan3A_245 : i32
        %add3A_640 = arith.constant 8 : i32
        %add3A_641 = arith.addi %mul3A_639, %add3A_640 : i32
        %get3A_642 = arith.constant 2 : i32
        %get3A_643 = arith.index_cast %get3A_642 : i32 to index
        %get3A_644 = arith.index_cast %add3A_641 : i32 to index
        %get3A_645 = arith.constant 48 : index
        %get3A_646 = tpu.vector_load %arg6[%get3A_643, %get3A_644, %get3A_645] {strides = array<i32>} : memref<4x208x64xf32, #tpu.memory_space<vmem>>, vector<1x1x16xf32>,
        %get3A_647 = vector.shape_cast %get3A_646 : vector<1x1x16xf32> to vector<16xf32>
        %add3A_648 = arith.addf %add3A_560, %get3A_647 : vector<16xf32>
        %mul3A_649 = arith.constant 16 : i32
        %mul3A_650 = arith.muli %mul3A_649, %scan3A_245 : i32
        %add3A_651 = arith.constant 9 : i32
        %add3A_652 = arith.addi %mul3A_650, %add3A_651 : i32
        %get3A_653 = arith.constant 2 : i32
        %get3A_654 = arith.index_cast %get3A_653 : i32 to index
        %get3A_655 = arith.index_cast %add3A_652 : i32 to index
        %get3A_656 = arith.constant 0 : index
        %get3A_657 = tpu.vector_load %arg6[%get3A_654, %get3A_655, %get3A_656] {strides = array<i32>} : memref<4x208x64xf32, #tpu.memory_space<vmem>>, vector<1x1x16xf32>,
        %get3A_658 = vector.shape_cast %get3A_657 : vector<1x1x16xf32> to vector<16xf32>
        %add3A_659 = arith.addf %add3A_571, %get3A_658 : vector<16xf32>
        %mul3A_660 = arith.constant 16 : i32
        %mul3A_661 = arith.muli %mul3A_660, %scan3A_245 : i32
        %add3A_662 = arith.constant 9 : i32
        %add3A_663 = arith.addi %mul3A_661, %add3A_662 : i32
        %get3A_664 = arith.constant 2 : i32
        %get3A_665 = arith.index_cast %get3A_664 : i32 to index
        %get3A_666 = arith.index_cast %add3A_663 : i32 to index
        %get3A_667 = arith.constant 16 : index
        %get3A_668 = tpu.vector_load %arg6[%get3A_665, %get3A_666, %get3A_667] {strides = array<i32>} : memref<4x208x64xf32, #tpu.memory_space<vmem>>, vector<1x1x16xf32>,
        %get3A_669 = vector.shape_cast %get3A_668 : vector<1x1x16xf32> to vector<16xf32>
        %add3A_670 = arith.addf %add3A_582, %get3A_669 : vector<16xf32>
        %mul3A_671 = arith.constant 16 : i32
        %mul3A_672 = arith.muli %mul3A_671, %scan3A_245 : i32
        %add3A_673 = arith.constant 9 : i32
        %add3A_674 = arith.addi %mul3A_672, %add3A_673 : i32
        %get3A_675 = arith.constant 2 : i32
        %get3A_676 = arith.index_cast %get3A_675 : i32 to index
        %get3A_677 = arith.index_cast %add3A_674 : i32 to index
        %get3A_678 = arith.constant 32 : index
        %get3A_679 = tpu.vector_load %arg6[%get3A_676, %get3A_677, %get3A_678] {strides = array<i32>} : memref<4x208x64xf32, #tpu.memory_space<vmem>>, vector<1x1x16xf32>,
        %get3A_680 = vector.shape_cast %get3A_679 : vector<1x1x16xf32> to vector<16xf32>
        %add3A_681 = arith.addf %add3A_593, %get3A_680 : vector<16xf32>
        %mul3A_682 = arith.constant 16 : i32
        %mul3A_683 = arith.muli %mul3A_682, %scan3A_245 : i32
        %add3A_684 = arith.constant 9 : i32
        %add3A_685 = arith.addi %mul3A_683, %add3A_684 : i32
        %get3A_686 = arith.constant 2 : i32
        %get3A_687 = arith.index_cast %get3A_686 : i32 to index
        %get3A_688 = arith.index_cast %add3A_685 : i32 to index
        %get3A_689 = arith.constant 48 : index
        %get3A_690 = tpu.vector_load %arg6[%get3A_687, %get3A_688, %get3A_689] {strides = array<i32>} : memref<4x208x64xf32, #tpu.memory_space<vmem>>, vector<1x1x16xf32>,
        %get3A_691 = vector.shape_cast %get3A_690 : vector<1x1x16xf32> to vector<16xf32>
        %add3A_692 = arith.addf %add3A_604, %get3A_691 : vector<16xf32>
        %mul3A_693 = arith.constant 16 : i32
        %mul3A_694 = arith.muli %mul3A_693, %scan3A_245 : i32
        %add3A_695 = arith.constant 10 : i32
        %add3A_696 = arith.addi %mul3A_694, %add3A_695 : i32
        %get3A_697 = arith.constant 2 : i32
        %get3A_698 = arith.index_cast %get3A_697 : i32 to index
        %get3A_699 = arith.index_cast %add3A_696 : i32 to index
        %get3A_700 = arith.constant 0 : index
        %get3A_701 = tpu.vector_load %arg6[%get3A_698, %get3A_699, %get3A_700] {strides = array<i32>} : memref<4x208x64xf32, #tpu.memory_space<vmem>>, vector<1x1x16xf32>,
        %get3A_702 = vector.shape_cast %get3A_701 : vector<1x1x16xf32> to vector<16xf32>
        %add3A_703 = arith.addf %add3A_615, %get3A_702 : vector<16xf32>
        %mul3A_704 = arith.constant 16 : i32
        %mul3A_705 = arith.muli %mul3A_704, %scan3A_245 : i32
        %add3A_706 = arith.constant 10 : i32
        %add3A_707 = arith.addi %mul3A_705, %add3A_706 : i32
        %get3A_708 = arith.constant 2 : i32
        %get3A_709 = arith.index_cast %get3A_708 : i32 to index
        %get3A_710 = arith.index_cast %add3A_707 : i32 to index
        %get3A_711 = arith.constant 16 : index
        %get3A_712 = tpu.vector_load %arg6[%get3A_709, %get3A_710, %get3A_711] {strides = array<i32>} : memref<4x208x64xf32, #tpu.memory_space<vmem>>, vector<1x1x16xf32>,
        %get3A_713 = vector.shape_cast %get3A_712 : vector<1x1x16xf32> to vector<16xf32>
        %add3A_714 = arith.addf %add3A_626, %get3A_713 : vector<16xf32>
        %mul3A_715 = arith.constant 16 : i32
        %mul3A_716 = arith.muli %mul3A_715, %scan3A_245 : i32
        %add3A_717 = arith.constant 10 : i32
        %add3A_718 = arith.addi %mul3A_716, %add3A_717 : i32
        %get3A_719 = arith.constant 2 : i32
        %get3A_720 = arith.index_cast %get3A_719 : i32 to index
        %get3A_721 = arith.index_cast %add3A_718 : i32 to index
        %get3A_722 = arith.constant 32 : index
        %get3A_723 = tpu.vector_load %arg6[%get3A_720, %get3A_721, %get3A_722] {strides = array<i32>} : memref<4x208x64xf32, #tpu.memory_space<vmem>>, vector<1x1x16xf32>,
        %get3A_724 = vector.shape_cast %get3A_723 : vector<1x1x16xf32> to vector<16xf32>
        %add3A_725 = arith.addf %add3A_637, %get3A_724 : vector<16xf32>
        %mul3A_726 = arith.constant 16 : i32
        %mul3A_727 = arith.muli %mul3A_726, %scan3A_245 : i32
        %add3A_728 = arith.constant 10 : i32
        %add3A_729 = arith.addi %mul3A_727, %add3A_728 : i32
        %get3A_730 = arith.constant 2 : i32
        %get3A_731 = arith.index_cast %get3A_730 : i32 to index
        %get3A_732 = arith.index_cast %add3A_729 : i32 to index
        %get3A_733 = arith.constant 48 : index
        %get3A_734 = tpu.vector_load %arg6[%get3A_731, %get3A_732, %get3A_733] {strides = array<i32>} : memref<4x208x64xf32, #tpu.memory_space<vmem>>, vector<1x1x16xf32>,
        %get3A_735 = vector.shape_cast %get3A_734 : vector<1x1x16xf32> to vector<16xf32>
        %add3A_736 = arith.addf %add3A_648, %get3A_735 : vector<16xf32>
        %mul3A_737 = arith.constant 16 : i32
        %mul3A_738 = arith.muli %mul3A_737, %scan3A_245 : i32
        %add3A_739 = arith.constant 11 : i32
        %add3A_740 = arith.addi %mul3A_738, %add3A_739 : i32
        %get3A_741 = arith.constant 2 : i32
        %get3A_742 = arith.index_cast %get3A_741 : i32 to index
        %get3A_743 = arith.index_cast %add3A_740 : i32 to index
        %get3A_744 = arith.constant 0 : index
        %get3A_745 = tpu.vector_load %arg6[%get3A_742, %get3A_743, %get3A_744] {strides = array<i32>} : memref<4x208x64xf32, #tpu.memory_space<vmem>>, vector<1x1x16xf32>,
        %get3A_746 = vector.shape_cast %get3A_745 : vector<1x1x16xf32> to vector<16xf32>
        %add3A_747 = arith.addf %add3A_659, %get3A_746 : vector<16xf32>
        %mul3A_748 = arith.constant 16 : i32
        %mul3A_749 = arith.muli %mul3A_748, %scan3A_245 : i32
        %add3A_750 = arith.constant 11 : i32
        %add3A_751 = arith.addi %mul3A_749, %add3A_750 : i32
        %get3A_752 = arith.constant 2 : i32
        %get3A_753 = arith.index_cast %get3A_752 : i32 to index
        %get3A_754 = arith.index_cast %add3A_751 : i32 to index
        %get3A_755 = arith.constant 16 : index
        %get3A_756 = tpu.vector_load %arg6[%get3A_753, %get3A_754, %get3A_755] {strides = array<i32>} : memref<4x208x64xf32, #tpu.memory_space<vmem>>, vector<1x1x16xf32>,
        %get3A_757 = vector.shape_cast %get3A_756 : vector<1x1x16xf32> to vector<16xf32>
        %add3A_758 = arith.addf %add3A_670, %get3A_757 : vector<16xf32>
        %mul3A_759 = arith.constant 16 : i32
        %mul3A_760 = arith.muli %mul3A_759, %scan3A_245 : i32
        %add3A_761 = arith.constant 11 : i32
        %add3A_762 = arith.addi %mul3A_760, %add3A_761 : i32
        %get3A_763 = arith.constant 2 : i32
        %get3A_764 = arith.index_cast %get3A_763 : i32 to index
        %get3A_765 = arith.index_cast %add3A_762 : i32 to index
        %get3A_766 = arith.constant 32 : index
        %get3A_767 = tpu.vector_load %arg6[%get3A_764, %get3A_765, %get3A_766] {strides = array<i32>} : memref<4x208x64xf32, #tpu.memory_space<vmem>>, vector<1x1x16xf32>,
        %get3A_768 = vector.shape_cast %get3A_767 : vector<1x1x16xf32> to vector<16xf32>
        %add3A_769 = arith.addf %add3A_681, %get3A_768 : vector<16xf32>
        %mul3A_770 = arith.constant 16 : i32
        %mul3A_771 = arith.muli %mul3A_770, %scan3A_245 : i32
        %add3A_772 = arith.constant 11 : i32
        %add3A_773 = arith.addi %mul3A_771, %add3A_772 : i32
        %get3A_774 = arith.constant 2 : i32
        %get3A_775 = arith.index_cast %get3A_774 : i32 to index
        %get3A_776 = arith.index_cast %add3A_773 : i32 to index
        %get3A_777 = arith.constant 48 : index
        %get3A_778 = tpu.vector_load %arg6[%get3A_775, %get3A_776, %get3A_777] {strides = array<i32>} : memref<4x208x64xf32, #tpu.memory_space<vmem>>, vector<1x1x16xf32>,
        %get3A_779 = vector.shape_cast %get3A_778 : vector<1x1x16xf32> to vector<16xf32>
        %add3A_780 = arith.addf %add3A_692, %get3A_779 : vector<16xf32>
        %mul3A_781 = arith.constant 16 : i32
        %mul3A_782 = arith.muli %mul3A_781, %scan3A_245 : i32
        %add3A_783 = arith.constant 12 : i32
        %add3A_784 = arith.addi %mul3A_782, %add3A_783 : i32
        %get3A_785 = arith.constant 2 : i32
        %get3A_786 = arith.index_cast %get3A_785 : i32 to index
        %get3A_787 = arith.index_cast %add3A_784 : i32 to index
        %get3A_788 = arith.constant 0 : index
        %get3A_789 = tpu.vector_load %arg6[%get3A_786, %get3A_787, %get3A_788] {strides = array<i32>} : memref<4x208x64xf32, #tpu.memory_space<vmem>>, vector<1x1x16xf32>,
        %get3A_790 = vector.shape_cast %get3A_789 : vector<1x1x16xf32> to vector<16xf32>
        %add3A_791 = arith.addf %add3A_703, %get3A_790 : vector<16xf32>
        %mul3A_792 = arith.constant 16 : i32
        %mul3A_793 = arith.muli %mul3A_792, %scan3A_245 : i32
        %add3A_794 = arith.constant 12 : i32
        %add3A_795 = arith.addi %mul3A_793, %add3A_794 : i32
        %get3A_796 = arith.constant 2 : i32
        %get3A_797 = arith.index_cast %get3A_796 : i32 to index
        %get3A_798 = arith.index_cast %add3A_795 : i32 to index
        %get3A_799 = arith.constant 16 : index
        %get3A_800 = tpu.vector_load %arg6[%get3A_797, %get3A_798, %get3A_799] {strides = array<i32>} : memref<4x208x64xf32, #tpu.memory_space<vmem>>, vector<1x1x16xf32>,
        %get3A_801 = vector.shape_cast %get3A_800 : vector<1x1x16xf32> to vector<16xf32>
        %add3A_802 = arith.addf %add3A_714, %get3A_801 : vector<16xf32>
        %mul3A_803 = arith.constant 16 : i32
        %mul3A_804 = arith.muli %mul3A_803, %scan3A_245 : i32
        %add3A_805 = arith.constant 12 : i32
        %add3A_806 = arith.addi %mul3A_804, %add3A_805 : i32
        %get3A_807 = arith.constant 2 : i32
        %get3A_808 = arith.index_cast %get3A_807 : i32 to index
        %get3A_809 = arith.index_cast %add3A_806 : i32 to index
        %get3A_810 = arith.constant 32 : index
        %get3A_811 = tpu.vector_load %arg6[%get3A_808, %get3A_809, %get3A_810] {strides = array<i32>} : memref<4x208x64xf32, #tpu.memory_space<vmem>>, vector<1x1x16xf32>,
        %get3A_812 = vector.shape_cast %get3A_811 : vector<1x1x16xf32> to vector<16xf32>
        %add3A_813 = arith.addf %add3A_725, %get3A_812 : vector<16xf32>
        %mul3A_814 = arith.constant 16 : i32
        %mul3A_815 = arith.muli %mul3A_814, %scan3A_245 : i32
        %add3A_816 = arith.constant 12 : i32
        %add3A_817 = arith.addi %mul3A_815, %add3A_816 : i32
        %get3A_818 = arith.constant 2 : i32
        %get3A_819 = arith.index_cast %get3A_818 : i32 to index
        %get3A_820 = arith.index_cast %add3A_817 : i32 to index
        %get3A_821 = arith.constant 48 : index
        %get3A_822 = tpu.vector_load %arg6[%get3A_819, %get3A_820, %get3A_821] {strides = array<i32>} : memref<4x208x64xf32, #tpu.memory_space<vmem>>, vector<1x1x16xf32>,
        %get3A_823 = vector.shape_cast %get3A_822 : vector<1x1x16xf32> to vector<16xf32>
        %add3A_824 = arith.addf %add3A_736, %get3A_823 : vector<16xf32>
        %mul3A_825 = arith.constant 16 : i32
        %mul3A_826 = arith.muli %mul3A_825, %scan3A_245 : i32
        %add3A_827 = arith.constant 13 : i32
        %add3A_828 = arith.addi %mul3A_826, %add3A_827 : i32
        %get3A_829 = arith.constant 2 : i32
        %get3A_830 = arith.index_cast %get3A_829 : i32 to index
        %get3A_831 = arith.index_cast %add3A_828 : i32 to index
        %get3A_832 = arith.constant 0 : index
        %get3A_833 = tpu.vector_load %arg6[%get3A_830, %get3A_831, %get3A_832] {strides = array<i32>} : memref<4x208x64xf32, #tpu.memory_space<vmem>>, vector<1x1x16xf32>,
        %get3A_834 = vector.shape_cast %get3A_833 : vector<1x1x16xf32> to vector<16xf32>
        %add3A_835 = arith.addf %add3A_747, %get3A_834 : vector<16xf32>
        %mul3A_836 = arith.constant 16 : i32
        %mul3A_837 = arith.muli %mul3A_836, %scan3A_245 : i32
        %add3A_838 = arith.constant 13 : i32
        %add3A_839 = arith.addi %mul3A_837, %add3A_838 : i32
        %get3A_840 = arith.constant 2 : i32
        %get3A_841 = arith.index_cast %get3A_840 : i32 to index
        %get3A_842 = arith.index_cast %add3A_839 : i32 to index
        %get3A_843 = arith.constant 16 : index
        %get3A_844 = tpu.vector_load %arg6[%get3A_841, %get3A_842, %get3A_843] {strides = array<i32>} : memref<4x208x64xf32, #tpu.memory_space<vmem>>, vector<1x1x16xf32>,
        %get3A_845 = vector.shape_cast %get3A_844 : vector<1x1x16xf32> to vector<16xf32>
        %add3A_846 = arith.addf %add3A_758, %get3A_845 : vector<16xf32>
        %mul3A_847 = arith.constant 16 : i32
        %mul3A_848 = arith.muli %mul3A_847, %scan3A_245 : i32
        %add3A_849 = arith.constant 13 : i32
        %add3A_850 = arith.addi %mul3A_848, %add3A_849 : i32
        %get3A_851 = arith.constant 2 : i32
        %get3A_852 = arith.index_cast %get3A_851 : i32 to index
        %get3A_853 = arith.index_cast %add3A_850 : i32 to index
        %get3A_854 = arith.constant 32 : index
        %get3A_855 = tpu.vector_load %arg6[%get3A_852, %get3A_853, %get3A_854] {strides = array<i32>} : memref<4x208x64xf32, #tpu.memory_space<vmem>>, vector<1x1x16xf32>,
        %get3A_856 = vector.shape_cast %get3A_855 : vector<1x1x16xf32> to vector<16xf32>
        %add3A_857 = arith.addf %add3A_769, %get3A_856 : vector<16xf32>
        %mul3A_858 = arith.constant 16 : i32
        %mul3A_859 = arith.muli %mul3A_858, %scan3A_245 : i32
        %add3A_860 = arith.constant 13 : i32
        %add3A_861 = arith.addi %mul3A_859, %add3A_860 : i32
        %get3A_862 = arith.constant 2 : i32
        %get3A_863 = arith.index_cast %get3A_862 : i32 to index
        %get3A_864 = arith.index_cast %add3A_861 : i32 to index
        %get3A_865 = arith.constant 48 : index
        %get3A_866 = tpu.vector_load %arg6[%get3A_863, %get3A_864, %get3A_865] {strides = array<i32>} : memref<4x208x64xf32, #tpu.memory_space<vmem>>, vector<1x1x16xf32>,
        %get3A_867 = vector.shape_cast %get3A_866 : vector<1x1x16xf32> to vector<16xf32>
        %add3A_868 = arith.addf %add3A_780, %get3A_867 : vector<16xf32>
        %mul3A_869 = arith.constant 16 : i32
        %mul3A_870 = arith.muli %mul3A_869, %scan3A_245 : i32
        %add3A_871 = arith.constant 14 : i32
        %add3A_872 = arith.addi %mul3A_870, %add3A_871 : i32
        %get3A_873 = arith.constant 2 : i32
        %get3A_874 = arith.index_cast %get3A_873 : i32 to index
        %get3A_875 = arith.index_cast %add3A_872 : i32 to index
        %get3A_876 = arith.constant 0 : index
        %get3A_877 = tpu.vector_load %arg6[%get3A_874, %get3A_875, %get3A_876] {strides = array<i32>} : memref<4x208x64xf32, #tpu.memory_space<vmem>>, vector<1x1x16xf32>,
        %get3A_878 = vector.shape_cast %get3A_877 : vector<1x1x16xf32> to vector<16xf32>
        %add3A_879 = arith.addf %add3A_791, %get3A_878 : vector<16xf32>
        %mul3A_880 = arith.constant 16 : i32
        %mul3A_881 = arith.muli %mul3A_880, %scan3A_245 : i32
        %add3A_882 = arith.constant 14 : i32
        %add3A_883 = arith.addi %mul3A_881, %add3A_882 : i32
        %get3A_884 = arith.constant 2 : i32
        %get3A_885 = arith.index_cast %get3A_884 : i32 to index
        %get3A_886 = arith.index_cast %add3A_883 : i32 to index
        %get3A_887 = arith.constant 16 : index
        %get3A_888 = tpu.vector_load %arg6[%get3A_885, %get3A_886, %get3A_887] {strides = array<i32>} : memref<4x208x64xf32, #tpu.memory_space<vmem>>, vector<1x1x16xf32>,
        %get3A_889 = vector.shape_cast %get3A_888 : vector<1x1x16xf32> to vector<16xf32>
        %add3A_890 = arith.addf %add3A_802, %get3A_889 : vector<16xf32>
        %mul3A_891 = arith.constant 16 : i32
        %mul3A_892 = arith.muli %mul3A_891, %scan3A_245 : i32
        %add3A_893 = arith.constant 14 : i32
        %add3A_894 = arith.addi %mul3A_892, %add3A_893 : i32
        %get3A_895 = arith.constant 2 : i32
        %get3A_896 = arith.index_cast %get3A_895 : i32 to index
        %get3A_897 = arith.index_cast %add3A_894 : i32 to index
        %get3A_898 = arith.constant 32 : index
        %get3A_899 = tpu.vector_load %arg6[%get3A_896, %get3A_897, %get3A_898] {strides = array<i32>} : memref<4x208x64xf32, #tpu.memory_space<vmem>>, vector<1x1x16xf32>,
        %get3A_900 = vector.shape_cast %get3A_899 : vector<1x1x16xf32> to vector<16xf32>
        %add3A_901 = arith.addf %add3A_813, %get3A_900 : vector<16xf32>
        %mul3A_902 = arith.constant 16 : i32
        %mul3A_903 = arith.muli %mul3A_902, %scan3A_245 : i32
        %add3A_904 = arith.constant 14 : i32
        %add3A_905 = arith.addi %mul3A_903, %add3A_904 : i32
        %get3A_906 = arith.constant 2 : i32
        %get3A_907 = arith.index_cast %get3A_906 : i32 to index
        %get3A_908 = arith.index_cast %add3A_905 : i32 to index
        %get3A_909 = arith.constant 48 : index
        %get3A_910 = tpu.vector_load %arg6[%get3A_907, %get3A_908, %get3A_909] {strides = array<i32>} : memref<4x208x64xf32, #tpu.memory_space<vmem>>, vector<1x1x16xf32>,
        %get3A_911 = vector.shape_cast %get3A_910 : vector<1x1x16xf32> to vector<16xf32>
        %add3A_912 = arith.addf %add3A_824, %get3A_911 : vector<16xf32>
        %mul3A_913 = arith.constant 16 : i32
        %mul3A_914 = arith.muli %mul3A_913, %scan3A_245 : i32
        %add3A_915 = arith.constant 15 : i32
        %add3A_916 = arith.addi %mul3A_914, %add3A_915 : i32
        %get3A_917 = arith.constant 2 : i32
        %get3A_918 = arith.index_cast %get3A_917 : i32 to index
        %get3A_919 = arith.index_cast %add3A_916 : i32 to index
        %get3A_920 = arith.constant 0 : index
        %get3A_921 = tpu.vector_load %arg6[%get3A_918, %get3A_919, %get3A_920] {strides = array<i32>} : memref<4x208x64xf32, #tpu.memory_space<vmem>>, vector<1x1x16xf32>,
        %get3A_922 = vector.shape_cast %get3A_921 : vector<1x1x16xf32> to vector<16xf32>
        %add3A_923 = arith.addf %add3A_835, %get3A_922 : vector<16xf32>
        %mul3A_924 = arith.constant 16 : i32
        %mul3A_925 = arith.muli %mul3A_924, %scan3A_245 : i32
        %add3A_926 = arith.constant 15 : i32
        %add3A_927 = arith.addi %mul3A_925, %add3A_926 : i32
        %get3A_928 = arith.constant 2 : i32
        %get3A_929 = arith.index_cast %get3A_928 : i32 to index
        %get3A_930 = arith.index_cast %add3A_927 : i32 to index
        %get3A_931 = arith.constant 16 : index
        %get3A_932 = tpu.vector_load %arg6[%get3A_929, %get3A_930, %get3A_931] {strides = array<i32>} : memref<4x208x64xf32, #tpu.memory_space<vmem>>, vector<1x1x16xf32>,
        %get3A_933 = vector.shape_cast %get3A_932 : vector<1x1x16xf32> to vector<16xf32>
        %add3A_934 = arith.addf %add3A_846, %get3A_933 : vector<16xf32>
        %mul3A_935 = arith.constant 16 : i32
        %mul3A_936 = arith.muli %mul3A_935, %scan3A_245 : i32
        %add3A_937 = arith.constant 15 : i32
        %add3A_938 = arith.addi %mul3A_936, %add3A_937 : i32
        %get3A_939 = arith.constant 2 : i32
        %get3A_940 = arith.index_cast %get3A_939 : i32 to index
        %get3A_941 = arith.index_cast %add3A_938 : i32 to index
        %get3A_942 = arith.constant 32 : index
        %get3A_943 = tpu.vector_load %arg6[%get3A_940, %get3A_941, %get3A_942] {strides = array<i32>} : memref<4x208x64xf32, #tpu.memory_space<vmem>>, vector<1x1x16xf32>,
        %get3A_944 = vector.shape_cast %get3A_943 : vector<1x1x16xf32> to vector<16xf32>
        %add3A_945 = arith.addf %add3A_857, %get3A_944 : vector<16xf32>
        %mul3A_946 = arith.constant 16 : i32
        %mul3A_947 = arith.muli %mul3A_946, %scan3A_245 : i32
        %add3A_948 = arith.constant 15 : i32
        %add3A_949 = arith.addi %mul3A_947, %add3A_948 : i32
        %get3A_950 = arith.constant 2 : i32
        %get3A_951 = arith.index_cast %get3A_950 : i32 to index
        %get3A_952 = arith.index_cast %add3A_949 : i32 to index
        %get3A_953 = arith.constant 48 : index
        %get3A_954 = tpu.vector_load %arg6[%get3A_951, %get3A_952, %get3A_953] {strides = array<i32>} : memref<4x208x64xf32, #tpu.memory_space<vmem>>, vector<1x1x16xf32>,
        %get3A_955 = vector.shape_cast %get3A_954 : vector<1x1x16xf32> to vector<16xf32>
        %add3A_956 = arith.addf %add3A_868, %get3A_955 : vector<16xf32>
        scf.yield %add3A_879, %add3A_890, %add3A_901, %add3A_912, %add3A_923, %add3A_934, %add3A_945, %add3A_956 : vector<16xf32>, vector<16xf32>, vector<16xf32>, vector<16xf32>, vector<16xf32>, vector<16xf32>, vector<16xf32>, vector<16xf32>
      }
      %scan3A_161 = arith.constant 13 : i32
      %add3A_162 = arith.addf %scan3A_160#0, %scan3A_160#4 : vector<16xf32>
      %swap3A_163 = arith.index_cast %add3A_140 : i32 to index
      %swap3A_164 = arith.constant 0 : index
      %swap3A_165 = tpu.vector_load %arg7[%swap3A_163, %swap3A_164] {strides = array<i32>} : memref<128x64xf32, #tpu.memory_space<vmem>>, vector<1x16xf32>,
      %swap3A_166 = vector.shape_cast %swap3A_165 : vector<1x16xf32> to vector<16xf32>
      %swap3A_167 = vector.shape_cast %add3A_162 : vector<16xf32> to vector<1x16xf32>
      tpu.vector_store %arg7[%swap3A_163, %swap3A_164], %swap3A_167 {strides = array<i32>} : memref<128x64xf32, #tpu.memory_space<vmem>>, vector<1x16xf32>,
      %add3A_168 = arith.addf %scan3A_160#1, %scan3A_160#5 : vector<16xf32>
      %swap3A_169 = arith.index_cast %add3A_140 : i32 to index
      %swap3A_170 = arith.constant 16 : index
      %swap3A_171 = tpu.vector_load %arg7[%swap3A_169, %swap3A_170] {strides = array<i32>} : memref<128x64xf32, #tpu.memory_space<vmem>>, vector<1x16xf32>,
      %swap3A_172 = vector.shape_cast %swap3A_171 : vector<1x16xf32> to vector<16xf32>
      %swap3A_173 = vector.shape_cast %add3A_168 : vector<16xf32> to vector<1x16xf32>
      tpu.vector_store %arg7[%swap3A_169, %swap3A_170], %swap3A_173 {strides = array<i32>} : memref<128x64xf32, #tpu.memory_space<vmem>>, vector<1x16xf32>,
      %add3A_174 = arith.addf %scan3A_160#2, %scan3A_160#6 : vector<16xf32>
      %swap3A_175 = arith.index_cast %add3A_140 : i32 to index
      %swap3A_176 = arith.constant 32 : index
      %swap3A_177 = tpu.vector_load %arg7[%swap3A_175, %swap3A_176] {strides = array<i32>} : memref<128x64xf32, #tpu.memory_space<vmem>>, vector<1x16xf32>,
      %swap3A_178 = vector.shape_cast %swap3A_177 : vector<1x16xf32> to vector<16xf32>
      %swap3A_179 = vector.shape_cast %add3A_174 : vector<16xf32> to vector<1x16xf32>
      tpu.vector_store %arg7[%swap3A_175, %swap3A_176], %swap3A_179 {strides = array<i32>} : memref<128x64xf32, #tpu.memory_space<vmem>>, vector<1x16xf32>,
      %add3A_180 = arith.addf %scan3A_160#3, %scan3A_160#7 : vector<16xf32>
      %swap3A_181 = arith.index_cast %add3A_140 : i32 to index
      %swap3A_182 = arith.constant 48 : index
      %swap3A_183 = tpu.vector_load %arg7[%swap3A_181, %swap3A_182] {strides = array<i32>} : memref<128x64xf32, #tpu.memory_space<vmem>>, vector<1x16xf32>,
      %swap3A_184 = vector.shape_cast %swap3A_183 : vector<1x16xf32> to vector<16xf32>
      %swap3A_185 = vector.shape_cast %add3A_180 : vector<16xf32> to vector<1x16xf32>
      tpu.vector_store %arg7[%swap3A_181, %swap3A_182], %swap3A_185 {strides = array<i32>} : memref<128x64xf32, #tpu.memory_space<vmem>>, vector<1x16xf32>,
      %lt3A_186 = arith.constant 31 : i32
      %lt3A_187 = arith.cmpi slt, %scan3A_33, %lt3A_186 : i32
      %convert_element_type3A_188 = arith.extui %lt3A_187 : i1 to i32
      %cond3A_189 = arith.constant 0 : i32
      %cond3A_190 = arith.cmpi ne, %convert_element_type3A_188, %cond3A_189 : i32
      scf.if %cond3A_190 {
        %add3A_245 = arith.constant 4 : i32
        %add3A_246 = arith.addi %add3A_140, %add3A_245 : i32
        %scan3A_247 = arith.constant 0 : i32
        %scan3A_248 = arith.constant 0 : i32
        %scan3A_249 = arith.constant 13 : i32
        %scan3A_250 = arith.addi %scan3A_248, %scan3A_249 : i32
        %scan3A_251 = arith.constant 1 : i32
        scf.for %scan3A_253 = %scan3A_248 to %scan3A_250 step %scan3A_251  : i32 {
          %mul3A_254 = arith.constant 16 : i32
          %mul3A_255 = arith.muli %mul3A_254, %scan3A_253 : i32
          %get3A = arith.index_cast %add3A_246 : i32 to index
          %get3A_256 = arith.index_cast %mul3A_255 : i32 to index
          %get3A_257 = tpu.vector_load %arg5[%get3A, %get3A_256] {strides = array<i32>} : memref<128x208xi32, #tpu.memory_space<vmem>>, vector<1x16xi32>,
          %get3A_258 = vector.shape_cast %get3A_257 : vector<1x16xi32> to vector<16xi32>
          %mul3A_259 = arith.constant 16 : i32
          %mul3A_260 = arith.muli %mul3A_259, %scan3A_253 : i32
          %dma_start3A = arith.constant 2 : i32
          %dma_start3A_261 = arith.constant 0 : i32
          %dma_start3A_262 = tpu.memref_slice %arg6[%dma_start3A, %mul3A_260, %dma_start3A_261] : memref<4x208x64xf32, #tpu.memory_space<vmem>> -> memref<1x16x64xf32, #tpu.memory_space<vmem>>
          %dma_start3A_263 = tpu.memref_squeeze %dma_start3A_262 : memref<1x16x64xf32, #tpu.memory_space<vmem>> -> memref<16x64xf32, #tpu.memory_space<vmem>>
          %dma_start3A_264 = arith.constant 0 : i32
          %dma_start3A_265 = arith.constant 0 : i32
          %dma_start3A_266 = tpu.memref_slice %arg3[%dma_start3A_264, %dma_start3A_265] : memref<1000000x64xf32, #tpu.memory_space<hbm>> -> memref<1000000x64xf32, #tpu.memory_space<hbm>>
          tpu.enqueue_indirect_dma source(%dma_start3A_266 : memref<1000000x64xf32, #tpu.memory_space<hbm>>) target(%dma_start3A_263 : memref<16x64xf32, #tpu.memory_space<vmem>>) offsets(%get3A_258 : vector<16xi32>) semaphore(%arg10 : memref<!tpu.dma_semaphore, #tpu.memory_space<semaphore_mem>>)
        }
        %scan3A_252 = arith.constant 13 : i32
      } else {
      }
      %mul3A_191 = arith.constant 4 : i32
      %mul3A_192 = arith.muli %mul3A_191, %scan3A_33 : i32
      %add3A_193 = arith.constant 3 : i32
      %add3A_194 = arith.addi %mul3A_192, %add3A_193 : i32
      %dma_wait3A_195 = arith.constant 3 : i32
      %dma_wait3A_196 = arith.constant 0 : i32
      %dma_wait3A_197 = arith.constant 0 : i32
      %dma_wait3A_198 = tpu.memref_slice %arg6[%dma_wait3A_195, %dma_wait3A_196, %dma_wait3A_197] : memref<4x208x64xf32, #tpu.memory_space<vmem>> -> memref<1x208x64xf32, #tpu.memory_space<vmem>>
      %dma_wait3A_199 = tpu.memref_squeeze %dma_wait3A_198 : memref<1x208x64xf32, #tpu.memory_space<vmem>> -> memref<208x64xf32, #tpu.memory_space<vmem>>
      %dma_wait3A_200 = arith.constant 0 : i32
      %dma_wait3A_201 = arith.constant 0 : i32
      %dma_wait3A_202 = tpu.memref_slice %arg3[%dma_wait3A_200, %dma_wait3A_201] : memref<1000000x64xf32, #tpu.memory_space<hbm>> -> memref<208x64xf32, #tpu.memory_space<hbm>>
      %dma_wait3A_203 = arith.constant 0 : i32
      %dma_wait3A_204 = arith.constant 0 : i32
      %dma_wait3A_205 = tpu.memref_slice %arg6[%dma_wait3A_195, %dma_wait3A_203, %dma_wait3A_204] : memref<4x208x64xf32, #tpu.memory_space<vmem>> -> memref<1x208x64xf32, #tpu.memory_space<vmem>>
      %dma_wait3A_206 = tpu.memref_squeeze %dma_wait3A_205 : memref<1x208x64xf32, #tpu.memory_space<vmem>> -> memref<208x64xf32, #tpu.memory_space<vmem>>
      %dma_wait3A_207 = arith.constant 0 : i32
      %dma_wait3A_208 = arith.constant 0 : i32
      %dma_wait3A_209 = tpu.memref_slice %arg3[%dma_wait3A_207, %dma_wait3A_208] : memref<1000000x64xf32, #tpu.memory_space<hbm>> -> memref<208x64xf32, #tpu.memory_space<hbm>>
      tpu.wait_dma2 semaphore(%arg11 : memref<!tpu.dma_semaphore, #tpu.memory_space<semaphore_mem>>) src(%dma_wait3A_209 : memref<208x64xf32, #tpu.memory_space<hbm>>) dst(%dma_wait3A_206 : memref<208x64xf32, #tpu.memory_space<vmem>>)
      %scan3A_210 = arith.constant 0 : i32
      %scan3A_211 = arith.constant 13 : i32
      %scan3A_212 = arith.addi %scan3A_210, %scan3A_211 : i32
      %scan3A_213 = arith.constant 1 : i32
      %scan3A_214:8 = scf.for %scan3A_245 = %scan3A_210 to %scan3A_212 step %scan3A_213 iter_args(%scan3A_246 = %broadcast_in_dim3A_3, %scan3A_247 = %broadcast_in_dim3A_3, %scan3A_248 = %broadcast_in_dim3A_3, %scan3A_249 = %broadcast_in_dim3A_3, %scan3A_250 = %broadcast_in_dim3A_3, %scan3A_251 = %broadcast_in_dim3A_3, %scan3A_252 = %broadcast_in_dim3A_3, %scan3A_253 = %broadcast_in_dim3A_3) -> (vector<16xf32>, vector<16xf32>, vector<16xf32>, vector<16xf32>, vector<16xf32>, vector<16xf32>, vector<16xf32>, vector<16xf32>)  : i32 {
        %mul3A_254 = arith.constant 16 : i32
        %mul3A_255 = arith.muli %mul3A_254, %scan3A_245 : i32
        %add3A_256 = arith.constant 0 : i32
        %add3A_257 = arith.addi %mul3A_255, %add3A_256 : i32
        %get3A = arith.constant 3 : i32
        %get3A_258 = arith.index_cast %get3A : i32 to index
        %get3A_259 = arith.index_cast %add3A_257 : i32 to index
        %get3A_260 = arith.constant 0 : index
        %get3A_261 = tpu.vector_load %arg6[%get3A_258, %get3A_259, %get3A_260] {strides = array<i32>} : memref<4x208x64xf32, #tpu.memory_space<vmem>>, vector<1x1x16xf32>,
        %get3A_262 = vector.shape_cast %get3A_261 : vector<1x1x16xf32> to vector<16xf32>
        %add3A_263 = arith.addf %scan3A_246, %get3A_262 : vector<16xf32>
        %mul3A_264 = arith.constant 16 : i32
        %mul3A_265 = arith.muli %mul3A_264, %scan3A_245 : i32
        %add3A_266 = arith.constant 0 : i32
        %add3A_267 = arith.addi %mul3A_265, %add3A_266 : i32
        %get3A_268 = arith.constant 3 : i32
        %get3A_269 = arith.index_cast %get3A_268 : i32 to index
        %get3A_270 = arith.index_cast %add3A_267 : i32 to index
        %get3A_271 = arith.constant 16 : index
        %get3A_272 = tpu.vector_load %arg6[%get3A_269, %get3A_270, %get3A_271] {strides = array<i32>} : memref<4x208x64xf32, #tpu.memory_space<vmem>>, vector<1x1x16xf32>,
        %get3A_273 = vector.shape_cast %get3A_272 : vector<1x1x16xf32> to vector<16xf32>
        %add3A_274 = arith.addf %scan3A_247, %get3A_273 : vector<16xf32>
        %mul3A_275 = arith.constant 16 : i32
        %mul3A_276 = arith.muli %mul3A_275, %scan3A_245 : i32
        %add3A_277 = arith.constant 0 : i32
        %add3A_278 = arith.addi %mul3A_276, %add3A_277 : i32
        %get3A_279 = arith.constant 3 : i32
        %get3A_280 = arith.index_cast %get3A_279 : i32 to index
        %get3A_281 = arith.index_cast %add3A_278 : i32 to index
        %get3A_282 = arith.constant 32 : index
        %get3A_283 = tpu.vector_load %arg6[%get3A_280, %get3A_281, %get3A_282] {strides = array<i32>} : memref<4x208x64xf32, #tpu.memory_space<vmem>>, vector<1x1x16xf32>,
        %get3A_284 = vector.shape_cast %get3A_283 : vector<1x1x16xf32> to vector<16xf32>
        %add3A_285 = arith.addf %scan3A_248, %get3A_284 : vector<16xf32>
        %mul3A_286 = arith.constant 16 : i32
        %mul3A_287 = arith.muli %mul3A_286, %scan3A_245 : i32
        %add3A_288 = arith.constant 0 : i32
        %add3A_289 = arith.addi %mul3A_287, %add3A_288 : i32
        %get3A_290 = arith.constant 3 : i32
        %get3A_291 = arith.index_cast %get3A_290 : i32 to index
        %get3A_292 = arith.index_cast %add3A_289 : i32 to index
        %get3A_293 = arith.constant 48 : index
        %get3A_294 = tpu.vector_load %arg6[%get3A_291, %get3A_292, %get3A_293] {strides = array<i32>} : memref<4x208x64xf32, #tpu.memory_space<vmem>>, vector<1x1x16xf32>,
        %get3A_295 = vector.shape_cast %get3A_294 : vector<1x1x16xf32> to vector<16xf32>
        %add3A_296 = arith.addf %scan3A_249, %get3A_295 : vector<16xf32>
        %mul3A_297 = arith.constant 16 : i32
        %mul3A_298 = arith.muli %mul3A_297, %scan3A_245 : i32
        %add3A_299 = arith.constant 1 : i32
        %add3A_300 = arith.addi %mul3A_298, %add3A_299 : i32
        %get3A_301 = arith.constant 3 : i32
        %get3A_302 = arith.index_cast %get3A_301 : i32 to index
        %get3A_303 = arith.index_cast %add3A_300 : i32 to index
        %get3A_304 = arith.constant 0 : index
        %get3A_305 = tpu.vector_load %arg6[%get3A_302, %get3A_303, %get3A_304] {strides = array<i32>} : memref<4x208x64xf32, #tpu.memory_space<vmem>>, vector<1x1x16xf32>,
        %get3A_306 = vector.shape_cast %get3A_305 : vector<1x1x16xf32> to vector<16xf32>
        %add3A_307 = arith.addf %scan3A_250, %get3A_306 : vector<16xf32>
        %mul3A_308 = arith.constant 16 : i32
        %mul3A_309 = arith.muli %mul3A_308, %scan3A_245 : i32
        %add3A_310 = arith.constant 1 : i32
        %add3A_311 = arith.addi %mul3A_309, %add3A_310 : i32
        %get3A_312 = arith.constant 3 : i32
        %get3A_313 = arith.index_cast %get3A_312 : i32 to index
        %get3A_314 = arith.index_cast %add3A_311 : i32 to index
        %get3A_315 = arith.constant 16 : index
        %get3A_316 = tpu.vector_load %arg6[%get3A_313, %get3A_314, %get3A_315] {strides = array<i32>} : memref<4x208x64xf32, #tpu.memory_space<vmem>>, vector<1x1x16xf32>,
        %get3A_317 = vector.shape_cast %get3A_316 : vector<1x1x16xf32> to vector<16xf32>
        %add3A_318 = arith.addf %scan3A_251, %get3A_317 : vector<16xf32>
        %mul3A_319 = arith.constant 16 : i32
        %mul3A_320 = arith.muli %mul3A_319, %scan3A_245 : i32
        %add3A_321 = arith.constant 1 : i32
        %add3A_322 = arith.addi %mul3A_320, %add3A_321 : i32
        %get3A_323 = arith.constant 3 : i32
        %get3A_324 = arith.index_cast %get3A_323 : i32 to index
        %get3A_325 = arith.index_cast %add3A_322 : i32 to index
        %get3A_326 = arith.constant 32 : index
        %get3A_327 = tpu.vector_load %arg6[%get3A_324, %get3A_325, %get3A_326] {strides = array<i32>} : memref<4x208x64xf32, #tpu.memory_space<vmem>>, vector<1x1x16xf32>,
        %get3A_328 = vector.shape_cast %get3A_327 : vector<1x1x16xf32> to vector<16xf32>
        %add3A_329 = arith.addf %scan3A_252, %get3A_328 : vector<16xf32>
        %mul3A_330 = arith.constant 16 : i32
        %mul3A_331 = arith.muli %mul3A_330, %scan3A_245 : i32
        %add3A_332 = arith.constant 1 : i32
        %add3A_333 = arith.addi %mul3A_331, %add3A_332 : i32
        %get3A_334 = arith.constant 3 : i32
        %get3A_335 = arith.index_cast %get3A_334 : i32 to index
        %get3A_336 = arith.index_cast %add3A_333 : i32 to index
        %get3A_337 = arith.constant 48 : index
        %get3A_338 = tpu.vector_load %arg6[%get3A_335, %get3A_336, %get3A_337] {strides = array<i32>} : memref<4x208x64xf32, #tpu.memory_space<vmem>>, vector<1x1x16xf32>,
        %get3A_339 = vector.shape_cast %get3A_338 : vector<1x1x16xf32> to vector<16xf32>
        %add3A_340 = arith.addf %scan3A_253, %get3A_339 : vector<16xf32>
        %mul3A_341 = arith.constant 16 : i32
        %mul3A_342 = arith.muli %mul3A_341, %scan3A_245 : i32
        %add3A_343 = arith.constant 2 : i32
        %add3A_344 = arith.addi %mul3A_342, %add3A_343 : i32
        %get3A_345 = arith.constant 3 : i32
        %get3A_346 = arith.index_cast %get3A_345 : i32 to index
        %get3A_347 = arith.index_cast %add3A_344 : i32 to index
        %get3A_348 = arith.constant 0 : index
        %get3A_349 = tpu.vector_load %arg6[%get3A_346, %get3A_347, %get3A_348] {strides = array<i32>} : memref<4x208x64xf32, #tpu.memory_space<vmem>>, vector<1x1x16xf32>,
        %get3A_350 = vector.shape_cast %get3A_349 : vector<1x1x16xf32> to vector<16xf32>
        %add3A_351 = arith.addf %add3A_263, %get3A_350 : vector<16xf32>
        %mul3A_352 = arith.constant 16 : i32
        %mul3A_353 = arith.muli %mul3A_352, %scan3A_245 : i32
        %add3A_354 = arith.constant 2 : i32
        %add3A_355 = arith.addi %mul3A_353, %add3A_354 : i32
        %get3A_356 = arith.constant 3 : i32
        %get3A_357 = arith.index_cast %get3A_356 : i32 to index
        %get3A_358 = arith.index_cast %add3A_355 : i32 to index
        %get3A_359 = arith.constant 16 : index
        %get3A_360 = tpu.vector_load %arg6[%get3A_357, %get3A_358, %get3A_359] {strides = array<i32>} : memref<4x208x64xf32, #tpu.memory_space<vmem>>, vector<1x1x16xf32>,
        %get3A_361 = vector.shape_cast %get3A_360 : vector<1x1x16xf32> to vector<16xf32>
        %add3A_362 = arith.addf %add3A_274, %get3A_361 : vector<16xf32>
        %mul3A_363 = arith.constant 16 : i32
        %mul3A_364 = arith.muli %mul3A_363, %scan3A_245 : i32
        %add3A_365 = arith.constant 2 : i32
        %add3A_366 = arith.addi %mul3A_364, %add3A_365 : i32
        %get3A_367 = arith.constant 3 : i32
        %get3A_368 = arith.index_cast %get3A_367 : i32 to index
        %get3A_369 = arith.index_cast %add3A_366 : i32 to index
        %get3A_370 = arith.constant 32 : index
        %get3A_371 = tpu.vector_load %arg6[%get3A_368, %get3A_369, %get3A_370] {strides = array<i32>} : memref<4x208x64xf32, #tpu.memory_space<vmem>>, vector<1x1x16xf32>,
        %get3A_372 = vector.shape_cast %get3A_371 : vector<1x1x16xf32> to vector<16xf32>
        %add3A_373 = arith.addf %add3A_285, %get3A_372 : vector<16xf32>
        %mul3A_374 = arith.constant 16 : i32
        %mul3A_375 = arith.muli %mul3A_374, %scan3A_245 : i32
        %add3A_376 = arith.constant 2 : i32
        %add3A_377 = arith.addi %mul3A_375, %add3A_376 : i32
        %get3A_378 = arith.constant 3 : i32
        %get3A_379 = arith.index_cast %get3A_378 : i32 to index
        %get3A_380 = arith.index_cast %add3A_377 : i32 to index
        %get3A_381 = arith.constant 48 : index
        %get3A_382 = tpu.vector_load %arg6[%get3A_379, %get3A_380, %get3A_381] {strides = array<i32>} : memref<4x208x64xf32, #tpu.memory_space<vmem>>, vector<1x1x16xf32>,
        %get3A_383 = vector.shape_cast %get3A_382 : vector<1x1x16xf32> to vector<16xf32>
        %add3A_384 = arith.addf %add3A_296, %get3A_383 : vector<16xf32>
        %mul3A_385 = arith.constant 16 : i32
        %mul3A_386 = arith.muli %mul3A_385, %scan3A_245 : i32
        %add3A_387 = arith.constant 3 : i32
        %add3A_388 = arith.addi %mul3A_386, %add3A_387 : i32
        %get3A_389 = arith.constant 3 : i32
        %get3A_390 = arith.index_cast %get3A_389 : i32 to index
        %get3A_391 = arith.index_cast %add3A_388 : i32 to index
        %get3A_392 = arith.constant 0 : index
        %get3A_393 = tpu.vector_load %arg6[%get3A_390, %get3A_391, %get3A_392] {strides = array<i32>} : memref<4x208x64xf32, #tpu.memory_space<vmem>>, vector<1x1x16xf32>,
        %get3A_394 = vector.shape_cast %get3A_393 : vector<1x1x16xf32> to vector<16xf32>
        %add3A_395 = arith.addf %add3A_307, %get3A_394 : vector<16xf32>
        %mul3A_396 = arith.constant 16 : i32
        %mul3A_397 = arith.muli %mul3A_396, %scan3A_245 : i32
        %add3A_398 = arith.constant 3 : i32
        %add3A_399 = arith.addi %mul3A_397, %add3A_398 : i32
        %get3A_400 = arith.constant 3 : i32
        %get3A_401 = arith.index_cast %get3A_400 : i32 to index
        %get3A_402 = arith.index_cast %add3A_399 : i32 to index
        %get3A_403 = arith.constant 16 : index
        %get3A_404 = tpu.vector_load %arg6[%get3A_401, %get3A_402, %get3A_403] {strides = array<i32>} : memref<4x208x64xf32, #tpu.memory_space<vmem>>, vector<1x1x16xf32>,
        %get3A_405 = vector.shape_cast %get3A_404 : vector<1x1x16xf32> to vector<16xf32>
        %add3A_406 = arith.addf %add3A_318, %get3A_405 : vector<16xf32>
        %mul3A_407 = arith.constant 16 : i32
        %mul3A_408 = arith.muli %mul3A_407, %scan3A_245 : i32
        %add3A_409 = arith.constant 3 : i32
        %add3A_410 = arith.addi %mul3A_408, %add3A_409 : i32
        %get3A_411 = arith.constant 3 : i32
        %get3A_412 = arith.index_cast %get3A_411 : i32 to index
        %get3A_413 = arith.index_cast %add3A_410 : i32 to index
        %get3A_414 = arith.constant 32 : index
        %get3A_415 = tpu.vector_load %arg6[%get3A_412, %get3A_413, %get3A_414] {strides = array<i32>} : memref<4x208x64xf32, #tpu.memory_space<vmem>>, vector<1x1x16xf32>,
        %get3A_416 = vector.shape_cast %get3A_415 : vector<1x1x16xf32> to vector<16xf32>
        %add3A_417 = arith.addf %add3A_329, %get3A_416 : vector<16xf32>
        %mul3A_418 = arith.constant 16 : i32
        %mul3A_419 = arith.muli %mul3A_418, %scan3A_245 : i32
        %add3A_420 = arith.constant 3 : i32
        %add3A_421 = arith.addi %mul3A_419, %add3A_420 : i32
        %get3A_422 = arith.constant 3 : i32
        %get3A_423 = arith.index_cast %get3A_422 : i32 to index
        %get3A_424 = arith.index_cast %add3A_421 : i32 to index
        %get3A_425 = arith.constant 48 : index
        %get3A_426 = tpu.vector_load %arg6[%get3A_423, %get3A_424, %get3A_425] {strides = array<i32>} : memref<4x208x64xf32, #tpu.memory_space<vmem>>, vector<1x1x16xf32>,
        %get3A_427 = vector.shape_cast %get3A_426 : vector<1x1x16xf32> to vector<16xf32>
        %add3A_428 = arith.addf %add3A_340, %get3A_427 : vector<16xf32>
        %mul3A_429 = arith.constant 16 : i32
        %mul3A_430 = arith.muli %mul3A_429, %scan3A_245 : i32
        %add3A_431 = arith.constant 4 : i32
        %add3A_432 = arith.addi %mul3A_430, %add3A_431 : i32
        %get3A_433 = arith.constant 3 : i32
        %get3A_434 = arith.index_cast %get3A_433 : i32 to index
        %get3A_435 = arith.index_cast %add3A_432 : i32 to index
        %get3A_436 = arith.constant 0 : index
        %get3A_437 = tpu.vector_load %arg6[%get3A_434, %get3A_435, %get3A_436] {strides = array<i32>} : memref<4x208x64xf32, #tpu.memory_space<vmem>>, vector<1x1x16xf32>,
        %get3A_438 = vector.shape_cast %get3A_437 : vector<1x1x16xf32> to vector<16xf32>
        %add3A_439 = arith.addf %add3A_351, %get3A_438 : vector<16xf32>
        %mul3A_440 = arith.constant 16 : i32
        %mul3A_441 = arith.muli %mul3A_440, %scan3A_245 : i32
        %add3A_442 = arith.constant 4 : i32
        %add3A_443 = arith.addi %mul3A_441, %add3A_442 : i32
        %get3A_444 = arith.constant 3 : i32
        %get3A_445 = arith.index_cast %get3A_444 : i32 to index
        %get3A_446 = arith.index_cast %add3A_443 : i32 to index
        %get3A_447 = arith.constant 16 : index
        %get3A_448 = tpu.vector_load %arg6[%get3A_445, %get3A_446, %get3A_447] {strides = array<i32>} : memref<4x208x64xf32, #tpu.memory_space<vmem>>, vector<1x1x16xf32>,
        %get3A_449 = vector.shape_cast %get3A_448 : vector<1x1x16xf32> to vector<16xf32>
        %add3A_450 = arith.addf %add3A_362, %get3A_449 : vector<16xf32>
        %mul3A_451 = arith.constant 16 : i32
        %mul3A_452 = arith.muli %mul3A_451, %scan3A_245 : i32
        %add3A_453 = arith.constant 4 : i32
        %add3A_454 = arith.addi %mul3A_452, %add3A_453 : i32
        %get3A_455 = arith.constant 3 : i32
        %get3A_456 = arith.index_cast %get3A_455 : i32 to index
        %get3A_457 = arith.index_cast %add3A_454 : i32 to index
        %get3A_458 = arith.constant 32 : index
        %get3A_459 = tpu.vector_load %arg6[%get3A_456, %get3A_457, %get3A_458] {strides = array<i32>} : memref<4x208x64xf32, #tpu.memory_space<vmem>>, vector<1x1x16xf32>,
        %get3A_460 = vector.shape_cast %get3A_459 : vector<1x1x16xf32> to vector<16xf32>
        %add3A_461 = arith.addf %add3A_373, %get3A_460 : vector<16xf32>
        %mul3A_462 = arith.constant 16 : i32
        %mul3A_463 = arith.muli %mul3A_462, %scan3A_245 : i32
        %add3A_464 = arith.constant 4 : i32
        %add3A_465 = arith.addi %mul3A_463, %add3A_464 : i32
        %get3A_466 = arith.constant 3 : i32
        %get3A_467 = arith.index_cast %get3A_466 : i32 to index
        %get3A_468 = arith.index_cast %add3A_465 : i32 to index
        %get3A_469 = arith.constant 48 : index
        %get3A_470 = tpu.vector_load %arg6[%get3A_467, %get3A_468, %get3A_469] {strides = array<i32>} : memref<4x208x64xf32, #tpu.memory_space<vmem>>, vector<1x1x16xf32>,
        %get3A_471 = vector.shape_cast %get3A_470 : vector<1x1x16xf32> to vector<16xf32>
        %add3A_472 = arith.addf %add3A_384, %get3A_471 : vector<16xf32>
        %mul3A_473 = arith.constant 16 : i32
        %mul3A_474 = arith.muli %mul3A_473, %scan3A_245 : i32
        %add3A_475 = arith.constant 5 : i32
        %add3A_476 = arith.addi %mul3A_474, %add3A_475 : i32
        %get3A_477 = arith.constant 3 : i32
        %get3A_478 = arith.index_cast %get3A_477 : i32 to index
        %get3A_479 = arith.index_cast %add3A_476 : i32 to index
        %get3A_480 = arith.constant 0 : index
        %get3A_481 = tpu.vector_load %arg6[%get3A_478, %get3A_479, %get3A_480] {strides = array<i32>} : memref<4x208x64xf32, #tpu.memory_space<vmem>>, vector<1x1x16xf32>,
        %get3A_482 = vector.shape_cast %get3A_481 : vector<1x1x16xf32> to vector<16xf32>
        %add3A_483 = arith.addf %add3A_395, %get3A_482 : vector<16xf32>
        %mul3A_484 = arith.constant 16 : i32
        %mul3A_485 = arith.muli %mul3A_484, %scan3A_245 : i32
        %add3A_486 = arith.constant 5 : i32
        %add3A_487 = arith.addi %mul3A_485, %add3A_486 : i32
        %get3A_488 = arith.constant 3 : i32
        %get3A_489 = arith.index_cast %get3A_488 : i32 to index
        %get3A_490 = arith.index_cast %add3A_487 : i32 to index
        %get3A_491 = arith.constant 16 : index
        %get3A_492 = tpu.vector_load %arg6[%get3A_489, %get3A_490, %get3A_491] {strides = array<i32>} : memref<4x208x64xf32, #tpu.memory_space<vmem>>, vector<1x1x16xf32>,
        %get3A_493 = vector.shape_cast %get3A_492 : vector<1x1x16xf32> to vector<16xf32>
        %add3A_494 = arith.addf %add3A_406, %get3A_493 : vector<16xf32>
        %mul3A_495 = arith.constant 16 : i32
        %mul3A_496 = arith.muli %mul3A_495, %scan3A_245 : i32
        %add3A_497 = arith.constant 5 : i32
        %add3A_498 = arith.addi %mul3A_496, %add3A_497 : i32
        %get3A_499 = arith.constant 3 : i32
        %get3A_500 = arith.index_cast %get3A_499 : i32 to index
        %get3A_501 = arith.index_cast %add3A_498 : i32 to index
        %get3A_502 = arith.constant 32 : index
        %get3A_503 = tpu.vector_load %arg6[%get3A_500, %get3A_501, %get3A_502] {strides = array<i32>} : memref<4x208x64xf32, #tpu.memory_space<vmem>>, vector<1x1x16xf32>,
        %get3A_504 = vector.shape_cast %get3A_503 : vector<1x1x16xf32> to vector<16xf32>
        %add3A_505 = arith.addf %add3A_417, %get3A_504 : vector<16xf32>
        %mul3A_506 = arith.constant 16 : i32
        %mul3A_507 = arith.muli %mul3A_506, %scan3A_245 : i32
        %add3A_508 = arith.constant 5 : i32
        %add3A_509 = arith.addi %mul3A_507, %add3A_508 : i32
        %get3A_510 = arith.constant 3 : i32
        %get3A_511 = arith.index_cast %get3A_510 : i32 to index
        %get3A_512 = arith.index_cast %add3A_509 : i32 to index
        %get3A_513 = arith.constant 48 : index
        %get3A_514 = tpu.vector_load %arg6[%get3A_511, %get3A_512, %get3A_513] {strides = array<i32>} : memref<4x208x64xf32, #tpu.memory_space<vmem>>, vector<1x1x16xf32>,
        %get3A_515 = vector.shape_cast %get3A_514 : vector<1x1x16xf32> to vector<16xf32>
        %add3A_516 = arith.addf %add3A_428, %get3A_515 : vector<16xf32>
        %mul3A_517 = arith.constant 16 : i32
        %mul3A_518 = arith.muli %mul3A_517, %scan3A_245 : i32
        %add3A_519 = arith.constant 6 : i32
        %add3A_520 = arith.addi %mul3A_518, %add3A_519 : i32
        %get3A_521 = arith.constant 3 : i32
        %get3A_522 = arith.index_cast %get3A_521 : i32 to index
        %get3A_523 = arith.index_cast %add3A_520 : i32 to index
        %get3A_524 = arith.constant 0 : index
        %get3A_525 = tpu.vector_load %arg6[%get3A_522, %get3A_523, %get3A_524] {strides = array<i32>} : memref<4x208x64xf32, #tpu.memory_space<vmem>>, vector<1x1x16xf32>,
        %get3A_526 = vector.shape_cast %get3A_525 : vector<1x1x16xf32> to vector<16xf32>
        %add3A_527 = arith.addf %add3A_439, %get3A_526 : vector<16xf32>
        %mul3A_528 = arith.constant 16 : i32
        %mul3A_529 = arith.muli %mul3A_528, %scan3A_245 : i32
        %add3A_530 = arith.constant 6 : i32
        %add3A_531 = arith.addi %mul3A_529, %add3A_530 : i32
        %get3A_532 = arith.constant 3 : i32
        %get3A_533 = arith.index_cast %get3A_532 : i32 to index
        %get3A_534 = arith.index_cast %add3A_531 : i32 to index
        %get3A_535 = arith.constant 16 : index
        %get3A_536 = tpu.vector_load %arg6[%get3A_533, %get3A_534, %get3A_535] {strides = array<i32>} : memref<4x208x64xf32, #tpu.memory_space<vmem>>, vector<1x1x16xf32>,
        %get3A_537 = vector.shape_cast %get3A_536 : vector<1x1x16xf32> to vector<16xf32>
        %add3A_538 = arith.addf %add3A_450, %get3A_537 : vector<16xf32>
        %mul3A_539 = arith.constant 16 : i32
        %mul3A_540 = arith.muli %mul3A_539, %scan3A_245 : i32
        %add3A_541 = arith.constant 6 : i32
        %add3A_542 = arith.addi %mul3A_540, %add3A_541 : i32
        %get3A_543 = arith.constant 3 : i32
        %get3A_544 = arith.index_cast %get3A_543 : i32 to index
        %get3A_545 = arith.index_cast %add3A_542 : i32 to index
        %get3A_546 = arith.constant 32 : index
        %get3A_547 = tpu.vector_load %arg6[%get3A_544, %get3A_545, %get3A_546] {strides = array<i32>} : memref<4x208x64xf32, #tpu.memory_space<vmem>>, vector<1x1x16xf32>,
        %get3A_548 = vector.shape_cast %get3A_547 : vector<1x1x16xf32> to vector<16xf32>
        %add3A_549 = arith.addf %add3A_461, %get3A_548 : vector<16xf32>
        %mul3A_550 = arith.constant 16 : i32
        %mul3A_551 = arith.muli %mul3A_550, %scan3A_245 : i32
        %add3A_552 = arith.constant 6 : i32
        %add3A_553 = arith.addi %mul3A_551, %add3A_552 : i32
        %get3A_554 = arith.constant 3 : i32
        %get3A_555 = arith.index_cast %get3A_554 : i32 to index
        %get3A_556 = arith.index_cast %add3A_553 : i32 to index
        %get3A_557 = arith.constant 48 : index
        %get3A_558 = tpu.vector_load %arg6[%get3A_555, %get3A_556, %get3A_557] {strides = array<i32>} : memref<4x208x64xf32, #tpu.memory_space<vmem>>, vector<1x1x16xf32>,
        %get3A_559 = vector.shape_cast %get3A_558 : vector<1x1x16xf32> to vector<16xf32>
        %add3A_560 = arith.addf %add3A_472, %get3A_559 : vector<16xf32>
        %mul3A_561 = arith.constant 16 : i32
        %mul3A_562 = arith.muli %mul3A_561, %scan3A_245 : i32
        %add3A_563 = arith.constant 7 : i32
        %add3A_564 = arith.addi %mul3A_562, %add3A_563 : i32
        %get3A_565 = arith.constant 3 : i32
        %get3A_566 = arith.index_cast %get3A_565 : i32 to index
        %get3A_567 = arith.index_cast %add3A_564 : i32 to index
        %get3A_568 = arith.constant 0 : index
        %get3A_569 = tpu.vector_load %arg6[%get3A_566, %get3A_567, %get3A_568] {strides = array<i32>} : memref<4x208x64xf32, #tpu.memory_space<vmem>>, vector<1x1x16xf32>,
        %get3A_570 = vector.shape_cast %get3A_569 : vector<1x1x16xf32> to vector<16xf32>
        %add3A_571 = arith.addf %add3A_483, %get3A_570 : vector<16xf32>
        %mul3A_572 = arith.constant 16 : i32
        %mul3A_573 = arith.muli %mul3A_572, %scan3A_245 : i32
        %add3A_574 = arith.constant 7 : i32
        %add3A_575 = arith.addi %mul3A_573, %add3A_574 : i32
        %get3A_576 = arith.constant 3 : i32
        %get3A_577 = arith.index_cast %get3A_576 : i32 to index
        %get3A_578 = arith.index_cast %add3A_575 : i32 to index
        %get3A_579 = arith.constant 16 : index
        %get3A_580 = tpu.vector_load %arg6[%get3A_577, %get3A_578, %get3A_579] {strides = array<i32>} : memref<4x208x64xf32, #tpu.memory_space<vmem>>, vector<1x1x16xf32>,
        %get3A_581 = vector.shape_cast %get3A_580 : vector<1x1x16xf32> to vector<16xf32>
        %add3A_582 = arith.addf %add3A_494, %get3A_581 : vector<16xf32>
        %mul3A_583 = arith.constant 16 : i32
        %mul3A_584 = arith.muli %mul3A_583, %scan3A_245 : i32
        %add3A_585 = arith.constant 7 : i32
        %add3A_586 = arith.addi %mul3A_584, %add3A_585 : i32
        %get3A_587 = arith.constant 3 : i32
        %get3A_588 = arith.index_cast %get3A_587 : i32 to index
        %get3A_589 = arith.index_cast %add3A_586 : i32 to index
        %get3A_590 = arith.constant 32 : index
        %get3A_591 = tpu.vector_load %arg6[%get3A_588, %get3A_589, %get3A_590] {strides = array<i32>} : memref<4x208x64xf32, #tpu.memory_space<vmem>>, vector<1x1x16xf32>,
        %get3A_592 = vector.shape_cast %get3A_591 : vector<1x1x16xf32> to vector<16xf32>
        %add3A_593 = arith.addf %add3A_505, %get3A_592 : vector<16xf32>
        %mul3A_594 = arith.constant 16 : i32
        %mul3A_595 = arith.muli %mul3A_594, %scan3A_245 : i32
        %add3A_596 = arith.constant 7 : i32
        %add3A_597 = arith.addi %mul3A_595, %add3A_596 : i32
        %get3A_598 = arith.constant 3 : i32
        %get3A_599 = arith.index_cast %get3A_598 : i32 to index
        %get3A_600 = arith.index_cast %add3A_597 : i32 to index
        %get3A_601 = arith.constant 48 : index
        %get3A_602 = tpu.vector_load %arg6[%get3A_599, %get3A_600, %get3A_601] {strides = array<i32>} : memref<4x208x64xf32, #tpu.memory_space<vmem>>, vector<1x1x16xf32>,
        %get3A_603 = vector.shape_cast %get3A_602 : vector<1x1x16xf32> to vector<16xf32>
        %add3A_604 = arith.addf %add3A_516, %get3A_603 : vector<16xf32>
        %mul3A_605 = arith.constant 16 : i32
        %mul3A_606 = arith.muli %mul3A_605, %scan3A_245 : i32
        %add3A_607 = arith.constant 8 : i32
        %add3A_608 = arith.addi %mul3A_606, %add3A_607 : i32
        %get3A_609 = arith.constant 3 : i32
        %get3A_610 = arith.index_cast %get3A_609 : i32 to index
        %get3A_611 = arith.index_cast %add3A_608 : i32 to index
        %get3A_612 = arith.constant 0 : index
        %get3A_613 = tpu.vector_load %arg6[%get3A_610, %get3A_611, %get3A_612] {strides = array<i32>} : memref<4x208x64xf32, #tpu.memory_space<vmem>>, vector<1x1x16xf32>,
        %get3A_614 = vector.shape_cast %get3A_613 : vector<1x1x16xf32> to vector<16xf32>
        %add3A_615 = arith.addf %add3A_527, %get3A_614 : vector<16xf32>
        %mul3A_616 = arith.constant 16 : i32
        %mul3A_617 = arith.muli %mul3A_616, %scan3A_245 : i32
        %add3A_618 = arith.constant 8 : i32
        %add3A_619 = arith.addi %mul3A_617, %add3A_618 : i32
        %get3A_620 = arith.constant 3 : i32
        %get3A_621 = arith.index_cast %get3A_620 : i32 to index
        %get3A_622 = arith.index_cast %add3A_619 : i32 to index
        %get3A_623 = arith.constant 16 : index
        %get3A_624 = tpu.vector_load %arg6[%get3A_621, %get3A_622, %get3A_623] {strides = array<i32>} : memref<4x208x64xf32, #tpu.memory_space<vmem>>, vector<1x1x16xf32>,
        %get3A_625 = vector.shape_cast %get3A_624 : vector<1x1x16xf32> to vector<16xf32>
        %add3A_626 = arith.addf %add3A_538, %get3A_625 : vector<16xf32>
        %mul3A_627 = arith.constant 16 : i32
        %mul3A_628 = arith.muli %mul3A_627, %scan3A_245 : i32
        %add3A_629 = arith.constant 8 : i32
        %add3A_630 = arith.addi %mul3A_628, %add3A_629 : i32
        %get3A_631 = arith.constant 3 : i32
        %get3A_632 = arith.index_cast %get3A_631 : i32 to index
        %get3A_633 = arith.index_cast %add3A_630 : i32 to index
        %get3A_634 = arith.constant 32 : index
        %get3A_635 = tpu.vector_load %arg6[%get3A_632, %get3A_633, %get3A_634] {strides = array<i32>} : memref<4x208x64xf32, #tpu.memory_space<vmem>>, vector<1x1x16xf32>,
        %get3A_636 = vector.shape_cast %get3A_635 : vector<1x1x16xf32> to vector<16xf32>
        %add3A_637 = arith.addf %add3A_549, %get3A_636 : vector<16xf32>
        %mul3A_638 = arith.constant 16 : i32
        %mul3A_639 = arith.muli %mul3A_638, %scan3A_245 : i32
        %add3A_640 = arith.constant 8 : i32
        %add3A_641 = arith.addi %mul3A_639, %add3A_640 : i32
        %get3A_642 = arith.constant 3 : i32
        %get3A_643 = arith.index_cast %get3A_642 : i32 to index
        %get3A_644 = arith.index_cast %add3A_641 : i32 to index
        %get3A_645 = arith.constant 48 : index
        %get3A_646 = tpu.vector_load %arg6[%get3A_643, %get3A_644, %get3A_645] {strides = array<i32>} : memref<4x208x64xf32, #tpu.memory_space<vmem>>, vector<1x1x16xf32>,
        %get3A_647 = vector.shape_cast %get3A_646 : vector<1x1x16xf32> to vector<16xf32>
        %add3A_648 = arith.addf %add3A_560, %get3A_647 : vector<16xf32>
        %mul3A_649 = arith.constant 16 : i32
        %mul3A_650 = arith.muli %mul3A_649, %scan3A_245 : i32
        %add3A_651 = arith.constant 9 : i32
        %add3A_652 = arith.addi %mul3A_650, %add3A_651 : i32
        %get3A_653 = arith.constant 3 : i32
        %get3A_654 = arith.index_cast %get3A_653 : i32 to index
        %get3A_655 = arith.index_cast %add3A_652 : i32 to index
        %get3A_656 = arith.constant 0 : index
        %get3A_657 = tpu.vector_load %arg6[%get3A_654, %get3A_655, %get3A_656] {strides = array<i32>} : memref<4x208x64xf32, #tpu.memory_space<vmem>>, vector<1x1x16xf32>,
        %get3A_658 = vector.shape_cast %get3A_657 : vector<1x1x16xf32> to vector<16xf32>
        %add3A_659 = arith.addf %add3A_571, %get3A_658 : vector<16xf32>
        %mul3A_660 = arith.constant 16 : i32
        %mul3A_661 = arith.muli %mul3A_660, %scan3A_245 : i32
        %add3A_662 = arith.constant 9 : i32
        %add3A_663 = arith.addi %mul3A_661, %add3A_662 : i32
        %get3A_664 = arith.constant 3 : i32
        %get3A_665 = arith.index_cast %get3A_664 : i32 to index
        %get3A_666 = arith.index_cast %add3A_663 : i32 to index
        %get3A_667 = arith.constant 16 : index
        %get3A_668 = tpu.vector_load %arg6[%get3A_665, %get3A_666, %get3A_667] {strides = array<i32>} : memref<4x208x64xf32, #tpu.memory_space<vmem>>, vector<1x1x16xf32>,
        %get3A_669 = vector.shape_cast %get3A_668 : vector<1x1x16xf32> to vector<16xf32>
        %add3A_670 = arith.addf %add3A_582, %get3A_669 : vector<16xf32>
        %mul3A_671 = arith.constant 16 : i32
        %mul3A_672 = arith.muli %mul3A_671, %scan3A_245 : i32
        %add3A_673 = arith.constant 9 : i32
        %add3A_674 = arith.addi %mul3A_672, %add3A_673 : i32
        %get3A_675 = arith.constant 3 : i32
        %get3A_676 = arith.index_cast %get3A_675 : i32 to index
        %get3A_677 = arith.index_cast %add3A_674 : i32 to index
        %get3A_678 = arith.constant 32 : index
        %get3A_679 = tpu.vector_load %arg6[%get3A_676, %get3A_677, %get3A_678] {strides = array<i32>} : memref<4x208x64xf32, #tpu.memory_space<vmem>>, vector<1x1x16xf32>,
        %get3A_680 = vector.shape_cast %get3A_679 : vector<1x1x16xf32> to vector<16xf32>
        %add3A_681 = arith.addf %add3A_593, %get3A_680 : vector<16xf32>
        %mul3A_682 = arith.constant 16 : i32
        %mul3A_683 = arith.muli %mul3A_682, %scan3A_245 : i32
        %add3A_684 = arith.constant 9 : i32
        %add3A_685 = arith.addi %mul3A_683, %add3A_684 : i32
        %get3A_686 = arith.constant 3 : i32
        %get3A_687 = arith.index_cast %get3A_686 : i32 to index
        %get3A_688 = arith.index_cast %add3A_685 : i32 to index
        %get3A_689 = arith.constant 48 : index
        %get3A_690 = tpu.vector_load %arg6[%get3A_687, %get3A_688, %get3A_689] {strides = array<i32>} : memref<4x208x64xf32, #tpu.memory_space<vmem>>, vector<1x1x16xf32>,
        %get3A_691 = vector.shape_cast %get3A_690 : vector<1x1x16xf32> to vector<16xf32>
        %add3A_692 = arith.addf %add3A_604, %get3A_691 : vector<16xf32>
        %mul3A_693 = arith.constant 16 : i32
        %mul3A_694 = arith.muli %mul3A_693, %scan3A_245 : i32
        %add3A_695 = arith.constant 10 : i32
        %add3A_696 = arith.addi %mul3A_694, %add3A_695 : i32
        %get3A_697 = arith.constant 3 : i32
        %get3A_698 = arith.index_cast %get3A_697 : i32 to index
        %get3A_699 = arith.index_cast %add3A_696 : i32 to index
        %get3A_700 = arith.constant 0 : index
        %get3A_701 = tpu.vector_load %arg6[%get3A_698, %get3A_699, %get3A_700] {strides = array<i32>} : memref<4x208x64xf32, #tpu.memory_space<vmem>>, vector<1x1x16xf32>,
        %get3A_702 = vector.shape_cast %get3A_701 : vector<1x1x16xf32> to vector<16xf32>
        %add3A_703 = arith.addf %add3A_615, %get3A_702 : vector<16xf32>
        %mul3A_704 = arith.constant 16 : i32
        %mul3A_705 = arith.muli %mul3A_704, %scan3A_245 : i32
        %add3A_706 = arith.constant 10 : i32
        %add3A_707 = arith.addi %mul3A_705, %add3A_706 : i32
        %get3A_708 = arith.constant 3 : i32
        %get3A_709 = arith.index_cast %get3A_708 : i32 to index
        %get3A_710 = arith.index_cast %add3A_707 : i32 to index
        %get3A_711 = arith.constant 16 : index
        %get3A_712 = tpu.vector_load %arg6[%get3A_709, %get3A_710, %get3A_711] {strides = array<i32>} : memref<4x208x64xf32, #tpu.memory_space<vmem>>, vector<1x1x16xf32>,
        %get3A_713 = vector.shape_cast %get3A_712 : vector<1x1x16xf32> to vector<16xf32>
        %add3A_714 = arith.addf %add3A_626, %get3A_713 : vector<16xf32>
        %mul3A_715 = arith.constant 16 : i32
        %mul3A_716 = arith.muli %mul3A_715, %scan3A_245 : i32
        %add3A_717 = arith.constant 10 : i32
        %add3A_718 = arith.addi %mul3A_716, %add3A_717 : i32
        %get3A_719 = arith.constant 3 : i32
        %get3A_720 = arith.index_cast %get3A_719 : i32 to index
        %get3A_721 = arith.index_cast %add3A_718 : i32 to index
        %get3A_722 = arith.constant 32 : index
        %get3A_723 = tpu.vector_load %arg6[%get3A_720, %get3A_721, %get3A_722] {strides = array<i32>} : memref<4x208x64xf32, #tpu.memory_space<vmem>>, vector<1x1x16xf32>,
        %get3A_724 = vector.shape_cast %get3A_723 : vector<1x1x16xf32> to vector<16xf32>
        %add3A_725 = arith.addf %add3A_637, %get3A_724 : vector<16xf32>
        %mul3A_726 = arith.constant 16 : i32
        %mul3A_727 = arith.muli %mul3A_726, %scan3A_245 : i32
        %add3A_728 = arith.constant 10 : i32
        %add3A_729 = arith.addi %mul3A_727, %add3A_728 : i32
        %get3A_730 = arith.constant 3 : i32
        %get3A_731 = arith.index_cast %get3A_730 : i32 to index
        %get3A_732 = arith.index_cast %add3A_729 : i32 to index
        %get3A_733 = arith.constant 48 : index
        %get3A_734 = tpu.vector_load %arg6[%get3A_731, %get3A_732, %get3A_733] {strides = array<i32>} : memref<4x208x64xf32, #tpu.memory_space<vmem>>, vector<1x1x16xf32>,
        %get3A_735 = vector.shape_cast %get3A_734 : vector<1x1x16xf32> to vector<16xf32>
        %add3A_736 = arith.addf %add3A_648, %get3A_735 : vector<16xf32>
        %mul3A_737 = arith.constant 16 : i32
        %mul3A_738 = arith.muli %mul3A_737, %scan3A_245 : i32
        %add3A_739 = arith.constant 11 : i32
        %add3A_740 = arith.addi %mul3A_738, %add3A_739 : i32
        %get3A_741 = arith.constant 3 : i32
        %get3A_742 = arith.index_cast %get3A_741 : i32 to index
        %get3A_743 = arith.index_cast %add3A_740 : i32 to index
        %get3A_744 = arith.constant 0 : index
        %get3A_745 = tpu.vector_load %arg6[%get3A_742, %get3A_743, %get3A_744] {strides = array<i32>} : memref<4x208x64xf32, #tpu.memory_space<vmem>>, vector<1x1x16xf32>,
        %get3A_746 = vector.shape_cast %get3A_745 : vector<1x1x16xf32> to vector<16xf32>
        %add3A_747 = arith.addf %add3A_659, %get3A_746 : vector<16xf32>
        %mul3A_748 = arith.constant 16 : i32
        %mul3A_749 = arith.muli %mul3A_748, %scan3A_245 : i32
        %add3A_750 = arith.constant 11 : i32
        %add3A_751 = arith.addi %mul3A_749, %add3A_750 : i32
        %get3A_752 = arith.constant 3 : i32
        %get3A_753 = arith.index_cast %get3A_752 : i32 to index
        %get3A_754 = arith.index_cast %add3A_751 : i32 to index
        %get3A_755 = arith.constant 16 : index
        %get3A_756 = tpu.vector_load %arg6[%get3A_753, %get3A_754, %get3A_755] {strides = array<i32>} : memref<4x208x64xf32, #tpu.memory_space<vmem>>, vector<1x1x16xf32>,
        %get3A_757 = vector.shape_cast %get3A_756 : vector<1x1x16xf32> to vector<16xf32>
        %add3A_758 = arith.addf %add3A_670, %get3A_757 : vector<16xf32>
        %mul3A_759 = arith.constant 16 : i32
        %mul3A_760 = arith.muli %mul3A_759, %scan3A_245 : i32
        %add3A_761 = arith.constant 11 : i32
        %add3A_762 = arith.addi %mul3A_760, %add3A_761 : i32
        %get3A_763 = arith.constant 3 : i32
        %get3A_764 = arith.index_cast %get3A_763 : i32 to index
        %get3A_765 = arith.index_cast %add3A_762 : i32 to index
        %get3A_766 = arith.constant 32 : index
        %get3A_767 = tpu.vector_load %arg6[%get3A_764, %get3A_765, %get3A_766] {strides = array<i32>} : memref<4x208x64xf32, #tpu.memory_space<vmem>>, vector<1x1x16xf32>,
        %get3A_768 = vector.shape_cast %get3A_767 : vector<1x1x16xf32> to vector<16xf32>
        %add3A_769 = arith.addf %add3A_681, %get3A_768 : vector<16xf32>
        %mul3A_770 = arith.constant 16 : i32
        %mul3A_771 = arith.muli %mul3A_770, %scan3A_245 : i32
        %add3A_772 = arith.constant 11 : i32
        %add3A_773 = arith.addi %mul3A_771, %add3A_772 : i32
        %get3A_774 = arith.constant 3 : i32
        %get3A_775 = arith.index_cast %get3A_774 : i32 to index
        %get3A_776 = arith.index_cast %add3A_773 : i32 to index
        %get3A_777 = arith.constant 48 : index
        %get3A_778 = tpu.vector_load %arg6[%get3A_775, %get3A_776, %get3A_777] {strides = array<i32>} : memref<4x208x64xf32, #tpu.memory_space<vmem>>, vector<1x1x16xf32>,
        %get3A_779 = vector.shape_cast %get3A_778 : vector<1x1x16xf32> to vector<16xf32>
        %add3A_780 = arith.addf %add3A_692, %get3A_779 : vector<16xf32>
        %mul3A_781 = arith.constant 16 : i32
        %mul3A_782 = arith.muli %mul3A_781, %scan3A_245 : i32
        %add3A_783 = arith.constant 12 : i32
        %add3A_784 = arith.addi %mul3A_782, %add3A_783 : i32
        %get3A_785 = arith.constant 3 : i32
        %get3A_786 = arith.index_cast %get3A_785 : i32 to index
        %get3A_787 = arith.index_cast %add3A_784 : i32 to index
        %get3A_788 = arith.constant 0 : index
        %get3A_789 = tpu.vector_load %arg6[%get3A_786, %get3A_787, %get3A_788] {strides = array<i32>} : memref<4x208x64xf32, #tpu.memory_space<vmem>>, vector<1x1x16xf32>,
        %get3A_790 = vector.shape_cast %get3A_789 : vector<1x1x16xf32> to vector<16xf32>
        %add3A_791 = arith.addf %add3A_703, %get3A_790 : vector<16xf32>
        %mul3A_792 = arith.constant 16 : i32
        %mul3A_793 = arith.muli %mul3A_792, %scan3A_245 : i32
        %add3A_794 = arith.constant 12 : i32
        %add3A_795 = arith.addi %mul3A_793, %add3A_794 : i32
        %get3A_796 = arith.constant 3 : i32
        %get3A_797 = arith.index_cast %get3A_796 : i32 to index
        %get3A_798 = arith.index_cast %add3A_795 : i32 to index
        %get3A_799 = arith.constant 16 : index
        %get3A_800 = tpu.vector_load %arg6[%get3A_797, %get3A_798, %get3A_799] {strides = array<i32>} : memref<4x208x64xf32, #tpu.memory_space<vmem>>, vector<1x1x16xf32>,
        %get3A_801 = vector.shape_cast %get3A_800 : vector<1x1x16xf32> to vector<16xf32>
        %add3A_802 = arith.addf %add3A_714, %get3A_801 : vector<16xf32>
        %mul3A_803 = arith.constant 16 : i32
        %mul3A_804 = arith.muli %mul3A_803, %scan3A_245 : i32
        %add3A_805 = arith.constant 12 : i32
        %add3A_806 = arith.addi %mul3A_804, %add3A_805 : i32
        %get3A_807 = arith.constant 3 : i32
        %get3A_808 = arith.index_cast %get3A_807 : i32 to index
        %get3A_809 = arith.index_cast %add3A_806 : i32 to index
        %get3A_810 = arith.constant 32 : index
        %get3A_811 = tpu.vector_load %arg6[%get3A_808, %get3A_809, %get3A_810] {strides = array<i32>} : memref<4x208x64xf32, #tpu.memory_space<vmem>>, vector<1x1x16xf32>,
        %get3A_812 = vector.shape_cast %get3A_811 : vector<1x1x16xf32> to vector<16xf32>
        %add3A_813 = arith.addf %add3A_725, %get3A_812 : vector<16xf32>
        %mul3A_814 = arith.constant 16 : i32
        %mul3A_815 = arith.muli %mul3A_814, %scan3A_245 : i32
        %add3A_816 = arith.constant 12 : i32
        %add3A_817 = arith.addi %mul3A_815, %add3A_816 : i32
        %get3A_818 = arith.constant 3 : i32
        %get3A_819 = arith.index_cast %get3A_818 : i32 to index
        %get3A_820 = arith.index_cast %add3A_817 : i32 to index
        %get3A_821 = arith.constant 48 : index
        %get3A_822 = tpu.vector_load %arg6[%get3A_819, %get3A_820, %get3A_821] {strides = array<i32>} : memref<4x208x64xf32, #tpu.memory_space<vmem>>, vector<1x1x16xf32>,
        %get3A_823 = vector.shape_cast %get3A_822 : vector<1x1x16xf32> to vector<16xf32>
        %add3A_824 = arith.addf %add3A_736, %get3A_823 : vector<16xf32>
        %mul3A_825 = arith.constant 16 : i32
        %mul3A_826 = arith.muli %mul3A_825, %scan3A_245 : i32
        %add3A_827 = arith.constant 13 : i32
        %add3A_828 = arith.addi %mul3A_826, %add3A_827 : i32
        %get3A_829 = arith.constant 3 : i32
        %get3A_830 = arith.index_cast %get3A_829 : i32 to index
        %get3A_831 = arith.index_cast %add3A_828 : i32 to index
        %get3A_832 = arith.constant 0 : index
        %get3A_833 = tpu.vector_load %arg6[%get3A_830, %get3A_831, %get3A_832] {strides = array<i32>} : memref<4x208x64xf32, #tpu.memory_space<vmem>>, vector<1x1x16xf32>,
        %get3A_834 = vector.shape_cast %get3A_833 : vector<1x1x16xf32> to vector<16xf32>
        %add3A_835 = arith.addf %add3A_747, %get3A_834 : vector<16xf32>
        %mul3A_836 = arith.constant 16 : i32
        %mul3A_837 = arith.muli %mul3A_836, %scan3A_245 : i32
        %add3A_838 = arith.constant 13 : i32
        %add3A_839 = arith.addi %mul3A_837, %add3A_838 : i32
        %get3A_840 = arith.constant 3 : i32
        %get3A_841 = arith.index_cast %get3A_840 : i32 to index
        %get3A_842 = arith.index_cast %add3A_839 : i32 to index
        %get3A_843 = arith.constant 16 : index
        %get3A_844 = tpu.vector_load %arg6[%get3A_841, %get3A_842, %get3A_843] {strides = array<i32>} : memref<4x208x64xf32, #tpu.memory_space<vmem>>, vector<1x1x16xf32>,
        %get3A_845 = vector.shape_cast %get3A_844 : vector<1x1x16xf32> to vector<16xf32>
        %add3A_846 = arith.addf %add3A_758, %get3A_845 : vector<16xf32>
        %mul3A_847 = arith.constant 16 : i32
        %mul3A_848 = arith.muli %mul3A_847, %scan3A_245 : i32
        %add3A_849 = arith.constant 13 : i32
        %add3A_850 = arith.addi %mul3A_848, %add3A_849 : i32
        %get3A_851 = arith.constant 3 : i32
        %get3A_852 = arith.index_cast %get3A_851 : i32 to index
        %get3A_853 = arith.index_cast %add3A_850 : i32 to index
        %get3A_854 = arith.constant 32 : index
        %get3A_855 = tpu.vector_load %arg6[%get3A_852, %get3A_853, %get3A_854] {strides = array<i32>} : memref<4x208x64xf32, #tpu.memory_space<vmem>>, vector<1x1x16xf32>,
        %get3A_856 = vector.shape_cast %get3A_855 : vector<1x1x16xf32> to vector<16xf32>
        %add3A_857 = arith.addf %add3A_769, %get3A_856 : vector<16xf32>
        %mul3A_858 = arith.constant 16 : i32
        %mul3A_859 = arith.muli %mul3A_858, %scan3A_245 : i32
        %add3A_860 = arith.constant 13 : i32
        %add3A_861 = arith.addi %mul3A_859, %add3A_860 : i32
        %get3A_862 = arith.constant 3 : i32
        %get3A_863 = arith.index_cast %get3A_862 : i32 to index
        %get3A_864 = arith.index_cast %add3A_861 : i32 to index
        %get3A_865 = arith.constant 48 : index
        %get3A_866 = tpu.vector_load %arg6[%get3A_863, %get3A_864, %get3A_865] {strides = array<i32>} : memref<4x208x64xf32, #tpu.memory_space<vmem>>, vector<1x1x16xf32>,
        %get3A_867 = vector.shape_cast %get3A_866 : vector<1x1x16xf32> to vector<16xf32>
        %add3A_868 = arith.addf %add3A_780, %get3A_867 : vector<16xf32>
        %mul3A_869 = arith.constant 16 : i32
        %mul3A_870 = arith.muli %mul3A_869, %scan3A_245 : i32
        %add3A_871 = arith.constant 14 : i32
        %add3A_872 = arith.addi %mul3A_870, %add3A_871 : i32
        %get3A_873 = arith.constant 3 : i32
        %get3A_874 = arith.index_cast %get3A_873 : i32 to index
        %get3A_875 = arith.index_cast %add3A_872 : i32 to index
        %get3A_876 = arith.constant 0 : index
        %get3A_877 = tpu.vector_load %arg6[%get3A_874, %get3A_875, %get3A_876] {strides = array<i32>} : memref<4x208x64xf32, #tpu.memory_space<vmem>>, vector<1x1x16xf32>,
        %get3A_878 = vector.shape_cast %get3A_877 : vector<1x1x16xf32> to vector<16xf32>
        %add3A_879 = arith.addf %add3A_791, %get3A_878 : vector<16xf32>
        %mul3A_880 = arith.constant 16 : i32
        %mul3A_881 = arith.muli %mul3A_880, %scan3A_245 : i32
        %add3A_882 = arith.constant 14 : i32
        %add3A_883 = arith.addi %mul3A_881, %add3A_882 : i32
        %get3A_884 = arith.constant 3 : i32
        %get3A_885 = arith.index_cast %get3A_884 : i32 to index
        %get3A_886 = arith.index_cast %add3A_883 : i32 to index
        %get3A_887 = arith.constant 16 : index
        %get3A_888 = tpu.vector_load %arg6[%get3A_885, %get3A_886, %get3A_887] {strides = array<i32>} : memref<4x208x64xf32, #tpu.memory_space<vmem>>, vector<1x1x16xf32>,
        %get3A_889 = vector.shape_cast %get3A_888 : vector<1x1x16xf32> to vector<16xf32>
        %add3A_890 = arith.addf %add3A_802, %get3A_889 : vector<16xf32>
        %mul3A_891 = arith.constant 16 : i32
        %mul3A_892 = arith.muli %mul3A_891, %scan3A_245 : i32
        %add3A_893 = arith.constant 14 : i32
        %add3A_894 = arith.addi %mul3A_892, %add3A_893 : i32
        %get3A_895 = arith.constant 3 : i32
        %get3A_896 = arith.index_cast %get3A_895 : i32 to index
        %get3A_897 = arith.index_cast %add3A_894 : i32 to index
        %get3A_898 = arith.constant 32 : index
        %get3A_899 = tpu.vector_load %arg6[%get3A_896, %get3A_897, %get3A_898] {strides = array<i32>} : memref<4x208x64xf32, #tpu.memory_space<vmem>>, vector<1x1x16xf32>,
        %get3A_900 = vector.shape_cast %get3A_899 : vector<1x1x16xf32> to vector<16xf32>
        %add3A_901 = arith.addf %add3A_813, %get3A_900 : vector<16xf32>
        %mul3A_902 = arith.constant 16 : i32
        %mul3A_903 = arith.muli %mul3A_902, %scan3A_245 : i32
        %add3A_904 = arith.constant 14 : i32
        %add3A_905 = arith.addi %mul3A_903, %add3A_904 : i32
        %get3A_906 = arith.constant 3 : i32
        %get3A_907 = arith.index_cast %get3A_906 : i32 to index
        %get3A_908 = arith.index_cast %add3A_905 : i32 to index
        %get3A_909 = arith.constant 48 : index
        %get3A_910 = tpu.vector_load %arg6[%get3A_907, %get3A_908, %get3A_909] {strides = array<i32>} : memref<4x208x64xf32, #tpu.memory_space<vmem>>, vector<1x1x16xf32>,
        %get3A_911 = vector.shape_cast %get3A_910 : vector<1x1x16xf32> to vector<16xf32>
        %add3A_912 = arith.addf %add3A_824, %get3A_911 : vector<16xf32>
        %mul3A_913 = arith.constant 16 : i32
        %mul3A_914 = arith.muli %mul3A_913, %scan3A_245 : i32
        %add3A_915 = arith.constant 15 : i32
        %add3A_916 = arith.addi %mul3A_914, %add3A_915 : i32
        %get3A_917 = arith.constant 3 : i32
        %get3A_918 = arith.index_cast %get3A_917 : i32 to index
        %get3A_919 = arith.index_cast %add3A_916 : i32 to index
        %get3A_920 = arith.constant 0 : index
        %get3A_921 = tpu.vector_load %arg6[%get3A_918, %get3A_919, %get3A_920] {strides = array<i32>} : memref<4x208x64xf32, #tpu.memory_space<vmem>>, vector<1x1x16xf32>,
        %get3A_922 = vector.shape_cast %get3A_921 : vector<1x1x16xf32> to vector<16xf32>
        %add3A_923 = arith.addf %add3A_835, %get3A_922 : vector<16xf32>
        %mul3A_924 = arith.constant 16 : i32
        %mul3A_925 = arith.muli %mul3A_924, %scan3A_245 : i32
        %add3A_926 = arith.constant 15 : i32
        %add3A_927 = arith.addi %mul3A_925, %add3A_926 : i32
        %get3A_928 = arith.constant 3 : i32
        %get3A_929 = arith.index_cast %get3A_928 : i32 to index
        %get3A_930 = arith.index_cast %add3A_927 : i32 to index
        %get3A_931 = arith.constant 16 : index
        %get3A_932 = tpu.vector_load %arg6[%get3A_929, %get3A_930, %get3A_931] {strides = array<i32>} : memref<4x208x64xf32, #tpu.memory_space<vmem>>, vector<1x1x16xf32>,
        %get3A_933 = vector.shape_cast %get3A_932 : vector<1x1x16xf32> to vector<16xf32>
        %add3A_934 = arith.addf %add3A_846, %get3A_933 : vector<16xf32>
        %mul3A_935 = arith.constant 16 : i32
        %mul3A_936 = arith.muli %mul3A_935, %scan3A_245 : i32
        %add3A_937 = arith.constant 15 : i32
        %add3A_938 = arith.addi %mul3A_936, %add3A_937 : i32
        %get3A_939 = arith.constant 3 : i32
        %get3A_940 = arith.index_cast %get3A_939 : i32 to index
        %get3A_941 = arith.index_cast %add3A_938 : i32 to index
        %get3A_942 = arith.constant 32 : index
        %get3A_943 = tpu.vector_load %arg6[%get3A_940, %get3A_941, %get3A_942] {strides = array<i32>} : memref<4x208x64xf32, #tpu.memory_space<vmem>>, vector<1x1x16xf32>,
        %get3A_944 = vector.shape_cast %get3A_943 : vector<1x1x16xf32> to vector<16xf32>
        %add3A_945 = arith.addf %add3A_857, %get3A_944 : vector<16xf32>
        %mul3A_946 = arith.constant 16 : i32
        %mul3A_947 = arith.muli %mul3A_946, %scan3A_245 : i32
        %add3A_948 = arith.constant 15 : i32
        %add3A_949 = arith.addi %mul3A_947, %add3A_948 : i32
        %get3A_950 = arith.constant 3 : i32
        %get3A_951 = arith.index_cast %get3A_950 : i32 to index
        %get3A_952 = arith.index_cast %add3A_949 : i32 to index
        %get3A_953 = arith.constant 48 : index
        %get3A_954 = tpu.vector_load %arg6[%get3A_951, %get3A_952, %get3A_953] {strides = array<i32>} : memref<4x208x64xf32, #tpu.memory_space<vmem>>, vector<1x1x16xf32>,
        %get3A_955 = vector.shape_cast %get3A_954 : vector<1x1x16xf32> to vector<16xf32>
        %add3A_956 = arith.addf %add3A_868, %get3A_955 : vector<16xf32>
        scf.yield %add3A_879, %add3A_890, %add3A_901, %add3A_912, %add3A_923, %add3A_934, %add3A_945, %add3A_956 : vector<16xf32>, vector<16xf32>, vector<16xf32>, vector<16xf32>, vector<16xf32>, vector<16xf32>, vector<16xf32>, vector<16xf32>
      }
      %scan3A_215 = arith.constant 13 : i32
      %add3A_216 = arith.addf %scan3A_214#0, %scan3A_214#4 : vector<16xf32>
      %swap3A_217 = arith.index_cast %add3A_194 : i32 to index
      %swap3A_218 = arith.constant 0 : index
      %swap3A_219 = tpu.vector_load %arg7[%swap3A_217, %swap3A_218] {strides = array<i32>} : memref<128x64xf32, #tpu.memory_space<vmem>>, vector<1x16xf32>,
      %swap3A_220 = vector.shape_cast %swap3A_219 : vector<1x16xf32> to vector<16xf32>
      %swap3A_221 = vector.shape_cast %add3A_216 : vector<16xf32> to vector<1x16xf32>
      tpu.vector_store %arg7[%swap3A_217, %swap3A_218], %swap3A_221 {strides = array<i32>} : memref<128x64xf32, #tpu.memory_space<vmem>>, vector<1x16xf32>,
      %add3A_222 = arith.addf %scan3A_214#1, %scan3A_214#5 : vector<16xf32>
      %swap3A_223 = arith.index_cast %add3A_194 : i32 to index
      %swap3A_224 = arith.constant 16 : index
      %swap3A_225 = tpu.vector_load %arg7[%swap3A_223, %swap3A_224] {strides = array<i32>} : memref<128x64xf32, #tpu.memory_space<vmem>>, vector<1x16xf32>,
      %swap3A_226 = vector.shape_cast %swap3A_225 : vector<1x16xf32> to vector<16xf32>
      %swap3A_227 = vector.shape_cast %add3A_222 : vector<16xf32> to vector<1x16xf32>
      tpu.vector_store %arg7[%swap3A_223, %swap3A_224], %swap3A_227 {strides = array<i32>} : memref<128x64xf32, #tpu.memory_space<vmem>>, vector<1x16xf32>,
      %add3A_228 = arith.addf %scan3A_214#2, %scan3A_214#6 : vector<16xf32>
      %swap3A_229 = arith.index_cast %add3A_194 : i32 to index
      %swap3A_230 = arith.constant 32 : index
      %swap3A_231 = tpu.vector_load %arg7[%swap3A_229, %swap3A_230] {strides = array<i32>} : memref<128x64xf32, #tpu.memory_space<vmem>>, vector<1x16xf32>,
      %swap3A_232 = vector.shape_cast %swap3A_231 : vector<1x16xf32> to vector<16xf32>
      %swap3A_233 = vector.shape_cast %add3A_228 : vector<16xf32> to vector<1x16xf32>
      tpu.vector_store %arg7[%swap3A_229, %swap3A_230], %swap3A_233 {strides = array<i32>} : memref<128x64xf32, #tpu.memory_space<vmem>>, vector<1x16xf32>,
      %add3A_234 = arith.addf %scan3A_214#3, %scan3A_214#7 : vector<16xf32>
      %swap3A_235 = arith.index_cast %add3A_194 : i32 to index
      %swap3A_236 = arith.constant 48 : index
      %swap3A_237 = tpu.vector_load %arg7[%swap3A_235, %swap3A_236] {strides = array<i32>} : memref<128x64xf32, #tpu.memory_space<vmem>>, vector<1x16xf32>,
      %swap3A_238 = vector.shape_cast %swap3A_237 : vector<1x16xf32> to vector<16xf32>
      %swap3A_239 = vector.shape_cast %add3A_234 : vector<16xf32> to vector<1x16xf32>
      tpu.vector_store %arg7[%swap3A_235, %swap3A_236], %swap3A_239 {strides = array<i32>} : memref<128x64xf32, #tpu.memory_space<vmem>>, vector<1x16xf32>,
      %lt3A_240 = arith.constant 31 : i32
      %lt3A_241 = arith.cmpi slt, %scan3A_33, %lt3A_240 : i32
      %convert_element_type3A_242 = arith.extui %lt3A_241 : i1 to i32
      %cond3A_243 = arith.constant 0 : i32
      %cond3A_244 = arith.cmpi ne, %convert_element_type3A_242, %cond3A_243 : i32
      scf.if %cond3A_244 {
        %add3A_245 = arith.constant 4 : i32
        %add3A_246 = arith.addi %add3A_194, %add3A_245 : i32
        %scan3A_247 = arith.constant 0 : i32
        %scan3A_248 = arith.constant 0 : i32
        %scan3A_249 = arith.constant 13 : i32
        %scan3A_250 = arith.addi %scan3A_248, %scan3A_249 : i32
        %scan3A_251 = arith.constant 1 : i32
        scf.for %scan3A_253 = %scan3A_248 to %scan3A_250 step %scan3A_251  : i32 {
          %mul3A_254 = arith.constant 16 : i32
          %mul3A_255 = arith.muli %mul3A_254, %scan3A_253 : i32
          %get3A = arith.index_cast %add3A_246 : i32 to index
          %get3A_256 = arith.index_cast %mul3A_255 : i32 to index
          %get3A_257 = tpu.vector_load %arg5[%get3A, %get3A_256] {strides = array<i32>} : memref<128x208xi32, #tpu.memory_space<vmem>>, vector<1x16xi32>,
          %get3A_258 = vector.shape_cast %get3A_257 : vector<1x16xi32> to vector<16xi32>
          %mul3A_259 = arith.constant 16 : i32
          %mul3A_260 = arith.muli %mul3A_259, %scan3A_253 : i32
          %dma_start3A = arith.constant 3 : i32
          %dma_start3A_261 = arith.constant 0 : i32
          %dma_start3A_262 = tpu.memref_slice %arg6[%dma_start3A, %mul3A_260, %dma_start3A_261] : memref<4x208x64xf32, #tpu.memory_space<vmem>> -> memref<1x16x64xf32, #tpu.memory_space<vmem>>
          %dma_start3A_263 = tpu.memref_squeeze %dma_start3A_262 : memref<1x16x64xf32, #tpu.memory_space<vmem>> -> memref<16x64xf32, #tpu.memory_space<vmem>>
          %dma_start3A_264 = arith.constant 0 : i32
          %dma_start3A_265 = arith.constant 0 : i32
          %dma_start3A_266 = tpu.memref_slice %arg3[%dma_start3A_264, %dma_start3A_265] : memref<1000000x64xf32, #tpu.memory_space<hbm>> -> memref<1000000x64xf32, #tpu.memory_space<hbm>>
          tpu.enqueue_indirect_dma source(%dma_start3A_266 : memref<1000000x64xf32, #tpu.memory_space<hbm>>) target(%dma_start3A_263 : memref<16x64xf32, #tpu.memory_space<vmem>>) offsets(%get3A_258 : vector<16xi32>) semaphore(%arg11 : memref<!tpu.dma_semaphore, #tpu.memory_space<semaphore_mem>>)
        }
        %scan3A_252 = arith.constant 13 : i32
      } else {
      }
    }
    %scan3A_32 = arith.constant 32 : i32
    "tpu.region"() ({
      %run_scoped3A = tpu.sem_alloc : memref<!tpu.dma_semaphore, #tpu.memory_space<semaphore_mem>>
      %dma_start3A = arith.constant 0 : i32
      %dma_start3A_33 = tpu.memref_slice %arg4[%mul3A_2, %dma_start3A] : memref<4096x64xf32, #tpu.memory_space<hbm>> -> memref<128x64xf32, #tpu.memory_space<hbm>>
      %dma_start3A_34 = arith.constant 0 : i32
      %dma_start3A_35 = tpu.memref_slice %arg4[%mul3A_2, %dma_start3A_34] : memref<4096x64xf32, #tpu.memory_space<hbm>> -> memref<128x64xf32, #tpu.memory_space<hbm>>
      tpu.enqueue_dma source(%arg7 : memref<128x64xf32, #tpu.memory_space<vmem>>) target(%dma_start3A_35 : memref<128x64xf32, #tpu.memory_space<hbm>>) target_semaphore(%run_scoped3A : memref<!tpu.dma_semaphore, #tpu.memory_space<semaphore_mem>>)
      %dma_wait3A = arith.constant 0 : i32
      %dma_wait3A_36 = tpu.memref_slice %arg4[%mul3A_2, %dma_wait3A] : memref<4096x64xf32, #tpu.memory_space<hbm>> -> memref<128x64xf32, #tpu.memory_space<hbm>>
      %dma_wait3A_37 = arith.constant 0 : i32
      %dma_wait3A_38 = tpu.memref_slice %arg4[%mul3A_2, %dma_wait3A_37] : memref<4096x64xf32, #tpu.memory_space<hbm>> -> memref<128x64xf32, #tpu.memory_space<hbm>>
      tpu.wait_dma2 semaphore(%run_scoped3A : memref<!tpu.dma_semaphore, #tpu.memory_space<semaphore_mem>>) src(%arg7 : memref<128x64xf32, #tpu.memory_space<vmem>>) dst(%dma_wait3A_38 : memref<128x64xf32, #tpu.memory_space<hbm>>)
      tpu.yield
    }) : () -> ()
    return
  }
}

module attributes {stable_mosaic.version = 14 : i64} {
  func.func @_mlp_body(%arg0: memref<4096x64xf32, #tpu.memory_space<vmem>>, %arg1: memref<4096x1xf32, #tpu.memory_space<vmem>>, %arg2: memref<64x64xf32, #tpu.memory_space<vmem>>, %arg3: memref<1x64xf32, #tpu.memory_space<vmem>>, %arg4: memref<1x64xf32, #tpu.memory_space<vmem>>, %arg5: memref<64x64xf32, #tpu.memory_space<vmem>>, %arg6: memref<1x64xf32, #tpu.memory_space<vmem>>, %arg7: memref<32x64xf32, #tpu.memory_space<vmem>>, %arg8: memref<1x32xf32, #tpu.memory_space<vmem>>, %arg9: memref<32x64xf32, #tpu.memory_space<vmem>>, %arg10: memref<1x32xf32, #tpu.memory_space<vmem>>, %arg11: memref<1x32xf32, #tpu.memory_space<vmem>>, %arg12: memref<1x32xf32, #tpu.memory_space<vmem>>, %arg13: memref<1x32xf32, #tpu.memory_space<vmem>>, %arg14: memref<1x32xf32, #tpu.memory_space<vmem>>, %arg15: memref<4096x32xf32, #tpu.memory_space<vmem>>, %arg16: memref<4096x32xf32, #tpu.memory_space<vmem>>) attributes {dimension_semantics = [], scalar_prefetch = 0 : i64, scratch_operands = 0 : i64, tpu.core_type = #tpu.core_type<tc>} {
    %get3A = arith.constant 0 : index
    %get3A_0 = arith.constant 0 : index
    %get3A_1 = vector.load %arg1[%get3A, %get3A_0] : memref<4096x1xf32, #tpu.memory_space<vmem>>, vector<4096x1xf32>
    %get3A_2 = arith.constant 0 : index
    %get3A_3 = arith.constant 0 : index
    %get3A_4 = vector.load %arg0[%get3A_2, %get3A_3] : memref<4096x64xf32, #tpu.memory_space<vmem>>, vector<4096x64xf32>
    %div3A = vector.broadcast %get3A_1 : vector<4096x1xf32> to vector<4096x64xf32>
    %div3A_5 = arith.divf %get3A_4, %div3A : vector<4096x64xf32>
    %log3A = math.log %get3A_1 : vector<4096x1xf32>
    %get3A_6 = arith.constant 0 : index
    %get3A_7 = arith.constant 0 : index
    %get3A_8 = vector.load %arg2[%get3A_6, %get3A_7] : memref<64x64xf32, #tpu.memory_space<vmem>>, vector<64x64xf32>
    %dot_general3A = arith.constant dense<0.000000e+00> : vector<4096x64xf32>
    %dot_general3A_9 = tpu.matmul %div3A_5, %get3A_8, %dot_general3A {dimension_numbers = #tpu.dot_dimension_numbers<[1], [1], [0], [0], [0, 0, 1, 0], [], []>, transpose_lhs_hint = false} : vector<4096x64xf32>, vector<64x64xf32>, vector<4096x64xf32> -> vector<4096x64xf32>
    %get3A_10 = arith.constant 0 : index
    %get3A_11 = arith.constant 0 : index
    %get3A_12 = vector.load %arg3[%get3A_10, %get3A_11] : memref<1x64xf32, #tpu.memory_space<vmem>>, vector<1x64xf32>
    %mul3A = vector.broadcast %log3A : vector<4096x1xf32> to vector<4096x64xf32>
    %mul3A_13 = vector.broadcast %get3A_12 : vector<1x64xf32> to vector<4096x64xf32>
    %mul3A_14 = arith.mulf %mul3A, %mul3A_13 : vector<4096x64xf32>
    %add3A = arith.addf %dot_general3A_9, %mul3A_14 : vector<4096x64xf32>
    %get3A_15 = arith.constant 0 : index
    %get3A_16 = arith.constant 0 : index
    %get3A_17 = vector.load %arg4[%get3A_15, %get3A_16] : memref<1x64xf32, #tpu.memory_space<vmem>>, vector<1x64xf32>
    %add3A_18 = vector.broadcast %get3A_17 : vector<1x64xf32> to vector<4096x64xf32>
    %add3A_19 = arith.addf %add3A, %add3A_18 : vector<4096x64xf32>
    %max3A = arith.constant 0.000000e+00 : f32
    %max3A_20 = vector.broadcast %max3A : f32 to vector<4096x64xf32>
    %max3A_21 = arith.maximumf %add3A_19, %max3A_20 : vector<4096x64xf32>
    %abs3A = math.absf %add3A_19 : vector<4096x64xf32>
    %neg3A = arith.constant 0.000000e+00 : f32
    %neg3A_22 = vector.broadcast %neg3A : f32 to vector<4096x64xf32>
    %neg3A_23 = arith.subf %neg3A_22, %abs3A : vector<4096x64xf32>
    %exp3A = math.exp %neg3A_23 : vector<4096x64xf32>
    %log1p3A = math.log1p %exp3A : vector<4096x64xf32>
    %add3A_24 = arith.addf %max3A_21, %log1p3A : vector<4096x64xf32>
    %get3A_25 = arith.constant 0 : index
    %get3A_26 = arith.constant 0 : index
    %get3A_27 = vector.load %arg5[%get3A_25, %get3A_26] : memref<64x64xf32, #tpu.memory_space<vmem>>, vector<64x64xf32>
    %dot_general3A_28 = arith.constant dense<0.000000e+00> : vector<4096x64xf32>
    %dot_general3A_29 = tpu.matmul %add3A_24, %get3A_27, %dot_general3A_28 {dimension_numbers = #tpu.dot_dimension_numbers<[1], [1], [0], [0], [0, 0, 1, 0], [], []>, transpose_lhs_hint = false} : vector<4096x64xf32>, vector<64x64xf32>, vector<4096x64xf32> -> vector<4096x64xf32>
    %get3A_30 = arith.constant 0 : index
    %get3A_31 = arith.constant 0 : index
    %get3A_32 = vector.load %arg6[%get3A_30, %get3A_31] : memref<1x64xf32, #tpu.memory_space<vmem>>, vector<1x64xf32>
    %add3A_33 = vector.broadcast %get3A_32 : vector<1x64xf32> to vector<4096x64xf32>
    %add3A_34 = arith.addf %dot_general3A_29, %add3A_33 : vector<4096x64xf32>
    %max3A_35 = arith.constant 0.000000e+00 : f32
    %max3A_36 = vector.broadcast %max3A_35 : f32 to vector<4096x64xf32>
    %max3A_37 = arith.maximumf %add3A_34, %max3A_36 : vector<4096x64xf32>
    %abs3A_38 = math.absf %add3A_34 : vector<4096x64xf32>
    %neg3A_39 = arith.constant 0.000000e+00 : f32
    %neg3A_40 = vector.broadcast %neg3A_39 : f32 to vector<4096x64xf32>
    %neg3A_41 = arith.subf %neg3A_40, %abs3A_38 : vector<4096x64xf32>
    %exp3A_42 = math.exp %neg3A_41 : vector<4096x64xf32>
    %log1p3A_43 = math.log1p %exp3A_42 : vector<4096x64xf32>
    %add3A_44 = arith.addf %max3A_37, %log1p3A_43 : vector<4096x64xf32>
    %get3A_45 = arith.constant 0 : index
    %get3A_46 = arith.constant 0 : index
    %get3A_47 = vector.load %arg7[%get3A_45, %get3A_46] : memref<32x64xf32, #tpu.memory_space<vmem>>, vector<32x64xf32>
    %dot_general3A_48 = arith.constant dense<0.000000e+00> : vector<4096x32xf32>
    %dot_general3A_49 = tpu.matmul %add3A_44, %get3A_47, %dot_general3A_48 {dimension_numbers = #tpu.dot_dimension_numbers<[1], [1], [0], [0], [0, 0, 1, 0], [], []>, transpose_lhs_hint = false} : vector<4096x64xf32>, vector<32x64xf32>, vector<4096x32xf32> -> vector<4096x32xf32>
    %get3A_50 = arith.constant 0 : index
    %get3A_51 = arith.constant 0 : index
    %get3A_52 = vector.load %arg8[%get3A_50, %get3A_51] : memref<1x32xf32, #tpu.memory_space<vmem>>, vector<1x32xf32>
    %add3A_53 = vector.broadcast %get3A_52 : vector<1x32xf32> to vector<4096x32xf32>
    %add3A_54 = arith.addf %dot_general3A_49, %add3A_53 : vector<4096x32xf32>
    %get3A_55 = arith.constant 0 : index
    %get3A_56 = arith.constant 0 : index
    %get3A_57 = vector.load %arg9[%get3A_55, %get3A_56] : memref<32x64xf32, #tpu.memory_space<vmem>>, vector<32x64xf32>
    %dot_general3A_58 = arith.constant dense<0.000000e+00> : vector<4096x32xf32>
    %dot_general3A_59 = tpu.matmul %add3A_44, %get3A_57, %dot_general3A_58 {dimension_numbers = #tpu.dot_dimension_numbers<[1], [1], [0], [0], [0, 0, 1, 0], [], []>, transpose_lhs_hint = false} : vector<4096x64xf32>, vector<32x64xf32>, vector<4096x32xf32> -> vector<4096x32xf32>
    %get3A_60 = arith.constant 0 : index
    %get3A_61 = arith.constant 0 : index
    %get3A_62 = vector.load %arg10[%get3A_60, %get3A_61] : memref<1x32xf32, #tpu.memory_space<vmem>>, vector<1x32xf32>
    %add3A_63 = vector.broadcast %get3A_62 : vector<1x32xf32> to vector<4096x32xf32>
    %add3A_64 = arith.addf %dot_general3A_59, %add3A_63 : vector<4096x32xf32>
    %reduce_sum3A = arith.constant dense<0.000000e+00> : vector<32xf32>
    %reduce_sum3A_65 = vector.multi_reduction <add>, %add3A_54, %reduce_sum3A [0] : vector<4096x32xf32> to vector<32xf32>
    %broadcast_in_dim3A = vector.shape_cast %reduce_sum3A_65 : vector<32xf32> to vector<1x32xf32>
    %div3A_66 = arith.constant 4.096000e+03 : f32
    %div3A_67 = vector.broadcast %div3A_66 : f32 to vector<1x32xf32>
    %div3A_68 = arith.divf %broadcast_in_dim3A, %div3A_67 : vector<1x32xf32>
    %sub3A = vector.broadcast %div3A_68 : vector<1x32xf32> to vector<4096x32xf32>
    %sub3A_69 = arith.subf %add3A_54, %sub3A : vector<4096x32xf32>
    %sub3A_70 = vector.broadcast %div3A_68 : vector<1x32xf32> to vector<4096x32xf32>
    %sub3A_71 = arith.subf %add3A_54, %sub3A_70 : vector<4096x32xf32>
    %mul3A_72 = arith.mulf %sub3A_69, %sub3A_71 : vector<4096x32xf32>
    %reduce_sum3A_73 = arith.constant dense<0.000000e+00> : vector<32xf32>
    %reduce_sum3A_74 = vector.multi_reduction <add>, %mul3A_72, %reduce_sum3A_73 [0] : vector<4096x32xf32> to vector<32xf32>
    %broadcast_in_dim3A_75 = vector.shape_cast %reduce_sum3A_74 : vector<32xf32> to vector<1x32xf32>
    %div3A_76 = arith.constant 4.096000e+03 : f32
    %div3A_77 = vector.broadcast %div3A_76 : f32 to vector<1x32xf32>
    %div3A_78 = arith.divf %broadcast_in_dim3A_75, %div3A_77 : vector<1x32xf32>
    %sub3A_79 = vector.broadcast %div3A_68 : vector<1x32xf32> to vector<4096x32xf32>
    %sub3A_80 = arith.subf %add3A_54, %sub3A_79 : vector<4096x32xf32>
    %add3A_81 = arith.constant 9.99999974E-6 : f32
    %add3A_82 = vector.broadcast %add3A_81 : f32 to vector<1x32xf32>
    %add3A_83 = arith.addf %div3A_78, %add3A_82 : vector<1x32xf32>
    %rsqrt3A = math.rsqrt %add3A_83 : vector<1x32xf32>
    %mul3A_84 = vector.broadcast %rsqrt3A : vector<1x32xf32> to vector<4096x32xf32>
    %mul3A_85 = arith.mulf %sub3A_80, %mul3A_84 : vector<4096x32xf32>
    %get3A_86 = arith.constant 0 : index
    %get3A_87 = arith.constant 0 : index
    %get3A_88 = vector.load %arg11[%get3A_86, %get3A_87] : memref<1x32xf32, #tpu.memory_space<vmem>>, vector<1x32xf32>
    %mul3A_89 = vector.broadcast %get3A_88 : vector<1x32xf32> to vector<4096x32xf32>
    %mul3A_90 = arith.mulf %mul3A_85, %mul3A_89 : vector<4096x32xf32>
    %get3A_91 = arith.constant 0 : index
    %get3A_92 = arith.constant 0 : index
    %get3A_93 = vector.load %arg12[%get3A_91, %get3A_92] : memref<1x32xf32, #tpu.memory_space<vmem>>, vector<1x32xf32>
    %add3A_94 = vector.broadcast %get3A_93 : vector<1x32xf32> to vector<4096x32xf32>
    %add3A_95 = arith.addf %mul3A_90, %add3A_94 : vector<4096x32xf32>
    %swap3A = arith.constant 0 : index
    %swap3A_96 = arith.constant 0 : index
    %swap3A_97 = vector.load %arg15[%swap3A, %swap3A_96] : memref<4096x32xf32, #tpu.memory_space<vmem>>, vector<4096x32xf32>
    tpu.vector_store %arg15[%swap3A, %swap3A_96], %add3A_95 {strides = array<i32>} : memref<4096x32xf32, #tpu.memory_space<vmem>>, vector<4096x32xf32>,
    %reduce_sum3A_98 = arith.constant dense<0.000000e+00> : vector<32xf32>
    %reduce_sum3A_99 = vector.multi_reduction <add>, %add3A_64, %reduce_sum3A_98 [0] : vector<4096x32xf32> to vector<32xf32>
    %broadcast_in_dim3A_100 = vector.shape_cast %reduce_sum3A_99 : vector<32xf32> to vector<1x32xf32>
    %div3A_101 = arith.constant 4.096000e+03 : f32
    %div3A_102 = vector.broadcast %div3A_101 : f32 to vector<1x32xf32>
    %div3A_103 = arith.divf %broadcast_in_dim3A_100, %div3A_102 : vector<1x32xf32>
    %sub3A_104 = vector.broadcast %div3A_103 : vector<1x32xf32> to vector<4096x32xf32>
    %sub3A_105 = arith.subf %add3A_64, %sub3A_104 : vector<4096x32xf32>
    %sub3A_106 = vector.broadcast %div3A_103 : vector<1x32xf32> to vector<4096x32xf32>
    %sub3A_107 = arith.subf %add3A_64, %sub3A_106 : vector<4096x32xf32>
    %mul3A_108 = arith.mulf %sub3A_105, %sub3A_107 : vector<4096x32xf32>
    %reduce_sum3A_109 = arith.constant dense<0.000000e+00> : vector<32xf32>
    %reduce_sum3A_110 = vector.multi_reduction <add>, %mul3A_108, %reduce_sum3A_109 [0] : vector<4096x32xf32> to vector<32xf32>
    %broadcast_in_dim3A_111 = vector.shape_cast %reduce_sum3A_110 : vector<32xf32> to vector<1x32xf32>
    %div3A_112 = arith.constant 4.096000e+03 : f32
    %div3A_113 = vector.broadcast %div3A_112 : f32 to vector<1x32xf32>
    %div3A_114 = arith.divf %broadcast_in_dim3A_111, %div3A_113 : vector<1x32xf32>
    %sub3A_115 = vector.broadcast %div3A_103 : vector<1x32xf32> to vector<4096x32xf32>
    %sub3A_116 = arith.subf %add3A_64, %sub3A_115 : vector<4096x32xf32>
    %add3A_117 = arith.constant 9.99999974E-6 : f32
    %add3A_118 = vector.broadcast %add3A_117 : f32 to vector<1x32xf32>
    %add3A_119 = arith.addf %div3A_114, %add3A_118 : vector<1x32xf32>
    %rsqrt3A_120 = math.rsqrt %add3A_119 : vector<1x32xf32>
    %mul3A_121 = vector.broadcast %rsqrt3A_120 : vector<1x32xf32> to vector<4096x32xf32>
    %mul3A_122 = arith.mulf %sub3A_116, %mul3A_121 : vector<4096x32xf32>
    %get3A_123 = arith.constant 0 : index
    %get3A_124 = arith.constant 0 : index
    %get3A_125 = vector.load %arg13[%get3A_123, %get3A_124] : memref<1x32xf32, #tpu.memory_space<vmem>>, vector<1x32xf32>
    %mul3A_126 = vector.broadcast %get3A_125 : vector<1x32xf32> to vector<4096x32xf32>
    %mul3A_127 = arith.mulf %mul3A_122, %mul3A_126 : vector<4096x32xf32>
    %get3A_128 = arith.constant 0 : index
    %get3A_129 = arith.constant 0 : index
    %get3A_130 = vector.load %arg14[%get3A_128, %get3A_129] : memref<1x32xf32, #tpu.memory_space<vmem>>, vector<1x32xf32>
    %add3A_131 = vector.broadcast %get3A_130 : vector<1x32xf32> to vector<4096x32xf32>
    %add3A_132 = arith.addf %mul3A_127, %add3A_131 : vector<4096x32xf32>
    %mul3A_133 = arith.constant 5.000000e-01 : f32
    %mul3A_134 = vector.broadcast %mul3A_133 : f32 to vector<4096x32xf32>
    %mul3A_135 = arith.mulf %mul3A_134, %add3A_132 : vector<4096x32xf32>
    %exp3A_136 = math.exp %mul3A_135 : vector<4096x32xf32>
    %swap3A_137 = arith.constant 0 : index
    %swap3A_138 = arith.constant 0 : index
    %swap3A_139 = vector.load %arg16[%swap3A_137, %swap3A_138] : memref<4096x32xf32, #tpu.memory_space<vmem>>, vector<4096x32xf32>
    tpu.vector_store %arg16[%swap3A_137, %swap3A_138], %exp3A_136 {strides = array<i32>} : memref<4096x32xf32, #tpu.memory_space<vmem>>, vector<4096x32xf32>,
    return
  }
}

</mosaic_0001>

<sc_bundles>
// kernel: kernel.4.cloned.1.call-start
scs
__scs_entry_jumppad:
0x0: {  	(pc) =	sbr.rel $0x88, $3  }
0x1: {  	(tag) =	ssettag $0x0;
	lr =	simm.s32 $0x1  }
0x2: {  	[smem:$0x3F92] =	sst lr;
	_ =	strace $0xD0000000  }
0x3: {  	_ = 	snop  }
0x4: {  	_ = 	snop  }
0x5: {  	_ = 	snop  }
0x6: {  	_ = 	snop  }
0x7: {  	_ = 	snop  }
__scs_overlays_trampoline_lowered:
0x8: {  	[smem:$0x3FA1] =	sst s0  }
0x9: {  	[smem:$0x3FA2] =	sst s1  }
0xa: {  	[smem:$0x3FA3] =	sst s2  }
0xb: {  	[smem:$0x3FA4] =	sst s3  }
0xc: {  	[smem:$0x3FA5] =	sst s4  }
0xd: {  	[smem:$0x3FA6] =	sst s5  }
0xe: {  	[smem:$0x3FA7] =	sst s6  }
0xf: {  	[smem:$0x3FA8] =	sst s7  }
0x10: {  	[smem:$0x3FA9] =	sst s8  }
0x11: {  	[smem:$0x3FAA] =	sst s9;
	s0 =	simm.s32 @!p0 $0x0  }
0x12: {  	s1 =	sld [smem:$0x3F90];
	s0 =	simm.s32 @p0 $0x1  }
0x13: {  	[smem:$0x3FAB] =	sst s0;
	s0 =	simm.s32 @!p1 $0x0  }
0x14: {  	s2 =	sld [smem:$0x3F8F];
	s0 =	simm.s32 @p1 $0x1  }
0x15: {  	[smem:$0x3FAC] =	sst s0;
	s0 =	simm.s32 @!p2 $0x0  }
0x16: {  	s3 =	sld [smem:$0x3FDB];
	s0 =	simm.s32 @p2 $0x1  }
0x17: {  	s4 =	simm.s32 $0x1BF5;
	[smem:$0x3FAE] =	sst s0  }
0x18: {  	s0 =	sld [smem:$0x3F91];
	_ =	swait.ge [sflag:s4], $0x0  }
0x19: {  	s7 =	sld [smem:$0x3F92]  }
0x1a: {  	s8 =	sadd.s32 $0xFFFFE003, lr  }
0x1b: {  	s9 =	sadd.s32 $0xFFFFFEF7, lr;
	s5 =	simm.s32 $0xFFFFFFFF;
	p2 =	slt.u32 s8, $0xFFFFF086  }
0x1c: {  	p1 =	slt.u32 s9, $0xF7A;
	s5 =	simm.s32 @!p2 $0x0  }
0x1d: {  	s5 =	simm.s32 @p1 $0x1;
	p0 =	seq.s32 s7, s2  }
0x1e: {  	s7 =	smul.u32 @!p0 $0xF7A, s2;
	p2 =	seq.s32 @!p0 s5, $0x0  }
0x1f: {  	s9 =	smul.u32 $0xF7A, s1;
	s8 =	simm.s32 @!p0 $0x1BF5;
	p2 =	por !p2, p0  }
0x20: {  	[sflag:s8] =	ssyncset.s32 @!p0 $0xFFFFF086;
	s6 =	sadd.s32 @!p0 s3, s7;
	s7 =	simm.s32 @!p0 $0x108  }
0x21: {  	s3 =	sadd.s32 s3, s9;
	s6 =	sadd.s32 @!p0 $0x88, s6;
	s7 =	simm.s32 @p2 $0x1082  }
0x22: {  	[simem:s7], [sflag:s8] =	dma.local @!p0 [hbm:s6], $0xF7A  }
0x23: {  	s9 =	sor.u32 $0xD0000000, s2;
	s6 =	simm.s32 $0x108;
	_ =	swait.ge @!p0 [sflag:s8], $0x0  }
0x24: {  	s3 =	sadd.s32 $0x88, s3;
	s6 =	simm.s32 @!p1 $0x1082;
	[sflag:s4] =	ssyncset.s32 $0xFFFFF086  }
0x25: {  	[simem:s6], [sflag:s4] =	dma.local [hbm:s3], $0xF7A  }
0x26: {  	[smem:$0x3F92] =	sst s1;
	(tag) =	ssettag s2;
	_ =	strace s9  }
0x27: {  	s1 =	sld [smem:$0x3FA2]  }
0x28: {  	s2 =	sld [smem:$0x3FA3]  }
0x29: {  	s4 =	sld [smem:$0x3FA5]  }
0x2a: {  	p0 =	seq.s32 s5, $0x0;
	s5 =	sld [smem:$0x3FA6]  }
0x2b: {  	s6 =	sld [smem:$0x3FA7]  }
0x2c: {  	s7 =	sld [smem:$0x3FA8]  }
0x2d: {  	s3 =	simm.s32 $0x108;
	s8 =	sld [smem:$0x3FA9]  }
0x2e: {  	s3 =	simm.s32 @!p0 $0x1082;
	s9 =	sld [smem:$0x3FAA]  }
0x2f: {  	lr =	sadd.s32 s0, s3;
	s0 =	sld [smem:$0x3FA1]  }
0x30: {  	s3 =	sld [smem:$0x3FA4]  }
0x31: {  	[smem:$0x3FAD] =	sst s10  }
0x32: {  	s10 =	sld [smem:$0x3FAB];
	_ =	sdelay $0x3  }
0x33: {  	p0 =	seq.s32 s10, $0x1;
	s10 =	sld [smem:$0x3FAD];
	_ =	sdelay $0x3  }
0x34: {  	[smem:$0x3FAD] =	sst s10  }
0x35: {  	s10 =	sld [smem:$0x3FAC];
	_ =	sdelay $0x3  }
0x36: {  	p1 =	seq.s32 s10, $0x1;
	s10 =	sld [smem:$0x3FAD];
	_ =	sdelay $0x3  }
0x37: {  	[smem:$0x3FAD] =	sst s10  }
0x38: {  	s10 =	sld [smem:$0x3FAE]  }
0x39: {  	_ = 	snop;
	(pc) =	sbr.ind lr, $3  }
0x3a: {  	_ = 	snop  }
0x3b: {  	_ = 	snop  }
0x3c: {  	p2 =	seq.s32 s10, $0x1;
	s10 =	sld [smem:$0x3FAD]  }
0x3d: {  	_ =	shalt  }
0x3e: {  	_ =	shalt  }
0x3f: {  	_ =	shalt  }
0x40: {  	_ =	shalt  }
0x41: {  	_ =	shalt  }
0x42: {  	_ =	shalt  }
0x43: {  	_ =	shalt  }
0x44: {  	_ =	shalt  }
0x45: {  	_ =	shalt  }
0x46: {  	_ =	shalt  }
0x47: {  	_ =	shalt  }
0x48: {  	_ =	shalt  }
0x49: {  	_ =	shalt  }
0x4a: {  	_ =	shalt  }
0x4b: {  	_ =	shalt  }
0x4c: {  	_ =	shalt  }
0x4d: {  	_ =	shalt  }
0x4e: {  	_ =	shalt  }
0x4f: {  	_ =	shalt  }
0x50: {  	_ =	shalt  }
0x51: {  	_ =	shalt  }
0x52: {  	_ =	shalt  }
0x53: {  	_ =	shalt  }
0x54: {  	_ =	shalt  }
0x55: {  	_ =	shalt  }
0x56: {  	_ =	shalt  }
0x57: {  	_ =	shalt  }
0x58: {  	_ =	shalt  }
0x59: {  	_ =	shalt  }
0x5a: {  	_ =	shalt  }
0x5b: {  	_ =	shalt  }
0x5c: {  	_ =	shalt  }
0x5d: {  	_ =	shalt  }
0x5e: {  	_ =	shalt  }
0x5f: {  	_ =	shalt  }
0x60: {  	_ =	shalt  }
0x61: {  	_ =	shalt  }
0x62: {  	_ =	shalt  }
0x63: {  	_ =	shalt  }
0x64: {  	_ =	shalt  }
0x65: {  	_ =	shalt  }
0x66: {  	_ =	shalt  }
0x67: {  	_ =	shalt  }
0x68: {  	_ =	shalt  }
0x69: {  	_ =	shalt  }
0x6a: {  	_ =	shalt  }
0x6b: {  	_ =	shalt  }
0x6c: {  	_ =	shalt  }
0x6d: {  	_ =	shalt  }
0x6e: {  	_ =	shalt  }
0x6f: {  	_ =	shalt  }
0x70: {  	_ =	shalt  }
0x71: {  	_ =	shalt  }
0x72: {  	_ =	shalt  }
0x73: {  	_ =	shalt  }
0x74: {  	_ =	shalt  }
0x75: {  	_ =	shalt  }
0x76: {  	_ =	shalt  }
0x77: {  	_ =	shalt  }
0x78: {  	_ =	shalt  }
0x79: {  	_ =	shalt  }
0x7a: {  	_ =	shalt  }
0x7b: {  	_ =	shalt  }
0x7c: {  	_ =	shalt  }
0x7d: {  	_ =	shalt  }
0x7e: {  	_ =	shalt  }
0x7f: {  	_ =	shalt  }
0x80: {  	_ =	shalt  }
0x81: {  	_ =	shalt  }
0x82: {  	_ =	shalt  }
0x83: {  	_ =	shalt  }
0x84: {  	_ =	shalt  }
0x85: {  	_ =	shalt  }
0x86: {  	_ =	shalt  }
0x87: {  	_ =	shalt  }
.Lfunc_end0:
.L_simem_size_0:
called_computation_lowered:
.L_overlay_start_0:
0x88: {  	s2 =	sld [smem:$0x3FD9]  }
0x89: {  	s3 =	sld [smem:$0x3FFE];
	_ =	sdelay $0x1  }
0x8a: {  	s1 =	srdreg.scid  }
0x8b: {  	s0 =	sand.u32 $0x1, s1  }
0x8c: {  	s16 =	sshll.u32 s0, $0xA;
	s2 =	sadd.s32 s3, s2  }
0x8d: {  	s2 =	sadd.s32 s2, s16  }
0x8e: {  	[smem:$0x3FB9] =	sst s2  }
0x8f: {  	_ = 	snop  }
0x90: {  	(tm) =	ssettm $0x1  }
0x91: {  	s17 =	sld [smem:$0x3FFB];
	_ =	sdelay $0x3  }
0x92: {  	_ =	strace s17  }
0x93: {  	s2 =	sld [smem:$0x3FFC];
	_ =	sdelay $0x3  }
0x94: {  	_ =	strace s2  }
0x95: {  	s2 =	sld [smem:$0x3FFD];
	_ =	sdelay $0x3  }
0x96: {  	_ =	strace s2  }
0x97: {  	_ =	strace $0x8FFFFFFF  }
0x98: {  	s18 =	sld [smem:$0x3FDB];
	_ =	sdelay $0x1  }
0x99: {  	s19 =	simm.s32 $_scs_section_size  }
0x9a: {  	s4 =	simm.s32 $_size__tile_overlayer_lowered;
	s5 =	simm.s32 $_tile_overlayer_lowered  }
0x9b: {  	s22 =	simm.s32 $0x1BFF;
	s21 =	sshll.u32 s5, $0x1;
	s2 =	sadd.s32 s19, s18  }
0x9c: {  	s6 =	simm.s32 $0x0;
	s20 =	sshll.u32 s4, $0x1;
	s4 =	sadd.s32 s21, s2  }
0x9d: {  	[timem:s6], [sflag:s22] =	dma.local [hbm:s4], s20  }
0x9e: {  	_ =	swait.ge [sflag:s22], s20  }
0x9f: {  	s3 =	ssub.s32 $0x0, s20;
	[sflag:s22] =	ssyncset.done $0x0  }
0xa0: {  	[sflag:s22] =	ssyncadd.s32 s3;
	_ =	sdelay $0x1  }
0xa1: {  	s23 =	simm.s32 $0x1B8B  }
0xa2: {  	_ =	swait.ge [sflag:s23], $0x1  }
0xa3: {  	[sflag:s23] =	ssyncset.done $0x0  }
0xa4: {  	s25 =	simm.s32 $0x1B8E;
	s24 =	sld [smem:$0x3FFE];
	[sflag:s23] =	ssyncadd.s32 $0xFFFFFFFF  }
0xa5: {  	s26 =	simm.s32 $execute0_lowered;
	[smem:$0x3FD2] =	sst s25  }
0xa6: {  	s4 =	sshll.u32 s26, $0x1;
	_ =	strace $0x80000046;
	[dreg:$0x1] =	wrdreg $0xFFFFFFFF  }
0xa7: {  	s28 =	simm.s32 $_size_execute0_lowered;
	s2 =	sadd.s32 s2, s4;
	[dreg:$0x0] =	wrdreg $0x0  }
0xa8: {  	s4 =	sshll.u32 s28, $0x1;
	[dreg:$0x2] =	wrdreg s2  }
0xa9: {  	[dreg:$0x3] =	wrdreg s4  }
0xaa: {  	[dreg:$0x4] =	wrdreg $0xC0  }
0xab: {  	_ =	task [dreg:s6], $0x5FFFF  }
0xac: {  	[dreg:$0x1] =	wrdreg $0xFFFFFFFF  }
0xad: {  	[dreg:$0x0] =	wrdreg $0x60  }
0xae: {  	[dreg:$0x2] =	wrdreg s24  }
0xaf: {  	[dreg:$0x3] =	wrdreg $0x9  }
0xb0: {  	_ =	task.clear_ibuf [dreg:s6], $0x4FFFF;
	_ =	strace $0x90000046  }
0xb1: {  	s29 =	simm.s32 $0x9;
	_ =	strace $0x80000048  }
0xb2: {  	_ =	swait.ge [sflag:s29], $0x1  }
0xb3: {  	[sflag:s29] =	ssyncadd.s32 $0xFFFFFFFF  }
0xb4: {  	_ =	strace $0x90000048  }
0xb5: {  	_ =	sfence  }
0xb6: {  	s30 =	sld [smem:$0x0];
	_ =	sdelay $0x2  }
0xb7: {  	s31 =	sshll.u32 s1, $0xD;
	s1 =	sshrl.u32 s1, $0x2  }
0xb8: {  	s3 =	sand.u32 $0x4000, s31;
	s1 =	sadd.s32 s1, s30  }
0xb9: {  	s0 =	sor.u32 s3, s0;
	s1 =	sshll.u32 s1, $0x11  }
0xba: {  	s0 =	sor.u32 s1, s0  }
0xbb: {  	s0 =	sadd.s32 $0x8F2B, s0  }
0xbc: {  	[sflag:s0] =	ssyncadd.remote.s32 $0x1  }
0xbd: {  	_ =	sfence.sel $0xFFFF  }
0xbe: {  	[dreg:$0x0] =	wrdreg $0xFFFFFFFF;
	(pc) =	sbr.abs _section_cstart, $3  }
0xbf: {  	[dreg:$0x1] =	wrdreg $0xFFFFFFFF  }
0xc0: {  	_ =	task.clear_ibuf [dreg:s6], $0x2FFFF;
	_ =	strace $0x9FFFFFFF  }
0xc1: {  	(tm) =	ssettm $0x7FFFFFFF  }
tec
execute0_lowered:
.L_overlay_start_1:
0x0: {  	(tag) =	ssettag $0x1  }
0x1: {  	s0 =	srdreg.scid  }
0x2: {  	s2 =	stileid.u32;
	s1 =	rddreg [dreg:$0x0];
	s7 =	simm.s32 $0x5  }
0x3: {  	s21 =	simm.s32 $0x10000;
	s22 =	simm.s32 $0x10400;
	s23 =	simm.s32 $0x10800  }
0x4: {  	s24 =	simm.s32 $0x10C00;
	s25 =	simm.s32 $0x11000;
	s28 =	simm.s32 $0x11800  }
0x5: {  	s29 =	simm.s32 $0x11C00;
	s30 =	simm.s32 $0x12000;
	s31 =	simm.s32 $0x12400  }
0x6: {  	s8 =	simm.s32 $0x13000;
	s9 =	simm.s32 $0x13400;
	s10 =	simm.s32 $0x1  }
0x7: {  	s11 =	simm.s32 $0x2;
	s12 =	simm.s32 $0x3;
	s13 =	simm.s32 $0x4  }
0x8: {  	s14 =	simm.s32 $0x13800;
	s15 =	simm.s32 $0x0;
	s0 =	sand.u32 $0x1, s0  }
0x9: {  	s3 =	sshll.u32 s2, $0x8;
	s2 =	simm.s32 $0x0;
	s4 =	sshll.u32 s0, $0x7  }
0xa: {  	[smem:$0x7FF] =	sst s2;
	s0 =	ssub.s32 $0x2, s0;
	s3 =	sor.u32 s4, s3  }
.Ltmp0:
0xb: {  	_ =	strace $0x80000047;
	s26 =	sshrl.u32 s0, $0x1;
	(pc) =	sbr.rel .LBB2_1-.Ltmp0, $4  }
0xc: {  	s4 =	smul.u32 $0x1A, s3;
	s5 =	sshll.u32 s3, $0x3;
	s0 =	ssub.s32 s0, s26  }
0xd: {  	s3 =	sadd.s32 $0xF44200, s1;
	s26 =	simm.s32 $0x11400;
	s6 =	smax.u32 s0, $0x1  }
0xe: {  	s0 =	simm.s32 $0x12C00;
	s4 =	sadd.s32 s4, s1;
	s1 =	sadd.s32 s5, s1  }
0xf: {  	vm0 =	vmmov $0xffff;
	s4 =	sadd.s32 $0x1E00, s4;
	s5 =	sadd.s32 $0x1BE00, s1;
	s1 =	simm.s32 $0x12800  }
.LBB2_12:
0x10: {  	s15 =	sadd.s32 $0x1, s15  }
0x11: {  	p0 =	sne.s32 s15, s6  }
.Ltmp1:
0x12: {  	_ = 	snop;
	(pc) =	sbr.rel @!p0 .LBB2_13-.Ltmp1, $4  }
0x13: {  	[hbm4b:s5+s2] =	stream.linear.scatter [tilespmem:s14], [sflag:$0x5], $0x2000, $0x38;
	[tilespmem:$0x15800] =	vst v63  }
0x14: {  	_ =	swait.ge [sflag:s7], $0x2000  }
0x15: {  	[sflag:s7] =	ssyncset.done $0x0  }
0x16: {  	[sflag:s7] =	ssyncadd.s32 $0xFFFFE000  }
.LBB2_1:
0x17: {  	[tilespmem:s2], [sflag:$0x5] =	stream.linear.gather [hbm4b:s4+s2], $0x6800, $0x38;
	[tilespmem:$0x15800] =	vst v63  }
0x18: {  	_ =	swait.ge [sflag:s7], $0x6800  }
0x19: {  	[sflag:s7] =	ssyncset.done $0x0  }
0x1a: {  	[sflag:s7] =	ssyncadd.s32 $0xFFFF9800  }
0x1b: {  	v0 =	vld [tilespmem:$0x0];
	_ =	sdelay $0x6  }
0x1c: {  	s16 =	simm.s32 $0x6800  }
0x1d: {  	[tilespmem:s16], [sflag:$0x1] =	stream.indirect_vreg.gather [hbm4b:s3+s2], $0x40, v0, vm0, $0xb8;
	[tilespmem:$0x15800] =	vst v63  }
0x1e: {  	v0 =	vld [tilespmem:$0x10];
	_ =	sdelay $0x6  }
0x1f: {  	s20 =	simm.s32 $0x6C00  }
0x20: {  	[tilespmem:s20], [sflag:$0x1] =	stream.indirect_vreg.gather [hbm4b:s3+s2], $0x40, v0, vm0, $0xb8;
	[tilespmem:$0x15800] =	vst v63  }
0x21: {  	v0 =	vld [tilespmem:$0x20];
	_ =	sdelay $0x6  }
0x22: {  	s17 =	simm.s32 $0x7000  }
0x23: {  	[tilespmem:s17], [sflag:$0x1] =	stream.indirect_vreg.gather [hbm4b:s3+s2], $0x40, v0, vm0, $0xb8;
	[tilespmem:$0x15800] =	vst v63  }
0x24: {  	v0 =	vld [tilespmem:$0x30];
	_ =	sdelay $0x6  }
0x25: {  	s18 =	simm.s32 $0x7400  }
0x26: {  	[tilespmem:s18], [sflag:$0x1] =	stream.indirect_vreg.gather [hbm4b:s3+s2], $0x40, v0, vm0, $0xb8;
	[tilespmem:$0x15800] =	vst v63  }
0x27: {  	v0 =	vld [tilespmem:$0x40];
	_ =	sdelay $0x6  }
0x28: {  	s19 =	simm.s32 $0x7800  }
0x29: {  	[tilespmem:s19], [sflag:$0x1] =	stream.indirect_vreg.gather [hbm4b:s3+s2], $0x40, v0, vm0, $0xb8;
	[tilespmem:$0x15800] =	vst v63  }
0x2a: {  	v0 =	vld [tilespmem:$0x50];
	_ =	sdelay $0x6  }
0x2b: {  	s20 =	simm.s32 $0x7C00  }
0x2c: {  	[tilespmem:s20], [sflag:$0x1] =	stream.indirect_vreg.gather [hbm4b:s3+s2], $0x40, v0, vm0, $0xb8;
	[tilespmem:$0x15800] =	vst v63  }
0x2d: {  	v0 =	vld [tilespmem:$0x60];
	_ =	sdelay $0x6  }
0x2e: {  	s17 =	simm.s32 $0x8000  }
0x2f: {  	[tilespmem:s17], [sflag:$0x1] =	stream.indirect_vreg.gather [hbm4b:s3+s2], $0x40, v0, vm0, $0xb8;
	[tilespmem:$0x15800] =	vst v63  }
0x30: {  	v0 =	vld [tilespmem:$0x70];
	_ =	sdelay $0x6  }
0x31: {  	s18 =	simm.s32 $0x8400  }
0x32: {  	[tilespmem:s18], [sflag:$0x1] =	stream.indirect_vreg.gather [hbm4b:s3+s2], $0x40, v0, vm0, $0xb8;
	[tilespmem:$0x15800] =	vst v63  }
0x33: {  	v0 =	vld [tilespmem:$0x80];
	_ =	sdelay $0x6  }
0x34: {  	s19 =	simm.s32 $0x8800  }
0x35: {  	[tilespmem:s19], [sflag:$0x1] =	stream.indirect_vreg.gather [hbm4b:s3+s2], $0x40, v0, vm0, $0xb8;
	[tilespmem:$0x15800] =	vst v63  }
0x36: {  	v0 =	vld [tilespmem:$0x90];
	_ =	sdelay $0x6  }
0x37: {  	s20 =	simm.s32 $0x8C00  }
0x38: {  	[tilespmem:s20], [sflag:$0x1] =	stream.indirect_vreg.gather [hbm4b:s3+s2], $0x40, v0, vm0, $0xb8;
	[tilespmem:$0x15800] =	vst v63  }
0x39: {  	v0 =	vld [tilespmem:$0xA0];
	_ =	sdelay $0x6  }
0x3a: {  	s17 =	simm.s32 $0x9000  }
0x3b: {  	[tilespmem:s17], [sflag:$0x1] =	stream.indirect_vreg.gather [hbm4b:s3+s2], $0x40, v0, vm0, $0xb8;
	[tilespmem:$0x15800] =	vst v63  }
0x3c: {  	v0 =	vld [tilespmem:$0xB0];
	_ =	sdelay $0x6  }
0x3d: {  	s18 =	simm.s32 $0x9400  }
0x3e: {  	[tilespmem:s18], [sflag:$0x1] =	stream.indirect_vreg.gather [hbm4b:s3+s2], $0x40, v0, vm0, $0xb8;
	[tilespmem:$0x15800] =	vst v63  }
0x3f: {  	v0 =	vld [tilespmem:$0xC0];
	_ =	sdelay $0x6  }
0x40: {  	s19 =	simm.s32 $0x9800  }
0x41: {  	[tilespmem:s19], [sflag:$0x1] =	stream.indirect_vreg.gather [hbm4b:s3+s2], $0x40, v0, vm0, $0xb8;
	[tilespmem:$0x15800] =	vst v63  }
0x42: {  	v0 =	vld [tilespmem:$0xD0];
	_ =	sdelay $0x6  }
0x43: {  	s20 =	simm.s32 $0x9C00  }
0x44: {  	[tilespmem:s20], [sflag:$0x2] =	stream.indirect_vreg.gather [hbm4b:s3+s2], $0x40, v0, vm0, $0xb8;
	[tilespmem:$0x15800] =	vst v63  }
0x45: {  	v0 =	vld [tilespmem:$0xE0];
	_ =	sdelay $0x6  }
0x46: {  	s17 =	simm.s32 $0xA000  }
0x47: {  	[tilespmem:s17], [sflag:$0x2] =	stream.indirect_vreg.gather [hbm4b:s3+s2], $0x40, v0, vm0, $0xb8;
	[tilespmem:$0x15800] =	vst v63  }
0x48: {  	v0 =	vld [tilespmem:$0xF0];
	_ =	sdelay $0x6  }
0x49: {  	s18 =	simm.s32 $0xA400  }
0x4a: {  	[tilespmem:s18], [sflag:$0x2] =	stream.indirect_vreg.gather [hbm4b:s3+s2], $0x40, v0, vm0, $0xb8;
	[tilespmem:$0x15800] =	vst v63  }
0x4b: {  	v0 =	vld [tilespmem:$0x100];
	_ =	sdelay $0x6  }
0x4c: {  	s19 =	simm.s32 $0xA800  }
0x4d: {  	[tilespmem:s19], [sflag:$0x2] =	stream.indirect_vreg.gather [hbm4b:s3+s2], $0x40, v0, vm0, $0xb8;
	[tilespmem:$0x15800] =	vst v63  }
0x4e: {  	v0 =	vld [tilespmem:$0x110];
	_ =	sdelay $0x6  }
0x4f: {  	s20 =	simm.s32 $0xAC00  }
0x50: {  	[tilespmem:s20], [sflag:$0x2] =	stream.indirect_vreg.gather [hbm4b:s3+s2], $0x40, v0, vm0, $0xb8;
	[tilespmem:$0x15800] =	vst v63  }
0x51: {  	v0 =	vld [tilespmem:$0x120];
	_ =	sdelay $0x6  }
0x52: {  	s17 =	simm.s32 $0xB000  }
0x53: {  	[tilespmem:s17], [sflag:$0x2] =	stream.indirect_vreg.gather [hbm4b:s3+s2], $0x40, v0, vm0, $0xb8;
	[tilespmem:$0x15800] =	vst v63  }
0x54: {  	v0 =	vld [tilespmem:$0x130];
	_ =	sdelay $0x6  }
0x55: {  	s18 =	simm.s32 $0xB400  }
0x56: {  	[tilespmem:s18], [sflag:$0x2] =	stream.indirect_vreg.gather [hbm4b:s3+s2], $0x40, v0, vm0, $0xb8;
	[tilespmem:$0x15800] =	vst v63  }
0x57: {  	v0 =	vld [tilespmem:$0x140];
	_ =	sdelay $0x6  }
0x58: {  	s19 =	simm.s32 $0xB800  }
0x59: {  	[tilespmem:s19], [sflag:$0x2] =	stream.indirect_vreg.gather [hbm4b:s3+s2], $0x40, v0, vm0, $0xb8;
	[tilespmem:$0x15800] =	vst v63  }
0x5a: {  	v0 =	vld [tilespmem:$0x150];
	_ =	sdelay $0x6  }
0x5b: {  	s20 =	simm.s32 $0xBC00  }
0x5c: {  	[tilespmem:s20], [sflag:$0x2] =	stream.indirect_vreg.gather [hbm4b:s3+s2], $0x40, v0, vm0, $0xb8;
	[tilespmem:$0x15800] =	vst v63  }
0x5d: {  	v0 =	vld [tilespmem:$0x160];
	_ =	sdelay $0x6  }
0x5e: {  	s17 =	simm.s32 $0xC000  }
0x5f: {  	[tilespmem:s17], [sflag:$0x2] =	stream.indirect_vreg.gather [hbm4b:s3+s2], $0x40, v0, vm0, $0xb8;
	[tilespmem:$0x15800] =	vst v63  }
0x60: {  	v0 =	vld [tilespmem:$0x170];
	_ =	sdelay $0x6  }
0x61: {  	s18 =	simm.s32 $0xC400  }
0x62: {  	[tilespmem:s18], [sflag:$0x2] =	stream.indirect_vreg.gather [hbm4b:s3+s2], $0x40, v0, vm0, $0xb8;
	[tilespmem:$0x15800] =	vst v63  }
0x63: {  	v0 =	vld [tilespmem:$0x180];
	_ =	sdelay $0x6  }
0x64: {  	s19 =	simm.s32 $0xC800  }
0x65: {  	[tilespmem:s19], [sflag:$0x2] =	stream.indirect_vreg.gather [hbm4b:s3+s2], $0x40, v0, vm0, $0xb8;
	[tilespmem:$0x15800] =	vst v63  }
0x66: {  	v0 =	vld [tilespmem:$0x190];
	_ =	sdelay $0x6  }
0x67: {  	s20 =	simm.s32 $0xCC00  }
0x68: {  	[tilespmem:s20], [sflag:$0x2] =	stream.indirect_vreg.gather [hbm4b:s3+s2], $0x40, v0, vm0, $0xb8;
	[tilespmem:$0x15800] =	vst v63  }
0x69: {  	v0 =	vld [tilespmem:$0x1A0];
	_ =	sdelay $0x6  }
0x6a: {  	s17 =	simm.s32 $0xD000  }
0x6b: {  	[tilespmem:s17], [sflag:$0x3] =	stream.indirect_vreg.gather [hbm4b:s3+s2], $0x40, v0, vm0, $0xb8;
	[tilespmem:$0x15800] =	vst v63  }
0x6c: {  	v0 =	vld [tilespmem:$0x1B0];
	_ =	sdelay $0x6  }
0x6d: {  	s18 =	simm.s32 $0xD400  }
0x6e: {  	[tilespmem:s18], [sflag:$0x3] =	stream.indirect_vreg.gather [hbm4b:s3+s2], $0x40, v0, vm0, $0xb8;
	[tilespmem:$0x15800] =	vst v63  }
0x6f: {  	v0 =	vld [tilespmem:$0x1C0];
	_ =	sdelay $0x6  }
0x70: {  	s19 =	simm.s32 $0xD800  }
0x71: {  	[tilespmem:s19], [sflag:$0x3] =	stream.indirect_vreg.gather [hbm4b:s3+s2], $0x40, v0, vm0, $0xb8;
	[tilespmem:$0x15800] =	vst v63  }
0x72: {  	v0 =	vld [tilespmem:$0x1D0];
	_ =	sdelay $0x6  }
0x73: {  	s20 =	simm.s32 $0xDC00  }
0x74: {  	[tilespmem:s20], [sflag:$0x3] =	stream.indirect_vreg.gather [hbm4b:s3+s2], $0x40, v0, vm0, $0xb8;
	[tilespmem:$0x15800] =	vst v63  }
0x75: {  	v0 =	vld [tilespmem:$0x1E0];
	_ =	sdelay $0x6  }
0x76: {  	s17 =	simm.s32 $0xE000  }
0x77: {  	[tilespmem:s17], [sflag:$0x3] =	stream.indirect_vreg.gather [hbm4b:s3+s2], $0x40, v0, vm0, $0xb8;
	[tilespmem:$0x15800] =	vst v63  }
0x78: {  	v0 =	vld [tilespmem:$0x1F0];
	_ =	sdelay $0x6  }
0x79: {  	s18 =	simm.s32 $0xE400  }
0x7a: {  	[tilespmem:s18], [sflag:$0x3] =	stream.indirect_vreg.gather [hbm4b:s3+s2], $0x40, v0, vm0, $0xb8;
	[tilespmem:$0x15800] =	vst v63  }
0x7b: {  	v0 =	vld [tilespmem:$0x200];
	_ =	sdelay $0x6  }
0x7c: {  	s19 =	simm.s32 $0xE800  }
0x7d: {  	[tilespmem:s19], [sflag:$0x3] =	stream.indirect_vreg.gather [hbm4b:s3+s2], $0x40, v0, vm0, $0xb8;
	[tilespmem:$0x15800] =	vst v63  }
0x7e: {  	v0 =	vld [tilespmem:$0x210];
	_ =	sdelay $0x6  }
0x7f: {  	s20 =	simm.s32 $0xEC00  }
0x80: {  	[tilespmem:s20], [sflag:$0x3] =	stream.indirect_vreg.gather [hbm4b:s3+s2], $0x40, v0, vm0, $0xb8;
	[tilespmem:$0x15800] =	vst v63  }
0x81: {  	v0 =	vld [tilespmem:$0x220];
	_ =	sdelay $0x6  }
0x82: {  	s17 =	simm.s32 $0xF000  }
0x83: {  	[tilespmem:s17], [sflag:$0x3] =	stream.indirect_vreg.gather [hbm4b:s3+s2], $0x40, v0, vm0, $0xb8;
	[tilespmem:$0x15800] =	vst v63  }
0x84: {  	v0 =	vld [tilespmem:$0x230];
	_ =	sdelay $0x6  }
0x85: {  	s18 =	simm.s32 $0xF400  }
0x86: {  	[tilespmem:s18], [sflag:$0x3] =	stream.indirect_vreg.gather [hbm4b:s3+s2], $0x40, v0, vm0, $0xb8;
	[tilespmem:$0x15800] =	vst v63  }
0x87: {  	v0 =	vld [tilespmem:$0x240];
	_ =	sdelay $0x6  }
0x88: {  	s19 =	simm.s32 $0xF800  }
0x89: {  	[tilespmem:s19], [sflag:$0x3] =	stream.indirect_vreg.gather [hbm4b:s3+s2], $0x40, v0, vm0, $0xb8;
	[tilespmem:$0x15800] =	vst v63  }
0x8a: {  	v0 =	vld [tilespmem:$0x250];
	_ =	sdelay $0x6  }
0x8b: {  	s20 =	simm.s32 $0xFC00  }
0x8c: {  	[tilespmem:s20], [sflag:$0x3] =	stream.indirect_vreg.gather [hbm4b:s3+s2], $0x40, v0, vm0, $0xb8;
	[tilespmem:$0x15800] =	vst v63  }
0x8d: {  	v0 =	vld [tilespmem:$0x260];
	_ =	sdelay $0x7  }
0x8e: {  	[tilespmem:s21], [sflag:$0x3] =	stream.indirect_vreg.gather [hbm4b:s3+s2], $0x40, v0, vm0, $0xb8;
	[tilespmem:$0x15800] =	vst v63  }
0x8f: {  	v0 =	vld [tilespmem:$0x270];
	_ =	sdelay $0x7  }
0x90: {  	[tilespmem:s22], [sflag:$0x4] =	stream.indirect_vreg.gather [hbm4b:s3+s2], $0x40, v0, vm0, $0xb8;
	[tilespmem:$0x15800] =	vst v63  }
0x91: {  	v0 =	vld [tilespmem:$0x280];
	_ =	sdelay $0x7  }
0x92: {  	[tilespmem:s23], [sflag:$0x4] =	stream.indirect_vreg.gather [hbm4b:s3+s2], $0x40, v0, vm0, $0xb8;
	[tilespmem:$0x15800] =	vst v63  }
0x93: {  	v0 =	vld [tilespmem:$0x290];
	_ =	sdelay $0x7  }
0x94: {  	[tilespmem:s24], [sflag:$0x4] =	stream.indirect_vreg.gather [hbm4b:s3+s2], $0x40, v0, vm0, $0xb8;
	[tilespmem:$0x15800] =	vst v63  }
0x95: {  	v0 =	vld [tilespmem:$0x2A0];
	_ =	sdelay $0x7  }
0x96: {  	[tilespmem:s25], [sflag:$0x4] =	stream.indirect_vreg.gather [hbm4b:s3+s2], $0x40, v0, vm0, $0xb8;
	[tilespmem:$0x15800] =	vst v63  }
0x97: {  	v0 =	vld [tilespmem:$0x2B0];
	_ =	sdelay $0x7  }
0x98: {  	[tilespmem:s26], [sflag:$0x4] =	stream.indirect_vreg.gather [hbm4b:s3+s2], $0x40, v0, vm0, $0xb8;
	[tilespmem:$0x15800] =	vst v63  }
0x99: {  	v0 =	vld [tilespmem:$0x2C0];
	_ =	sdelay $0x7  }
0x9a: {  	[tilespmem:s28], [sflag:$0x4] =	stream.indirect_vreg.gather [hbm4b:s3+s2], $0x40, v0, vm0, $0xb8;
	[tilespmem:$0x15800] =	vst v63  }
0x9b: {  	v0 =	vld [tilespmem:$0x2D0];
	_ =	sdelay $0x7  }
0x9c: {  	[tilespmem:s29], [sflag:$0x4] =	stream.indirect_vreg.gather [hbm4b:s3+s2], $0x40, v0, vm0, $0xb8;
	[tilespmem:$0x15800] =	vst v63  }
0x9d: {  	v0 =	vld [tilespmem:$0x2E0];
	_ =	sdelay $0x7  }
0x9e: {  	[tilespmem:s30], [sflag:$0x4] =	stream.indirect_vreg.gather [hbm4b:s3+s2], $0x40, v0, vm0, $0xb8;
	[tilespmem:$0x15800] =	vst v63  }
0x9f: {  	v0 =	vld [tilespmem:$0x2F0];
	_ =	sdelay $0x7  }
0xa0: {  	[tilespmem:s31], [sflag:$0x4] =	stream.indirect_vreg.gather [hbm4b:s3+s2], $0x40, v0, vm0, $0xb8;
	[tilespmem:$0x15800] =	vst v63  }
0xa1: {  	v0 =	vld [tilespmem:$0x300];
	_ =	sdelay $0x7  }
0xa2: {  	[tilespmem:s1], [sflag:$0x4] =	stream.indirect_vreg.gather [hbm4b:s3+s2], $0x40, v0, vm0, $0xb8;
	[tilespmem:$0x15800] =	vst v63  }
0xa3: {  	v0 =	vld [tilespmem:$0x310];
	_ =	sdelay $0x7  }
0xa4: {  	[tilespmem:s0], [sflag:$0x4] =	stream.indirect_vreg.gather [hbm4b:s3+s2], $0x40, v0, vm0, $0xb8;
	[tilespmem:$0x15800] =	vst v63  }
0xa5: {  	v0 =	vld [tilespmem:$0x320];
	_ =	sdelay $0x7  }
0xa6: {  	[tilespmem:s8], [sflag:$0x4] =	stream.indirect_vreg.gather [hbm4b:s3+s2], $0x40, v0, vm0, $0xb8;
	[tilespmem:$0x15800] =	vst v63  }
0xa7: {  	v0 =	vld [tilespmem:$0x330];
	_ =	sdelay $0x6  }
0xa8: {  	s16 =	simm.s32 $0x0  }
0xa9: {  	[tilespmem:s9], [sflag:$0x4] =	stream.indirect_vreg.gather [hbm4b:s3+s2], $0x40, v0, vm0, $0xb8;
	[tilespmem:$0x15800] =	vst v63  }
.LBB2_2:
0xaa: {  	_ =	swait.ge [sflag:s10], $0x3400  }
0xab: {  	[sflag:s10] =	ssyncset.done $0x0  }
0xac: {  	s17 =	simm.s32 $0x0;
	[sflag:s10] =	ssyncadd.s32 $0xFFFFCC00  }
0xad: {  	v6 =	vld [tilespmem:s17+$0x6B80]  }
0xae: {  	v7 =	vld [tilespmem:s17+$0x6B90]  }
0xaf: {  	v8 =	vld [tilespmem:s17+$0x6BA0]  }
0xb0: {  	v9 =	vld [tilespmem:s17+$0x6BB0]  }
0xb1: {  	v0 =	vld [tilespmem:s17+$0x6BC0]  }
0xb2: {  	v1 =	vld [tilespmem:s17+$0x6BD0]  }
0xb3: {  	v14 =	vld [tilespmem:s17+$0x6B00]  }
0xb4: {  	v16 =	vld [tilespmem:s17+$0x6B10]  }
0xb5: {  	v13 =	vld [tilespmem:s17+$0x6B20]  }
0xb6: {  	v15 =	vld [tilespmem:s17+$0x6B30]  }
0xb7: {  	v2 =	vld [tilespmem:s17+$0x6B40]  }
0xb8: {  	v3 =	vld [tilespmem:s17+$0x6B50]  }
0xb9: {  	v17 =	vld [tilespmem:s17+$0x6A80]  }
0xba: {  	v18 =	vld [tilespmem:s17+$0x6A90]  }
0xbb: {  	v19 =	vld [tilespmem:s17+$0x6AA0]  }
0xbc: {  	v24 =	vld [tilespmem:s17+$0x6AB0]  }
0xbd: {  	v5 =	vld [tilespmem:s17+$0x6AC0]  }
0xbe: {  	v4 =	vld [tilespmem:s17+$0x6AD0]  }
0xbf: {  	v21 =	vld [tilespmem:s17+$0x6A00]  }
0xc0: {  	v22 =	vld [tilespmem:s17+$0x6A10]  }
0xc1: {  	v23 =	vld [tilespmem:s17+$0x6A20]  }
0xc2: {  	v30 =	vld [tilespmem:s17+$0x6A30]  }
0xc3: {  	v10 =	vld [tilespmem:s17+$0x6A40]  }
0xc4: {  	v27 =	vld [tilespmem:s17+$0x6980]  }
0xc5: {  	v28 =	vld [tilespmem:s17+$0x6990]  }
0xc6: {  	v25 =	vld [tilespmem:s17+$0x6900]  }
0xc7: {  	v26 =	vld [tilespmem:s17+$0x6910]  }
0xc8: {  	v11 =	vld [tilespmem:s17+$0x6880]  }
0xc9: {  	v20 =	vld [tilespmem:s17+$0x6890]  }
0xca: {  	v29 =	vld [tilespmem:s17+$0x6800]  }
0xcb: {  	v31 =	vld [tilespmem:s17+$0x6810]  }
0xcc: {  	v32 =	vld [tilespmem:s17+$0x6820]  }
0xcd: {  	v33 =	vld [tilespmem:s17+$0x6830]  }
0xce: {  	v34 =	vld [tilespmem:s17+$0x68A0]  }
0xcf: {  	v35 =	vld [tilespmem:s17+$0x68B0]  }
0xd0: {  	v12 =	vimm.f32 $0.0e+00;
	v36 =	vld [tilespmem:s17+$0x6920]  }
0xd1: {  	v37 =	vld [tilespmem:s17+$0x6930];
	v29 =	vadd.f32 v29, v12;
	v31 =	vadd.f32 v31, v12  }
0xd2: {  	v38 =	vld [tilespmem:s17+$0x69A0];
	v32 =	vadd.f32 v32, v12;
	v33 =	vadd.f32 v33, v12  }
0xd3: {  	v39 =	vld [tilespmem:s17+$0x69B0];
	v29 =	vadd.f32 v11, v29;
	v31 =	vadd.f32 v20, v31  }
0xd4: {  	v11 =	vld [tilespmem:s17+$0x6A50];
	v32 =	vadd.f32 v34, v32;
	v33 =	vadd.f32 v35, v33  }
0xd5: {  	v20 =	vld [tilespmem:s17+$0x69C0];
	v29 =	vadd.f32 v25, v29;
	v31 =	vadd.f32 v26, v31  }
0xd6: {  	v25 =	vld [tilespmem:s17+$0x69D0];
	v32 =	vadd.f32 v36, v32;
	v33 =	vadd.f32 v37, v33  }
0xd7: {  	v26 =	vld [tilespmem:s17+$0x6940];
	v29 =	vadd.f32 v27, v29;
	v31 =	vadd.f32 v28, v31  }
0xd8: {  	v27 =	vld [tilespmem:s17+$0x6950];
	v32 =	vadd.f32 v38, v32;
	v33 =	vadd.f32 v39, v33  }
0xd9: {  	v28 =	vld [tilespmem:s17+$0x68C0];
	v21 =	vadd.f32 v21, v29;
	v22 =	vadd.f32 v22, v31  }
0xda: {  	v29 =	vld [tilespmem:s17+$0x68D0];
	v23 =	vadd.f32 v23, v32;
	v63 =	vadd.f32 v30, v33  }
0xdb: {  	v30 =	vld [tilespmem:s17+$0x6840];
	v21 =	vadd.f32 v17, v21;
	v22 =	vadd.f32 v18, v22  }
0xdc: {  	v31 =	vld [tilespmem:s17+$0x6850];
	v23 =	vadd.f32 v19, v23;
	v24 =	vadd.f32 v24, v63  }
0xdd: {  	s18 =	simm.s32 $0x1000;
	v32 =	vld [tilespmem:s17+$0x6860];
	v19 =	vimm.f32 $0.0e+00;
	v18 =	vimm.f32 $0.0e+00;
	v17 =	vimm.f32 $0.0e+00  }
.LBB2_3:
0xde: {  	p0 =	sne.s32 s18, $0xC000;
	v33 =	vld [tilespmem:s17+$0x6870];
	v14 =	vadd.f32 v14, v21;
	v16 =	vadd.f32 v16, v22  }
0xdf: {  	v34 =	vld [tilespmem:s17+$0x68E0];
	v13 =	vadd.f32 v13, v23;
	v15 =	vadd.f32 v15, v24  }
0xe0: {  	v35 =	vld [tilespmem:s17+$0x68F0];
	v21 =	vadd.f32 v6, v14;
	v22 =	vadd.f32 v7, v16  }
0xe1: {  	v6 =	vld [tilespmem:s17+$0x6960];
	v23 =	vadd.f32 v8, v13;
	v24 =	vadd.f32 v9, v15  }
0xe2: {  	v7 =	vadd.f32 v30, v12;
	v8 =	vadd.f32 v31, v19;
	v9 =	vld [tilespmem:s17+$0x6970]  }
0xe3: {  	v12 =	vadd.f32 v32, v18;
	v13 =	vadd.f32 v33, v17;
	v14 =	vld [tilespmem:s17+$0x69E0]  }
0xe4: {  	v7 =	vadd.f32 v28, v7;
	v8 =	vadd.f32 v29, v8;
	v15 =	vld [tilespmem:s17+$0x69F0]  }
0xe5: {  	v12 =	vadd.f32 v34, v12;
	v13 =	vadd.f32 v35, v13;
	v16 =	vld [tilespmem:s17+$0x6A60]  }
0xe6: {  	v7 =	vadd.f32 v26, v7;
	v8 =	vadd.f32 v27, v8;
	v17 =	vld [tilespmem:s17+$0x6A70]  }
0xe7: {  	v6 =	vadd.f32 v6, v12;
	v9 =	vadd.f32 v9, v13;
	v12 =	vld [tilespmem:s17+$0x6AE0]  }
0xe8: {  	v7 =	vadd.f32 v20, v7;
	v8 =	vadd.f32 v25, v8;
	v13 =	vld [tilespmem:s17+$0x6AF0]  }
0xe9: {  	v6 =	vadd.f32 v14, v6;
	v9 =	vadd.f32 v15, v9;
	v14 =	vld [tilespmem:s17+$0x6B60]  }
0xea: {  	v7 =	vadd.f32 v10, v7;
	v8 =	vadd.f32 v11, v8;
	v10 =	vld [tilespmem:s17+$0x6B70]  }
0xeb: {  	v11 =	vadd.f32 v16, v6;
	v9 =	vadd.f32 v17, v9;
	v15 =	vld [tilespmem:s17+$0x6BE0]  }
0xec: {  	v5 =	vadd.f32 v5, v7;
	v4 =	vadd.f32 v4, v8;
	v16 =	vld [tilespmem:s17+$0x6BF0];
	s17 =	sshra.s32 s18, $0x2  }
0xed: {  	v11 =	vadd.f32 v12, v11;
	v6 =	vld [tilespmem:s17+$0x6B80];
	v9 =	vadd.f32 v13, v9  }
0xee: {  	v2 =	vadd.f32 v2, v5;
	v3 =	vadd.f32 v3, v4;
	v7 =	vld [tilespmem:s17+$0x6B90]  }
0xef: {  	v4 =	vadd.f32 v14, v11;
	v8 =	vld [tilespmem:s17+$0x6BA0];
	v5 =	vadd.f32 v10, v9  }
0xf0: {  	v12 =	vadd.f32 v0, v2;
	v19 =	vadd.f32 v1, v3;
	v9 =	vld [tilespmem:s17+$0x6BB0]  }
0xf1: {  	v18 =	vadd.f32 v15, v4;
	v0 =	vld [tilespmem:s17+$0x6BC0];
	v17 =	vadd.f32 v16, v5  }
0xf2: {  	v1 =	vld [tilespmem:s17+$0x6BD0]  }
0xf3: {  	v14 =	vld [tilespmem:s17+$0x6B00]  }
0xf4: {  	v16 =	vld [tilespmem:s17+$0x6B10]  }
0xf5: {  	v13 =	vld [tilespmem:s17+$0x6B20]  }
0xf6: {  	v15 =	vld [tilespmem:s17+$0x6B30]  }
0xf7: {  	v2 =	vld [tilespmem:s17+$0x6B40]  }
0xf8: {  	v3 =	vld [tilespmem:s17+$0x6B50]  }
0xf9: {  	v32 =	vld [tilespmem:s17+$0x6A80]  }
0xfa: {  	v33 =	vld [tilespmem:s17+$0x6A90]  }
0xfb: {  	v34 =	vld [tilespmem:s17+$0x6AA0]  }
0xfc: {  	v35 =	vld [tilespmem:s17+$0x6AB0]  }
0xfd: {  	v5 =	vld [tilespmem:s17+$0x6AC0]  }
0xfe: {  	v4 =	vld [tilespmem:s17+$0x6AD0]  }
0xff: {  	v30 =	vld [tilespmem:s17+$0x6A00]  }
0x100: {  	v31 =	vld [tilespmem:s17+$0x6A10]  }
0x101: {  	v36 =	vld [tilespmem:s17+$0x6A20]  }
0x102: {  	v37 =	vld [tilespmem:s17+$0x6A30]  }
0x103: {  	v10 =	vld [tilespmem:s17+$0x6A40]  }
0x104: {  	v11 =	vld [tilespmem:s17+$0x6A50]  }
0x105: {  	v28 =	vld [tilespmem:s17+$0x6980]  }
0x106: {  	v29 =	vld [tilespmem:s17+$0x6990]  }
0x107: {  	v25 =	vld [tilespmem:s17+$0x6900]  }
0x108: {  	v26 =	vld [tilespmem:s17+$0x6910]  }
0x109: {  	v20 =	vld [tilespmem:s17+$0x6880]  }
0x10a: {  	v27 =	vld [tilespmem:s17+$0x6890]  }
0x10b: {  	v38 =	vld [tilespmem:s17+$0x6800]  }
0x10c: {  	v39 =	vld [tilespmem:s17+$0x6810]  }
0x10d: {  	v40 =	vld [tilespmem:s17+$0x6820]  }
0x10e: {  	v41 =	vld [tilespmem:s17+$0x6830]  }
0x10f: {  	v42 =	vld [tilespmem:s17+$0x68A0]  }
0x110: {  	v43 =	vld [tilespmem:s17+$0x68B0]  }
0x111: {  	v44 =	vld [tilespmem:s17+$0x6920]  }
0x112: {  	v21 =	vadd.f32 v38, v21;
	v22 =	vadd.f32 v39, v22;
	v38 =	vld [tilespmem:s17+$0x6930]  }
0x113: {  	v23 =	vadd.f32 v40, v23;
	v24 =	vadd.f32 v41, v24;
	v39 =	vld [tilespmem:s17+$0x69A0]  }
0x114: {  	v21 =	vadd.f32 v20, v21;
	v22 =	vadd.f32 v27, v22;
	v40 =	vld [tilespmem:s17+$0x69B0]  }
0x115: {  	v23 =	vadd.f32 v42, v23;
	v24 =	vadd.f32 v43, v24;
	v20 =	vld [tilespmem:s17+$0x69C0]  }
0x116: {  	v21 =	vadd.f32 v25, v21;
	v22 =	vadd.f32 v26, v22;
	v25 =	vld [tilespmem:s17+$0x69D0]  }
0x117: {  	v23 =	vadd.f32 v44, v23;
	v24 =	vadd.f32 v38, v24;
	v26 =	vld [tilespmem:s17+$0x6940]  }
0x118: {  	v21 =	vadd.f32 v28, v21;
	v22 =	vadd.f32 v29, v22;
	v27 =	vld [tilespmem:s17+$0x6950]  }
.Ltmp2:
0x119: {  	v23 =	vadd.f32 v39, v23;
	v28 =	vld [tilespmem:s17+$0x68C0];
	v24 =	vadd.f32 v40, v24;
	(pc) =	sbr.rel @p0 .LBB2_3-.Ltmp2, $4  }
0x11a: {  	v21 =	vadd.f32 v30, v21;
	v22 =	vadd.f32 v31, v22;
	v29 =	vld [tilespmem:s17+$0x68D0]  }
0x11b: {  	v23 =	vadd.f32 v36, v23;
	v30 =	vld [tilespmem:s17+$0x6840];
	v24 =	vadd.f32 v37, v24  }
0x11c: {  	v21 =	vadd.f32 v32, v21;
	v22 =	vadd.f32 v33, v22;
	v31 =	vld [tilespmem:s17+$0x6850]  }
0x11d: {  	s18 =	sadd.s32 $0x1000, s18;
	v23 =	vadd.f32 v34, v23;
	v32 =	vld [tilespmem:s17+$0x6860];
	v24 =	vadd.f32 v35, v24  }
0x11e: {  	v14 =	vadd.f32 v14, v21;
	v16 =	vadd.f32 v16, v22  }
0x11f: {  	v21 =	vld [tilespmem:s17+$0x6870];
	v13 =	vadd.f32 v13, v23;
	v15 =	vadd.f32 v15, v24  }
0x120: {  	v22 =	vld [tilespmem:s17+$0x68E0];
	v6 =	vadd.f32 v6, v14;
	v7 =	vadd.f32 v7, v16  }
0x121: {  	v14 =	vld [tilespmem:s17+$0x68F0];
	v12 =	vadd.f32 v30, v12;
	v8 =	vadd.f32 v8, v13  }
0x122: {  	v13 =	vld [tilespmem:s17+$0x6960];
	v9 =	vadd.f32 v9, v15;
	v15 =	vadd.f32 v31, v19  }
0x123: {  	v16 =	vld [tilespmem:s17+$0x6970];
	v18 =	vadd.f32 v32, v18;
	v12 =	vadd.f32 v28, v12  }
0x124: {  	v19 =	vld [tilespmem:s17+$0x69E0];
	v17 =	vadd.f32 v21, v17;
	v15 =	vadd.f32 v29, v15  }
0x125: {  	v21 =	vld [tilespmem:s17+$0x69F0];
	v18 =	vadd.f32 v22, v18;
	v12 =	vadd.f32 v26, v12  }
0x126: {  	v14 =	vadd.f32 v14, v17;
	v17 =	vld [tilespmem:s17+$0x6A60];
	v15 =	vadd.f32 v27, v15  }
0x127: {  	v22 =	vld [tilespmem:s17+$0x6A70];
	v13 =	vadd.f32 v13, v18;
	v12 =	vadd.f32 v20, v12  }
0x128: {  	v14 =	vadd.f32 v16, v14;
	v16 =	vld [tilespmem:s17+$0x6AE0];
	v15 =	vadd.f32 v25, v15  }
0x129: {  	v18 =	vld [tilespmem:s17+$0x6AF0];
	v13 =	vadd.f32 v19, v13;
	v10 =	vadd.f32 v10, v12  }
0x12a: {  	v12 =	vadd.f32 v21, v14;
	v14 =	vld [tilespmem:s17+$0x6B60];
	v11 =	vadd.f32 v11, v15  }
0x12b: {  	v15 =	vld [tilespmem:s17+$0x6B70];
	v13 =	vadd.f32 v17, v13;
	v5 =	vadd.f32 v5, v10  }
0x12c: {  	v10 =	vadd.f32 v22, v12;
	v12 =	vld [tilespmem:s17+$0x6BE0];
	v4 =	vadd.f32 v4, v11  }
0x12d: {  	v11 =	vld [tilespmem:s17+$0x6BF0];
	v13 =	vadd.f32 v16, v13;
	v2 =	vadd.f32 v2, v5  }
0x12e: {  	v5 =	vadd.f32 v18, v10;
	v3 =	vadd.f32 v3, v4  }
0x12f: {  	v4 =	vadd.f32 v14, v13;
	v0 =	vadd.f32 v0, v2  }
0x130: {  	v2 =	vadd.f32 v15, v5;
	v1 =	vadd.f32 v1, v3  }
0x131: {  	s20 =	sshll.u32 s16, $0x8;
	v3 =	vadd.f32 v12, v4;
	v0 =	vadd.f32 v0, v6  }
0x132: {  	s17 =	sand.u32 $0x3FFFFF00, s20;
	v2 =	vadd.f32 v11, v2;
	v1 =	vadd.f32 v1, v7  }
0x133: {  	p0 =	seq.s32 s16, $0x1F;
	[tilespmem:s17+$0x13800] =	vst v0;
	v0 =	vadd.f32 v3, v8  }
0x134: {  	s18 =	smul.u32 @!p0 $0xD00, s16;
	[tilespmem:s17+$0x13810] =	vst v1;
	v1 =	vadd.f32 v2, v9  }
0x135: {  	[tilespmem:s17+$0x13820] =	vst v0  }
0x136: {  	s18 =	sshra.s32 @!p0 s18, $0x2;
	[tilespmem:s17+$0x13830] =	vst v1  }
0x137: {  	v0 =	vld @!p0 [tilespmem:s18+$0x340];
	_ =	sdelay $0x6  }
0x138: {  	vm1 =	vmmov @!p0 $0xffff;
	s19 =	simm.s32 @!p0 $0x0;
	s20 =	simm.s32 @!p0 $0x6800  }
0x139: {  	[tilespmem:s20], [sflag:$0x1] =	stream.indirect_vreg.gather @!p0 [hbm4b:s3+s19], $0x40, v0, vm1, $0xb8;
	[tilespmem:$0x15800] =	vst v63  }
0x13a: {  	v0 =	vld @!p0 [tilespmem:s18+$0x350];
	_ =	sdelay $0x6  }
0x13b: {  	s20 =	simm.s32 @!p0 $0x6C00  }
0x13c: {  	[tilespmem:s20], [sflag:$0x1] =	stream.indirect_vreg.gather @!p0 [hbm4b:s3+s19], $0x40, v0, vm1, $0xb8;
	[tilespmem:$0x15800] =	vst v63  }
0x13d: {  	v0 =	vld @!p0 [tilespmem:s18+$0x360];
	_ =	sdelay $0x6  }
0x13e: {  	s20 =	simm.s32 @!p0 $0x7000  }
0x13f: {  	[tilespmem:s20], [sflag:$0x1] =	stream.indirect_vreg.gather @!p0 [hbm4b:s3+s19], $0x40, v0, vm1, $0xb8;
	[tilespmem:$0x15800] =	vst v63  }
0x140: {  	v0 =	vld @!p0 [tilespmem:s18+$0x370];
	_ =	sdelay $0x6  }
0x141: {  	s20 =	simm.s32 @!p0 $0x7400  }
0x142: {  	[tilespmem:s20], [sflag:$0x1] =	stream.indirect_vreg.gather @!p0 [hbm4b:s3+s19], $0x40, v0, vm1, $0xb8;
	[tilespmem:$0x15800] =	vst v63  }
0x143: {  	v0 =	vld @!p0 [tilespmem:s18+$0x380];
	_ =	sdelay $0x6  }
0x144: {  	s20 =	simm.s32 @!p0 $0x7800  }
0x145: {  	[tilespmem:s20], [sflag:$0x1] =	stream.indirect_vreg.gather @!p0 [hbm4b:s3+s19], $0x40, v0, vm1, $0xb8;
	[tilespmem:$0x15800] =	vst v63  }
0x146: {  	v0 =	vld @!p0 [tilespmem:s18+$0x390];
	_ =	sdelay $0x6  }
0x147: {  	s20 =	simm.s32 @!p0 $0x7C00  }
0x148: {  	[tilespmem:s20], [sflag:$0x1] =	stream.indirect_vreg.gather @!p0 [hbm4b:s3+s19], $0x40, v0, vm1, $0xb8;
	[tilespmem:$0x15800] =	vst v63  }
0x149: {  	v0 =	vld @!p0 [tilespmem:s18+$0x3A0];
	_ =	sdelay $0x6  }
0x14a: {  	s20 =	simm.s32 @!p0 $0x8000  }
0x14b: {  	[tilespmem:s20], [sflag:$0x1] =	stream.indirect_vreg.gather @!p0 [hbm4b:s3+s19], $0x40, v0, vm1, $0xb8;
	[tilespmem:$0x15800] =	vst v63  }
0x14c: {  	v0 =	vld @!p0 [tilespmem:s18+$0x3B0];
	_ =	sdelay $0x6  }
0x14d: {  	s20 =	simm.s32 @!p0 $0x8400  }
0x14e: {  	[tilespmem:s20], [sflag:$0x1] =	stream.indirect_vreg.gather @!p0 [hbm4b:s3+s19], $0x40, v0, vm1, $0xb8;
	[tilespmem:$0x15800] =	vst v63  }
0x14f: {  	v0 =	vld @!p0 [tilespmem:s18+$0x3C0];
	_ =	sdelay $0x6  }
0x150: {  	s20 =	simm.s32 @!p0 $0x8800  }
0x151: {  	[tilespmem:s20], [sflag:$0x1] =	stream.indirect_vreg.gather @!p0 [hbm4b:s3+s19], $0x40, v0, vm1, $0xb8;
	[tilespmem:$0x15800] =	vst v63  }
0x152: {  	v0 =	vld @!p0 [tilespmem:s18+$0x3D0];
	_ =	sdelay $0x6  }
0x153: {  	s20 =	simm.s32 @!p0 $0x8C00  }
0x154: {  	[tilespmem:s20], [sflag:$0x1] =	stream.indirect_vreg.gather @!p0 [hbm4b:s3+s19], $0x40, v0, vm1, $0xb8;
	[tilespmem:$0x15800] =	vst v63  }
0x155: {  	v0 =	vld @!p0 [tilespmem:s18+$0x3E0];
	_ =	sdelay $0x6  }
0x156: {  	s20 =	simm.s32 @!p0 $0x9000  }
0x157: {  	[tilespmem:s20], [sflag:$0x1] =	stream.indirect_vreg.gather @!p0 [hbm4b:s3+s19], $0x40, v0, vm1, $0xb8;
	[tilespmem:$0x15800] =	vst v63  }
0x158: {  	v0 =	vld @!p0 [tilespmem:s18+$0x3F0];
	_ =	sdelay $0x6  }
0x159: {  	s20 =	simm.s32 @!p0 $0x9400  }
0x15a: {  	[tilespmem:s20], [sflag:$0x1] =	stream.indirect_vreg.gather @!p0 [hbm4b:s3+s19], $0x40, v0, vm1, $0xb8;
	[tilespmem:$0x15800] =	vst v63  }
0x15b: {  	v0 =	vld @!p0 [tilespmem:s18+$0x400];
	_ =	sdelay $0x6  }
0x15c: {  	s20 =	simm.s32 @!p0 $0x9800  }
0x15d: {  	[tilespmem:s20], [sflag:$0x1] =	stream.indirect_vreg.gather @!p0 [hbm4b:s3+s19], $0x40, v0, vm1, $0xb8;
	[tilespmem:$0x15800] =	vst v63  }
0x15e: {  	_ =	swait.ge [sflag:s11], $0x3400  }
0x15f: {  	[sflag:s11] =	ssyncset.done $0x0  }
0x160: {  	s19 =	simm.s32 $0x0;
	[sflag:s11] =	ssyncadd.s32 $0xFFFFCC00  }
0x161: {  	v6 =	vld [tilespmem:s19+$0x9F80]  }
0x162: {  	v7 =	vld [tilespmem:s19+$0x9F90]  }
0x163: {  	v8 =	vld [tilespmem:s19+$0x9FA0]  }
0x164: {  	v9 =	vld [tilespmem:s19+$0x9FB0]  }
0x165: {  	v0 =	vld [tilespmem:s19+$0x9FC0]  }
0x166: {  	v1 =	vld [tilespmem:s19+$0x9FD0]  }
0x167: {  	v14 =	vld [tilespmem:s19+$0x9F00]  }
0x168: {  	v16 =	vld [tilespmem:s19+$0x9F10]  }
0x169: {  	v13 =	vld [tilespmem:s19+$0x9F20]  }
0x16a: {  	v15 =	vld [tilespmem:s19+$0x9F30]  }
0x16b: {  	v2 =	vld [tilespmem:s19+$0x9F40]  }
0x16c: {  	v3 =	vld [tilespmem:s19+$0x9F50]  }
0x16d: {  	v17 =	vld [tilespmem:s19+$0x9E80]  }
0x16e: {  	v18 =	vld [tilespmem:s19+$0x9E90]  }
0x16f: {  	v19 =	vld [tilespmem:s19+$0x9EA0]  }
0x170: {  	v24 =	vld [tilespmem:s19+$0x9EB0]  }
0x171: {  	v5 =	vld [tilespmem:s19+$0x9EC0]  }
0x172: {  	v4 =	vld [tilespmem:s19+$0x9ED0]  }
0x173: {  	v21 =	vld [tilespmem:s19+$0x9E00]  }
0x174: {  	v22 =	vld [tilespmem:s19+$0x9E10]  }
0x175: {  	v23 =	vld [tilespmem:s19+$0x9E20]  }
0x176: {  	v30 =	vld [tilespmem:s19+$0x9E30]  }
0x177: {  	v10 =	vld [tilespmem:s19+$0x9E40]  }
0x178: {  	v27 =	vld [tilespmem:s19+$0x9D80]  }
0x179: {  	v28 =	vld [tilespmem:s19+$0x9D90]  }
0x17a: {  	v25 =	vld [tilespmem:s19+$0x9D00]  }
0x17b: {  	v26 =	vld [tilespmem:s19+$0x9D10]  }
0x17c: {  	v11 =	vld [tilespmem:s19+$0x9C80]  }
0x17d: {  	v20 =	vld [tilespmem:s19+$0x9C90]  }
0x17e: {  	v29 =	vld [tilespmem:s19+$0x9C00]  }
0x17f: {  	v31 =	vld [tilespmem:s19+$0x9C10]  }
0x180: {  	v62 =	vld [tilespmem:s19+$0x9C20]  }
0x181: {  	v33 =	vld [tilespmem:s19+$0x9C30]  }
0x182: {  	v34 =	vld [tilespmem:s19+$0x9CA0]  }
0x183: {  	v35 =	vld [tilespmem:s19+$0x9CB0]  }
0x184: {  	v12 =	vimm.f32 $0.0e+00;
	v36 =	vld [tilespmem:s19+$0x9D20]  }
0x185: {  	v37 =	vld [tilespmem:s19+$0x9D30];
	v29 =	vadd.f32 v29, v12;
	v31 =	vadd.f32 v31, v12  }
0x186: {  	v38 =	vld [tilespmem:s19+$0x9DA0];
	v32 =	vadd.f32 v62, v12;
	v33 =	vadd.f32 v33, v12  }
0x187: {  	v39 =	vld [tilespmem:s19+$0x9DB0];
	v29 =	vadd.f32 v11, v29;
	v31 =	vadd.f32 v20, v31  }
0x188: {  	v11 =	vld [tilespmem:s19+$0x9E50];
	v32 =	vadd.f32 v34, v32;
	v33 =	vadd.f32 v35, v33  }
0x189: {  	v20 =	vld [tilespmem:s19+$0x9DC0];
	v29 =	vadd.f32 v25, v29;
	v31 =	vadd.f32 v26, v31  }
0x18a: {  	v25 =	vld [tilespmem:s19+$0x9DD0];
	v32 =	vadd.f32 v36, v32;
	v33 =	vadd.f32 v37, v33  }
0x18b: {  	v26 =	vld [tilespmem:s19+$0x9D40];
	v29 =	vadd.f32 v27, v29;
	v31 =	vadd.f32 v28, v31  }
0x18c: {  	v27 =	vld [tilespmem:s19+$0x9D50];
	v32 =	vadd.f32 v38, v32;
	v33 =	vadd.f32 v39, v33  }
0x18d: {  	v28 =	vld [tilespmem:s19+$0x9CC0];
	v21 =	vadd.f32 v21, v29;
	v22 =	vadd.f32 v22, v31  }
0x18e: {  	v29 =	vld [tilespmem:s19+$0x9CD0];
	v23 =	vadd.f32 v23, v32;
	v63 =	vadd.f32 v30, v33  }
0x18f: {  	v30 =	vld [tilespmem:s19+$0x9C40];
	v21 =	vadd.f32 v17, v21;
	v22 =	vadd.f32 v18, v22  }
0x190: {  	v31 =	vld [tilespmem:s19+$0x9C50];
	v23 =	vadd.f32 v19, v23;
	v24 =	vadd.f32 v24, v63  }
0x191: {  	s20 =	simm.s32 $0x1000;
	v32 =	vld [tilespmem:s19+$0x9C60];
	v19 =	vimm.f32 $0.0e+00;
	v18 =	vimm.f32 $0.0e+00;
	v17 =	vimm.f32 $0.0e+00  }
.LBB2_5:
0x192: {  	p1 =	sne.s32 s20, $0xC000;
	v33 =	vld [tilespmem:s19+$0x9C70];
	v14 =	vadd.f32 v14, v21;
	v16 =	vadd.f32 v16, v22  }
0x193: {  	v34 =	vld [tilespmem:s19+$0x9CE0];
	v13 =	vadd.f32 v13, v23;
	v15 =	vadd.f32 v15, v24  }
0x194: {  	v35 =	vld [tilespmem:s19+$0x9CF0];
	v21 =	vadd.f32 v6, v14;
	v22 =	vadd.f32 v7, v16  }
0x195: {  	v6 =	vld [tilespmem:s19+$0x9D60];
	v23 =	vadd.f32 v8, v13;
	v24 =	vadd.f32 v9, v15  }
0x196: {  	v7 =	vadd.f32 v30, v12;
	v8 =	vadd.f32 v31, v19;
	v9 =	vld [tilespmem:s19+$0x9D70]  }
0x197: {  	v12 =	vadd.f32 v32, v18;
	v13 =	vadd.f32 v33, v17;
	v14 =	vld [tilespmem:s19+$0x9DE0]  }
0x198: {  	v7 =	vadd.f32 v28, v7;
	v8 =	vadd.f32 v29, v8;
	v15 =	vld [tilespmem:s19+$0x9DF0]  }
0x199: {  	v12 =	vadd.f32 v34, v12;
	v13 =	vadd.f32 v35, v13;
	v16 =	vld [tilespmem:s19+$0x9E60]  }
0x19a: {  	v7 =	vadd.f32 v26, v7;
	v8 =	vadd.f32 v27, v8;
	v17 =	vld [tilespmem:s19+$0x9E70]  }
0x19b: {  	v6 =	vadd.f32 v6, v12;
	v9 =	vadd.f32 v9, v13;
	v12 =	vld [tilespmem:s19+$0x9EE0]  }
0x19c: {  	v7 =	vadd.f32 v20, v7;
	v8 =	vadd.f32 v25, v8;
	v13 =	vld [tilespmem:s19+$0x9EF0]  }
0x19d: {  	v6 =	vadd.f32 v14, v6;
	v9 =	vadd.f32 v15, v9;
	v14 =	vld [tilespmem:s19+$0x9F60]  }
0x19e: {  	v7 =	vadd.f32 v10, v7;
	v8 =	vadd.f32 v11, v8;
	v10 =	vld [tilespmem:s19+$0x9F70]  }
0x19f: {  	v11 =	vadd.f32 v16, v6;
	v9 =	vadd.f32 v17, v9;
	v15 =	vld [tilespmem:s19+$0x9FE0]  }
0x1a0: {  	v5 =	vadd.f32 v5, v7;
	v4 =	vadd.f32 v4, v8;
	v16 =	vld [tilespmem:s19+$0x9FF0];
	s19 =	sshra.s32 s20, $0x2  }
0x1a1: {  	v11 =	vadd.f32 v12, v11;
	v6 =	vld [tilespmem:s19+$0x9F80];
	v9 =	vadd.f32 v13, v9  }
0x1a2: {  	v2 =	vadd.f32 v2, v5;
	v3 =	vadd.f32 v3, v4;
	v7 =	vld [tilespmem:s19+$0x9F90]  }
0x1a3: {  	v4 =	vadd.f32 v14, v11;
	v8 =	vld [tilespmem:s19+$0x9FA0];
	v5 =	vadd.f32 v10, v9  }
0x1a4: {  	v12 =	vadd.f32 v0, v2;
	v19 =	vadd.f32 v1, v3;
	v9 =	vld [tilespmem:s19+$0x9FB0]  }
0x1a5: {  	v18 =	vadd.f32 v15, v4;
	v0 =	vld [tilespmem:s19+$0x9FC0];
	v17 =	vadd.f32 v16, v5  }
0x1a6: {  	v1 =	vld [tilespmem:s19+$0x9FD0]  }
0x1a7: {  	v14 =	vld [tilespmem:s19+$0x9F00]  }
0x1a8: {  	v16 =	vld [tilespmem:s19+$0x9F10]  }
0x1a9: {  	v13 =	vld [tilespmem:s19+$0x9F20]  }
0x1aa: {  	v15 =	vld [tilespmem:s19+$0x9F30]  }
0x1ab: {  	v2 =	vld [tilespmem:s19+$0x9F40]  }
0x1ac: {  	v3 =	vld [tilespmem:s19+$0x9F50]  }
0x1ad: {  	v32 =	vld [tilespmem:s19+$0x9E80]  }
0x1ae: {  	v33 =	vld [tilespmem:s19+$0x9E90]  }
0x1af: {  	v34 =	vld [tilespmem:s19+$0x9EA0]  }
0x1b0: {  	v35 =	vld [tilespmem:s19+$0x9EB0]  }
0x1b1: {  	v5 =	vld [tilespmem:s19+$0x9EC0]  }
0x1b2: {  	v4 =	vld [tilespmem:s19+$0x9ED0]  }
0x1b3: {  	v30 =	vld [tilespmem:s19+$0x9E00]  }
0x1b4: {  	v31 =	vld [tilespmem:s19+$0x9E10]  }
0x1b5: {  	v36 =	vld [tilespmem:s19+$0x9E20]  }
0x1b6: {  	v37 =	vld [tilespmem:s19+$0x9E30]  }
0x1b7: {  	v10 =	vld [tilespmem:s19+$0x9E40]  }
0x1b8: {  	v11 =	vld [tilespmem:s19+$0x9E50]  }
0x1b9: {  	v28 =	vld [tilespmem:s19+$0x9D80]  }
0x1ba: {  	v29 =	vld [tilespmem:s19+$0x9D90]  }
0x1bb: {  	v25 =	vld [tilespmem:s19+$0x9D00]  }
0x1bc: {  	v26 =	vld [tilespmem:s19+$0x9D10]  }
0x1bd: {  	v20 =	vld [tilespmem:s19+$0x9C80]  }
0x1be: {  	v27 =	vld [tilespmem:s19+$0x9C90]  }
0x1bf: {  	v38 =	vld [tilespmem:s19+$0x9C00]  }
0x1c0: {  	v39 =	vld [tilespmem:s19+$0x9C10]  }
0x1c1: {  	v40 =	vld [tilespmem:s19+$0x9C20]  }
0x1c2: {  	v41 =	vld [tilespmem:s19+$0x9C30]  }
0x1c3: {  	v42 =	vld [tilespmem:s19+$0x9CA0]  }
0x1c4: {  	v43 =	vld [tilespmem:s19+$0x9CB0]  }
0x1c5: {  	v44 =	vld [tilespmem:s19+$0x9D20]  }
0x1c6: {  	v21 =	vadd.f32 v38, v21;
	v22 =	vadd.f32 v39, v22;
	v38 =	vld [tilespmem:s19+$0x9D30]  }
0x1c7: {  	v23 =	vadd.f32 v40, v23;
	v24 =	vadd.f32 v41, v24;
	v39 =	vld [tilespmem:s19+$0x9DA0]  }
0x1c8: {  	v21 =	vadd.f32 v20, v21;
	v22 =	vadd.f32 v27, v22;
	v40 =	vld [tilespmem:s19+$0x9DB0]  }
0x1c9: {  	v23 =	vadd.f32 v42, v23;
	v24 =	vadd.f32 v43, v24;
	v20 =	vld [tilespmem:s19+$0x9DC0]  }
0x1ca: {  	v21 =	vadd.f32 v25, v21;
	v22 =	vadd.f32 v26, v22;
	v25 =	vld [tilespmem:s19+$0x9DD0]  }
0x1cb: {  	v23 =	vadd.f32 v44, v23;
	v24 =	vadd.f32 v38, v24;
	v26 =	vld [tilespmem:s19+$0x9D40]  }
0x1cc: {  	v21 =	vadd.f32 v28, v21;
	v22 =	vadd.f32 v29, v22;
	v27 =	vld [tilespmem:s19+$0x9D50]  }
.Ltmp3:
0x1cd: {  	v23 =	vadd.f32 v39, v23;
	v28 =	vld [tilespmem:s19+$0x9CC0];
	v24 =	vadd.f32 v40, v24;
	(pc) =	sbr.rel @p1 .LBB2_5-.Ltmp3, $4  }
0x1ce: {  	v21 =	vadd.f32 v30, v21;
	v22 =	vadd.f32 v31, v22;
	v29 =	vld [tilespmem:s19+$0x9CD0]  }
0x1cf: {  	v23 =	vadd.f32 v36, v23;
	v30 =	vld [tilespmem:s19+$0x9C40];
	v24 =	vadd.f32 v37, v24  }
0x1d0: {  	v21 =	vadd.f32 v32, v21;
	v22 =	vadd.f32 v33, v22;
	v31 =	vld [tilespmem:s19+$0x9C50]  }
0x1d1: {  	s20 =	sadd.s32 $0x1000, s20;
	v23 =	vadd.f32 v34, v23;
	v32 =	vld [tilespmem:s19+$0x9C60];
	v24 =	vadd.f32 v35, v24  }
0x1d2: {  	v14 =	vadd.f32 v14, v21;
	v16 =	vadd.f32 v16, v22  }
0x1d3: {  	v21 =	vld [tilespmem:s19+$0x9C70];
	v13 =	vadd.f32 v13, v23;
	v15 =	vadd.f32 v15, v24  }
0x1d4: {  	v22 =	vld [tilespmem:s19+$0x9CE0];
	v6 =	vadd.f32 v6, v14;
	v7 =	vadd.f32 v7, v16  }
0x1d5: {  	v14 =	vld [tilespmem:s19+$0x9CF0];
	v12 =	vadd.f32 v30, v12;
	v8 =	vadd.f32 v8, v13  }
0x1d6: {  	v13 =	vld [tilespmem:s19+$0x9D60];
	v9 =	vadd.f32 v9, v15;
	v15 =	vadd.f32 v31, v19  }
0x1d7: {  	v16 =	vld [tilespmem:s19+$0x9D70];
	v18 =	vadd.f32 v32, v18;
	v12 =	vadd.f32 v28, v12  }
0x1d8: {  	v19 =	vld [tilespmem:s19+$0x9DE0];
	v17 =	vadd.f32 v21, v17;
	v15 =	vadd.f32 v29, v15  }
0x1d9: {  	v21 =	vld [tilespmem:s19+$0x9DF0];
	v18 =	vadd.f32 v22, v18;
	v12 =	vadd.f32 v26, v12  }
0x1da: {  	v14 =	vadd.f32 v14, v17;
	v17 =	vld [tilespmem:s19+$0x9E60];
	v15 =	vadd.f32 v27, v15  }
0x1db: {  	v22 =	vld [tilespmem:s19+$0x9E70];
	v13 =	vadd.f32 v13, v18;
	v12 =	vadd.f32 v20, v12  }
0x1dc: {  	v14 =	vadd.f32 v16, v14;
	v16 =	vld [tilespmem:s19+$0x9EE0];
	v15 =	vadd.f32 v25, v15  }
0x1dd: {  	v18 =	vld [tilespmem:s19+$0x9EF0];
	v13 =	vadd.f32 v19, v13;
	v10 =	vadd.f32 v10, v12  }
0x1de: {  	v12 =	vadd.f32 v21, v14;
	v14 =	vld [tilespmem:s19+$0x9F60];
	v11 =	vadd.f32 v11, v15  }
0x1df: {  	v15 =	vld [tilespmem:s19+$0x9F70];
	v13 =	vadd.f32 v17, v13;
	v5 =	vadd.f32 v5, v10  }
0x1e0: {  	v10 =	vadd.f32 v22, v12;
	v12 =	vld [tilespmem:s19+$0x9FE0];
	v4 =	vadd.f32 v4, v11  }
0x1e1: {  	v11 =	vld [tilespmem:s19+$0x9FF0];
	v13 =	vadd.f32 v16, v13;
	v2 =	vadd.f32 v2, v5  }
0x1e2: {  	v5 =	vadd.f32 v18, v10;
	v3 =	vadd.f32 v3, v4  }
0x1e3: {  	v4 =	vadd.f32 v14, v13;
	v0 =	vadd.f32 v0, v2  }
0x1e4: {  	v2 =	vadd.f32 v15, v5;
	v1 =	vadd.f32 v1, v3  }
0x1e5: {  	v3 =	vadd.f32 v12, v4;
	v0 =	vadd.f32 v0, v6  }
0x1e6: {  	v2 =	vadd.f32 v11, v2;
	v1 =	vadd.f32 v1, v7  }
0x1e7: {  	[tilespmem:s17+$0x13840] =	vst v0;
	v0 =	vadd.f32 v3, v8  }
0x1e8: {  	[tilespmem:s17+$0x13850] =	vst v1;
	v1 =	vadd.f32 v2, v9  }
0x1e9: {  	[tilespmem:s17+$0x13860] =	vst v0  }
0x1ea: {  	[tilespmem:s17+$0x13870] =	vst v1  }
0x1eb: {  	v0 =	vld @!p0 [tilespmem:s18+$0x410];
	_ =	sdelay $0x6  }
0x1ec: {  	s20 =	simm.s32 @!p0 $0x9C00;
	s19 =	simm.s32 @!p0 $0x0  }
0x1ed: {  	[tilespmem:s20], [sflag:$0x2] =	stream.indirect_vreg.gather @!p0 [hbm4b:s3+s19], $0x40, v0, vm1, $0xb8;
	[tilespmem:$0x15800] =	vst v63  }
0x1ee: {  	v0 =	vld @!p0 [tilespmem:s18+$0x420];
	_ =	sdelay $0x6  }
0x1ef: {  	s20 =	simm.s32 @!p0 $0xA000  }
0x1f0: {  	[tilespmem:s20], [sflag:$0x2] =	stream.indirect_vreg.gather @!p0 [hbm4b:s3+s19], $0x40, v0, vm1, $0xb8;
	[tilespmem:$0x15800] =	vst v63  }
0x1f1: {  	v0 =	vld @!p0 [tilespmem:s18+$0x430];
	_ =	sdelay $0x6  }
0x1f2: {  	s20 =	simm.s32 @!p0 $0xA400  }
0x1f3: {  	[tilespmem:s20], [sflag:$0x2] =	stream.indirect_vreg.gather @!p0 [hbm4b:s3+s19], $0x40, v0, vm1, $0xb8;
	[tilespmem:$0x15800] =	vst v63  }
0x1f4: {  	v0 =	vld @!p0 [tilespmem:s18+$0x440];
	_ =	sdelay $0x6  }
0x1f5: {  	s20 =	simm.s32 @!p0 $0xA800  }
0x1f6: {  	[tilespmem:s20], [sflag:$0x2] =	stream.indirect_vreg.gather @!p0 [hbm4b:s3+s19], $0x40, v0, vm1, $0xb8;
	[tilespmem:$0x15800] =	vst v63  }
0x1f7: {  	v0 =	vld @!p0 [tilespmem:s18+$0x450];
	_ =	sdelay $0x6  }
0x1f8: {  	s20 =	simm.s32 @!p0 $0xAC00  }
0x1f9: {  	[tilespmem:s20], [sflag:$0x2] =	stream.indirect_vreg.gather @!p0 [hbm4b:s3+s19], $0x40, v0, vm1, $0xb8;
	[tilespmem:$0x15800] =	vst v63  }
0x1fa: {  	v0 =	vld @!p0 [tilespmem:s18+$0x460];
	_ =	sdelay $0x6  }
0x1fb: {  	s20 =	simm.s32 @!p0 $0xB000  }
0x1fc: {  	[tilespmem:s20], [sflag:$0x2] =	stream.indirect_vreg.gather @!p0 [hbm4b:s3+s19], $0x40, v0, vm1, $0xb8;
	[tilespmem:$0x15800] =	vst v63  }
0x1fd: {  	v0 =	vld @!p0 [tilespmem:s18+$0x470];
	_ =	sdelay $0x6  }
0x1fe: {  	s20 =	simm.s32 @!p0 $0xB400  }
0x1ff: {  	[tilespmem:s20], [sflag:$0x2] =	stream.indirect_vreg.gather @!p0 [hbm4b:s3+s19], $0x40, v0, vm1, $0xb8;
	[tilespmem:$0x15800] =	vst v63  }
0x200: {  	v0 =	vld @!p0 [tilespmem:s18+$0x480];
	_ =	sdelay $0x6  }
0x201: {  	s20 =	simm.s32 @!p0 $0xB800  }
0x202: {  	[tilespmem:s20], [sflag:$0x2] =	stream.indirect_vreg.gather @!p0 [hbm4b:s3+s19], $0x40, v0, vm1, $0xb8;
	[tilespmem:$0x15800] =	vst v63  }
0x203: {  	v0 =	vld @!p0 [tilespmem:s18+$0x490];
	_ =	sdelay $0x6  }
0x204: {  	s20 =	simm.s32 @!p0 $0xBC00  }
0x205: {  	[tilespmem:s20], [sflag:$0x2] =	stream.indirect_vreg.gather @!p0 [hbm4b:s3+s19], $0x40, v0, vm1, $0xb8;
	[tilespmem:$0x15800] =	vst v63  }
0x206: {  	v0 =	vld @!p0 [tilespmem:s18+$0x4A0];
	_ =	sdelay $0x6  }
0x207: {  	s20 =	simm.s32 @!p0 $0xC000  }
0x208: {  	[tilespmem:s20], [sflag:$0x2] =	stream.indirect_vreg.gather @!p0 [hbm4b:s3+s19], $0x40, v0, vm1, $0xb8;
	[tilespmem:$0x15800] =	vst v63  }
0x209: {  	v0 =	vld @!p0 [tilespmem:s18+$0x4B0];
	_ =	sdelay $0x6  }
0x20a: {  	s20 =	simm.s32 @!p0 $0xC400  }
0x20b: {  	[tilespmem:s20], [sflag:$0x2] =	stream.indirect_vreg.gather @!p0 [hbm4b:s3+s19], $0x40, v0, vm1, $0xb8;
	[tilespmem:$0x15800] =	vst v63  }
0x20c: {  	v0 =	vld @!p0 [tilespmem:s18+$0x4C0];
	_ =	sdelay $0x6  }
0x20d: {  	s20 =	simm.s32 @!p0 $0xC800  }
0x20e: {  	[tilespmem:s20], [sflag:$0x2] =	stream.indirect_vreg.gather @!p0 [hbm4b:s3+s19], $0x40, v0, vm1, $0xb8;
	[tilespmem:$0x15800] =	vst v63  }
0x20f: {  	v0 =	vld @!p0 [tilespmem:s18+$0x4D0];
	_ =	sdelay $0x6  }
0x210: {  	s20 =	simm.s32 @!p0 $0xCC00  }
0x211: {  	[tilespmem:s20], [sflag:$0x2] =	stream.indirect_vreg.gather @!p0 [hbm4b:s3+s19], $0x40, v0, vm1, $0xb8;
	[tilespmem:$0x15800] =	vst v63  }
0x212: {  	_ =	swait.ge [sflag:s12], $0x3400  }
0x213: {  	[sflag:s12] =	ssyncset.done $0x0  }
0x214: {  	s19 =	simm.s32 $0x0;
	[sflag:s12] =	ssyncadd.s32 $0xFFFFCC00  }
0x215: {  	v6 =	vld [tilespmem:s19+$0xD380]  }
0x216: {  	v7 =	vld [tilespmem:s19+$0xD390]  }
0x217: {  	v8 =	vld [tilespmem:s19+$0xD3A0]  }
0x218: {  	v9 =	vld [tilespmem:s19+$0xD3B0]  }
0x219: {  	v0 =	vld [tilespmem:s19+$0xD3C0]  }
0x21a: {  	v1 =	vld [tilespmem:s19+$0xD3D0]  }
0x21b: {  	v14 =	vld [tilespmem:s19+$0xD300]  }
0x21c: {  	v16 =	vld [tilespmem:s19+$0xD310]  }
0x21d: {  	v13 =	vld [tilespmem:s19+$0xD320]  }
0x21e: {  	v15 =	vld [tilespmem:s19+$0xD330]  }
0x21f: {  	v2 =	vld [tilespmem:s19+$0xD340]  }
0x220: {  	v3 =	vld [tilespmem:s19+$0xD350]  }
0x221: {  	v17 =	vld [tilespmem:s19+$0xD280]  }
0x222: {  	v18 =	vld [tilespmem:s19+$0xD290]  }
0x223: {  	v19 =	vld [tilespmem:s19+$0xD2A0]  }
0x224: {  	v24 =	vld [tilespmem:s19+$0xD2B0]  }
0x225: {  	v5 =	vld [tilespmem:s19+$0xD2C0]  }
0x226: {  	v4 =	vld [tilespmem:s19+$0xD2D0]  }
0x227: {  	v21 =	vld [tilespmem:s19+$0xD200]  }
0x228: {  	v22 =	vld [tilespmem:s19+$0xD210]  }
0x229: {  	v23 =	vld [tilespmem:s19+$0xD220]  }
0x22a: {  	v30 =	vld [tilespmem:s19+$0xD230]  }
0x22b: {  	v10 =	vld [tilespmem:s19+$0xD240]  }
0x22c: {  	v27 =	vld [tilespmem:s19+$0xD180]  }
0x22d: {  	v28 =	vld [tilespmem:s19+$0xD190]  }
0x22e: {  	v25 =	vld [tilespmem:s19+$0xD100]  }
0x22f: {  	v26 =	vld [tilespmem:s19+$0xD110]  }
0x230: {  	v11 =	vld [tilespmem:s19+$0xD080]  }
0x231: {  	v20 =	vld [tilespmem:s19+$0xD090]  }
0x232: {  	v29 =	vld [tilespmem:s19+$0xD000]  }
0x233: {  	v31 =	vld [tilespmem:s19+$0xD010]  }
0x234: {  	v62 =	vld [tilespmem:s19+$0xD020]  }
0x235: {  	v33 =	vld [tilespmem:s19+$0xD030]  }
0x236: {  	v34 =	vld [tilespmem:s19+$0xD0A0]  }
0x237: {  	v35 =	vld [tilespmem:s19+$0xD0B0]  }
0x238: {  	v12 =	vimm.f32 $0.0e+00;
	v36 =	vld [tilespmem:s19+$0xD120]  }
0x239: {  	v37 =	vld [tilespmem:s19+$0xD130];
	v29 =	vadd.f32 v29, v12;
	v31 =	vadd.f32 v31, v12  }
0x23a: {  	v38 =	vld [tilespmem:s19+$0xD1A0];
	v32 =	vadd.f32 v62, v12;
	v33 =	vadd.f32 v33, v12  }
0x23b: {  	v39 =	vld [tilespmem:s19+$0xD1B0];
	v29 =	vadd.f32 v11, v29;
	v31 =	vadd.f32 v20, v31  }
0x23c: {  	v11 =	vld [tilespmem:s19+$0xD250];
	v32 =	vadd.f32 v34, v32;
	v33 =	vadd.f32 v35, v33  }
0x23d: {  	v20 =	vld [tilespmem:s19+$0xD1C0];
	v29 =	vadd.f32 v25, v29;
	v31 =	vadd.f32 v26, v31  }
0x23e: {  	v25 =	vld [tilespmem:s19+$0xD1D0];
	v32 =	vadd.f32 v36, v32;
	v33 =	vadd.f32 v37, v33  }
0x23f: {  	v26 =	vld [tilespmem:s19+$0xD140];
	v29 =	vadd.f32 v27, v29;
	v31 =	vadd.f32 v28, v31  }
0x240: {  	v27 =	vld [tilespmem:s19+$0xD150];
	v32 =	vadd.f32 v38, v32;
	v33 =	vadd.f32 v39, v33  }
0x241: {  	v28 =	vld [tilespmem:s19+$0xD0C0];
	v21 =	vadd.f32 v21, v29;
	v22 =	vadd.f32 v22, v31  }
0x242: {  	v29 =	vld [tilespmem:s19+$0xD0D0];
	v23 =	vadd.f32 v23, v32;
	v63 =	vadd.f32 v30, v33  }
0x243: {  	v30 =	vld [tilespmem:s19+$0xD040];
	v21 =	vadd.f32 v17, v21;
	v22 =	vadd.f32 v18, v22  }
0x244: {  	v31 =	vld [tilespmem:s19+$0xD050];
	v23 =	vadd.f32 v19, v23;
	v24 =	vadd.f32 v24, v63  }
0x245: {  	s20 =	simm.s32 $0x1000;
	v32 =	vld [tilespmem:s19+$0xD060];
	v19 =	vimm.f32 $0.0e+00;
	v18 =	vimm.f32 $0.0e+00;
	v17 =	vimm.f32 $0.0e+00  }
.LBB2_7:
0x246: {  	p1 =	sne.s32 s20, $0xC000;
	v33 =	vld [tilespmem:s19+$0xD070];
	v14 =	vadd.f32 v14, v21;
	v16 =	vadd.f32 v16, v22  }
0x247: {  	v34 =	vld [tilespmem:s19+$0xD0E0];
	v13 =	vadd.f32 v13, v23;
	v15 =	vadd.f32 v15, v24  }
0x248: {  	v35 =	vld [tilespmem:s19+$0xD0F0];
	v21 =	vadd.f32 v6, v14;
	v22 =	vadd.f32 v7, v16  }
0x249: {  	v6 =	vld [tilespmem:s19+$0xD160];
	v23 =	vadd.f32 v8, v13;
	v24 =	vadd.f32 v9, v15  }
0x24a: {  	v7 =	vadd.f32 v30, v12;
	v8 =	vadd.f32 v31, v19;
	v9 =	vld [tilespmem:s19+$0xD170]  }
0x24b: {  	v12 =	vadd.f32 v32, v18;
	v13 =	vadd.f32 v33, v17;
	v14 =	vld [tilespmem:s19+$0xD1E0]  }
0x24c: {  	v7 =	vadd.f32 v28, v7;
	v8 =	vadd.f32 v29, v8;
	v15 =	vld [tilespmem:s19+$0xD1F0]  }
0x24d: {  	v12 =	vadd.f32 v34, v12;
	v13 =	vadd.f32 v35, v13;
	v16 =	vld [tilespmem:s19+$0xD260]  }
0x24e: {  	v7 =	vadd.f32 v26, v7;
	v8 =	vadd.f32 v27, v8;
	v17 =	vld [tilespmem:s19+$0xD270]  }
0x24f: {  	v6 =	vadd.f32 v6, v12;
	v9 =	vadd.f32 v9, v13;
	v12 =	vld [tilespmem:s19+$0xD2E0]  }
0x250: {  	v7 =	vadd.f32 v20, v7;
	v8 =	vadd.f32 v25, v8;
	v13 =	vld [tilespmem:s19+$0xD2F0]  }
0x251: {  	v6 =	vadd.f32 v14, v6;
	v9 =	vadd.f32 v15, v9;
	v14 =	vld [tilespmem:s19+$0xD360]  }
0x252: {  	v7 =	vadd.f32 v10, v7;
	v8 =	vadd.f32 v11, v8;
	v10 =	vld [tilespmem:s19+$0xD370]  }
0x253: {  	v11 =	vadd.f32 v16, v6;
	v9 =	vadd.f32 v17, v9;
	v15 =	vld [tilespmem:s19+$0xD3E0]  }
0x254: {  	v5 =	vadd.f32 v5, v7;
	v4 =	vadd.f32 v4, v8;
	v16 =	vld [tilespmem:s19+$0xD3F0];
	s19 =	sshra.s32 s20, $0x2  }
0x255: {  	v11 =	vadd.f32 v12, v11;
	v6 =	vld [tilespmem:s19+$0xD380];
	v9 =	vadd.f32 v13, v9  }
0x256: {  	v2 =	vadd.f32 v2, v5;
	v3 =	vadd.f32 v3, v4;
	v7 =	vld [tilespmem:s19+$0xD390]  }
0x257: {  	v4 =	vadd.f32 v14, v11;
	v8 =	vld [tilespmem:s19+$0xD3A0];
	v5 =	vadd.f32 v10, v9  }
0x258: {  	v12 =	vadd.f32 v0, v2;
	v19 =	vadd.f32 v1, v3;
	v9 =	vld [tilespmem:s19+$0xD3B0]  }
0x259: {  	v18 =	vadd.f32 v15, v4;
	v0 =	vld [tilespmem:s19+$0xD3C0];
	v17 =	vadd.f32 v16, v5  }
0x25a: {  	v1 =	vld [tilespmem:s19+$0xD3D0]  }
0x25b: {  	v14 =	vld [tilespmem:s19+$0xD300]  }
0x25c: {  	v16 =	vld [tilespmem:s19+$0xD310]  }
0x25d: {  	v13 =	vld [tilespmem:s19+$0xD320]  }
0x25e: {  	v15 =	vld [tilespmem:s19+$0xD330]  }
0x25f: {  	v2 =	vld [tilespmem:s19+$0xD340]  }
0x260: {  	v3 =	vld [tilespmem:s19+$0xD350]  }
0x261: {  	v32 =	vld [tilespmem:s19+$0xD280]  }
0x262: {  	v33 =	vld [tilespmem:s19+$0xD290]  }
0x263: {  	v34 =	vld [tilespmem:s19+$0xD2A0]  }
0x264: {  	v35 =	vld [tilespmem:s19+$0xD2B0]  }
0x265: {  	v5 =	vld [tilespmem:s19+$0xD2C0]  }
0x266: {  	v4 =	vld [tilespmem:s19+$0xD2D0]  }
0x267: {  	v30 =	vld [tilespmem:s19+$0xD200]  }
0x268: {  	v31 =	vld [tilespmem:s19+$0xD210]  }
0x269: {  	v36 =	vld [tilespmem:s19+$0xD220]  }
0x26a: {  	v37 =	vld [tilespmem:s19+$0xD230]  }
0x26b: {  	v10 =	vld [tilespmem:s19+$0xD240]  }
0x26c: {  	v11 =	vld [tilespmem:s19+$0xD250]  }
0x26d: {  	v28 =	vld [tilespmem:s19+$0xD180]  }
0x26e: {  	v29 =	vld [tilespmem:s19+$0xD190]  }
0x26f: {  	v25 =	vld [tilespmem:s19+$0xD100]  }
0x270: {  	v26 =	vld [tilespmem:s19+$0xD110]  }
0x271: {  	v20 =	vld [tilespmem:s19+$0xD080]  }
0x272: {  	v27 =	vld [tilespmem:s19+$0xD090]  }
0x273: {  	v38 =	vld [tilespmem:s19+$0xD000]  }
0x274: {  	v39 =	vld [tilespmem:s19+$0xD010]  }
0x275: {  	v40 =	vld [tilespmem:s19+$0xD020]  }
0x276: {  	v41 =	vld [tilespmem:s19+$0xD030]  }
0x277: {  	v42 =	vld [tilespmem:s19+$0xD0A0]  }
0x278: {  	v43 =	vld [tilespmem:s19+$0xD0B0]  }
0x279: {  	v44 =	vld [tilespmem:s19+$0xD120]  }
0x27a: {  	v21 =	vadd.f32 v38, v21;
	v22 =	vadd.f32 v39, v22;
	v38 =	vld [tilespmem:s19+$0xD130]  }
0x27b: {  	v23 =	vadd.f32 v40, v23;
	v24 =	vadd.f32 v41, v24;
	v39 =	vld [tilespmem:s19+$0xD1A0]  }
0x27c: {  	v21 =	vadd.f32 v20, v21;
	v22 =	vadd.f32 v27, v22;
	v40 =	vld [tilespmem:s19+$0xD1B0]  }
0x27d: {  	v23 =	vadd.f32 v42, v23;
	v24 =	vadd.f32 v43, v24;
	v20 =	vld [tilespmem:s19+$0xD1C0]  }
0x27e: {  	v21 =	vadd.f32 v25, v21;
	v22 =	vadd.f32 v26, v22;
	v25 =	vld [tilespmem:s19+$0xD1D0]  }
0x27f: {  	v23 =	vadd.f32 v44, v23;
	v24 =	vadd.f32 v38, v24;
	v26 =	vld [tilespmem:s19+$0xD140]  }
0x280: {  	v21 =	vadd.f32 v28, v21;
	v22 =	vadd.f32 v29, v22;
	v27 =	vld [tilespmem:s19+$0xD150]  }
.Ltmp4:
0x281: {  	v23 =	vadd.f32 v39, v23;
	v28 =	vld [tilespmem:s19+$0xD0C0];
	v24 =	vadd.f32 v40, v24;
	(pc) =	sbr.rel @p1 .LBB2_7-.Ltmp4, $4  }
0x282: {  	v21 =	vadd.f32 v30, v21;
	v22 =	vadd.f32 v31, v22;
	v29 =	vld [tilespmem:s19+$0xD0D0]  }
0x283: {  	v23 =	vadd.f32 v36, v23;
	v30 =	vld [tilespmem:s19+$0xD040];
	v24 =	vadd.f32 v37, v24  }
0x284: {  	v21 =	vadd.f32 v32, v21;
	v22 =	vadd.f32 v33, v22;
	v31 =	vld [tilespmem:s19+$0xD050]  }
0x285: {  	s20 =	sadd.s32 $0x1000, s20;
	v23 =	vadd.f32 v34, v23;
	v32 =	vld [tilespmem:s19+$0xD060];
	v24 =	vadd.f32 v35, v24  }
0x286: {  	v14 =	vadd.f32 v14, v21;
	v16 =	vadd.f32 v16, v22  }
0x287: {  	v21 =	vld [tilespmem:s19+$0xD070];
	v13 =	vadd.f32 v13, v23;
	v15 =	vadd.f32 v15, v24  }
0x288: {  	v22 =	vld [tilespmem:s19+$0xD0E0];
	v6 =	vadd.f32 v6, v14;
	v7 =	vadd.f32 v7, v16  }
0x289: {  	v14 =	vld [tilespmem:s19+$0xD0F0];
	v12 =	vadd.f32 v30, v12;
	v8 =	vadd.f32 v8, v13  }
0x28a: {  	v13 =	vld [tilespmem:s19+$0xD160];
	v9 =	vadd.f32 v9, v15;
	v15 =	vadd.f32 v31, v19  }
0x28b: {  	v16 =	vld [tilespmem:s19+$0xD170];
	v18 =	vadd.f32 v32, v18;
	v12 =	vadd.f32 v28, v12  }
0x28c: {  	v19 =	vld [tilespmem:s19+$0xD1E0];
	v17 =	vadd.f32 v21, v17;
	v15 =	vadd.f32 v29, v15  }
0x28d: {  	v21 =	vld [tilespmem:s19+$0xD1F0];
	v18 =	vadd.f32 v22, v18;
	v12 =	vadd.f32 v26, v12  }
0x28e: {  	v14 =	vadd.f32 v14, v17;
	v17 =	vld [tilespmem:s19+$0xD260];
	v15 =	vadd.f32 v27, v15  }
0x28f: {  	v22 =	vld [tilespmem:s19+$0xD270];
	v13 =	vadd.f32 v13, v18;
	v12 =	vadd.f32 v20, v12  }
0x290: {  	v14 =	vadd.f32 v16, v14;
	v16 =	vld [tilespmem:s19+$0xD2E0];
	v15 =	vadd.f32 v25, v15  }
0x291: {  	v18 =	vld [tilespmem:s19+$0xD2F0];
	v13 =	vadd.f32 v19, v13;
	v10 =	vadd.f32 v10, v12  }
0x292: {  	v12 =	vadd.f32 v21, v14;
	v14 =	vld [tilespmem:s19+$0xD360];
	v11 =	vadd.f32 v11, v15  }
0x293: {  	v15 =	vld [tilespmem:s19+$0xD370];
	v13 =	vadd.f32 v17, v13;
	v5 =	vadd.f32 v5, v10  }
0x294: {  	v10 =	vadd.f32 v22, v12;
	v12 =	vld [tilespmem:s19+$0xD3E0];
	v4 =	vadd.f32 v4, v11  }
0x295: {  	v11 =	vld [tilespmem:s19+$0xD3F0];
	v13 =	vadd.f32 v16, v13;
	v2 =	vadd.f32 v2, v5  }
0x296: {  	v5 =	vadd.f32 v18, v10;
	v3 =	vadd.f32 v3, v4  }
0x297: {  	v4 =	vadd.f32 v14, v13;
	v0 =	vadd.f32 v0, v2  }
0x298: {  	v2 =	vadd.f32 v15, v5;
	v1 =	vadd.f32 v1, v3  }
0x299: {  	v3 =	vadd.f32 v12, v4;
	v0 =	vadd.f32 v0, v6  }
0x29a: {  	v2 =	vadd.f32 v11, v2;
	v1 =	vadd.f32 v1, v7  }
0x29b: {  	[tilespmem:s17+$0x13880] =	vst v0;
	v0 =	vadd.f32 v3, v8  }
0x29c: {  	[tilespmem:s17+$0x13890] =	vst v1;
	v1 =	vadd.f32 v2, v9  }
0x29d: {  	[tilespmem:s17+$0x138A0] =	vst v0  }
0x29e: {  	[tilespmem:s17+$0x138B0] =	vst v1  }
0x29f: {  	v0 =	vld @!p0 [tilespmem:s18+$0x4E0];
	_ =	sdelay $0x6  }
0x2a0: {  	s20 =	simm.s32 @!p0 $0xD000;
	s19 =	simm.s32 @!p0 $0x0  }
0x2a1: {  	[tilespmem:s20], [sflag:$0x3] =	stream.indirect_vreg.gather @!p0 [hbm4b:s3+s19], $0x40, v0, vm1, $0xb8;
	[tilespmem:$0x15800] =	vst v63  }
0x2a2: {  	v0 =	vld @!p0 [tilespmem:s18+$0x4F0];
	_ =	sdelay $0x6  }
0x2a3: {  	s20 =	simm.s32 @!p0 $0xD400  }
0x2a4: {  	[tilespmem:s20], [sflag:$0x3] =	stream.indirect_vreg.gather @!p0 [hbm4b:s3+s19], $0x40, v0, vm1, $0xb8;
	[tilespmem:$0x15800] =	vst v63  }
0x2a5: {  	v0 =	vld @!p0 [tilespmem:s18+$0x500];
	_ =	sdelay $0x6  }
0x2a6: {  	s20 =	simm.s32 @!p0 $0xD800  }
0x2a7: {  	[tilespmem:s20], [sflag:$0x3] =	stream.indirect_vreg.gather @!p0 [hbm4b:s3+s19], $0x40, v0, vm1, $0xb8;
	[tilespmem:$0x15800] =	vst v63  }
0x2a8: {  	v0 =	vld @!p0 [tilespmem:s18+$0x510];
	_ =	sdelay $0x6  }
0x2a9: {  	s20 =	simm.s32 @!p0 $0xDC00  }
0x2aa: {  	[tilespmem:s20], [sflag:$0x3] =	stream.indirect_vreg.gather @!p0 [hbm4b:s3+s19], $0x40, v0, vm1, $0xb8;
	[tilespmem:$0x15800] =	vst v63  }
0x2ab: {  	v0 =	vld @!p0 [tilespmem:s18+$0x520];
	_ =	sdelay $0x6  }
0x2ac: {  	s20 =	simm.s32 @!p0 $0xE000  }
0x2ad: {  	[tilespmem:s20], [sflag:$0x3] =	stream.indirect_vreg.gather @!p0 [hbm4b:s3+s19], $0x40, v0, vm1, $0xb8;
	[tilespmem:$0x15800] =	vst v63  }
0x2ae: {  	v0 =	vld @!p0 [tilespmem:s18+$0x530];
	_ =	sdelay $0x6  }
0x2af: {  	s20 =	simm.s32 @!p0 $0xE400  }
0x2b0: {  	[tilespmem:s20], [sflag:$0x3] =	stream.indirect_vreg.gather @!p0 [hbm4b:s3+s19], $0x40, v0, vm1, $0xb8;
	[tilespmem:$0x15800] =	vst v63  }
0x2b1: {  	v0 =	vld @!p0 [tilespmem:s18+$0x540];
	_ =	sdelay $0x6  }
0x2b2: {  	s20 =	simm.s32 @!p0 $0xE800  }
0x2b3: {  	[tilespmem:s20], [sflag:$0x3] =	stream.indirect_vreg.gather @!p0 [hbm4b:s3+s19], $0x40, v0, vm1, $0xb8;
	[tilespmem:$0x15800] =	vst v63  }
0x2b4: {  	v0 =	vld @!p0 [tilespmem:s18+$0x550];
	_ =	sdelay $0x6  }
0x2b5: {  	s20 =	simm.s32 @!p0 $0xEC00  }
0x2b6: {  	[tilespmem:s20], [sflag:$0x3] =	stream.indirect_vreg.gather @!p0 [hbm4b:s3+s19], $0x40, v0, vm1, $0xb8;
	[tilespmem:$0x15800] =	vst v63  }
0x2b7: {  	v0 =	vld @!p0 [tilespmem:s18+$0x560];
	_ =	sdelay $0x6  }
0x2b8: {  	s20 =	simm.s32 @!p0 $0xF000  }
0x2b9: {  	[tilespmem:s20], [sflag:$0x3] =	stream.indirect_vreg.gather @!p0 [hbm4b:s3+s19], $0x40, v0, vm1, $0xb8;
	[tilespmem:$0x15800] =	vst v63  }
0x2ba: {  	v0 =	vld @!p0 [tilespmem:s18+$0x570];
	_ =	sdelay $0x6  }
0x2bb: {  	s20 =	simm.s32 @!p0 $0xF400  }
0x2bc: {  	[tilespmem:s20], [sflag:$0x3] =	stream.indirect_vreg.gather @!p0 [hbm4b:s3+s19], $0x40, v0, vm1, $0xb8;
	[tilespmem:$0x15800] =	vst v63  }
0x2bd: {  	v0 =	vld @!p0 [tilespmem:s18+$0x580];
	_ =	sdelay $0x6  }
0x2be: {  	s20 =	simm.s32 @!p0 $0xF800  }
0x2bf: {  	[tilespmem:s20], [sflag:$0x3] =	stream.indirect_vreg.gather @!p0 [hbm4b:s3+s19], $0x40, v0, vm1, $0xb8;
	[tilespmem:$0x15800] =	vst v63  }
0x2c0: {  	v0 =	vld @!p0 [tilespmem:s18+$0x590];
	_ =	sdelay $0x6  }
0x2c1: {  	s20 =	simm.s32 @!p0 $0xFC00  }
0x2c2: {  	[tilespmem:s20], [sflag:$0x3] =	stream.indirect_vreg.gather @!p0 [hbm4b:s3+s19], $0x40, v0, vm1, $0xb8;
	[tilespmem:$0x15800] =	vst v63  }
0x2c3: {  	v0 =	vld @!p0 [tilespmem:s18+$0x5A0];
	_ =	sdelay $0x6  }
0x2c4: {  	s18 =	simm.s32 @!p0 $0x10000  }
0x2c5: {  	[tilespmem:s18], [sflag:$0x3] =	stream.indirect_vreg.gather @!p0 [hbm4b:s3+s19], $0x40, v0, vm1, $0xb8;
	[tilespmem:$0x15800] =	vst v63  }
0x2c6: {  	_ =	swait.ge [sflag:s13], $0x3400  }
0x2c7: {  	[sflag:s13] =	ssyncset.done $0x0  }
0x2c8: {  	s18 =	simm.s32 $0x0;
	[sflag:s13] =	ssyncadd.s32 $0xFFFFCC00  }
0x2c9: {  	v6 =	vld [tilespmem:s18+$0x10780]  }
0x2ca: {  	v7 =	vld [tilespmem:s18+$0x10790]  }
0x2cb: {  	v8 =	vld [tilespmem:s18+$0x107A0]  }
0x2cc: {  	v9 =	vld [tilespmem:s18+$0x107B0]  }
0x2cd: {  	v0 =	vld [tilespmem:s18+$0x107C0]  }
0x2ce: {  	v1 =	vld [tilespmem:s18+$0x107D0]  }
0x2cf: {  	v14 =	vld [tilespmem:s18+$0x10700]  }
0x2d0: {  	v16 =	vld [tilespmem:s18+$0x10710]  }
0x2d1: {  	v13 =	vld [tilespmem:s18+$0x10720]  }
0x2d2: {  	v15 =	vld [tilespmem:s18+$0x10730]  }
0x2d3: {  	v2 =	vld [tilespmem:s18+$0x10740]  }
0x2d4: {  	v3 =	vld [tilespmem:s18+$0x10750]  }
0x2d5: {  	v17 =	vld [tilespmem:s18+$0x10680]  }
0x2d6: {  	v18 =	vld [tilespmem:s18+$0x10690]  }
0x2d7: {  	v19 =	vld [tilespmem:s18+$0x106A0]  }
0x2d8: {  	v24 =	vld [tilespmem:s18+$0x106B0]  }
0x2d9: {  	v5 =	vld [tilespmem:s18+$0x106C0]  }
0x2da: {  	v4 =	vld [tilespmem:s18+$0x106D0]  }
0x2db: {  	v21 =	vld [tilespmem:s18+$0x10600]  }
0x2dc: {  	v22 =	vld [tilespmem:s18+$0x10610]  }
0x2dd: {  	v23 =	vld [tilespmem:s18+$0x10620]  }
0x2de: {  	v30 =	vld [tilespmem:s18+$0x10630]  }
0x2df: {  	v10 =	vld [tilespmem:s18+$0x10640]  }
0x2e0: {  	v27 =	vld [tilespmem:s18+$0x10580]  }
0x2e1: {  	v28 =	vld [tilespmem:s18+$0x10590]  }
0x2e2: {  	v25 =	vld [tilespmem:s18+$0x10500]  }
0x2e3: {  	v26 =	vld [tilespmem:s18+$0x10510]  }
0x2e4: {  	v11 =	vld [tilespmem:s18+$0x10480]  }
0x2e5: {  	v20 =	vld [tilespmem:s18+$0x10490]  }
0x2e6: {  	v29 =	vld [tilespmem:s18+$0x10400]  }
0x2e7: {  	v31 =	vld [tilespmem:s18+$0x10410]  }
0x2e8: {  	v62 =	vld [tilespmem:s18+$0x10420]  }
0x2e9: {  	v33 =	vld [tilespmem:s18+$0x10430]  }
0x2ea: {  	v34 =	vld [tilespmem:s18+$0x104A0]  }
0x2eb: {  	v35 =	vld [tilespmem:s18+$0x104B0]  }
0x2ec: {  	v12 =	vimm.f32 $0.0e+00;
	v36 =	vld [tilespmem:s18+$0x10520]  }
0x2ed: {  	v37 =	vld [tilespmem:s18+$0x10530];
	v29 =	vadd.f32 v29, v12;
	v31 =	vadd.f32 v31, v12  }
0x2ee: {  	v38 =	vld [tilespmem:s18+$0x105A0];
	v32 =	vadd.f32 v62, v12;
	v33 =	vadd.f32 v33, v12  }
0x2ef: {  	v39 =	vld [tilespmem:s18+$0x105B0];
	v29 =	vadd.f32 v11, v29;
	v31 =	vadd.f32 v20, v31  }
0x2f0: {  	v11 =	vld [tilespmem:s18+$0x10650];
	v32 =	vadd.f32 v34, v32;
	v33 =	vadd.f32 v35, v33  }
0x2f1: {  	v20 =	vld [tilespmem:s18+$0x105C0];
	v29 =	vadd.f32 v25, v29;
	v31 =	vadd.f32 v26, v31  }
0x2f2: {  	v25 =	vld [tilespmem:s18+$0x105D0];
	v32 =	vadd.f32 v36, v32;
	v33 =	vadd.f32 v37, v33  }
0x2f3: {  	v26 =	vld [tilespmem:s18+$0x10540];
	v29 =	vadd.f32 v27, v29;
	v31 =	vadd.f32 v28, v31  }
0x2f4: {  	v27 =	vld [tilespmem:s18+$0x10550];
	v32 =	vadd.f32 v38, v32;
	v33 =	vadd.f32 v39, v33  }
0x2f5: {  	v28 =	vld [tilespmem:s18+$0x104C0];
	v21 =	vadd.f32 v21, v29;
	v22 =	vadd.f32 v22, v31  }
0x2f6: {  	v29 =	vld [tilespmem:s18+$0x104D0];
	v23 =	vadd.f32 v23, v32;
	v63 =	vadd.f32 v30, v33  }
0x2f7: {  	v30 =	vld [tilespmem:s18+$0x10440];
	v21 =	vadd.f32 v17, v21;
	v22 =	vadd.f32 v18, v22  }
0x2f8: {  	v31 =	vld [tilespmem:s18+$0x10450];
	v23 =	vadd.f32 v19, v23;
	v24 =	vadd.f32 v24, v63  }
0x2f9: {  	s19 =	simm.s32 $0x1000;
	v32 =	vld [tilespmem:s18+$0x10460];
	v19 =	vimm.f32 $0.0e+00;
	v18 =	vimm.f32 $0.0e+00;
	v17 =	vimm.f32 $0.0e+00  }
.LBB2_9:
0x2fa: {  	p1 =	sne.s32 s19, $0xC000;
	v33 =	vld [tilespmem:s18+$0x10470];
	v14 =	vadd.f32 v14, v21;
	v16 =	vadd.f32 v16, v22  }
0x2fb: {  	v34 =	vld [tilespmem:s18+$0x104E0];
	v13 =	vadd.f32 v13, v23;
	v15 =	vadd.f32 v15, v24  }
0x2fc: {  	v35 =	vld [tilespmem:s18+$0x104F0];
	v21 =	vadd.f32 v6, v14;
	v22 =	vadd.f32 v7, v16  }
0x2fd: {  	v6 =	vld [tilespmem:s18+$0x10560];
	v23 =	vadd.f32 v8, v13;
	v24 =	vadd.f32 v9, v15  }
0x2fe: {  	v7 =	vadd.f32 v30, v12;
	v8 =	vadd.f32 v31, v19;
	v9 =	vld [tilespmem:s18+$0x10570]  }
0x2ff: {  	v12 =	vadd.f32 v32, v18;
	v13 =	vadd.f32 v33, v17;
	v14 =	vld [tilespmem:s18+$0x105E0]  }
0x300: {  	v7 =	vadd.f32 v28, v7;
	v8 =	vadd.f32 v29, v8;
	v15 =	vld [tilespmem:s18+$0x105F0]  }
0x301: {  	v12 =	vadd.f32 v34, v12;
	v13 =	vadd.f32 v35, v13;
	v16 =	vld [tilespmem:s18+$0x10660]  }
0x302: {  	v7 =	vadd.f32 v26, v7;
	v8 =	vadd.f32 v27, v8;
	v17 =	vld [tilespmem:s18+$0x10670]  }
0x303: {  	v6 =	vadd.f32 v6, v12;
	v9 =	vadd.f32 v9, v13;
	v12 =	vld [tilespmem:s18+$0x106E0]  }
0x304: {  	v7 =	vadd.f32 v20, v7;
	v8 =	vadd.f32 v25, v8;
	v13 =	vld [tilespmem:s18+$0x106F0]  }
0x305: {  	v6 =	vadd.f32 v14, v6;
	v9 =	vadd.f32 v15, v9;
	v14 =	vld [tilespmem:s18+$0x10760]  }
0x306: {  	v7 =	vadd.f32 v10, v7;
	v8 =	vadd.f32 v11, v8;
	v10 =	vld [tilespmem:s18+$0x10770]  }
0x307: {  	v11 =	vadd.f32 v16, v6;
	v9 =	vadd.f32 v17, v9;
	v15 =	vld [tilespmem:s18+$0x107E0]  }
0x308: {  	v5 =	vadd.f32 v5, v7;
	v4 =	vadd.f32 v4, v8;
	v16 =	vld [tilespmem:s18+$0x107F0];
	s18 =	sshra.s32 s19, $0x2  }
0x309: {  	v11 =	vadd.f32 v12, v11;
	v6 =	vld [tilespmem:s18+$0x10780];
	v9 =	vadd.f32 v13, v9  }
0x30a: {  	v2 =	vadd.f32 v2, v5;
	v3 =	vadd.f32 v3, v4;
	v7 =	vld [tilespmem:s18+$0x10790]  }
0x30b: {  	v4 =	vadd.f32 v14, v11;
	v8 =	vld [tilespmem:s18+$0x107A0];
	v5 =	vadd.f32 v10, v9  }
0x30c: {  	v12 =	vadd.f32 v0, v2;
	v19 =	vadd.f32 v1, v3;
	v9 =	vld [tilespmem:s18+$0x107B0]  }
0x30d: {  	v18 =	vadd.f32 v15, v4;
	v0 =	vld [tilespmem:s18+$0x107C0];
	v17 =	vadd.f32 v16, v5  }
0x30e: {  	v1 =	vld [tilespmem:s18+$0x107D0]  }
0x30f: {  	v14 =	vld [tilespmem:s18+$0x10700]  }
0x310: {  	v16 =	vld [tilespmem:s18+$0x10710]  }
0x311: {  	v13 =	vld [tilespmem:s18+$0x10720]  }
0x312: {  	v15 =	vld [tilespmem:s18+$0x10730]  }
0x313: {  	v2 =	vld [tilespmem:s18+$0x10740]  }
0x314: {  	v3 =	vld [tilespmem:s18+$0x10750]  }
0x315: {  	v32 =	vld [tilespmem:s18+$0x10680]  }
0x316: {  	v33 =	vld [tilespmem:s18+$0x10690]  }
0x317: {  	v34 =	vld [tilespmem:s18+$0x106A0]  }
0x318: {  	v35 =	vld [tilespmem:s18+$0x106B0]  }
0x319: {  	v5 =	vld [tilespmem:s18+$0x106C0]  }
0x31a: {  	v4 =	vld [tilespmem:s18+$0x106D0]  }
0x31b: {  	v30 =	vld [tilespmem:s18+$0x10600]  }
0x31c: {  	v31 =	vld [tilespmem:s18+$0x10610]  }
0x31d: {  	v36 =	vld [tilespmem:s18+$0x10620]  }
0x31e: {  	v37 =	vld [tilespmem:s18+$0x10630]  }
0x31f: {  	v10 =	vld [tilespmem:s18+$0x10640]  }
0x320: {  	v11 =	vld [tilespmem:s18+$0x10650]  }
0x321: {  	v28 =	vld [tilespmem:s18+$0x10580]  }
0x322: {  	v29 =	vld [tilespmem:s18+$0x10590]  }
0x323: {  	v25 =	vld [tilespmem:s18+$0x10500]  }
0x324: {  	v26 =	vld [tilespmem:s18+$0x10510]  }
0x325: {  	v20 =	vld [tilespmem:s18+$0x10480]  }
0x326: {  	v27 =	vld [tilespmem:s18+$0x10490]  }
0x327: {  	v38 =	vld [tilespmem:s18+$0x10400]  }
0x328: {  	v39 =	vld [tilespmem:s18+$0x10410]  }
0x329: {  	v40 =	vld [tilespmem:s18+$0x10420]  }
0x32a: {  	v41 =	vld [tilespmem:s18+$0x10430]  }
0x32b: {  	v42 =	vld [tilespmem:s18+$0x104A0]  }
0x32c: {  	v43 =	vld [tilespmem:s18+$0x104B0]  }
0x32d: {  	v44 =	vld [tilespmem:s18+$0x10520]  }
0x32e: {  	v21 =	vadd.f32 v38, v21;
	v22 =	vadd.f32 v39, v22;
	v38 =	vld [tilespmem:s18+$0x10530]  }
0x32f: {  	v23 =	vadd.f32 v40, v23;
	v24 =	vadd.f32 v41, v24;
	v39 =	vld [tilespmem:s18+$0x105A0]  }
0x330: {  	v21 =	vadd.f32 v20, v21;
	v22 =	vadd.f32 v27, v22;
	v40 =	vld [tilespmem:s18+$0x105B0]  }
0x331: {  	v23 =	vadd.f32 v42, v23;
	v24 =	vadd.f32 v43, v24;
	v20 =	vld [tilespmem:s18+$0x105C0]  }
0x332: {  	v21 =	vadd.f32 v25, v21;
	v22 =	vadd.f32 v26, v22;
	v25 =	vld [tilespmem:s18+$0x105D0]  }
0x333: {  	v23 =	vadd.f32 v44, v23;
	v24 =	vadd.f32 v38, v24;
	v26 =	vld [tilespmem:s18+$0x10540]  }
0x334: {  	v21 =	vadd.f32 v28, v21;
	v22 =	vadd.f32 v29, v22;
	v27 =	vld [tilespmem:s18+$0x10550]  }
.Ltmp5:
0x335: {  	v23 =	vadd.f32 v39, v23;
	v28 =	vld [tilespmem:s18+$0x104C0];
	v24 =	vadd.f32 v40, v24;
	(pc) =	sbr.rel @p1 .LBB2_9-.Ltmp5, $4  }
0x336: {  	v21 =	vadd.f32 v30, v21;
	v22 =	vadd.f32 v31, v22;
	v29 =	vld [tilespmem:s18+$0x104D0]  }
0x337: {  	v23 =	vadd.f32 v36, v23;
	v30 =	vld [tilespmem:s18+$0x10440];
	v24 =	vadd.f32 v37, v24  }
0x338: {  	v21 =	vadd.f32 v32, v21;
	v22 =	vadd.f32 v33, v22;
	v31 =	vld [tilespmem:s18+$0x10450]  }
0x339: {  	s19 =	sadd.s32 $0x1000, s19;
	v23 =	vadd.f32 v34, v23;
	v32 =	vld [tilespmem:s18+$0x10460];
	v24 =	vadd.f32 v35, v24  }
0x33a: {  	v14 =	vadd.f32 v14, v21;
	v16 =	vadd.f32 v16, v22  }
0x33b: {  	v40 =	vld [tilespmem:s18+$0x10470];
	v13 =	vadd.f32 v13, v23;
	v15 =	vadd.f32 v15, v24  }
0x33c: {  	v41 =	vld [tilespmem:s18+$0x104E0];
	v6 =	vadd.f32 v6, v14;
	v7 =	vadd.f32 v7, v16  }
0x33d: {  	v42 =	vld [tilespmem:s18+$0x104F0];
	v12 =	vadd.f32 v30, v12;
	v8 =	vadd.f32 v8, v13  }
0x33e: {  	v43 =	vld [tilespmem:s18+$0x10560];
	v9 =	vadd.f32 v9, v15;
	v44 =	vadd.f32 v31, v19  }
0x33f: {  	v45 =	vld [tilespmem:s18+$0x10570];
	v18 =	vadd.f32 v32, v18;
	v12 =	vadd.f32 v28, v12  }
0x340: {  	v46 =	vld [tilespmem:s18+$0x105E0];
	v17 =	vadd.f32 v40, v17;
	v15 =	vadd.f32 v29, v44  }
0x341: {  	v47 =	vld [tilespmem:s18+$0x105F0];
	v18 =	vadd.f32 v41, v18;
	v12 =	vadd.f32 v26, v12  }
0x342: {  	v48 =	vld [tilespmem:s18+$0x10660];
	v14 =	vadd.f32 v42, v17;
	v15 =	vadd.f32 v27, v15  }
0x343: {  	v49 =	vld [tilespmem:s18+$0x10670];
	v13 =	vadd.f32 v43, v18;
	v12 =	vadd.f32 v20, v12  }
0x344: {  	v50 =	vld [tilespmem:s18+$0x106E0];
	v14 =	vadd.f32 v45, v14;
	v15 =	vadd.f32 v25, v15  }
0x345: {  	v51 =	vld [tilespmem:s18+$0x106F0];
	v13 =	vadd.f32 v46, v13;
	v10 =	vadd.f32 v10, v12  }
0x346: {  	v53 =	vld [tilespmem:s18+$0x10760];
	v52 =	vadd.f32 v47, v14;
	v11 =	vadd.f32 v11, v15  }
0x347: {  	v54 =	vld [tilespmem:s18+$0x10770];
	v13 =	vadd.f32 v48, v13;
	v5 =	vadd.f32 v5, v10  }
0x348: {  	v56 =	vld [tilespmem:s18+$0x107E0];
	v55 =	vadd.f32 v49, v52;
	v4 =	vadd.f32 v4, v11  }
0x349: {  	v57 =	vld [tilespmem:s18+$0x107F0];
	v13 =	vadd.f32 v50, v13;
	v2 =	vadd.f32 v2, v5  }
0x34a: {  	v58 =	vadd.f32 v51, v55;
	v3 =	vadd.f32 v3, v4  }
0x34b: {  	v59 =	vadd.f32 v53, v13;
	v0 =	vadd.f32 v0, v2  }
0x34c: {  	v60 =	vadd.f32 v54, v58;
	v1 =	vadd.f32 v1, v3  }
0x34d: {  	v61 =	vadd.f32 v56, v59;
	v0 =	vadd.f32 v0, v6  }
.Ltmp6:
0x34e: {  	v2 =	vadd.f32 v57, v60;
	v1 =	vadd.f32 v1, v7;
	(pc) =	sbr.rel @p0 .LBB2_12-.Ltmp6, $4  }
0x34f: {  	[tilespmem:s17+$0x138C0] =	vst v0;
	v62 =	vadd.f32 v61, v8  }
0x350: {  	[tilespmem:s17+$0x138D0] =	vst v1;
	v63 =	vadd.f32 v2, v9  }
0x351: {  	[tilespmem:s17+$0x138E0] =	vst v62  }
0x352: {  	[tilespmem:s17+$0x138F0] =	vst v63  }
0x353: {  	s17 =	smul.u32 $0xD00, s16;
	_ =	sdelay $0x1  }
0x354: {  	s17 =	sshra.s32 s17, $0x2  }
0x355: {  	v0 =	vld [tilespmem:s17+$0x5B0];
	_ =	sdelay $0x7  }
0x356: {  	[tilespmem:s22], [sflag:$0x4] =	stream.indirect_vreg.gather [hbm4b:s3+s2], $0x40, v0, vm0, $0xb8;
	[tilespmem:$0x15800] =	vst v63  }
0x357: {  	v0 =	vld [tilespmem:s17+$0x5C0];
	_ =	sdelay $0x7  }
0x358: {  	[tilespmem:s23], [sflag:$0x4] =	stream.indirect_vreg.gather [hbm4b:s3+s2], $0x40, v0, vm0, $0xb8;
	[tilespmem:$0x15800] =	vst v63  }
0x359: {  	v0 =	vld [tilespmem:s17+$0x5D0];
	_ =	sdelay $0x7  }
0x35a: {  	[tilespmem:s24], [sflag:$0x4] =	stream.indirect_vreg.gather [hbm4b:s3+s2], $0x40, v0, vm0, $0xb8;
	[tilespmem:$0x15800] =	vst v63  }
0x35b: {  	v0 =	vld [tilespmem:s17+$0x5E0];
	_ =	sdelay $0x7  }
0x35c: {  	[tilespmem:s25], [sflag:$0x4] =	stream.indirect_vreg.gather [hbm4b:s3+s2], $0x40, v0, vm0, $0xb8;
	[tilespmem:$0x15800] =	vst v63  }
0x35d: {  	v0 =	vld [tilespmem:s17+$0x5F0];
	_ =	sdelay $0x7  }
0x35e: {  	[tilespmem:s26], [sflag:$0x4] =	stream.indirect_vreg.gather [hbm4b:s3+s2], $0x40, v0, vm0, $0xb8;
	[tilespmem:$0x15800] =	vst v63  }
0x35f: {  	v0 =	vld [tilespmem:s17+$0x600];
	_ =	sdelay $0x7  }
0x360: {  	[tilespmem:s28], [sflag:$0x4] =	stream.indirect_vreg.gather [hbm4b:s3+s2], $0x40, v0, vm0, $0xb8;
	[tilespmem:$0x15800] =	vst v63  }
0x361: {  	v0 =	vld [tilespmem:s17+$0x610];
	_ =	sdelay $0x7  }
0x362: {  	[tilespmem:s29], [sflag:$0x4] =	stream.indirect_vreg.gather [hbm4b:s3+s2], $0x40, v0, vm0, $0xb8;
	[tilespmem:$0x15800] =	vst v63  }
0x363: {  	v0 =	vld [tilespmem:s17+$0x620];
	_ =	sdelay $0x7  }
0x364: {  	[tilespmem:s30], [sflag:$0x4] =	stream.indirect_vreg.gather [hbm4b:s3+s2], $0x40, v0, vm0, $0xb8;
	[tilespmem:$0x15800] =	vst v63  }
0x365: {  	v0 =	vld [tilespmem:s17+$0x630];
	_ =	sdelay $0x7  }
0x366: {  	[tilespmem:s31], [sflag:$0x4] =	stream.indirect_vreg.gather [hbm4b:s3+s2], $0x40, v0, vm0, $0xb8;
	[tilespmem:$0x15800] =	vst v63  }
0x367: {  	v0 =	vld [tilespmem:s17+$0x640];
	_ =	sdelay $0x7  }
0x368: {  	[tilespmem:s1], [sflag:$0x4] =	stream.indirect_vreg.gather [hbm4b:s3+s2], $0x40, v0, vm0, $0xb8;
	[tilespmem:$0x15800] =	vst v63  }
0x369: {  	v0 =	vld [tilespmem:s17+$0x650];
	_ =	sdelay $0x7  }
0x36a: {  	[tilespmem:s0], [sflag:$0x4] =	stream.indirect_vreg.gather [hbm4b:s3+s2], $0x40, v0, vm0, $0xb8;
	[tilespmem:$0x15800] =	vst v63  }
0x36b: {  	v0 =	vld [tilespmem:s17+$0x660];
	_ =	sdelay $0x7  }
0x36c: {  	[tilespmem:s8], [sflag:$0x4] =	stream.indirect_vreg.gather [hbm4b:s3+s2], $0x40, v0, vm0, $0xb8;
	[tilespmem:$0x15800] =	vst v63  }
0x36d: {  	v0 =	vld [tilespmem:s17+$0x670];
	_ =	sdelay $0x3  }
.Ltmp7:
0x36e: {  	_ = 	snop;
	(pc) =	sbr.rel .LBB2_2-.Ltmp7, $3  }
0x36f: {  	_ =	sdelay $0x1  }
0x370: {  	s16 =	sadd.s32 $0x1, s16  }
0x371: {  	[tilespmem:s9], [sflag:$0x4] =	stream.indirect_vreg.gather [hbm4b:s3+s2], $0x40, v0, vm0, $0xb8;
	[tilespmem:$0x15800] =	vst v63  }
.LBB2_13:
0x372: {  	_ =	sfence.sel $0x180000  }
0x373: {  	[bflag:$0x0] =	sbarrier.arrive $0xFFFF  }
0x374: {  	_ =	strace $0x90000047  }
0x375: {  	s0 =	stileid.u32;
	[bflag:$0x2] =	sbarrier.arrive $0xFFFF  }
0x376: {  	p0 =	sne.s32 s0, $0x0;
	s0 =	rddreg [dreg:$0x1]  }
0x377: {  	s0 =	sadd.s32 @!p0 $0x100000, s0  }
0x378: {  	[sflag:s0] =	ssyncadd.tile.s32 @!p0 $0x1;
	_ =	shalt  }
.Lfunc_end2:
_tile_overlayer_lowered:
.L_overlay_start_2:
0x379: {  	(tag) =	ssettag $0x2  }
0x37a: {  	s0 =	rddreg [dreg:$0x0];
	s2 =	stileid.u32  }
0x37b: {  	s1 =	rddreg [dreg:$0x1];
	p0 =	sne.s32 s2, $0x0  }
0x37c: {  	s3 =	rddreg [dreg:$0x2];
	[bflag:$0x3] =	sbarrier.arrive $0xFFFF;
	s2 =	simm.s32 @!p0 $0x1C05  }
0x37d: {  	[timem:s3], [sflag:s2] =	dma.local @!p0 [hbm:s0], s1  }
0x37e: {  	s0 =	simm.s32 @!p0 $0x5  }
0x37f: {  	_ =	swait.ge @!p0 [sflag:s0], s1  }
0x380: {  	s1 =	ssub.s32 @!p0 $0x0, s1;
	[sflag:s0] =	ssyncset.done @!p0 $0x0  }
0x381: {  	[sflag:s0] =	ssyncadd.s32 @!p0 s1  }
0x382: {  	[bflag:$0x3] =	sbarrier.arrive $0xFFFF  }
0x383: {  	_ =	shalt  }

</sc_bundles>
